<compile_context>
chip_gen: v7x
topology: tpu7x:2x2x1
jax: 0.10.2.dev20260603
libtpu: 0.0.44.dev20260713+nightly
codegen_flags: <defaults>
</compile_context>

<pallas_src>
import functools
import math

import jax
import jax.numpy as jnp
from jax import lax
from jax.experimental import pallas as pl
from jax.experimental.pallas import tpu as pltpu
from jax.experimental.pallas import tpu_sc as plsc



def _pick_bm(n):
    for bm in (2000, 1000, 500, 200, 100, 50, 10):
        if n % bm == 0 and bm % 8 == 0:
            return bm
    return n


def _mm1_body(x_ref, w_ref, b_ref, o0, o1, o2):
    y = jnp.dot(x_ref[...], w_ref[...], preferred_element_type=jnp.float32)
    f = o0.shape[1]
    o0[...] = y[:, :f] + b_ref[...]
    o1[...] = y[:, f:2 * f]
    o2[...] = y[:, 2 * f:3 * f]


def _mm1(x, wcat, b1):
    n, f = x.shape
    h = wcat.shape[1] // 3
    bm = _pick_bm(n)
    out = jax.ShapeDtypeStruct((n, h), jnp.float32)
    return pl.pallas_call(
        _mm1_body,
        grid=(n // bm,),
        in_specs=[
            pl.BlockSpec((bm, f), lambda i: (i, 0)),
            pl.BlockSpec((f, 3 * h), lambda i: (0, 0)),
            pl.BlockSpec((1, h), lambda i: (0, 0)),
        ],
        out_specs=[pl.BlockSpec((bm, h), lambda i: (i, 0))] * 3,
        out_shape=[out, out, out],
    )(x, wcat, b1)


def _mm2_body(x0_ref, a_ref, w_ref, b_ref, o0, o1, o2):
    x = x0_ref[...] + a_ref[0] + a_ref[1]
    y = jnp.dot(x, w_ref[...], preferred_element_type=jnp.float32)
    c = o0.shape[1]
    o0[...] = y[:, :c] + b_ref[...]
    o1[...] = y[:, c:2 * c]
    o2[...] = y[:, 2 * c:3 * c]


def _mm2(x0, agg, wcat, b2):
    n, f = x0.shape
    c = wcat.shape[1] // 3
    bm = _pick_bm(n)
    return pl.pallas_call(
        _mm2_body,
        grid=(n // bm,),
        in_specs=[
            pl.BlockSpec((bm, f), lambda i: (i, 0)),
            pl.BlockSpec((2, bm, f), lambda i: (0, i, 0)),
            pl.BlockSpec((f, 3 * c), lambda i: (0, 0)),
            pl.BlockSpec((1, c), lambda i: (0, 0)),
        ],
        out_specs=[pl.BlockSpec((bm, c), lambda i: (i, 0))] * 3,
        out_shape=[jax.ShapeDtypeStruct((n, c), jnp.float32)] * 3,
    )(x0, agg, wcat, b2)


def _add3_body(y_ref, q_ref, o_ref):
    o_ref[...] = y_ref[...] + q_ref[0] + q_ref[1]


def _add3(y0, q):
    n, c = y0.shape
    bm = _pick_bm(n)
    return pl.pallas_call(
        _add3_body,
        grid=(n // bm,),
        in_specs=[
            pl.BlockSpec((bm, c), lambda i: (i, 0)),
            pl.BlockSpec((2, bm, c), lambda i: (0, i, 0)),
        ],
        out_specs=pl.BlockSpec((bm, c), lambda i: (i, 0)),
        out_shape=jax.ShapeDtypeStruct((n, c), jnp.float32),
    )(y0, q)



_NSUB = 16
_NCORE = 2
_C = 64
_L = 16
_SBMAX = 16


def _conv_pair_sc(n, w, epad, _NB, _D, _SB, tc_tiling):
    nchunk = epad // _NSUB // _C
    nsb = nchunk // _SB
    nf = w // _L
    npf = n // _C
    nremr = n % _C

    mesh = plsc.VectorSubcoreMesh(core_axis_name="c", subcore_axis_name="s")

    def body(h0, h1, src0, dst0, ew0, src1, dst1, ew1, out,
             src_v, dst_v, ew_v, rows, acc, gsem, ssem, isem):
        cid = lax.axis_index("c")
        sid = lax.axis_index("s")

        npieces = npf // _NSUB + jnp.where(sid < npf % _NSUB, 1, 0)

        def over_pieces(fn_full, fn_rem):
            def piece(j, _):
                start = pl.multiple_of((sid + j * _NSUB) * _C, _C)
                fn_full(start)
                return 0
            lax.fori_loop(0, npieces, piece, 0)
            if nremr:
                @pl.when(sid == _NSUB - 1)
                def _():
                    fn_rem(npf * _C)

        def zrow(i, _):
            for f in range(nf):
                rows[0, i, pl.ds(f * _L, _L)] = jnp.zeros((_L,), jnp.float32)
            return 0
        lax.fori_loop(0, _C, zrow, 0)
        over_pieces(
            lambda s: pltpu.sync_copy(rows.at[0], acc.at[pl.ds(s, _C)]),
            lambda s: pltpu.sync_copy(rows.at[0, pl.ds(0, nremr)],
                                      acc.at[pl.ds(s, nremr)]))
        plsc.subcore_barrier()

        def process(h, src, dst, ew):
            trow = sid * nchunk

            def idx_load(sb):
                b = lax.rem(sb, 2)
                base = pl.multiple_of(trow + sb * _SB, 8)
                pltpu.async_copy(src.at[pl.ds(base, _SB)], src_v.at[b],
                                 isem.at[b])
                pltpu.async_copy(dst.at[pl.ds(base, _SB)], dst_v.at[b],
                                 isem.at[b])
                pltpu.async_copy(ew.at[pl.ds(base, _SB)], ew_v.at[b],
                                 isem.at[b])

            def idx_wait(sb):
                b = lax.rem(sb, 2)
                for r in (src_v, dst_v, ew_v):
                    pltpu.make_async_copy(src.at[pl.ds(0, _SB)], r.at[b],
                                          isem.at[b]).wait()

            def idx_row(ref, k):
                return ref.at[lax.rem(lax.div(k, _SB), 2), lax.rem(k, _SB)]

            def gather(k, b):
                pltpu.async_copy(h.at[idx_row(src_v, k)], rows.at[b],
                                 gsem.at[b])

            idx_load(0)
            idx_wait(0)
            for kp in range(_D):
                gather(kp, kp)

            def chunk(k, _):
                j = lax.rem(k, _SB)
                sb = lax.div(k, _SB)
                bc = lax.rem(k + _D, _NB)
                b = lax.rem(k, _NB)

                @pl.when((j == 2) & (k - 2 + _SB < nchunk))
                def _():
                    idx_load(sb + 1)

                @pl.when((j == _SB - _D) & (k + _D < nchunk))
                def _():
                    idx_wait(sb + 1)

                @pl.when(k >= 2)
                def _():
                    pltpu.make_async_copy(rows.at[bc], acc.at[idx_row(dst_v, k)],
                                          ssem.at[bc]).wait()

                @pl.when(k + _D < nchunk)
                def _():
                    gather(k + _D, bc)

                pltpu.make_async_copy(h.at[idx_row(src_v, k)], rows.at[b],
                                      gsem.at[b]).wait()

                sbb = lax.rem(sb, 2)

                @plsc.parallel_loop(0, _C, unroll=4)
                def _(i):
                    g16 = pl.multiple_of((i // _L) * _L, _L)
                    ew16 = ew_v[sbb, j, pl.ds(g16, _L)]
                    s = ew16.at[jnp.full((_L,), lax.rem(i, _L), jnp.int32)].get(
                        mode="promise_in_bounds")
                    for f in range(nf):
                        sl = pl.ds(f * _L, _L)
                        rows[b, i, sl] = rows[b, i, sl] * s
                pltpu.async_copy(rows.at[b], acc.at[idx_row(dst_v, k)],
                                 ssem.at[b], add=True)
                return 0
            lax.fori_loop(0, nchunk, chunk, 0)
            for kk in (nchunk - 2, nchunk - 1):
                pltpu.make_async_copy(
                    rows.at[kk % _NB],
                    acc.at[dst_v.at[(kk // _SB) % 2, kk % _SB]],
                    ssem.at[kk % _NB]).wait()

        @pl.when(cid == 0)
        def _():
            process(h0, src0, dst0, ew0)

        @pl.when(cid == 1)
        def _():
            process(h1, src1, dst1, ew1)

        plsc.subcore_barrier()

        over_pieces(
            lambda s: pltpu.sync_copy(acc.at[pl.ds(s, _C)],
                                      out.at[cid, pl.ds(s, _C)]),
            lambda s: pltpu.sync_copy(acc.at[pl.ds(s, nremr)],
                                      out.at[cid, pl.ds(s, nremr)]))

    return pl.kernel(
        body,
        out_type=jax.ShapeDtypeStruct((2, n, w), jnp.float32),
        mesh=mesh,
        compiler_params=pltpu.CompilerParams(use_tc_tiling_on_sc=tc_tiling),
        scratch_types=[
            pltpu.VMEM((2, _SB, _C), jnp.int32),
            pltpu.VMEM((2, _SB, _C), jnp.int32),
            pltpu.VMEM((2, _SB, _C), jnp.float32),
            pltpu.VMEM((_NB, _C, w), jnp.float32),
            pltpu.VMEM_SHARED((n, w), jnp.float32),
            pltpu.SemaphoreType.DMA((_NB,)),
            pltpu.SemaphoreType.DMA((_NB,)),
            pltpu.SemaphoreType.DMA((2,)),
        ],
    )


def _pad_edges(src, dst, ew, epad):
    e = src.shape[0]
    if epad != e:
        p = epad - e
        z = jnp.zeros((p,), src.dtype)
        src = jnp.concatenate([src, z])
        dst = jnp.concatenate([dst, z])
        ew = jnp.concatenate([ew, jnp.zeros((p,), ew.dtype)])
    return (src.reshape(-1, _C), dst.reshape(-1, _C), ew.reshape(-1, _C))



def kernel(features, edge_index, edge_index2, edge_weight, edge_weight2,
           W_ln1, b_ln1, W_c11, b_c11, W_c12, b_c12,
           W_ln2, b_ln2, W_c21, b_c21, W_c22, b_c22):
    n, f = features.shape
    hid = W_ln1.shape[1]
    ncls = W_ln2.shape[1]
    e = edge_index.shape[1]
    nchunk = math.ceil(math.ceil(e / (_NSUB * _C)) / _SBMAX) * _SBMAX
    epad = nchunk * _NSUB * _C

    src1 = edge_index[0].astype(jnp.int32)
    dst1 = edge_index[1].astype(jnp.int32)
    src2 = edge_index2[0].astype(jnp.int32)
    dst2 = edge_index2[1].astype(jnp.int32)
    src1, dst1, ew1 = _pad_edges(src1, dst1, edge_weight, epad)
    src2, dst2, ew2 = _pad_edges(src2, dst2, edge_weight2, epad)

    wcat1 = jnp.concatenate([W_ln1, W_c11, W_c12], axis=1)
    bias1 = (b_ln1 + b_c11 + b_c12)[None, :]
    x0b, h11, h12 = _mm1(features, wcat1, bias1)
    agg1 = _conv_pair_sc(n, hid, epad, 5, 3, 8, True)(
        h11, h12, src1, dst1, ew1, src2, dst2, ew2)

    wcat2 = jnp.concatenate([W_ln2, W_c21, W_c22], axis=1)
    bias2 = (b_ln2 + b_c21 + b_c22)[None, :]
    y0, h21, h22 = _mm2(x0b, agg1, wcat2, bias2)
    agg2 = _conv_pair_sc(n, ncls, epad, 8, 6, 16, False)(
        h21, h22, src1, dst1, ew1, src2, dst2, ew2)

    return _add3(y0, agg2)

# --- scband reference (transcript-rebuilt; emitter-appended) ---
"""Pipeline reference for scband-di-gcn-ib-2-34926674051691 (READ-ONLY COPY).

The authoritative reference and input builder live on the scoring server;
editing this copy changes nothing except your own understanding.
"""

import jax, jax.numpy as jnp
import numpy as np

N = 10000
E = 320000
F_IN = 128
HID = 128
NCLS = 64

def _glorot(key, shape):
    fan_in, fan_out = shape[0], shape[1]
    lim = np.sqrt(6.0 / (fan_in + fan_out))
    return jax.random.uniform(key, shape, jnp.float32, -lim, lim)

def setup_inputs(seed: int = 0) -> dict:
    key = jax.random.key(seed)
    ks = jax.random.split(key, 20)
    inp = {}
    inp['features'] = jax.random.normal(ks[0], (N, F_IN), jnp.float32)
    inp['edge_index'] = jax.random.randint(ks[1], (2, E), 0, N, jnp.int64) if jax.config.jax_enable_x64 else jax.random.randint(ks[1], (2, E), 0, N).astype(jnp.int32)
    inp['edge_index2'] = jax.random.randint(ks[2], (2, E), 0, N).astype(inp['edge_index'].dtype)
    inp['edge_weight'] = jax.random.uniform(ks[3], (E,), jnp.float32)
    inp['edge_weight2'] = jax.random.uniform(ks[4], (E,), jnp.float32)
    # InceptionBlock 1 params (num_features -> hidden)
    inp['W_ln1'] = _glorot(ks[5], (F_IN, HID)); inp['b_ln1'] = jnp.zeros((HID,), jnp.float32)
    inp['W_c11'] = _glorot(ks[6], (F_IN, HID)); inp['b_c11'] = jnp.zeros((HID,), jnp.float32)
    inp['W_c12'] = _glorot(ks[7], (F_IN, HID)); inp['b_c12'] = jnp.zeros((HID,), jnp.float32)
    # InceptionBlock 2 params (hidden -> num_classes)
    inp['W_ln2'] = _glorot(ks[8], (HID, NCLS)); inp['b_ln2'] = jnp.zeros((NCLS,), jnp.float32)
    inp['W_c21'] = _glorot(ks[9], (HID, NCLS)); inp['b_c21'] = jnp.zeros((NCLS,), jnp.float32)
    inp['W_c22'] = _glorot(ks[10], (HID, NCLS)); inp['b_c22'] = jnp.zeros((NCLS,), jnp.float32)
    return inp

def _digcn_conv(x, ei, ew, W, b, n_nodes):
    # DIGCNConv: linear transform then weighted scatter-add from src to dst
    h = x @ W
    m = ew[:, None] * jnp.take(h, ei[0], axis=0)
    out = jnp.zeros((n_nodes, h.shape[1]), h.dtype).at[ei[1]].add(m)
    return out + b

def reference(features, edge_index, edge_index2, edge_weight, edge_weight2,
              W_ln1, b_ln1, W_c11, b_c11, W_c12, b_c12,
              W_ln2, b_ln2, W_c21, b_c21, W_c22, b_c22):
    n = features.shape[0]
    # InceptionBlock 1
    x0 = features @ W_ln1 + b_ln1
    x1 = _digcn_conv(features, edge_index, edge_weight, W_c11, b_c11, n)
    x2 = _digcn_conv(features, edge_index2, edge_weight2, W_c12, b_c12, n)
    x = x0 + x1 + x2
    # InceptionBlock 2
    x0 = x @ W_ln2 + b_ln2
    x1 = _digcn_conv(x, edge_index, edge_weight, W_c21, b_c21, n)
    x2 = _digcn_conv(x, edge_index2, edge_weight2, W_c22, b_c22, n)
    x = x0 + x1 + x2
    # dropout is identity in eval mode
    return x

if __name__ == "__main__":
    import jax
    _d = setup_inputs()
    print(jax.jit(kernel)(*tuple(_d.values())))

</pallas_src>

<mosaic_0001>
#map = affine_map<(d0, d1) -> (0, 0)>
#map1 = affine_map<(d0, d1) -> (0, 0, 0)>
module attributes {stable_mosaic.version = 14 : i64} {
  func.func @body(%arg0: i32, %arg1: i32, %arg2: memref<10000x128xf32, #tpu.memory_space<hbm>>, %arg3: memref<10000x128xf32, #tpu.memory_space<hbm>>, %arg4: memref<5120x64xi32, #tpu.memory_space<hbm>>, %arg5: memref<5120x64xi32, #tpu.memory_space<hbm>>, %arg6: memref<5120x64xf32, #tpu.memory_space<hbm>>, %arg7: memref<5120x64xi32, #tpu.memory_space<hbm>>, %arg8: memref<5120x64xi32, #tpu.memory_space<hbm>>, %arg9: memref<5120x64xf32, #tpu.memory_space<hbm>>, %arg10: memref<2x10000x128xf32, #tpu.memory_space<hbm>>, %arg11: memref<2x8x64xi32, #tpu.memory_space<vmem>>, %arg12: memref<2x8x64xi32, #tpu.memory_space<vmem>>, %arg13: memref<2x8x64xf32, #tpu.memory_space<vmem>>, %arg14: memref<5x64x128xf32, #tpu.memory_space<vmem>>, %arg15: memref<10000x128xf32, #tpu.memory_space<vmem_shared>>, %arg16: memref<5x!tpu.dma_semaphore, #tpu.memory_space<semaphore_mem>>, %arg17: memref<5x!tpu.dma_semaphore, #tpu.memory_space<semaphore_mem>>, %arg18: memref<2x!tpu.dma_semaphore, #tpu.memory_space<semaphore_mem>>) attributes {dimension_semantics = [#tpu.dimension_semantics<core_parallel>, #tpu.dimension_semantics<subcore_parallel>], iteration_bounds = array<i64: 2, 16>, scalar_prefetch = 0 : i64, scratch_operands = 8 : i64, tpu.core_type = #tpu.core_type<sc_vector_subcore>, window_params = [{transform_indices = #map}, {transform_indices = #map}, {transform_indices = #map}, {transform_indices = #map}, {transform_indices = #map}, {transform_indices = #map}, {transform_indices = #map}, {transform_indices = #map}, {transform_indices = #map1}]} {
    %lt3A = arith.constant 12 : i32
    %lt3A_0 = arith.cmpi slt, %arg1, %lt3A : i32
    %jit3A = arith.constant 1 : i32
    %jit3A_1 = arith.constant 0 : i32
    %select_n3A = arith.select %lt3A_0, %jit3A, %jit3A_1 : i32
    %add3A = arith.constant 9 : i32
    %add3A_2 = arith.addi %add3A, %select_n3A : i32
    %scan3A = arith.constant 0 : i32
    %scan3A_3 = arith.constant 0 : i32
    %scan3A_4 = arith.constant 64 : i32
    %scan3A_5 = arith.addi %scan3A_3, %scan3A_4 : i32
    %scan3A_6 = arith.constant 1 : i32
    %scan3A_7 = scf.for %scan3A_50 = %scan3A_3 to %scan3A_5 step %scan3A_6 iter_args(%scan3A_51 = %scan3A) -> (i32)  : i32 {
      %broadcast_in_dim3A = arith.constant 0.000000e+00 : f32
      %broadcast_in_dim3A_52 = vector.broadcast %broadcast_in_dim3A : f32 to vector<16xf32>
      %swap3A = arith.constant 0 : i32
      %swap3A_53 = arith.index_cast %swap3A : i32 to index
      %swap3A_54 = arith.index_cast %scan3A_50 : i32 to index
      %swap3A_55 = arith.constant 0 : index
      %swap3A_56 = tpu.vector_load %arg14[%swap3A_53, %swap3A_54, %swap3A_55] {strides = array<i32>} : memref<5x64x128xf32, #tpu.memory_space<vmem>>, vector<1x1x16xf32>,
      %swap3A_57 = vector.shape_cast %swap3A_56 : vector<1x1x16xf32> to vector<16xf32>
      %swap3A_58 = vector.shape_cast %broadcast_in_dim3A_52 : vector<16xf32> to vector<1x1x16xf32>
      tpu.vector_store %arg14[%swap3A_53, %swap3A_54, %swap3A_55], %swap3A_58 {strides = array<i32>} : memref<5x64x128xf32, #tpu.memory_space<vmem>>, vector<1x1x16xf32>,
      %broadcast_in_dim3A_59 = arith.constant 0.000000e+00 : f32
      %broadcast_in_dim3A_60 = vector.broadcast %broadcast_in_dim3A_59 : f32 to vector<16xf32>
      %swap3A_61 = arith.constant 0 : i32
      %swap3A_62 = arith.index_cast %swap3A_61 : i32 to index
      %swap3A_63 = arith.index_cast %scan3A_50 : i32 to index
      %swap3A_64 = arith.constant 16 : index
      %swap3A_65 = tpu.vector_load %arg14[%swap3A_62, %swap3A_63, %swap3A_64] {strides = array<i32>} : memref<5x64x128xf32, #tpu.memory_space<vmem>>, vector<1x1x16xf32>,
      %swap3A_66 = vector.shape_cast %swap3A_65 : vector<1x1x16xf32> to vector<16xf32>
      %swap3A_67 = vector.shape_cast %broadcast_in_dim3A_60 : vector<16xf32> to vector<1x1x16xf32>
      tpu.vector_store %arg14[%swap3A_62, %swap3A_63, %swap3A_64], %swap3A_67 {strides = array<i32>} : memref<5x64x128xf32, #tpu.memory_space<vmem>>, vector<1x1x16xf32>,
      %broadcast_in_dim3A_68 = arith.constant 0.000000e+00 : f32
      %broadcast_in_dim3A_69 = vector.broadcast %broadcast_in_dim3A_68 : f32 to vector<16xf32>
      %swap3A_70 = arith.constant 0 : i32
      %swap3A_71 = arith.index_cast %swap3A_70 : i32 to index
      %swap3A_72 = arith.index_cast %scan3A_50 : i32 to index
      %swap3A_73 = arith.constant 32 : index
      %swap3A_74 = tpu.vector_load %arg14[%swap3A_71, %swap3A_72, %swap3A_73] {strides = array<i32>} : memref<5x64x128xf32, #tpu.memory_space<vmem>>, vector<1x1x16xf32>,
      %swap3A_75 = vector.shape_cast %swap3A_74 : vector<1x1x16xf32> to vector<16xf32>
      %swap3A_76 = vector.shape_cast %broadcast_in_dim3A_69 : vector<16xf32> to vector<1x1x16xf32>
      tpu.vector_store %arg14[%swap3A_71, %swap3A_72, %swap3A_73], %swap3A_76 {strides = array<i32>} : memref<5x64x128xf32, #tpu.memory_space<vmem>>, vector<1x1x16xf32>,
      %broadcast_in_dim3A_77 = arith.constant 0.000000e+00 : f32
      %broadcast_in_dim3A_78 = vector.broadcast %broadcast_in_dim3A_77 : f32 to vector<16xf32>
      %swap3A_79 = arith.constant 0 : i32
      %swap3A_80 = arith.index_cast %swap3A_79 : i32 to index
      %swap3A_81 = arith.index_cast %scan3A_50 : i32 to index
      %swap3A_82 = arith.constant 48 : index
      %swap3A_83 = tpu.vector_load %arg14[%swap3A_80, %swap3A_81, %swap3A_82] {strides = array<i32>} : memref<5x64x128xf32, #tpu.memory_space<vmem>>, vector<1x1x16xf32>,
      %swap3A_84 = vector.shape_cast %swap3A_83 : vector<1x1x16xf32> to vector<16xf32>
      %swap3A_85 = vector.shape_cast %broadcast_in_dim3A_78 : vector<16xf32> to vector<1x1x16xf32>
      tpu.vector_store %arg14[%swap3A_80, %swap3A_81, %swap3A_82], %swap3A_85 {strides = array<i32>} : memref<5x64x128xf32, #tpu.memory_space<vmem>>, vector<1x1x16xf32>,
      %broadcast_in_dim3A_86 = arith.constant 0.000000e+00 : f32
      %broadcast_in_dim3A_87 = vector.broadcast %broadcast_in_dim3A_86 : f32 to vector<16xf32>
      %swap3A_88 = arith.constant 0 : i32
      %swap3A_89 = arith.index_cast %swap3A_88 : i32 to index
      %swap3A_90 = arith.index_cast %scan3A_50 : i32 to index
      %swap3A_91 = arith.constant 64 : index
      %swap3A_92 = tpu.vector_load %arg14[%swap3A_89, %swap3A_90, %swap3A_91] {strides = array<i32>} : memref<5x64x128xf32, #tpu.memory_space<vmem>>, vector<1x1x16xf32>,
      %swap3A_93 = vector.shape_cast %swap3A_92 : vector<1x1x16xf32> to vector<16xf32>
      %swap3A_94 = vector.shape_cast %broadcast_in_dim3A_87 : vector<16xf32> to vector<1x1x16xf32>
      tpu.vector_store %arg14[%swap3A_89, %swap3A_90, %swap3A_91], %swap3A_94 {strides = array<i32>} : memref<5x64x128xf32, #tpu.memory_space<vmem>>, vector<1x1x16xf32>,
      %broadcast_in_dim3A_95 = arith.constant 0.000000e+00 : f32
      %broadcast_in_dim3A_96 = vector.broadcast %broadcast_in_dim3A_95 : f32 to vector<16xf32>
      %swap3A_97 = arith.constant 0 : i32
      %swap3A_98 = arith.index_cast %swap3A_97 : i32 to index
      %swap3A_99 = arith.index_cast %scan3A_50 : i32 to index
      %swap3A_100 = arith.constant 80 : index
      %swap3A_101 = tpu.vector_load %arg14[%swap3A_98, %swap3A_99, %swap3A_100] {strides = array<i32>} : memref<5x64x128xf32, #tpu.memory_space<vmem>>, vector<1x1x16xf32>,
      %swap3A_102 = vector.shape_cast %swap3A_101 : vector<1x1x16xf32> to vector<16xf32>
      %swap3A_103 = vector.shape_cast %broadcast_in_dim3A_96 : vector<16xf32> to vector<1x1x16xf32>
      tpu.vector_store %arg14[%swap3A_98, %swap3A_99, %swap3A_100], %swap3A_103 {strides = array<i32>} : memref<5x64x128xf32, #tpu.memory_space<vmem>>, vector<1x1x16xf32>,
      %broadcast_in_dim3A_104 = arith.constant 0.000000e+00 : f32
      %broadcast_in_dim3A_105 = vector.broadcast %broadcast_in_dim3A_104 : f32 to vector<16xf32>
      %swap3A_106 = arith.constant 0 : i32
      %swap3A_107 = arith.index_cast %swap3A_106 : i32 to index
      %swap3A_108 = arith.index_cast %scan3A_50 : i32 to index
      %swap3A_109 = arith.constant 96 : index
      %swap3A_110 = tpu.vector_load %arg14[%swap3A_107, %swap3A_108, %swap3A_109] {strides = array<i32>} : memref<5x64x128xf32, #tpu.memory_space<vmem>>, vector<1x1x16xf32>,
      %swap3A_111 = vector.shape_cast %swap3A_110 : vector<1x1x16xf32> to vector<16xf32>
      %swap3A_112 = vector.shape_cast %broadcast_in_dim3A_105 : vector<16xf32> to vector<1x1x16xf32>
      tpu.vector_store %arg14[%swap3A_107, %swap3A_108, %swap3A_109], %swap3A_112 {strides = array<i32>} : memref<5x64x128xf32, #tpu.memory_space<vmem>>, vector<1x1x16xf32>,
      %broadcast_in_dim3A_113 = arith.constant 0.000000e+00 : f32
      %broadcast_in_dim3A_114 = vector.broadcast %broadcast_in_dim3A_113 : f32 to vector<16xf32>
      %swap3A_115 = arith.constant 0 : i32
      %swap3A_116 = arith.index_cast %swap3A_115 : i32 to index
      %swap3A_117 = arith.index_cast %scan3A_50 : i32 to index
      %swap3A_118 = arith.constant 112 : index
      %swap3A_119 = tpu.vector_load %arg14[%swap3A_116, %swap3A_117, %swap3A_118] {strides = array<i32>} : memref<5x64x128xf32, #tpu.memory_space<vmem>>, vector<1x1x16xf32>,
      %swap3A_120 = vector.shape_cast %swap3A_119 : vector<1x1x16xf32> to vector<16xf32>
      %swap3A_121 = vector.shape_cast %broadcast_in_dim3A_114 : vector<16xf32> to vector<1x1x16xf32>
      tpu.vector_store %arg14[%swap3A_116, %swap3A_117, %swap3A_118], %swap3A_121 {strides = array<i32>} : memref<5x64x128xf32, #tpu.memory_space<vmem>>, vector<1x1x16xf32>,
      %scan3A_122 = arith.constant 0 : i32
      scf.yield %scan3A_122 : i32
    }
    %scan3A_8 = arith.constant 64 : i32
    %while3A = arith.constant 0 : i32
    %while3A_9 = arith.constant 0 : i32
    %while3A_10 = arith.subi %add3A_2, %while3A : i32
    %while3A_11 = arith.addi %while3A, %while3A_10 : i32
    %while3A_12 = arith.constant 1 : i32
    %while3A_13 = arith.divsi %while3A_10, %while3A_12 : i32
    %while3A_14 = arith.muli %while3A_13, %while3A_12 : i32
    %while3A_15 = arith.addi %while3A, %while3A_14 : i32
    %while3A_16 = arith.constant 1 : i32
    %while3A_17 = scf.for %while3A_50 = %while3A to %while3A_15 step %while3A_16 iter_args(%while3A_51 = %while3A_9) -> (i32)  : i32 {
      %mul3A = arith.constant 16 : i32
      %mul3A_52 = arith.muli %while3A_50, %mul3A : i32
      %add3A_53 = arith.addi %arg1, %mul3A_52 : i32
      %mul3A_54 = arith.constant 64 : i32
      %mul3A_55 = arith.muli %add3A_53, %mul3A_54 : i32
      %multiple_of3A = tpu.assume_multiple %mul3A_55, 64 : i32
      %run_scoped3A = arith.constant 0 : i32
      "tpu.region"() ({
        %run_scoped3A_57 = tpu.sem_alloc : memref<!tpu.dma_semaphore, #tpu.memory_space<semaphore_mem>>
        %dma_start3A = arith.constant 0 : i32
        %dma_start3A_58 = arith.constant 0 : i32
        %dma_start3A_59 = tpu.memref_slice %arg14[%run_scoped3A, %dma_start3A, %dma_start3A_58] : memref<5x64x128xf32, #tpu.memory_space<vmem>> -> memref<1x64x128xf32, #tpu.memory_space<vmem>>
        %dma_start3A_60 = tpu.memref_squeeze %dma_start3A_59 : memref<1x64x128xf32, #tpu.memory_space<vmem>> -> memref<64x128xf32, #tpu.memory_space<vmem>>
        %dma_start3A_61 = arith.constant 0 : i32
        %dma_start3A_62 = tpu.memref_slice %arg15[%multiple_of3A, %dma_start3A_61] : memref<10000x128xf32, #tpu.memory_space<vmem_shared>> -> memref<64x128xf32, #tpu.memory_space<vmem_shared>>
        %dma_start3A_63 = arith.constant 0 : i32
        %dma_start3A_64 = tpu.memref_slice %arg15[%multiple_of3A, %dma_start3A_63] : memref<10000x128xf32, #tpu.memory_space<vmem_shared>> -> memref<64x128xf32, #tpu.memory_space<vmem_shared>>
        %dma_start3A_65 = arith.constant 0 : i32
        %dma_start3A_66 = arith.constant 0 : i32
        %dma_start3A_67 = tpu.memref_slice %arg14[%run_scoped3A, %dma_start3A_65, %dma_start3A_66] : memref<5x64x128xf32, #tpu.memory_space<vmem>> -> memref<1x64x128xf32, #tpu.memory_space<vmem>>
        %dma_start3A_68 = tpu.memref_squeeze %dma_start3A_67 : memref<1x64x128xf32, #tpu.memory_space<vmem>> -> memref<64x128xf32, #tpu.memory_space<vmem>>
        tpu.enqueue_dma source(%dma_start3A_68 : memref<64x128xf32, #tpu.memory_space<vmem>>) target(%dma_start3A_64 : memref<64x128xf32, #tpu.memory_space<vmem_shared>>) target_semaphore(%run_scoped3A_57 : memref<!tpu.dma_semaphore, #tpu.memory_space<semaphore_mem>>)
        %dma_wait3A = arith.constant 0 : i32
        %dma_wait3A_69 = arith.constant 0 : i32
        %dma_wait3A_70 = tpu.memref_slice %arg14[%run_scoped3A, %dma_wait3A, %dma_wait3A_69] : memref<5x64x128xf32, #tpu.memory_space<vmem>> -> memref<1x64x128xf32, #tpu.memory_space<vmem>>
        %dma_wait3A_71 = tpu.memref_squeeze %dma_wait3A_70 : memref<1x64x128xf32, #tpu.memory_space<vmem>> -> memref<64x128xf32, #tpu.memory_space<vmem>>
        %dma_wait3A_72 = arith.constant 0 : i32
        %dma_wait3A_73 = tpu.memref_slice %arg15[%multiple_of3A, %dma_wait3A_72] : memref<10000x128xf32, #tpu.memory_space<vmem_shared>> -> memref<64x128xf32, #tpu.memory_space<vmem_shared>>
        %dma_wait3A_74 = arith.constant 0 : i32
        %dma_wait3A_75 = tpu.memref_slice %arg15[%multiple_of3A, %dma_wait3A_74] : memref<10000x128xf32, #tpu.memory_space<vmem_shared>> -> memref<64x128xf32, #tpu.memory_space<vmem_shared>>
        %dma_wait3A_76 = arith.constant 0 : i32
        %dma_wait3A_77 = arith.constant 0 : i32
        %dma_wait3A_78 = tpu.memref_slice %arg14[%run_scoped3A, %dma_wait3A_76, %dma_wait3A_77] : memref<5x64x128xf32, #tpu.memory_space<vmem>> -> memref<1x64x128xf32, #tpu.memory_space<vmem>>
        %dma_wait3A_79 = tpu.memref_squeeze %dma_wait3A_78 : memref<1x64x128xf32, #tpu.memory_space<vmem>> -> memref<64x128xf32, #tpu.memory_space<vmem>>
        tpu.wait_dma2 semaphore(%run_scoped3A_57 : memref<!tpu.dma_semaphore, #tpu.memory_space<semaphore_mem>>) src(%dma_wait3A_79 : memref<64x128xf32, #tpu.memory_space<vmem>>) dst(%dma_wait3A_75 : memref<64x128xf32, #tpu.memory_space<vmem_shared>>)
        tpu.yield
      }) : () -> ()
      %while3A_56 = arith.constant 0 : i32
      scf.yield %while3A_56 : i32
    }
    %while3A_18 = arith.constant 1 : i32
    %while3A_19 = scf.for %while3A_50 = %while3A_15 to %while3A_11 step %while3A_18 iter_args(%while3A_51 = %while3A_17) -> (i32)  : i32 {
      %mul3A = arith.constant 16 : i32
      %mul3A_52 = arith.muli %while3A_50, %mul3A : i32
      %add3A_53 = arith.addi %arg1, %mul3A_52 : i32
      %mul3A_54 = arith.constant 64 : i32
      %mul3A_55 = arith.muli %add3A_53, %mul3A_54 : i32
      %multiple_of3A = tpu.assume_multiple %mul3A_55, 64 : i32
      %run_scoped3A = arith.constant 0 : i32
      "tpu.region"() ({
        %run_scoped3A_57 = tpu.sem_alloc : memref<!tpu.dma_semaphore, #tpu.memory_space<semaphore_mem>>
        %dma_start3A = arith.constant 0 : i32
        %dma_start3A_58 = arith.constant 0 : i32
        %dma_start3A_59 = tpu.memref_slice %arg14[%run_scoped3A, %dma_start3A, %dma_start3A_58] : memref<5x64x128xf32, #tpu.memory_space<vmem>> -> memref<1x64x128xf32, #tpu.memory_space<vmem>>
        %dma_start3A_60 = tpu.memref_squeeze %dma_start3A_59 : memref<1x64x128xf32, #tpu.memory_space<vmem>> -> memref<64x128xf32, #tpu.memory_space<vmem>>
        %dma_start3A_61 = arith.constant 0 : i32
        %dma_start3A_62 = tpu.memref_slice %arg15[%multiple_of3A, %dma_start3A_61] : memref<10000x128xf32, #tpu.memory_space<vmem_shared>> -> memref<64x128xf32, #tpu.memory_space<vmem_shared>>
        %dma_start3A_63 = arith.constant 0 : i32
        %dma_start3A_64 = tpu.memref_slice %arg15[%multiple_of3A, %dma_start3A_63] : memref<10000x128xf32, #tpu.memory_space<vmem_shared>> -> memref<64x128xf32, #tpu.memory_space<vmem_shared>>
        %dma_start3A_65 = arith.constant 0 : i32
        %dma_start3A_66 = arith.constant 0 : i32
        %dma_start3A_67 = tpu.memref_slice %arg14[%run_scoped3A, %dma_start3A_65, %dma_start3A_66] : memref<5x64x128xf32, #tpu.memory_space<vmem>> -> memref<1x64x128xf32, #tpu.memory_space<vmem>>
        %dma_start3A_68 = tpu.memref_squeeze %dma_start3A_67 : memref<1x64x128xf32, #tpu.memory_space<vmem>> -> memref<64x128xf32, #tpu.memory_space<vmem>>
        tpu.enqueue_dma source(%dma_start3A_68 : memref<64x128xf32, #tpu.memory_space<vmem>>) target(%dma_start3A_64 : memref<64x128xf32, #tpu.memory_space<vmem_shared>>) target_semaphore(%run_scoped3A_57 : memref<!tpu.dma_semaphore, #tpu.memory_space<semaphore_mem>>)
        %dma_wait3A = arith.constant 0 : i32
        %dma_wait3A_69 = arith.constant 0 : i32
        %dma_wait3A_70 = tpu.memref_slice %arg14[%run_scoped3A, %dma_wait3A, %dma_wait3A_69] : memref<5x64x128xf32, #tpu.memory_space<vmem>> -> memref<1x64x128xf32, #tpu.memory_space<vmem>>
        %dma_wait3A_71 = tpu.memref_squeeze %dma_wait3A_70 : memref<1x64x128xf32, #tpu.memory_space<vmem>> -> memref<64x128xf32, #tpu.memory_space<vmem>>
        %dma_wait3A_72 = arith.constant 0 : i32
        %dma_wait3A_73 = tpu.memref_slice %arg15[%multiple_of3A, %dma_wait3A_72] : memref<10000x128xf32, #tpu.memory_space<vmem_shared>> -> memref<64x128xf32, #tpu.memory_space<vmem_shared>>
        %dma_wait3A_74 = arith.constant 0 : i32
        %dma_wait3A_75 = tpu.memref_slice %arg15[%multiple_of3A, %dma_wait3A_74] : memref<10000x128xf32, #tpu.memory_space<vmem_shared>> -> memref<64x128xf32, #tpu.memory_space<vmem_shared>>
        %dma_wait3A_76 = arith.constant 0 : i32
        %dma_wait3A_77 = arith.constant 0 : i32
        %dma_wait3A_78 = tpu.memref_slice %arg14[%run_scoped3A, %dma_wait3A_76, %dma_wait3A_77] : memref<5x64x128xf32, #tpu.memory_space<vmem>> -> memref<1x64x128xf32, #tpu.memory_space<vmem>>
        %dma_wait3A_79 = tpu.memref_squeeze %dma_wait3A_78 : memref<1x64x128xf32, #tpu.memory_space<vmem>> -> memref<64x128xf32, #tpu.memory_space<vmem>>
        tpu.wait_dma2 semaphore(%run_scoped3A_57 : memref<!tpu.dma_semaphore, #tpu.memory_space<semaphore_mem>>) src(%dma_wait3A_79 : memref<64x128xf32, #tpu.memory_space<vmem>>) dst(%dma_wait3A_75 : memref<64x128xf32, #tpu.memory_space<vmem_shared>>)
        tpu.yield
      }) : () -> ()
      %while3A_56 = arith.constant 0 : i32
      scf.yield %while3A_56 : i32
    }
    %eq3A = arith.constant 15 : i32
    %eq3A_20 = arith.cmpi eq, %arg1, %eq3A : i32
    %convert_element_type3A = arith.extui %eq3A_20 : i1 to i32
    %cond3A = arith.constant 0 : i32
    %cond3A_21 = arith.cmpi ne, %convert_element_type3A, %cond3A : i32
    scf.if %cond3A_21 {
      %run_scoped3A = arith.constant 0 : i32
      "tpu.region"() ({
        %run_scoped3A_50 = tpu.sem_alloc : memref<!tpu.dma_semaphore, #tpu.memory_space<semaphore_mem>>
        %dma_start3A = arith.constant 0 : i32
        %dma_start3A_51 = arith.constant 0 : i32
        %dma_start3A_52 = tpu.memref_slice %arg14[%run_scoped3A, %dma_start3A, %dma_start3A_51] : memref<5x64x128xf32, #tpu.memory_space<vmem>> -> memref<1x16x128xf32, #tpu.memory_space<vmem>>
        %dma_start3A_53 = tpu.memref_squeeze %dma_start3A_52 : memref<1x16x128xf32, #tpu.memory_space<vmem>> -> memref<16x128xf32, #tpu.memory_space<vmem>>
        %dma_start3A_54 = arith.constant 9984 : i32
        %dma_start3A_55 = arith.constant 0 : i32
        %dma_start3A_56 = tpu.memref_slice %arg15[%dma_start3A_54, %dma_start3A_55] : memref<10000x128xf32, #tpu.memory_space<vmem_shared>> -> memref<16x128xf32, #tpu.memory_space<vmem_shared>>
        %dma_start3A_57 = arith.constant 9984 : i32
        %dma_start3A_58 = arith.constant 0 : i32
        %dma_start3A_59 = tpu.memref_slice %arg15[%dma_start3A_57, %dma_start3A_58] : memref<10000x128xf32, #tpu.memory_space<vmem_shared>> -> memref<16x128xf32, #tpu.memory_space<vmem_shared>>
        %dma_start3A_60 = arith.constant 0 : i32
        %dma_start3A_61 = arith.constant 0 : i32
        %dma_start3A_62 = tpu.memref_slice %arg14[%run_scoped3A, %dma_start3A_60, %dma_start3A_61] : memref<5x64x128xf32, #tpu.memory_space<vmem>> -> memref<1x16x128xf32, #tpu.memory_space<vmem>>
        %dma_start3A_63 = tpu.memref_squeeze %dma_start3A_62 : memref<1x16x128xf32, #tpu.memory_space<vmem>> -> memref<16x128xf32, #tpu.memory_space<vmem>>
        tpu.enqueue_dma source(%dma_start3A_63 : memref<16x128xf32, #tpu.memory_space<vmem>>) target(%dma_start3A_59 : memref<16x128xf32, #tpu.memory_space<vmem_shared>>) target_semaphore(%run_scoped3A_50 : memref<!tpu.dma_semaphore, #tpu.memory_space<semaphore_mem>>)
        %dma_wait3A = arith.constant 0 : i32
        %dma_wait3A_64 = arith.constant 0 : i32
        %dma_wait3A_65 = tpu.memref_slice %arg14[%run_scoped3A, %dma_wait3A, %dma_wait3A_64] : memref<5x64x128xf32, #tpu.memory_space<vmem>> -> memref<1x16x128xf32, #tpu.memory_space<vmem>>
        %dma_wait3A_66 = tpu.memref_squeeze %dma_wait3A_65 : memref<1x16x128xf32, #tpu.memory_space<vmem>> -> memref<16x128xf32, #tpu.memory_space<vmem>>
        %dma_wait3A_67 = arith.constant 9984 : i32
        %dma_wait3A_68 = arith.constant 0 : i32
        %dma_wait3A_69 = tpu.memref_slice %arg15[%dma_wait3A_67, %dma_wait3A_68] : memref<10000x128xf32, #tpu.memory_space<vmem_shared>> -> memref<16x128xf32, #tpu.memory_space<vmem_shared>>
        %dma_wait3A_70 = arith.constant 9984 : i32
        %dma_wait3A_71 = arith.constant 0 : i32
        %dma_wait3A_72 = tpu.memref_slice %arg15[%dma_wait3A_70, %dma_wait3A_71] : memref<10000x128xf32, #tpu.memory_space<vmem_shared>> -> memref<16x128xf32, #tpu.memory_space<vmem_shared>>
        %dma_wait3A_73 = arith.constant 0 : i32
        %dma_wait3A_74 = arith.constant 0 : i32
        %dma_wait3A_75 = tpu.memref_slice %arg14[%run_scoped3A, %dma_wait3A_73, %dma_wait3A_74] : memref<5x64x128xf32, #tpu.memory_space<vmem>> -> memref<1x16x128xf32, #tpu.memory_space<vmem>>
        %dma_wait3A_76 = tpu.memref_squeeze %dma_wait3A_75 : memref<1x16x128xf32, #tpu.memory_space<vmem>> -> memref<16x128xf32, #tpu.memory_space<vmem>>
        tpu.wait_dma2 semaphore(%run_scoped3A_50 : memref<!tpu.dma_semaphore, #tpu.memory_space<semaphore_mem>>) src(%dma_wait3A_76 : memref<16x128xf32, #tpu.memory_space<vmem>>) dst(%dma_wait3A_72 : memref<16x128xf32, #tpu.memory_space<vmem_shared>>)
        tpu.yield
      }) : () -> ()
    } else {
    }
    %barrier3A = arith.constant 0 : index
    tpu.barrier barrier_id(%barrier3A)
    %eq3A_22 = arith.constant 0 : i32
    %eq3A_23 = arith.cmpi eq, %arg0, %eq3A_22 : i32
    %convert_element_type3A_24 = arith.extui %eq3A_23 : i1 to i32
    %cond3A_25 = arith.constant 0 : i32
    %cond3A_26 = arith.cmpi ne, %convert_element_type3A_24, %cond3A_25 : i32
    scf.if %cond3A_26 {
      %mul3A = arith.constant 320 : i32
      %mul3A_50 = arith.muli %arg1, %mul3A : i32
      %rem3A = arith.constant 0 : i32
      %rem3A_51 = arith.constant 2 : i32
      %rem3A_52 = arith.remsi %rem3A, %rem3A_51 : i32
      %add3A_53 = arith.constant 0 : i32
      %add3A_54 = arith.addi %mul3A_50, %add3A_53 : i32
      %multiple_of3A = tpu.assume_multiple %add3A_54, 8 : i32
      %dma_start3A = arith.constant 0 : i32
      %dma_start3A_55 = arith.constant 0 : i32
      %dma_start3A_56 = tpu.memref_slice %arg11[%rem3A_52, %dma_start3A, %dma_start3A_55] : memref<2x8x64xi32, #tpu.memory_space<vmem>> -> memref<1x8x64xi32, #tpu.memory_space<vmem>>
      %dma_start3A_57 = tpu.memref_squeeze %dma_start3A_56 : memref<1x8x64xi32, #tpu.memory_space<vmem>> -> memref<8x64xi32, #tpu.memory_space<vmem>>
      %dma_start3A_58 = arith.constant 0 : i32
      %dma_start3A_59 = tpu.memref_slice %arg4[%multiple_of3A, %dma_start3A_58] : memref<5120x64xi32, #tpu.memory_space<hbm>> -> memref<8x64xi32, #tpu.memory_space<hbm>>
      %dma_start3A_60 = tpu.memref_slice %arg18[%rem3A_52] : memref<2x!tpu.dma_semaphore, #tpu.memory_space<semaphore_mem>> -> memref<1x!tpu.dma_semaphore, #tpu.memory_space<semaphore_mem>>
      %dma_start3A_61 = tpu.memref_squeeze %dma_start3A_60 : memref<1x!tpu.dma_semaphore, #tpu.memory_space<semaphore_mem>> -> memref<!tpu.dma_semaphore, #tpu.memory_space<semaphore_mem>>
      %dma_start3A_62 = arith.constant 0 : i32
      %dma_start3A_63 = arith.constant 0 : i32
      %dma_start3A_64 = tpu.memref_slice %arg11[%rem3A_52, %dma_start3A_62, %dma_start3A_63] : memref<2x8x64xi32, #tpu.memory_space<vmem>> -> memref<1x8x64xi32, #tpu.memory_space<vmem>>
      %dma_start3A_65 = tpu.memref_squeeze %dma_start3A_64 : memref<1x8x64xi32, #tpu.memory_space<vmem>> -> memref<8x64xi32, #tpu.memory_space<vmem>>
      %dma_start3A_66 = arith.constant 0 : i32
      %dma_start3A_67 = tpu.memref_slice %arg4[%multiple_of3A, %dma_start3A_66] : memref<5120x64xi32, #tpu.memory_space<hbm>> -> memref<8x64xi32, #tpu.memory_space<hbm>>
      tpu.enqueue_dma source(%dma_start3A_67 : memref<8x64xi32, #tpu.memory_space<hbm>>) target(%dma_start3A_65 : memref<8x64xi32, #tpu.memory_space<vmem>>) target_semaphore(%dma_start3A_61 : memref<!tpu.dma_semaphore, #tpu.memory_space<semaphore_mem>>)
      %dma_start3A_68 = arith.constant 0 : i32
      %dma_start3A_69 = arith.constant 0 : i32
      %dma_start3A_70 = tpu.memref_slice %arg12[%rem3A_52, %dma_start3A_68, %dma_start3A_69] : memref<2x8x64xi32, #tpu.memory_space<vmem>> -> memref<1x8x64xi32, #tpu.memory_space<vmem>>
      %dma_start3A_71 = tpu.memref_squeeze %dma_start3A_70 : memref<1x8x64xi32, #tpu.memory_space<vmem>> -> memref<8x64xi32, #tpu.memory_space<vmem>>
      %dma_start3A_72 = arith.constant 0 : i32
      %dma_start3A_73 = tpu.memref_slice %arg5[%multiple_of3A, %dma_start3A_72] : memref<5120x64xi32, #tpu.memory_space<hbm>> -> memref<8x64xi32, #tpu.memory_space<hbm>>
      %dma_start3A_74 = tpu.memref_slice %arg18[%rem3A_52] : memref<2x!tpu.dma_semaphore, #tpu.memory_space<semaphore_mem>> -> memref<1x!tpu.dma_semaphore, #tpu.memory_space<semaphore_mem>>
      %dma_start3A_75 = tpu.memref_squeeze %dma_start3A_74 : memref<1x!tpu.dma_semaphore, #tpu.memory_space<semaphore_mem>> -> memref<!tpu.dma_semaphore, #tpu.memory_space<semaphore_mem>>
      %dma_start3A_76 = arith.constant 0 : i32
      %dma_start3A_77 = arith.constant 0 : i32
      %dma_start3A_78 = tpu.memref_slice %arg12[%rem3A_52, %dma_start3A_76, %dma_start3A_77] : memref<2x8x64xi32, #tpu.memory_space<vmem>> -> memref<1x8x64xi32, #tpu.memory_space<vmem>>
      %dma_start3A_79 = tpu.memref_squeeze %dma_start3A_78 : memref<1x8x64xi32, #tpu.memory_space<vmem>> -> memref<8x64xi32, #tpu.memory_space<vmem>>
      %dma_start3A_80 = arith.constant 0 : i32
      %dma_start3A_81 = tpu.memref_slice %arg5[%multiple_of3A, %dma_start3A_80] : memref<5120x64xi32, #tpu.memory_space<hbm>> -> memref<8x64xi32, #tpu.memory_space<hbm>>
      tpu.enqueue_dma source(%dma_start3A_81 : memref<8x64xi32, #tpu.memory_space<hbm>>) target(%dma_start3A_79 : memref<8x64xi32, #tpu.memory_space<vmem>>) target_semaphore(%dma_start3A_75 : memref<!tpu.dma_semaphore, #tpu.memory_space<semaphore_mem>>)
      %dma_start3A_82 = arith.constant 0 : i32
      %dma_start3A_83 = arith.constant 0 : i32
      %dma_start3A_84 = tpu.memref_slice %arg13[%rem3A_52, %dma_start3A_82, %dma_start3A_83] : memref<2x8x64xf32, #tpu.memory_space<vmem>> -> memref<1x8x64xf32, #tpu.memory_space<vmem>>
      %dma_start3A_85 = tpu.memref_squeeze %dma_start3A_84 : memref<1x8x64xf32, #tpu.memory_space<vmem>> -> memref<8x64xf32, #tpu.memory_space<vmem>>
      %dma_start3A_86 = arith.constant 0 : i32
      %dma_start3A_87 = tpu.memref_slice %arg6[%multiple_of3A, %dma_start3A_86] : memref<5120x64xf32, #tpu.memory_space<hbm>> -> memref<8x64xf32, #tpu.memory_space<hbm>>
      %dma_start3A_88 = tpu.memref_slice %arg18[%rem3A_52] : memref<2x!tpu.dma_semaphore, #tpu.memory_space<semaphore_mem>> -> memref<1x!tpu.dma_semaphore, #tpu.memory_space<semaphore_mem>>
      %dma_start3A_89 = tpu.memref_squeeze %dma_start3A_88 : memref<1x!tpu.dma_semaphore, #tpu.memory_space<semaphore_mem>> -> memref<!tpu.dma_semaphore, #tpu.memory_space<semaphore_mem>>
      %dma_start3A_90 = arith.constant 0 : i32
      %dma_start3A_91 = arith.constant 0 : i32
      %dma_start3A_92 = tpu.memref_slice %arg13[%rem3A_52, %dma_start3A_90, %dma_start3A_91] : memref<2x8x64xf32, #tpu.memory_space<vmem>> -> memref<1x8x64xf32, #tpu.memory_space<vmem>>
      %dma_start3A_93 = tpu.memref_squeeze %dma_start3A_92 : memref<1x8x64xf32, #tpu.memory_space<vmem>> -> memref<8x64xf32, #tpu.memory_space<vmem>>
      %dma_start3A_94 = arith.constant 0 : i32
      %dma_start3A_95 = tpu.memref_slice %arg6[%multiple_of3A, %dma_start3A_94] : memref<5120x64xf32, #tpu.memory_space<hbm>> -> memref<8x64xf32, #tpu.memory_space<hbm>>
      tpu.enqueue_dma source(%dma_start3A_95 : memref<8x64xf32, #tpu.memory_space<hbm>>) target(%dma_start3A_93 : memref<8x64xf32, #tpu.memory_space<vmem>>) target_semaphore(%dma_start3A_89 : memref<!tpu.dma_semaphore, #tpu.memory_space<semaphore_mem>>)
      %rem3A_96 = arith.constant 0 : i32
      %rem3A_97 = arith.constant 2 : i32
      %rem3A_98 = arith.remsi %rem3A_96, %rem3A_97 : i32
      %dma_wait3A = arith.constant 0 : i32
      %dma_wait3A_99 = arith.constant 0 : i32
      %dma_wait3A_100 = tpu.memref_slice %arg11[%rem3A_98, %dma_wait3A, %dma_wait3A_99] : memref<2x8x64xi32, #tpu.memory_space<vmem>> -> memref<1x8x64xi32, #tpu.memory_space<vmem>>
      %dma_wait3A_101 = tpu.memref_squeeze %dma_wait3A_100 : memref<1x8x64xi32, #tpu.memory_space<vmem>> -> memref<8x64xi32, #tpu.memory_space<vmem>>
      %dma_wait3A_102 = arith.constant 0 : i32
      %dma_wait3A_103 = arith.constant 0 : i32
      %dma_wait3A_104 = tpu.memref_slice %arg4[%dma_wait3A_102, %dma_wait3A_103] : memref<5120x64xi32, #tpu.memory_space<hbm>> -> memref<8x64xi32, #tpu.memory_space<hbm>>
      %dma_wait3A_105 = tpu.memref_slice %arg18[%rem3A_98] : memref<2x!tpu.dma_semaphore, #tpu.memory_space<semaphore_mem>> -> memref<1x!tpu.dma_semaphore, #tpu.memory_space<semaphore_mem>>
      %dma_wait3A_106 = tpu.memref_squeeze %dma_wait3A_105 : memref<1x!tpu.dma_semaphore, #tpu.memory_space<semaphore_mem>> -> memref<!tpu.dma_semaphore, #tpu.memory_space<semaphore_mem>>
      %dma_wait3A_107 = arith.constant 0 : i32
      %dma_wait3A_108 = arith.constant 0 : i32
      %dma_wait3A_109 = tpu.memref_slice %arg11[%rem3A_98, %dma_wait3A_107, %dma_wait3A_108] : memref<2x8x64xi32, #tpu.memory_space<vmem>> -> memref<1x8x64xi32, #tpu.memory_space<vmem>>
      %dma_wait3A_110 = tpu.memref_squeeze %dma_wait3A_109 : memref<1x8x64xi32, #tpu.memory_space<vmem>> -> memref<8x64xi32, #tpu.memory_space<vmem>>
      %dma_wait3A_111 = arith.constant 0 : i32
      %dma_wait3A_112 = arith.constant 0 : i32
      %dma_wait3A_113 = tpu.memref_slice %arg4[%dma_wait3A_111, %dma_wait3A_112] : memref<5120x64xi32, #tpu.memory_space<hbm>> -> memref<8x64xi32, #tpu.memory_space<hbm>>
      tpu.wait_dma2 semaphore(%dma_wait3A_106 : memref<!tpu.dma_semaphore, #tpu.memory_space<semaphore_mem>>) src(%dma_wait3A_113 : memref<8x64xi32, #tpu.memory_space<hbm>>) dst(%dma_wait3A_110 : memref<8x64xi32, #tpu.memory_space<vmem>>)
      %dma_wait3A_114 = arith.constant 0 : i32
      %dma_wait3A_115 = arith.constant 0 : i32
      %dma_wait3A_116 = tpu.memref_slice %arg12[%rem3A_98, %dma_wait3A_114, %dma_wait3A_115] : memref<2x8x64xi32, #tpu.memory_space<vmem>> -> memref<1x8x64xi32, #tpu.memory_space<vmem>>
      %dma_wait3A_117 = tpu.memref_squeeze %dma_wait3A_116 : memref<1x8x64xi32, #tpu.memory_space<vmem>> -> memref<8x64xi32, #tpu.memory_space<vmem>>
      %dma_wait3A_118 = arith.constant 0 : i32
      %dma_wait3A_119 = arith.constant 0 : i32
      %dma_wait3A_120 = tpu.memref_slice %arg4[%dma_wait3A_118, %dma_wait3A_119] : memref<5120x64xi32, #tpu.memory_space<hbm>> -> memref<8x64xi32, #tpu.memory_space<hbm>>
      %dma_wait3A_121 = tpu.memref_slice %arg18[%rem3A_98] : memref<2x!tpu.dma_semaphore, #tpu.memory_space<semaphore_mem>> -> memref<1x!tpu.dma_semaphore, #tpu.memory_space<semaphore_mem>>
      %dma_wait3A_122 = tpu.memref_squeeze %dma_wait3A_121 : memref<1x!tpu.dma_semaphore, #tpu.memory_space<semaphore_mem>> -> memref<!tpu.dma_semaphore, #tpu.memory_space<semaphore_mem>>
      %dma_wait3A_123 = arith.constant 0 : i32
      %dma_wait3A_124 = arith.constant 0 : i32
      %dma_wait3A_125 = tpu.memref_slice %arg12[%rem3A_98, %dma_wait3A_123, %dma_wait3A_124] : memref<2x8x64xi32, #tpu.memory_space<vmem>> -> memref<1x8x64xi32, #tpu.memory_space<vmem>>
      %dma_wait3A_126 = tpu.memref_squeeze %dma_wait3A_125 : memref<1x8x64xi32, #tpu.memory_space<vmem>> -> memref<8x64xi32, #tpu.memory_space<vmem>>
      %dma_wait3A_127 = arith.constant 0 : i32
      %dma_wait3A_128 = arith.constant 0 : i32
      %dma_wait3A_129 = tpu.memref_slice %arg4[%dma_wait3A_127, %dma_wait3A_128] : memref<5120x64xi32, #tpu.memory_space<hbm>> -> memref<8x64xi32, #tpu.memory_space<hbm>>
      tpu.wait_dma2 semaphore(%dma_wait3A_122 : memref<!tpu.dma_semaphore, #tpu.memory_space<semaphore_mem>>) src(%dma_wait3A_129 : memref<8x64xi32, #tpu.memory_space<hbm>>) dst(%dma_wait3A_126 : memref<8x64xi32, #tpu.memory_space<vmem>>)
      %dma_wait3A_130 = arith.constant 0 : i32
      %dma_wait3A_131 = arith.constant 0 : i32
      %dma_wait3A_132 = tpu.memref_slice %arg13[%rem3A_98, %dma_wait3A_130, %dma_wait3A_131] : memref<2x8x64xf32, #tpu.memory_space<vmem>> -> memref<1x8x64xf32, #tpu.memory_space<vmem>>
      %dma_wait3A_133 = tpu.memref_squeeze %dma_wait3A_132 : memref<1x8x64xf32, #tpu.memory_space<vmem>> -> memref<8x64xf32, #tpu.memory_space<vmem>>
      %dma_wait3A_134 = arith.constant 0 : i32
      %dma_wait3A_135 = arith.constant 0 : i32
      %dma_wait3A_136 = tpu.memref_slice %arg4[%dma_wait3A_134, %dma_wait3A_135] : memref<5120x64xi32, #tpu.memory_space<hbm>> -> memref<8x64xi32, #tpu.memory_space<hbm>>
      %dma_wait3A_137 = tpu.memref_slice %arg18[%rem3A_98] : memref<2x!tpu.dma_semaphore, #tpu.memory_space<semaphore_mem>> -> memref<1x!tpu.dma_semaphore, #tpu.memory_space<semaphore_mem>>
      %dma_wait3A_138 = tpu.memref_squeeze %dma_wait3A_137 : memref<1x!tpu.dma_semaphore, #tpu.memory_space<semaphore_mem>> -> memref<!tpu.dma_semaphore, #tpu.memory_space<semaphore_mem>>
      %dma_wait3A_139 = arith.constant 0 : i32
      %dma_wait3A_140 = arith.constant 0 : i32
      %dma_wait3A_141 = tpu.memref_slice %arg13[%rem3A_98, %dma_wait3A_139, %dma_wait3A_140] : memref<2x8x64xf32, #tpu.memory_space<vmem>> -> memref<1x8x64xf32, #tpu.memory_space<vmem>>
      %dma_wait3A_142 = tpu.memref_squeeze %dma_wait3A_141 : memref<1x8x64xf32, #tpu.memory_space<vmem>> -> memref<8x64xf32, #tpu.memory_space<vmem>>
      %dma_wait3A_143 = arith.constant 0 : i32
      %dma_wait3A_144 = arith.constant 0 : i32
      %dma_wait3A_145 = tpu.memref_slice %arg4[%dma_wait3A_143, %dma_wait3A_144] : memref<5120x64xi32, #tpu.memory_space<hbm>> -> memref<8x64xi32, #tpu.memory_space<hbm>>
      tpu.wait_dma2 semaphore(%dma_wait3A_138 : memref<!tpu.dma_semaphore, #tpu.memory_space<semaphore_mem>>) src(%dma_wait3A_145 : memref<8x64xi32, #tpu.memory_space<hbm>>) dst(%dma_wait3A_142 : memref<8x64xf32, #tpu.memory_space<vmem>>)
      %div3A = arith.constant 0 : i32
      %div3A_146 = arith.constant 8 : i32
      %div3A_147 = arith.divsi %div3A, %div3A_146 : i32
      %rem3A_148 = arith.constant 2 : i32
      %rem3A_149 = arith.remsi %div3A_147, %rem3A_148 : i32
      %rem3A_150 = arith.constant 0 : i32
      %rem3A_151 = arith.constant 8 : i32
      %rem3A_152 = arith.remsi %rem3A_150, %rem3A_151 : i32
      %dma_start3A_153 = arith.constant 0 : i32
      %dma_start3A_154 = arith.constant 0 : i32
      %dma_start3A_155 = arith.constant 0 : i32
      %dma_start3A_156 = arith.constant 0 : i32
      %dma_start3A_157 = tpu.memref_slice %arg14[%dma_start3A_153, %dma_start3A_155, %dma_start3A_156] : memref<5x64x128xf32, #tpu.memory_space<vmem>> -> memref<1x64x128xf32, #tpu.memory_space<vmem>>
      %dma_start3A_158 = tpu.memref_squeeze %dma_start3A_157 : memref<1x64x128xf32, #tpu.memory_space<vmem>> -> memref<64x128xf32, #tpu.memory_space<vmem>>
      %dma_start3A_159 = arith.constant 0 : i32
      %dma_start3A_160 = tpu.memref_slice %arg11[%rem3A_149, %rem3A_152, %dma_start3A_159] : memref<2x8x64xi32, #tpu.memory_space<vmem>> -> memref<1x1x64xi32, #tpu.memory_space<vmem>>
      %dma_start3A_161 = tpu.memref_squeeze %dma_start3A_160 : memref<1x1x64xi32, #tpu.memory_space<vmem>> -> memref<64xi32, #tpu.memory_space<vmem>>
      %dma_start3A_162 = arith.constant 0 : i32
      %dma_start3A_163 = arith.constant 0 : i32
      %dma_start3A_164 = tpu.memref_slice %arg2[%dma_start3A_162, %dma_start3A_163] : memref<10000x128xf32, #tpu.memory_space<hbm>> -> memref<10000x128xf32, #tpu.memory_space<hbm>>
      %dma_start3A_165 = tpu.memref_slice %arg16[%dma_start3A_154] : memref<5x!tpu.dma_semaphore, #tpu.memory_space<semaphore_mem>> -> memref<1x!tpu.dma_semaphore, #tpu.memory_space<semaphore_mem>>
      %dma_start3A_166 = tpu.memref_squeeze %dma_start3A_165 : memref<1x!tpu.dma_semaphore, #tpu.memory_space<semaphore_mem>> -> memref<!tpu.dma_semaphore, #tpu.memory_space<semaphore_mem>>
      tpu.enqueue_indirect_dma source(%dma_start3A_164 : memref<10000x128xf32, #tpu.memory_space<hbm>>) target(%dma_start3A_158 : memref<64x128xf32, #tpu.memory_space<vmem>>) offsets(%dma_start3A_161 : memref<64xi32, #tpu.memory_space<vmem>>) semaphore(%dma_start3A_166 : memref<!tpu.dma_semaphore, #tpu.memory_space<semaphore_mem>>)
      %div3A_167 = arith.constant 1 : i32
      %div3A_168 = arith.constant 8 : i32
      %div3A_169 = arith.divsi %div3A_167, %div3A_168 : i32
      %rem3A_170 = arith.constant 2 : i32
      %rem3A_171 = arith.remsi %div3A_169, %rem3A_170 : i32
      %rem3A_172 = arith.constant 1 : i32
      %rem3A_173 = arith.constant 8 : i32
      %rem3A_174 = arith.remsi %rem3A_172, %rem3A_173 : i32
      %dma_start3A_175 = arith.constant 1 : i32
      %dma_start3A_176 = arith.constant 1 : i32
      %dma_start3A_177 = arith.constant 0 : i32
      %dma_start3A_178 = arith.constant 0 : i32
      %dma_start3A_179 = tpu.memref_slice %arg14[%dma_start3A_175, %dma_start3A_177, %dma_start3A_178] : memref<5x64x128xf32, #tpu.memory_space<vmem>> -> memref<1x64x128xf32, #tpu.memory_space<vmem>>
      %dma_start3A_180 = tpu.memref_squeeze %dma_start3A_179 : memref<1x64x128xf32, #tpu.memory_space<vmem>> -> memref<64x128xf32, #tpu.memory_space<vmem>>
      %dma_start3A_181 = arith.constant 0 : i32
      %dma_start3A_182 = tpu.memref_slice %arg11[%rem3A_171, %rem3A_174, %dma_start3A_181] : memref<2x8x64xi32, #tpu.memory_space<vmem>> -> memref<1x1x64xi32, #tpu.memory_space<vmem>>
      %dma_start3A_183 = tpu.memref_squeeze %dma_start3A_182 : memref<1x1x64xi32, #tpu.memory_space<vmem>> -> memref<64xi32, #tpu.memory_space<vmem>>
      %dma_start3A_184 = arith.constant 0 : i32
      %dma_start3A_185 = arith.constant 0 : i32
      %dma_start3A_186 = tpu.memref_slice %arg2[%dma_start3A_184, %dma_start3A_185] : memref<10000x128xf32, #tpu.memory_space<hbm>> -> memref<10000x128xf32, #tpu.memory_space<hbm>>
      %dma_start3A_187 = tpu.memref_slice %arg16[%dma_start3A_176] : memref<5x!tpu.dma_semaphore, #tpu.memory_space<semaphore_mem>> -> memref<1x!tpu.dma_semaphore, #tpu.memory_space<semaphore_mem>>
      %dma_start3A_188 = tpu.memref_squeeze %dma_start3A_187 : memref<1x!tpu.dma_semaphore, #tpu.memory_space<semaphore_mem>> -> memref<!tpu.dma_semaphore, #tpu.memory_space<semaphore_mem>>
      tpu.enqueue_indirect_dma source(%dma_start3A_186 : memref<10000x128xf32, #tpu.memory_space<hbm>>) target(%dma_start3A_180 : memref<64x128xf32, #tpu.memory_space<vmem>>) offsets(%dma_start3A_183 : memref<64xi32, #tpu.memory_space<vmem>>) semaphore(%dma_start3A_188 : memref<!tpu.dma_semaphore, #tpu.memory_space<semaphore_mem>>)
      %div3A_189 = arith.constant 2 : i32
      %div3A_190 = arith.constant 8 : i32
      %div3A_191 = arith.divsi %div3A_189, %div3A_190 : i32
      %rem3A_192 = arith.constant 2 : i32
      %rem3A_193 = arith.remsi %div3A_191, %rem3A_192 : i32
      %rem3A_194 = arith.constant 2 : i32
      %rem3A_195 = arith.constant 8 : i32
      %rem3A_196 = arith.remsi %rem3A_194, %rem3A_195 : i32
      %dma_start3A_197 = arith.constant 2 : i32
      %dma_start3A_198 = arith.constant 2 : i32
      %dma_start3A_199 = arith.constant 0 : i32
      %dma_start3A_200 = arith.constant 0 : i32
      %dma_start3A_201 = tpu.memref_slice %arg14[%dma_start3A_197, %dma_start3A_199, %dma_start3A_200] : memref<5x64x128xf32, #tpu.memory_space<vmem>> -> memref<1x64x128xf32, #tpu.memory_space<vmem>>
      %dma_start3A_202 = tpu.memref_squeeze %dma_start3A_201 : memref<1x64x128xf32, #tpu.memory_space<vmem>> -> memref<64x128xf32, #tpu.memory_space<vmem>>
      %dma_start3A_203 = arith.constant 0 : i32
      %dma_start3A_204 = tpu.memref_slice %arg11[%rem3A_193, %rem3A_196, %dma_start3A_203] : memref<2x8x64xi32, #tpu.memory_space<vmem>> -> memref<1x1x64xi32, #tpu.memory_space<vmem>>
      %dma_start3A_205 = tpu.memref_squeeze %dma_start3A_204 : memref<1x1x64xi32, #tpu.memory_space<vmem>> -> memref<64xi32, #tpu.memory_space<vmem>>
      %dma_start3A_206 = arith.constant 0 : i32
      %dma_start3A_207 = arith.constant 0 : i32
      %dma_start3A_208 = tpu.memref_slice %arg2[%dma_start3A_206, %dma_start3A_207] : memref<10000x128xf32, #tpu.memory_space<hbm>> -> memref<10000x128xf32, #tpu.memory_space<hbm>>
      %dma_start3A_209 = tpu.memref_slice %arg16[%dma_start3A_198] : memref<5x!tpu.dma_semaphore, #tpu.memory_space<semaphore_mem>> -> memref<1x!tpu.dma_semaphore, #tpu.memory_space<semaphore_mem>>
      %dma_start3A_210 = tpu.memref_squeeze %dma_start3A_209 : memref<1x!tpu.dma_semaphore, #tpu.memory_space<semaphore_mem>> -> memref<!tpu.dma_semaphore, #tpu.memory_space<semaphore_mem>>
      tpu.enqueue_indirect_dma source(%dma_start3A_208 : memref<10000x128xf32, #tpu.memory_space<hbm>>) target(%dma_start3A_202 : memref<64x128xf32, #tpu.memory_space<vmem>>) offsets(%dma_start3A_205 : memref<64xi32, #tpu.memory_space<vmem>>) semaphore(%dma_start3A_210 : memref<!tpu.dma_semaphore, #tpu.memory_space<semaphore_mem>>)
      %scan3A_211 = arith.constant 0 : i32
      %scan3A_212 = arith.constant 0 : i32
      %scan3A_213 = arith.constant 320 : i32
      %scan3A_214 = arith.addi %scan3A_212, %scan3A_213 : i32
      %scan3A_215 = arith.constant 1 : i32
      %scan3A_216 = scf.for %scan3A_250 = %scan3A_212 to %scan3A_214 step %scan3A_215 iter_args(%scan3A_251 = %scan3A_211) -> (i32)  : i32 {
        %rem3A_252 = arith.constant 8 : i32
        %rem3A_253 = arith.remsi %scan3A_250, %rem3A_252 : i32
        %div3A_254 = arith.constant 8 : i32
        %div3A_255 = arith.divsi %scan3A_250, %div3A_254 : i32
        %add3A_256 = arith.constant 3 : i32
        %add3A_257 = arith.addi %scan3A_250, %add3A_256 : i32
        %rem3A_258 = arith.constant 5 : i32
        %rem3A_259 = arith.remsi %add3A_257, %rem3A_258 : i32
        %rem3A_260 = arith.constant 5 : i32
        %rem3A_261 = arith.remsi %scan3A_250, %rem3A_260 : i32
        %eq3A_262 = arith.constant 2 : i32
        %eq3A_263 = arith.cmpi eq, %rem3A_253, %eq3A_262 : i32
        %sub3A = arith.constant 2 : i32
        %sub3A_264 = arith.subi %scan3A_250, %sub3A : i32
        %add3A_265 = arith.constant 8 : i32
        %add3A_266 = arith.addi %sub3A_264, %add3A_265 : i32
        %lt3A_267 = arith.constant 320 : i32
        %lt3A_268 = arith.cmpi slt, %add3A_266, %lt3A_267 : i32
        %and3A = arith.andi %eq3A_263, %lt3A_268 : i1
        %convert_element_type3A_269 = arith.extui %and3A : i1 to i32
        %cond3A_270 = arith.constant 0 : i32
        %cond3A_271 = arith.cmpi ne, %convert_element_type3A_269, %cond3A_270 : i32
        scf.if %cond3A_271 {
          %add3A_334 = arith.constant 1 : i32
          %add3A_335 = arith.addi %div3A_255, %add3A_334 : i32
          %rem3A_336 = arith.constant 2 : i32
          %rem3A_337 = arith.remsi %add3A_335, %rem3A_336 : i32
          %mul3A_338 = arith.constant 8 : i32
          %mul3A_339 = arith.muli %add3A_335, %mul3A_338 : i32
          %add3A_340 = arith.addi %mul3A_50, %mul3A_339 : i32
          %multiple_of3A_341 = tpu.assume_multiple %add3A_340, 8 : i32
          %dma_start3A_342 = arith.constant 0 : i32
          %dma_start3A_343 = arith.constant 0 : i32
          %dma_start3A_344 = tpu.memref_slice %arg11[%rem3A_337, %dma_start3A_342, %dma_start3A_343] : memref<2x8x64xi32, #tpu.memory_space<vmem>> -> memref<1x8x64xi32, #tpu.memory_space<vmem>>
          %dma_start3A_345 = tpu.memref_squeeze %dma_start3A_344 : memref<1x8x64xi32, #tpu.memory_space<vmem>> -> memref<8x64xi32, #tpu.memory_space<vmem>>
          %dma_start3A_346 = arith.constant 0 : i32
          %dma_start3A_347 = tpu.memref_slice %arg4[%multiple_of3A_341, %dma_start3A_346] : memref<5120x64xi32, #tpu.memory_space<hbm>> -> memref<8x64xi32, #tpu.memory_space<hbm>>
          %dma_start3A_348 = tpu.memref_slice %arg18[%rem3A_337] : memref<2x!tpu.dma_semaphore, #tpu.memory_space<semaphore_mem>> -> memref<1x!tpu.dma_semaphore, #tpu.memory_space<semaphore_mem>>
          %dma_start3A_349 = tpu.memref_squeeze %dma_start3A_348 : memref<1x!tpu.dma_semaphore, #tpu.memory_space<semaphore_mem>> -> memref<!tpu.dma_semaphore, #tpu.memory_space<semaphore_mem>>
          %dma_start3A_350 = arith.constant 0 : i32
          %dma_start3A_351 = arith.constant 0 : i32
          %dma_start3A_352 = tpu.memref_slice %arg11[%rem3A_337, %dma_start3A_350, %dma_start3A_351] : memref<2x8x64xi32, #tpu.memory_space<vmem>> -> memref<1x8x64xi32, #tpu.memory_space<vmem>>
          %dma_start3A_353 = tpu.memref_squeeze %dma_start3A_352 : memref<1x8x64xi32, #tpu.memory_space<vmem>> -> memref<8x64xi32, #tpu.memory_space<vmem>>
          %dma_start3A_354 = arith.constant 0 : i32
          %dma_start3A_355 = tpu.memref_slice %arg4[%multiple_of3A_341, %dma_start3A_354] : memref<5120x64xi32, #tpu.memory_space<hbm>> -> memref<8x64xi32, #tpu.memory_space<hbm>>
          tpu.enqueue_dma source(%dma_start3A_355 : memref<8x64xi32, #tpu.memory_space<hbm>>) target(%dma_start3A_353 : memref<8x64xi32, #tpu.memory_space<vmem>>) target_semaphore(%dma_start3A_349 : memref<!tpu.dma_semaphore, #tpu.memory_space<semaphore_mem>>)
          %dma_start3A_356 = arith.constant 0 : i32
          %dma_start3A_357 = arith.constant 0 : i32
          %dma_start3A_358 = tpu.memref_slice %arg12[%rem3A_337, %dma_start3A_356, %dma_start3A_357] : memref<2x8x64xi32, #tpu.memory_space<vmem>> -> memref<1x8x64xi32, #tpu.memory_space<vmem>>
          %dma_start3A_359 = tpu.memref_squeeze %dma_start3A_358 : memref<1x8x64xi32, #tpu.memory_space<vmem>> -> memref<8x64xi32, #tpu.memory_space<vmem>>
          %dma_start3A_360 = arith.constant 0 : i32
          %dma_start3A_361 = tpu.memref_slice %arg5[%multiple_of3A_341, %dma_start3A_360] : memref<5120x64xi32, #tpu.memory_space<hbm>> -> memref<8x64xi32, #tpu.memory_space<hbm>>
          %dma_start3A_362 = tpu.memref_slice %arg18[%rem3A_337] : memref<2x!tpu.dma_semaphore, #tpu.memory_space<semaphore_mem>> -> memref<1x!tpu.dma_semaphore, #tpu.memory_space<semaphore_mem>>
          %dma_start3A_363 = tpu.memref_squeeze %dma_start3A_362 : memref<1x!tpu.dma_semaphore, #tpu.memory_space<semaphore_mem>> -> memref<!tpu.dma_semaphore, #tpu.memory_space<semaphore_mem>>
          %dma_start3A_364 = arith.constant 0 : i32
          %dma_start3A_365 = arith.constant 0 : i32
          %dma_start3A_366 = tpu.memref_slice %arg12[%rem3A_337, %dma_start3A_364, %dma_start3A_365] : memref<2x8x64xi32, #tpu.memory_space<vmem>> -> memref<1x8x64xi32, #tpu.memory_space<vmem>>
          %dma_start3A_367 = tpu.memref_squeeze %dma_start3A_366 : memref<1x8x64xi32, #tpu.memory_space<vmem>> -> memref<8x64xi32, #tpu.memory_space<vmem>>
          %dma_start3A_368 = arith.constant 0 : i32
          %dma_start3A_369 = tpu.memref_slice %arg5[%multiple_of3A_341, %dma_start3A_368] : memref<5120x64xi32, #tpu.memory_space<hbm>> -> memref<8x64xi32, #tpu.memory_space<hbm>>
          tpu.enqueue_dma source(%dma_start3A_369 : memref<8x64xi32, #tpu.memory_space<hbm>>) target(%dma_start3A_367 : memref<8x64xi32, #tpu.memory_space<vmem>>) target_semaphore(%dma_start3A_363 : memref<!tpu.dma_semaphore, #tpu.memory_space<semaphore_mem>>)
          %dma_start3A_370 = arith.constant 0 : i32
          %dma_start3A_371 = arith.constant 0 : i32
          %dma_start3A_372 = tpu.memref_slice %arg13[%rem3A_337, %dma_start3A_370, %dma_start3A_371] : memref<2x8x64xf32, #tpu.memory_space<vmem>> -> memref<1x8x64xf32, #tpu.memory_space<vmem>>
          %dma_start3A_373 = tpu.memref_squeeze %dma_start3A_372 : memref<1x8x64xf32, #tpu.memory_space<vmem>> -> memref<8x64xf32, #tpu.memory_space<vmem>>
          %dma_start3A_374 = arith.constant 0 : i32
          %dma_start3A_375 = tpu.memref_slice %arg6[%multiple_of3A_341, %dma_start3A_374] : memref<5120x64xf32, #tpu.memory_space<hbm>> -> memref<8x64xf32, #tpu.memory_space<hbm>>
          %dma_start3A_376 = tpu.memref_slice %arg18[%rem3A_337] : memref<2x!tpu.dma_semaphore, #tpu.memory_space<semaphore_mem>> -> memref<1x!tpu.dma_semaphore, #tpu.memory_space<semaphore_mem>>
          %dma_start3A_377 = tpu.memref_squeeze %dma_start3A_376 : memref<1x!tpu.dma_semaphore, #tpu.memory_space<semaphore_mem>> -> memref<!tpu.dma_semaphore, #tpu.memory_space<semaphore_mem>>
          %dma_start3A_378 = arith.constant 0 : i32
          %dma_start3A_379 = arith.constant 0 : i32
          %dma_start3A_380 = tpu.memref_slice %arg13[%rem3A_337, %dma_start3A_378, %dma_start3A_379] : memref<2x8x64xf32, #tpu.memory_space<vmem>> -> memref<1x8x64xf32, #tpu.memory_space<vmem>>
          %dma_start3A_381 = tpu.memref_squeeze %dma_start3A_380 : memref<1x8x64xf32, #tpu.memory_space<vmem>> -> memref<8x64xf32, #tpu.memory_space<vmem>>
          %dma_start3A_382 = arith.constant 0 : i32
          %dma_start3A_383 = tpu.memref_slice %arg6[%multiple_of3A_341, %dma_start3A_382] : memref<5120x64xf32, #tpu.memory_space<hbm>> -> memref<8x64xf32, #tpu.memory_space<hbm>>
          tpu.enqueue_dma source(%dma_start3A_383 : memref<8x64xf32, #tpu.memory_space<hbm>>) target(%dma_start3A_381 : memref<8x64xf32, #tpu.memory_space<vmem>>) target_semaphore(%dma_start3A_377 : memref<!tpu.dma_semaphore, #tpu.memory_space<semaphore_mem>>)
        } else {
        }
        %eq3A_272 = arith.constant 5 : i32
        %eq3A_273 = arith.cmpi eq, %rem3A_253, %eq3A_272 : i32
        %add3A_274 = arith.constant 3 : i32
        %add3A_275 = arith.addi %scan3A_250, %add3A_274 : i32
        %lt3A_276 = arith.constant 320 : i32
        %lt3A_277 = arith.cmpi slt, %add3A_275, %lt3A_276 : i32
        %and3A_278 = arith.andi %eq3A_273, %lt3A_277 : i1
        %convert_element_type3A_279 = arith.extui %and3A_278 : i1 to i32
        %cond3A_280 = arith.constant 0 : i32
        %cond3A_281 = arith.cmpi ne, %convert_element_type3A_279, %cond3A_280 : i32
        scf.if %cond3A_281 {
          %add3A_334 = arith.constant 1 : i32
          %add3A_335 = arith.addi %div3A_255, %add3A_334 : i32
          %rem3A_336 = arith.constant 2 : i32
          %rem3A_337 = arith.remsi %add3A_335, %rem3A_336 : i32
          %dma_wait3A_338 = arith.constant 0 : i32
          %dma_wait3A_339 = arith.constant 0 : i32
          %dma_wait3A_340 = tpu.memref_slice %arg11[%rem3A_337, %dma_wait3A_338, %dma_wait3A_339] : memref<2x8x64xi32, #tpu.memory_space<vmem>> -> memref<1x8x64xi32, #tpu.memory_space<vmem>>
          %dma_wait3A_341 = tpu.memref_squeeze %dma_wait3A_340 : memref<1x8x64xi32, #tpu.memory_space<vmem>> -> memref<8x64xi32, #tpu.memory_space<vmem>>
          %dma_wait3A_342 = arith.constant 0 : i32
          %dma_wait3A_343 = arith.constant 0 : i32
          %dma_wait3A_344 = tpu.memref_slice %arg4[%dma_wait3A_342, %dma_wait3A_343] : memref<5120x64xi32, #tpu.memory_space<hbm>> -> memref<8x64xi32, #tpu.memory_space<hbm>>
          %dma_wait3A_345 = tpu.memref_slice %arg18[%rem3A_337] : memref<2x!tpu.dma_semaphore, #tpu.memory_space<semaphore_mem>> -> memref<1x!tpu.dma_semaphore, #tpu.memory_space<semaphore_mem>>
          %dma_wait3A_346 = tpu.memref_squeeze %dma_wait3A_345 : memref<1x!tpu.dma_semaphore, #tpu.memory_space<semaphore_mem>> -> memref<!tpu.dma_semaphore, #tpu.memory_space<semaphore_mem>>
          %dma_wait3A_347 = arith.constant 0 : i32
          %dma_wait3A_348 = arith.constant 0 : i32
          %dma_wait3A_349 = tpu.memref_slice %arg11[%rem3A_337, %dma_wait3A_347, %dma_wait3A_348] : memref<2x8x64xi32, #tpu.memory_space<vmem>> -> memref<1x8x64xi32, #tpu.memory_space<vmem>>
          %dma_wait3A_350 = tpu.memref_squeeze %dma_wait3A_349 : memref<1x8x64xi32, #tpu.memory_space<vmem>> -> memref<8x64xi32, #tpu.memory_space<vmem>>
          %dma_wait3A_351 = arith.constant 0 : i32
          %dma_wait3A_352 = arith.constant 0 : i32
          %dma_wait3A_353 = tpu.memref_slice %arg4[%dma_wait3A_351, %dma_wait3A_352] : memref<5120x64xi32, #tpu.memory_space<hbm>> -> memref<8x64xi32, #tpu.memory_space<hbm>>
          tpu.wait_dma2 semaphore(%dma_wait3A_346 : memref<!tpu.dma_semaphore, #tpu.memory_space<semaphore_mem>>) src(%dma_wait3A_353 : memref<8x64xi32, #tpu.memory_space<hbm>>) dst(%dma_wait3A_350 : memref<8x64xi32, #tpu.memory_space<vmem>>)
          %dma_wait3A_354 = arith.constant 0 : i32
          %dma_wait3A_355 = arith.constant 0 : i32
          %dma_wait3A_356 = tpu.memref_slice %arg12[%rem3A_337, %dma_wait3A_354, %dma_wait3A_355] : memref<2x8x64xi32, #tpu.memory_space<vmem>> -> memref<1x8x64xi32, #tpu.memory_space<vmem>>
          %dma_wait3A_357 = tpu.memref_squeeze %dma_wait3A_356 : memref<1x8x64xi32, #tpu.memory_space<vmem>> -> memref<8x64xi32, #tpu.memory_space<vmem>>
          %dma_wait3A_358 = arith.constant 0 : i32
          %dma_wait3A_359 = arith.constant 0 : i32
          %dma_wait3A_360 = tpu.memref_slice %arg4[%dma_wait3A_358, %dma_wait3A_359] : memref<5120x64xi32, #tpu.memory_space<hbm>> -> memref<8x64xi32, #tpu.memory_space<hbm>>
          %dma_wait3A_361 = tpu.memref_slice %arg18[%rem3A_337] : memref<2x!tpu.dma_semaphore, #tpu.memory_space<semaphore_mem>> -> memref<1x!tpu.dma_semaphore, #tpu.memory_space<semaphore_mem>>
          %dma_wait3A_362 = tpu.memref_squeeze %dma_wait3A_361 : memref<1x!tpu.dma_semaphore, #tpu.memory_space<semaphore_mem>> -> memref<!tpu.dma_semaphore, #tpu.memory_space<semaphore_mem>>
          %dma_wait3A_363 = arith.constant 0 : i32
          %dma_wait3A_364 = arith.constant 0 : i32
          %dma_wait3A_365 = tpu.memref_slice %arg12[%rem3A_337, %dma_wait3A_363, %dma_wait3A_364] : memref<2x8x64xi32, #tpu.memory_space<vmem>> -> memref<1x8x64xi32, #tpu.memory_space<vmem>>
          %dma_wait3A_366 = tpu.memref_squeeze %dma_wait3A_365 : memref<1x8x64xi32, #tpu.memory_space<vmem>> -> memref<8x64xi32, #tpu.memory_space<vmem>>
          %dma_wait3A_367 = arith.constant 0 : i32
          %dma_wait3A_368 = arith.constant 0 : i32
          %dma_wait3A_369 = tpu.memref_slice %arg4[%dma_wait3A_367, %dma_wait3A_368] : memref<5120x64xi32, #tpu.memory_space<hbm>> -> memref<8x64xi32, #tpu.memory_space<hbm>>
          tpu.wait_dma2 semaphore(%dma_wait3A_362 : memref<!tpu.dma_semaphore, #tpu.memory_space<semaphore_mem>>) src(%dma_wait3A_369 : memref<8x64xi32, #tpu.memory_space<hbm>>) dst(%dma_wait3A_366 : memref<8x64xi32, #tpu.memory_space<vmem>>)
          %dma_wait3A_370 = arith.constant 0 : i32
          %dma_wait3A_371 = arith.constant 0 : i32
          %dma_wait3A_372 = tpu.memref_slice %arg13[%rem3A_337, %dma_wait3A_370, %dma_wait3A_371] : memref<2x8x64xf32, #tpu.memory_space<vmem>> -> memref<1x8x64xf32, #tpu.memory_space<vmem>>
          %dma_wait3A_373 = tpu.memref_squeeze %dma_wait3A_372 : memref<1x8x64xf32, #tpu.memory_space<vmem>> -> memref<8x64xf32, #tpu.memory_space<vmem>>
          %dma_wait3A_374 = arith.constant 0 : i32
          %dma_wait3A_375 = arith.constant 0 : i32
          %dma_wait3A_376 = tpu.memref_slice %arg4[%dma_wait3A_374, %dma_wait3A_375] : memref<5120x64xi32, #tpu.memory_space<hbm>> -> memref<8x64xi32, #tpu.memory_space<hbm>>
          %dma_wait3A_377 = tpu.memref_slice %arg18[%rem3A_337] : memref<2x!tpu.dma_semaphore, #tpu.memory_space<semaphore_mem>> -> memref<1x!tpu.dma_semaphore, #tpu.memory_space<semaphore_mem>>
          %dma_wait3A_378 = tpu.memref_squeeze %dma_wait3A_377 : memref<1x!tpu.dma_semaphore, #tpu.memory_space<semaphore_mem>> -> memref<!tpu.dma_semaphore, #tpu.memory_space<semaphore_mem>>
          %dma_wait3A_379 = arith.constant 0 : i32
          %dma_wait3A_380 = arith.constant 0 : i32
          %dma_wait3A_381 = tpu.memref_slice %arg13[%rem3A_337, %dma_wait3A_379, %dma_wait3A_380] : memref<2x8x64xf32, #tpu.memory_space<vmem>> -> memref<1x8x64xf32, #tpu.memory_space<vmem>>
          %dma_wait3A_382 = tpu.memref_squeeze %dma_wait3A_381 : memref<1x8x64xf32, #tpu.memory_space<vmem>> -> memref<8x64xf32, #tpu.memory_space<vmem>>
          %dma_wait3A_383 = arith.constant 0 : i32
          %dma_wait3A_384 = arith.constant 0 : i32
          %dma_wait3A_385 = tpu.memref_slice %arg4[%dma_wait3A_383, %dma_wait3A_384] : memref<5120x64xi32, #tpu.memory_space<hbm>> -> memref<8x64xi32, #tpu.memory_space<hbm>>
          tpu.wait_dma2 semaphore(%dma_wait3A_378 : memref<!tpu.dma_semaphore, #tpu.memory_space<semaphore_mem>>) src(%dma_wait3A_385 : memref<8x64xi32, #tpu.memory_space<hbm>>) dst(%dma_wait3A_382 : memref<8x64xf32, #tpu.memory_space<vmem>>)
        } else {
        }
        %ge3A = arith.constant 2 : i32
        %ge3A_282 = arith.cmpi sge, %scan3A_250, %ge3A : i32
        %convert_element_type3A_283 = arith.extui %ge3A_282 : i1 to i32
        %cond3A_284 = arith.constant 0 : i32
        %cond3A_285 = arith.cmpi ne, %convert_element_type3A_283, %cond3A_284 : i32
        scf.if %cond3A_285 {
          %div3A_334 = arith.constant 8 : i32
          %div3A_335 = arith.divsi %scan3A_250, %div3A_334 : i32
          %rem3A_336 = arith.constant 2 : i32
          %rem3A_337 = arith.remsi %div3A_335, %rem3A_336 : i32
          %rem3A_338 = arith.constant 8 : i32
          %rem3A_339 = arith.remsi %scan3A_250, %rem3A_338 : i32
          %dma_wait3A_340 = arith.constant 0 : i32
          %dma_wait3A_341 = arith.constant 0 : i32
          %dma_wait3A_342 = tpu.memref_slice %arg14[%rem3A_259, %dma_wait3A_340, %dma_wait3A_341] : memref<5x64x128xf32, #tpu.memory_space<vmem>> -> memref<1x64x128xf32, #tpu.memory_space<vmem>>
          %dma_wait3A_343 = tpu.memref_squeeze %dma_wait3A_342 : memref<1x64x128xf32, #tpu.memory_space<vmem>> -> memref<64x128xf32, #tpu.memory_space<vmem>>
          %dma_wait3A_344 = arith.constant 0 : i32
          %dma_wait3A_345 = tpu.memref_slice %arg12[%rem3A_337, %rem3A_339, %dma_wait3A_344] : memref<2x8x64xi32, #tpu.memory_space<vmem>> -> memref<1x1x64xi32, #tpu.memory_space<vmem>>
          %dma_wait3A_346 = tpu.memref_squeeze %dma_wait3A_345 : memref<1x1x64xi32, #tpu.memory_space<vmem>> -> memref<64xi32, #tpu.memory_space<vmem>>
          %dma_wait3A_347 = arith.constant 0 : i32
          %dma_wait3A_348 = arith.constant 0 : i32
          %dma_wait3A_349 = tpu.memref_slice %arg15[%dma_wait3A_347, %dma_wait3A_348] : memref<10000x128xf32, #tpu.memory_space<vmem_shared>> -> memref<10000x128xf32, #tpu.memory_space<vmem_shared>>
          %dma_wait3A_350 = tpu.memref_slice %arg17[%rem3A_259] : memref<5x!tpu.dma_semaphore, #tpu.memory_space<semaphore_mem>> -> memref<1x!tpu.dma_semaphore, #tpu.memory_space<semaphore_mem>>
          %dma_wait3A_351 = tpu.memref_squeeze %dma_wait3A_350 : memref<1x!tpu.dma_semaphore, #tpu.memory_space<semaphore_mem>> -> memref<!tpu.dma_semaphore, #tpu.memory_space<semaphore_mem>>
          tpu.wait_indirect_dma semaphore(%dma_wait3A_351 : memref<!tpu.dma_semaphore, #tpu.memory_space<semaphore_mem>>) src(%dma_wait3A_343 : memref<64x128xf32, #tpu.memory_space<vmem>>) dst(%dma_wait3A_349 : memref<10000x128xf32, #tpu.memory_space<vmem_shared>>)
        } else {
        }
        %add3A_286 = arith.constant 3 : i32
        %add3A_287 = arith.addi %scan3A_250, %add3A_286 : i32
        %lt3A_288 = arith.constant 320 : i32
        %lt3A_289 = arith.cmpi slt, %add3A_287, %lt3A_288 : i32
        %convert_element_type3A_290 = arith.extui %lt3A_289 : i1 to i32
        %cond3A_291 = arith.constant 0 : i32
        %cond3A_292 = arith.cmpi ne, %convert_element_type3A_290, %cond3A_291 : i32
        scf.if %cond3A_292 {
          %add3A_334 = arith.constant 3 : i32
          %add3A_335 = arith.addi %scan3A_250, %add3A_334 : i32
          %div3A_336 = arith.constant 8 : i32
          %div3A_337 = arith.divsi %add3A_335, %div3A_336 : i32
          %rem3A_338 = arith.constant 2 : i32
          %rem3A_339 = arith.remsi %div3A_337, %rem3A_338 : i32
          %rem3A_340 = arith.constant 8 : i32
          %rem3A_341 = arith.remsi %add3A_335, %rem3A_340 : i32
          %dma_start3A_342 = arith.constant 0 : i32
          %dma_start3A_343 = arith.constant 0 : i32
          %dma_start3A_344 = tpu.memref_slice %arg14[%rem3A_259, %dma_start3A_342, %dma_start3A_343] : memref<5x64x128xf32, #tpu.memory_space<vmem>> -> memref<1x64x128xf32, #tpu.memory_space<vmem>>
          %dma_start3A_345 = tpu.memref_squeeze %dma_start3A_344 : memref<1x64x128xf32, #tpu.memory_space<vmem>> -> memref<64x128xf32, #tpu.memory_space<vmem>>
          %dma_start3A_346 = arith.constant 0 : i32
          %dma_start3A_347 = tpu.memref_slice %arg11[%rem3A_339, %rem3A_341, %dma_start3A_346] : memref<2x8x64xi32, #tpu.memory_space<vmem>> -> memref<1x1x64xi32, #tpu.memory_space<vmem>>
          %dma_start3A_348 = tpu.memref_squeeze %dma_start3A_347 : memref<1x1x64xi32, #tpu.memory_space<vmem>> -> memref<64xi32, #tpu.memory_space<vmem>>
          %dma_start3A_349 = arith.constant 0 : i32
          %dma_start3A_350 = arith.constant 0 : i32
          %dma_start3A_351 = tpu.memref_slice %arg2[%dma_start3A_349, %dma_start3A_350] : memref<10000x128xf32, #tpu.memory_space<hbm>> -> memref<10000x128xf32, #tpu.memory_space<hbm>>
          %dma_start3A_352 = tpu.memref_slice %arg16[%rem3A_259] : memref<5x!tpu.dma_semaphore, #tpu.memory_space<semaphore_mem>> -> memref<1x!tpu.dma_semaphore, #tpu.memory_space<semaphore_mem>>
          %dma_start3A_353 = tpu.memref_squeeze %dma_start3A_352 : memref<1x!tpu.dma_semaphore, #tpu.memory_space<semaphore_mem>> -> memref<!tpu.dma_semaphore, #tpu.memory_space<semaphore_mem>>
          tpu.enqueue_indirect_dma source(%dma_start3A_351 : memref<10000x128xf32, #tpu.memory_space<hbm>>) target(%dma_start3A_345 : memref<64x128xf32, #tpu.memory_space<vmem>>) offsets(%dma_start3A_348 : memref<64xi32, #tpu.memory_space<vmem>>) semaphore(%dma_start3A_353 : memref<!tpu.dma_semaphore, #tpu.memory_space<semaphore_mem>>)
        } else {
        }
        %div3A_293 = arith.constant 8 : i32
        %div3A_294 = arith.divsi %scan3A_250, %div3A_293 : i32
        %rem3A_295 = arith.constant 2 : i32
        %rem3A_296 = arith.remsi %div3A_294, %rem3A_295 : i32
        %rem3A_297 = arith.constant 8 : i32
        %rem3A_298 = arith.remsi %scan3A_250, %rem3A_297 : i32
        %dma_wait3A_299 = arith.constant 0 : i32
        %dma_wait3A_300 = arith.constant 0 : i32
        %dma_wait3A_301 = tpu.memref_slice %arg14[%rem3A_261, %dma_wait3A_299, %dma_wait3A_300] : memref<5x64x128xf32, #tpu.memory_space<vmem>> -> memref<1x64x128xf32, #tpu.memory_space<vmem>>
        %dma_wait3A_302 = tpu.memref_squeeze %dma_wait3A_301 : memref<1x64x128xf32, #tpu.memory_space<vmem>> -> memref<64x128xf32, #tpu.memory_space<vmem>>
        %dma_wait3A_303 = arith.constant 0 : i32
        %dma_wait3A_304 = tpu.memref_slice %arg11[%rem3A_296, %rem3A_298, %dma_wait3A_303] : memref<2x8x64xi32, #tpu.memory_space<vmem>> -> memref<1x1x64xi32, #tpu.memory_space<vmem>>
        %dma_wait3A_305 = tpu.memref_squeeze %dma_wait3A_304 : memref<1x1x64xi32, #tpu.memory_space<vmem>> -> memref<64xi32, #tpu.memory_space<vmem>>
        %dma_wait3A_306 = arith.constant 0 : i32
        %dma_wait3A_307 = arith.constant 0 : i32
        %dma_wait3A_308 = tpu.memref_slice %arg2[%dma_wait3A_306, %dma_wait3A_307] : memref<10000x128xf32, #tpu.memory_space<hbm>> -> memref<10000x128xf32, #tpu.memory_space<hbm>>
        %dma_wait3A_309 = tpu.memref_slice %arg16[%rem3A_261] : memref<5x!tpu.dma_semaphore, #tpu.memory_space<semaphore_mem>> -> memref<1x!tpu.dma_semaphore, #tpu.memory_space<semaphore_mem>>
        %dma_wait3A_310 = tpu.memref_squeeze %dma_wait3A_309 : memref<1x!tpu.dma_semaphore, #tpu.memory_space<semaphore_mem>> -> memref<!tpu.dma_semaphore, #tpu.memory_space<semaphore_mem>>
        tpu.wait_indirect_dma semaphore(%dma_wait3A_310 : memref<!tpu.dma_semaphore, #tpu.memory_space<semaphore_mem>>) src(%dma_wait3A_308 : memref<10000x128xf32, #tpu.memory_space<hbm>>) dst(%dma_wait3A_302 : memref<64x128xf32, #tpu.memory_space<vmem>>)
        %rem3A_311 = arith.constant 2 : i32
        %rem3A_312 = arith.remsi %div3A_255, %rem3A_311 : i32
        %parallel_loop3A = arith.constant 0 : i32
        %parallel_loop3A_313 = arith.constant 64 : i32
        %parallel_loop3A_314 = arith.constant 1 : i32
        scf.for %parallel_loop3A_334 = %parallel_loop3A to %parallel_loop3A_313 step %parallel_loop3A_314  : i32 {
          %parallel_loop3A_335 = arith.constant 16 : i32
          %parallel_loop3A_336 = arith.divsi %parallel_loop3A_334, %parallel_loop3A_335 : i32
          %parallel_loop3A_337 = arith.constant 0 : i32
          %parallel_loop3A_338 = arith.cmpi sgt, %parallel_loop3A_334, %parallel_loop3A_337 : i32
          %parallel_loop3A_339 = arith.extui %parallel_loop3A_338 : i1 to i32
          %parallel_loop3A_340 = arith.constant 0 : i32
          %parallel_loop3A_341 = arith.cmpi slt, %parallel_loop3A_334, %parallel_loop3A_340 : i32
          %parallel_loop3A_342 = arith.extui %parallel_loop3A_341 : i1 to i32
          %parallel_loop3A_343 = arith.subi %parallel_loop3A_339, %parallel_loop3A_342 : i32
          %parallel_loop3A_344 = arith.constant 0 : i32
          %parallel_loop3A_345 = arith.cmpi sgt, %parallel_loop3A_335, %parallel_loop3A_344 : i32
          %parallel_loop3A_346 = arith.extui %parallel_loop3A_345 : i1 to i32
          %parallel_loop3A_347 = arith.constant 0 : i32
          %parallel_loop3A_348 = arith.cmpi slt, %parallel_loop3A_335, %parallel_loop3A_347 : i32
          %parallel_loop3A_349 = arith.extui %parallel_loop3A_348 : i1 to i32
          %parallel_loop3A_350 = arith.subi %parallel_loop3A_346, %parallel_loop3A_349 : i32
          %parallel_loop3A_351 = arith.cmpi ne, %parallel_loop3A_343, %parallel_loop3A_350 : i32
          %parallel_loop3A_352 = arith.remsi %parallel_loop3A_334, %parallel_loop3A_335 : i32
          %parallel_loop3A_353 = arith.constant 0 : i32
          %parallel_loop3A_354 = arith.cmpi ne, %parallel_loop3A_352, %parallel_loop3A_353 : i32
          %parallel_loop3A_355 = arith.andi %parallel_loop3A_351, %parallel_loop3A_354 : i1
          %parallel_loop3A_356 = arith.constant 1 : i32
          %parallel_loop3A_357 = arith.subi %parallel_loop3A_336, %parallel_loop3A_356 : i32
          %parallel_loop3A_358 = arith.select %parallel_loop3A_355, %parallel_loop3A_357, %parallel_loop3A_336 : i32
          %parallel_loop3A_359 = arith.constant 16 : i32
          %parallel_loop3A_360 = arith.muli %parallel_loop3A_358, %parallel_loop3A_359 : i32
          %parallel_loop3A_361 = tpu.assume_multiple %parallel_loop3A_360, 16 : i32
          %parallel_loop3A_362 = arith.index_cast %rem3A_312 : i32 to index
          %parallel_loop3A_363 = arith.index_cast %rem3A_253 : i32 to index
          %parallel_loop3A_364 = arith.index_cast %parallel_loop3A_361 : i32 to index
          %parallel_loop3A_365 = tpu.vector_load %arg13[%parallel_loop3A_362, %parallel_loop3A_363, %parallel_loop3A_364] {strides = array<i32>} : memref<2x8x64xf32, #tpu.memory_space<vmem>>, vector<1x1x16xf32>,
          %parallel_loop3A_366 = vector.shape_cast %parallel_loop3A_365 : vector<1x1x16xf32> to vector<16xf32>
          %parallel_loop3A_367 = arith.constant 16 : i32
          %parallel_loop3A_368 = arith.remsi %parallel_loop3A_334, %parallel_loop3A_367 : i32
          %parallel_loop3A_369 = vector.broadcast %parallel_loop3A_368 : i32 to vector<16xi32>
          %parallel_loop3A_370 = arith.constant 0 : i32
          %parallel_loop3A_371 = vector.broadcast %parallel_loop3A_370 : i32 to vector<16xi32>
          %parallel_loop3A_372 = arith.cmpi slt, %parallel_loop3A_369, %parallel_loop3A_371 : vector<16xi32>
          %parallel_loop3A_373 = arith.constant 16 : i32
          %parallel_loop3A_374 = vector.broadcast %parallel_loop3A_373 : i32 to vector<16xi32>
          %parallel_loop3A_375 = arith.addi %parallel_loop3A_369, %parallel_loop3A_374 : vector<16xi32>
          %parallel_loop3A_376 = arith.select %parallel_loop3A_372, %parallel_loop3A_375, %parallel_loop3A_369 : vector<16xi1>, vector<16xi32>
          %parallel_loop3A_377 = vector.shape_cast %parallel_loop3A_376 : vector<16xi32> to vector<16x1xi32>
          %parallel_loop3A_378 = vector.shape_cast %parallel_loop3A_377 : vector<16x1xi32> to vector<16xi32>
          %parallel_loop3A_379 = tpu.dynamic_gather %parallel_loop3A_366[%parallel_loop3A_378] in [0] : vector<16xf32>, vector<16xi32> -> vector<16xf32>
          %parallel_loop3A_380 = arith.index_cast %rem3A_261 : i32 to index
          %parallel_loop3A_381 = arith.index_cast %parallel_loop3A_334 : i32 to index
          %parallel_loop3A_382 = arith.constant 0 : index
          %parallel_loop3A_383 = tpu.vector_load %arg14[%parallel_loop3A_380, %parallel_loop3A_381, %parallel_loop3A_382] {strides = array<i32>} : memref<5x64x128xf32, #tpu.memory_space<vmem>>, vector<1x1x16xf32>,
          %parallel_loop3A_384 = vector.shape_cast %parallel_loop3A_383 : vector<1x1x16xf32> to vector<16xf32>
          %parallel_loop3A_385 = arith.mulf %parallel_loop3A_384, %parallel_loop3A_379 : vector<16xf32>
          %parallel_loop3A_386 = arith.index_cast %rem3A_261 : i32 to index
          %parallel_loop3A_387 = arith.index_cast %parallel_loop3A_334 : i32 to index
          %parallel_loop3A_388 = arith.constant 0 : index
          %parallel_loop3A_389 = tpu.vector_load %arg14[%parallel_loop3A_386, %parallel_loop3A_387, %parallel_loop3A_388] {strides = array<i32>} : memref<5x64x128xf32, #tpu.memory_space<vmem>>, vector<1x1x16xf32>,
          %parallel_loop3A_390 = vector.shape_cast %parallel_loop3A_389 : vector<1x1x16xf32> to vector<16xf32>
          %parallel_loop3A_391 = vector.shape_cast %parallel_loop3A_385 : vector<16xf32> to vector<1x1x16xf32>
          tpu.vector_store %arg14[%parallel_loop3A_386, %parallel_loop3A_387, %parallel_loop3A_388], %parallel_loop3A_391 {strides = array<i32>} : memref<5x64x128xf32, #tpu.memory_space<vmem>>, vector<1x1x16xf32>,
          %parallel_loop3A_392 = arith.index_cast %rem3A_261 : i32 to index
          %parallel_loop3A_393 = arith.index_cast %parallel_loop3A_334 : i32 to index
          %parallel_loop3A_394 = arith.constant 16 : index
          %parallel_loop3A_395 = tpu.vector_load %arg14[%parallel_loop3A_392, %parallel_loop3A_393, %parallel_loop3A_394] {strides = array<i32>} : memref<5x64x128xf32, #tpu.memory_space<vmem>>, vector<1x1x16xf32>,
          %parallel_loop3A_396 = vector.shape_cast %parallel_loop3A_395 : vector<1x1x16xf32> to vector<16xf32>
          %parallel_loop3A_397 = arith.mulf %parallel_loop3A_396, %parallel_loop3A_379 : vector<16xf32>
          %parallel_loop3A_398 = arith.index_cast %rem3A_261 : i32 to index
          %parallel_loop3A_399 = arith.index_cast %parallel_loop3A_334 : i32 to index
          %parallel_loop3A_400 = arith.constant 16 : index
          %parallel_loop3A_401 = tpu.vector_load %arg14[%parallel_loop3A_398, %parallel_loop3A_399, %parallel_loop3A_400] {strides = array<i32>} : memref<5x64x128xf32, #tpu.memory_space<vmem>>, vector<1x1x16xf32>,
          %parallel_loop3A_402 = vector.shape_cast %parallel_loop3A_401 : vector<1x1x16xf32> to vector<16xf32>
          %parallel_loop3A_403 = vector.shape_cast %parallel_loop3A_397 : vector<16xf32> to vector<1x1x16xf32>
          tpu.vector_store %arg14[%parallel_loop3A_398, %parallel_loop3A_399, %parallel_loop3A_400], %parallel_loop3A_403 {strides = array<i32>} : memref<5x64x128xf32, #tpu.memory_space<vmem>>, vector<1x1x16xf32>,
          %parallel_loop3A_404 = arith.index_cast %rem3A_261 : i32 to index
          %parallel_loop3A_405 = arith.index_cast %parallel_loop3A_334 : i32 to index
          %parallel_loop3A_406 = arith.constant 32 : index
          %parallel_loop3A_407 = tpu.vector_load %arg14[%parallel_loop3A_404, %parallel_loop3A_405, %parallel_loop3A_406] {strides = array<i32>} : memref<5x64x128xf32, #tpu.memory_space<vmem>>, vector<1x1x16xf32>,
          %parallel_loop3A_408 = vector.shape_cast %parallel_loop3A_407 : vector<1x1x16xf32> to vector<16xf32>
          %parallel_loop3A_409 = arith.mulf %parallel_loop3A_408, %parallel_loop3A_379 : vector<16xf32>
          %parallel_loop3A_410 = arith.index_cast %rem3A_261 : i32 to index
          %parallel_loop3A_411 = arith.index_cast %parallel_loop3A_334 : i32 to index
          %parallel_loop3A_412 = arith.constant 32 : index
          %parallel_loop3A_413 = tpu.vector_load %arg14[%parallel_loop3A_410, %parallel_loop3A_411, %parallel_loop3A_412] {strides = array<i32>} : memref<5x64x128xf32, #tpu.memory_space<vmem>>, vector<1x1x16xf32>,
          %parallel_loop3A_414 = vector.shape_cast %parallel_loop3A_413 : vector<1x1x16xf32> to vector<16xf32>
          %parallel_loop3A_415 = vector.shape_cast %parallel_loop3A_409 : vector<16xf32> to vector<1x1x16xf32>
          tpu.vector_store %arg14[%parallel_loop3A_410, %parallel_loop3A_411, %parallel_loop3A_412], %parallel_loop3A_415 {strides = array<i32>} : memref<5x64x128xf32, #tpu.memory_space<vmem>>, vector<1x1x16xf32>,
          %parallel_loop3A_416 = arith.index_cast %rem3A_261 : i32 to index
          %parallel_loop3A_417 = arith.index_cast %parallel_loop3A_334 : i32 to index
          %parallel_loop3A_418 = arith.constant 48 : index
          %parallel_loop3A_419 = tpu.vector_load %arg14[%parallel_loop3A_416, %parallel_loop3A_417, %parallel_loop3A_418] {strides = array<i32>} : memref<5x64x128xf32, #tpu.memory_space<vmem>>, vector<1x1x16xf32>,
          %parallel_loop3A_420 = vector.shape_cast %parallel_loop3A_419 : vector<1x1x16xf32> to vector<16xf32>
          %parallel_loop3A_421 = arith.mulf %parallel_loop3A_420, %parallel_loop3A_379 : vector<16xf32>
          %parallel_loop3A_422 = arith.index_cast %rem3A_261 : i32 to index
          %parallel_loop3A_423 = arith.index_cast %parallel_loop3A_334 : i32 to index
          %parallel_loop3A_424 = arith.constant 48 : index
          %parallel_loop3A_425 = tpu.vector_load %arg14[%parallel_loop3A_422, %parallel_loop3A_423, %parallel_loop3A_424] {strides = array<i32>} : memref<5x64x128xf32, #tpu.memory_space<vmem>>, vector<1x1x16xf32>,
          %parallel_loop3A_426 = vector.shape_cast %parallel_loop3A_425 : vector<1x1x16xf32> to vector<16xf32>
          %parallel_loop3A_427 = vector.shape_cast %parallel_loop3A_421 : vector<16xf32> to vector<1x1x16xf32>
          tpu.vector_store %arg14[%parallel_loop3A_422, %parallel_loop3A_423, %parallel_loop3A_424], %parallel_loop3A_427 {strides = array<i32>} : memref<5x64x128xf32, #tpu.memory_space<vmem>>, vector<1x1x16xf32>,
          %parallel_loop3A_428 = arith.index_cast %rem3A_261 : i32 to index
          %parallel_loop3A_429 = arith.index_cast %parallel_loop3A_334 : i32 to index
          %parallel_loop3A_430 = arith.constant 64 : index
          %parallel_loop3A_431 = tpu.vector_load %arg14[%parallel_loop3A_428, %parallel_loop3A_429, %parallel_loop3A_430] {strides = array<i32>} : memref<5x64x128xf32, #tpu.memory_space<vmem>>, vector<1x1x16xf32>,
          %parallel_loop3A_432 = vector.shape_cast %parallel_loop3A_431 : vector<1x1x16xf32> to vector<16xf32>
          %parallel_loop3A_433 = arith.mulf %parallel_loop3A_432, %parallel_loop3A_379 : vector<16xf32>
          %parallel_loop3A_434 = arith.index_cast %rem3A_261 : i32 to index
          %parallel_loop3A_435 = arith.index_cast %parallel_loop3A_334 : i32 to index
          %parallel_loop3A_436 = arith.constant 64 : index
          %parallel_loop3A_437 = tpu.vector_load %arg14[%parallel_loop3A_434, %parallel_loop3A_435, %parallel_loop3A_436] {strides = array<i32>} : memref<5x64x128xf32, #tpu.memory_space<vmem>>, vector<1x1x16xf32>,
          %parallel_loop3A_438 = vector.shape_cast %parallel_loop3A_437 : vector<1x1x16xf32> to vector<16xf32>
          %parallel_loop3A_439 = vector.shape_cast %parallel_loop3A_433 : vector<16xf32> to vector<1x1x16xf32>
          tpu.vector_store %arg14[%parallel_loop3A_434, %parallel_loop3A_435, %parallel_loop3A_436], %parallel_loop3A_439 {strides = array<i32>} : memref<5x64x128xf32, #tpu.memory_space<vmem>>, vector<1x1x16xf32>,
          %parallel_loop3A_440 = arith.index_cast %rem3A_261 : i32 to index
          %parallel_loop3A_441 = arith.index_cast %parallel_loop3A_334 : i32 to index
          %parallel_loop3A_442 = arith.constant 80 : index
          %parallel_loop3A_443 = tpu.vector_load %arg14[%parallel_loop3A_440, %parallel_loop3A_441, %parallel_loop3A_442] {strides = array<i32>} : memref<5x64x128xf32, #tpu.memory_space<vmem>>, vector<1x1x16xf32>,
          %parallel_loop3A_444 = vector.shape_cast %parallel_loop3A_443 : vector<1x1x16xf32> to vector<16xf32>
          %parallel_loop3A_445 = arith.mulf %parallel_loop3A_444, %parallel_loop3A_379 : vector<16xf32>
          %parallel_loop3A_446 = arith.index_cast %rem3A_261 : i32 to index
          %parallel_loop3A_447 = arith.index_cast %parallel_loop3A_334 : i32 to index
          %parallel_loop3A_448 = arith.constant 80 : index
          %parallel_loop3A_449 = tpu.vector_load %arg14[%parallel_loop3A_446, %parallel_loop3A_447, %parallel_loop3A_448] {strides = array<i32>} : memref<5x64x128xf32, #tpu.memory_space<vmem>>, vector<1x1x16xf32>,
          %parallel_loop3A_450 = vector.shape_cast %parallel_loop3A_449 : vector<1x1x16xf32> to vector<16xf32>
          %parallel_loop3A_451 = vector.shape_cast %parallel_loop3A_445 : vector<16xf32> to vector<1x1x16xf32>
          tpu.vector_store %arg14[%parallel_loop3A_446, %parallel_loop3A_447, %parallel_loop3A_448], %parallel_loop3A_451 {strides = array<i32>} : memref<5x64x128xf32, #tpu.memory_space<vmem>>, vector<1x1x16xf32>,
          %parallel_loop3A_452 = arith.index_cast %rem3A_261 : i32 to index
          %parallel_loop3A_453 = arith.index_cast %parallel_loop3A_334 : i32 to index
          %parallel_loop3A_454 = arith.constant 96 : index
          %parallel_loop3A_455 = tpu.vector_load %arg14[%parallel_loop3A_452, %parallel_loop3A_453, %parallel_loop3A_454] {strides = array<i32>} : memref<5x64x128xf32, #tpu.memory_space<vmem>>, vector<1x1x16xf32>,
          %parallel_loop3A_456 = vector.shape_cast %parallel_loop3A_455 : vector<1x1x16xf32> to vector<16xf32>
          %parallel_loop3A_457 = arith.mulf %parallel_loop3A_456, %parallel_loop3A_379 : vector<16xf32>
          %parallel_loop3A_458 = arith.index_cast %rem3A_261 : i32 to index
          %parallel_loop3A_459 = arith.index_cast %parallel_loop3A_334 : i32 to index
          %parallel_loop3A_460 = arith.constant 96 : index
          %parallel_loop3A_461 = tpu.vector_load %arg14[%parallel_loop3A_458, %parallel_loop3A_459, %parallel_loop3A_460] {strides = array<i32>} : memref<5x64x128xf32, #tpu.memory_space<vmem>>, vector<1x1x16xf32>,
          %parallel_loop3A_462 = vector.shape_cast %parallel_loop3A_461 : vector<1x1x16xf32> to vector<16xf32>
          %parallel_loop3A_463 = vector.shape_cast %parallel_loop3A_457 : vector<16xf32> to vector<1x1x16xf32>
          tpu.vector_store %arg14[%parallel_loop3A_458, %parallel_loop3A_459, %parallel_loop3A_460], %parallel_loop3A_463 {strides = array<i32>} : memref<5x64x128xf32, #tpu.memory_space<vmem>>, vector<1x1x16xf32>,
          %parallel_loop3A_464 = arith.index_cast %rem3A_261 : i32 to index
          %parallel_loop3A_465 = arith.index_cast %parallel_loop3A_334 : i32 to index
          %parallel_loop3A_466 = arith.constant 112 : index
          %parallel_loop3A_467 = tpu.vector_load %arg14[%parallel_loop3A_464, %parallel_loop3A_465, %parallel_loop3A_466] {strides = array<i32>} : memref<5x64x128xf32, #tpu.memory_space<vmem>>, vector<1x1x16xf32>,
          %parallel_loop3A_468 = vector.shape_cast %parallel_loop3A_467 : vector<1x1x16xf32> to vector<16xf32>
          %parallel_loop3A_469 = arith.mulf %parallel_loop3A_468, %parallel_loop3A_379 : vector<16xf32>
          %parallel_loop3A_470 = arith.index_cast %rem3A_261 : i32 to index
          %parallel_loop3A_471 = arith.index_cast %parallel_loop3A_334 : i32 to index
          %parallel_loop3A_472 = arith.constant 112 : index
          %parallel_loop3A_473 = tpu.vector_load %arg14[%parallel_loop3A_470, %parallel_loop3A_471, %parallel_loop3A_472] {strides = array<i32>} : memref<5x64x128xf32, #tpu.memory_space<vmem>>, vector<1x1x16xf32>,
          %parallel_loop3A_474 = vector.shape_cast %parallel_loop3A_473 : vector<1x1x16xf32> to vector<16xf32>
          %parallel_loop3A_475 = vector.shape_cast %parallel_loop3A_469 : vector<16xf32> to vector<1x1x16xf32>
          tpu.vector_store %arg14[%parallel_loop3A_470, %parallel_loop3A_471, %parallel_loop3A_472], %parallel_loop3A_475 {strides = array<i32>} : memref<5x64x128xf32, #tpu.memory_space<vmem>>, vector<1x1x16xf32>,
        } {sc.loop_unroll_factor = 4 : i64, sc.parallel_access}
        %div3A_315 = arith.constant 8 : i32
        %div3A_316 = arith.divsi %scan3A_250, %div3A_315 : i32
        %rem3A_317 = arith.constant 2 : i32
        %rem3A_318 = arith.remsi %div3A_316, %rem3A_317 : i32
        %rem3A_319 = arith.constant 8 : i32
        %rem3A_320 = arith.remsi %scan3A_250, %rem3A_319 : i32
        %dma_start3A_321 = arith.constant 0 : i32
        %dma_start3A_322 = arith.constant 0 : i32
        %dma_start3A_323 = tpu.memref_slice %arg14[%rem3A_261, %dma_start3A_321, %dma_start3A_322] : memref<5x64x128xf32, #tpu.memory_space<vmem>> -> memref<1x64x128xf32, #tpu.memory_space<vmem>>
        %dma_start3A_324 = tpu.memref_squeeze %dma_start3A_323 : memref<1x64x128xf32, #tpu.memory_space<vmem>> -> memref<64x128xf32, #tpu.memory_space<vmem>>
        %dma_start3A_325 = arith.constant 0 : i32
        %dma_start3A_326 = tpu.memref_slice %arg12[%rem3A_318, %rem3A_320, %dma_start3A_325] : memref<2x8x64xi32, #tpu.memory_space<vmem>> -> memref<1x1x64xi32, #tpu.memory_space<vmem>>
        %dma_start3A_327 = tpu.memref_squeeze %dma_start3A_326 : memref<1x1x64xi32, #tpu.memory_space<vmem>> -> memref<64xi32, #tpu.memory_space<vmem>>
        %dma_start3A_328 = arith.constant 0 : i32
        %dma_start3A_329 = arith.constant 0 : i32
        %dma_start3A_330 = tpu.memref_slice %arg15[%dma_start3A_328, %dma_start3A_329] : memref<10000x128xf32, #tpu.memory_space<vmem_shared>> -> memref<10000x128xf32, #tpu.memory_space<vmem_shared>>
        %dma_start3A_331 = tpu.memref_slice %arg17[%rem3A_261] : memref<5x!tpu.dma_semaphore, #tpu.memory_space<semaphore_mem>> -> memref<1x!tpu.dma_semaphore, #tpu.memory_space<semaphore_mem>>
        %dma_start3A_332 = tpu.memref_squeeze %dma_start3A_331 : memref<1x!tpu.dma_semaphore, #tpu.memory_space<semaphore_mem>> -> memref<!tpu.dma_semaphore, #tpu.memory_space<semaphore_mem>>
        tpu.enqueue_indirect_dma source(%dma_start3A_324 : memref<64x128xf32, #tpu.memory_space<vmem>>) target(%dma_start3A_330 : memref<10000x128xf32, #tpu.memory_space<vmem_shared>>) offsets(%dma_start3A_327 : memref<64xi32, #tpu.memory_space<vmem>>) semaphore(%dma_start3A_332 : memref<!tpu.dma_semaphore, #tpu.memory_space<semaphore_mem>>) {add = true}
        %scan3A_333 = arith.constant 0 : i32
        scf.yield %scan3A_333 : i32
      }
      %scan3A_217 = arith.constant 320 : i32
      %dma_wait3A_218 = arith.constant 3 : i32
      %dma_wait3A_219 = arith.constant 1 : i32
      %dma_wait3A_220 = arith.constant 6 : i32
      %dma_wait3A_221 = arith.constant 3 : i32
      %dma_wait3A_222 = arith.constant 0 : i32
      %dma_wait3A_223 = arith.constant 0 : i32
      %dma_wait3A_224 = tpu.memref_slice %arg14[%dma_wait3A_218, %dma_wait3A_222, %dma_wait3A_223] : memref<5x64x128xf32, #tpu.memory_space<vmem>> -> memref<1x64x128xf32, #tpu.memory_space<vmem>>
      %dma_wait3A_225 = tpu.memref_squeeze %dma_wait3A_224 : memref<1x64x128xf32, #tpu.memory_space<vmem>> -> memref<64x128xf32, #tpu.memory_space<vmem>>
      %dma_wait3A_226 = arith.constant 0 : i32
      %dma_wait3A_227 = tpu.memref_slice %arg12[%dma_wait3A_219, %dma_wait3A_220, %dma_wait3A_226] : memref<2x8x64xi32, #tpu.memory_space<vmem>> -> memref<1x1x64xi32, #tpu.memory_space<vmem>>
      %dma_wait3A_228 = tpu.memref_squeeze %dma_wait3A_227 : memref<1x1x64xi32, #tpu.memory_space<vmem>> -> memref<64xi32, #tpu.memory_space<vmem>>
      %dma_wait3A_229 = arith.constant 0 : i32
      %dma_wait3A_230 = arith.constant 0 : i32
      %dma_wait3A_231 = tpu.memref_slice %arg15[%dma_wait3A_229, %dma_wait3A_230] : memref<10000x128xf32, #tpu.memory_space<vmem_shared>> -> memref<10000x128xf32, #tpu.memory_space<vmem_shared>>
      %dma_wait3A_232 = tpu.memref_slice %arg17[%dma_wait3A_221] : memref<5x!tpu.dma_semaphore, #tpu.memory_space<semaphore_mem>> -> memref<1x!tpu.dma_semaphore, #tpu.memory_space<semaphore_mem>>
      %dma_wait3A_233 = tpu.memref_squeeze %dma_wait3A_232 : memref<1x!tpu.dma_semaphore, #tpu.memory_space<semaphore_mem>> -> memref<!tpu.dma_semaphore, #tpu.memory_space<semaphore_mem>>
      tpu.wait_indirect_dma semaphore(%dma_wait3A_233 : memref<!tpu.dma_semaphore, #tpu.memory_space<semaphore_mem>>) src(%dma_wait3A_225 : memref<64x128xf32, #tpu.memory_space<vmem>>) dst(%dma_wait3A_231 : memref<10000x128xf32, #tpu.memory_space<vmem_shared>>)
      %dma_wait3A_234 = arith.constant 4 : i32
      %dma_wait3A_235 = arith.constant 1 : i32
      %dma_wait3A_236 = arith.constant 7 : i32
      %dma_wait3A_237 = arith.constant 4 : i32
      %dma_wait3A_238 = arith.constant 0 : i32
      %dma_wait3A_239 = arith.constant 0 : i32
      %dma_wait3A_240 = tpu.memref_slice %arg14[%dma_wait3A_234, %dma_wait3A_238, %dma_wait3A_239] : memref<5x64x128xf32, #tpu.memory_space<vmem>> -> memref<1x64x128xf32, #tpu.memory_space<vmem>>
      %dma_wait3A_241 = tpu.memref_squeeze %dma_wait3A_240 : memref<1x64x128xf32, #tpu.memory_space<vmem>> -> memref<64x128xf32, #tpu.memory_space<vmem>>
      %dma_wait3A_242 = arith.constant 0 : i32
      %dma_wait3A_243 = tpu.memref_slice %arg12[%dma_wait3A_235, %dma_wait3A_236, %dma_wait3A_242] : memref<2x8x64xi32, #tpu.memory_space<vmem>> -> memref<1x1x64xi32, #tpu.memory_space<vmem>>
      %dma_wait3A_244 = tpu.memref_squeeze %dma_wait3A_243 : memref<1x1x64xi32, #tpu.memory_space<vmem>> -> memref<64xi32, #tpu.memory_space<vmem>>
      %dma_wait3A_245 = arith.constant 0 : i32
      %dma_wait3A_246 = arith.constant 0 : i32
      %dma_wait3A_247 = tpu.memref_slice %arg15[%dma_wait3A_245, %dma_wait3A_246] : memref<10000x128xf32, #tpu.memory_space<vmem_shared>> -> memref<10000x128xf32, #tpu.memory_space<vmem_shared>>
      %dma_wait3A_248 = tpu.memref_slice %arg17[%dma_wait3A_237] : memref<5x!tpu.dma_semaphore, #tpu.memory_space<semaphore_mem>> -> memref<1x!tpu.dma_semaphore, #tpu.memory_space<semaphore_mem>>
      %dma_wait3A_249 = tpu.memref_squeeze %dma_wait3A_248 : memref<1x!tpu.dma_semaphore, #tpu.memory_space<semaphore_mem>> -> memref<!tpu.dma_semaphore, #tpu.memory_space<semaphore_mem>>
      tpu.wait_indirect_dma semaphore(%dma_wait3A_249 : memref<!tpu.dma_semaphore, #tpu.memory_space<semaphore_mem>>) src(%dma_wait3A_241 : memref<64x128xf32, #tpu.memory_space<vmem>>) dst(%dma_wait3A_247 : memref<10000x128xf32, #tpu.memory_space<vmem_shared>>)
    } else {
    }
    %eq3A_27 = arith.constant 1 : i32
    %eq3A_28 = arith.cmpi eq, %arg0, %eq3A_27 : i32
    %convert_element_type3A_29 = arith.extui %eq3A_28 : i1 to i32
    %cond3A_30 = arith.constant 0 : i32
    %cond3A_31 = arith.cmpi ne, %convert_element_type3A_29, %cond3A_30 : i32
    scf.if %cond3A_31 {
      %mul3A = arith.constant 320 : i32
      %mul3A_50 = arith.muli %arg1, %mul3A : i32
      %rem3A = arith.constant 0 : i32
      %rem3A_51 = arith.constant 2 : i32
      %rem3A_52 = arith.remsi %rem3A, %rem3A_51 : i32
      %add3A_53 = arith.constant 0 : i32
      %add3A_54 = arith.addi %mul3A_50, %add3A_53 : i32
      %multiple_of3A = tpu.assume_multiple %add3A_54, 8 : i32
      %dma_start3A = arith.constant 0 : i32
      %dma_start3A_55 = arith.constant 0 : i32
      %dma_start3A_56 = tpu.memref_slice %arg11[%rem3A_52, %dma_start3A, %dma_start3A_55] : memref<2x8x64xi32, #tpu.memory_space<vmem>> -> memref<1x8x64xi32, #tpu.memory_space<vmem>>
      %dma_start3A_57 = tpu.memref_squeeze %dma_start3A_56 : memref<1x8x64xi32, #tpu.memory_space<vmem>> -> memref<8x64xi32, #tpu.memory_space<vmem>>
      %dma_start3A_58 = arith.constant 0 : i32
      %dma_start3A_59 = tpu.memref_slice %arg7[%multiple_of3A, %dma_start3A_58] : memref<5120x64xi32, #tpu.memory_space<hbm>> -> memref<8x64xi32, #tpu.memory_space<hbm>>
      %dma_start3A_60 = tpu.memref_slice %arg18[%rem3A_52] : memref<2x!tpu.dma_semaphore, #tpu.memory_space<semaphore_mem>> -> memref<1x!tpu.dma_semaphore, #tpu.memory_space<semaphore_mem>>
      %dma_start3A_61 = tpu.memref_squeeze %dma_start3A_60 : memref<1x!tpu.dma_semaphore, #tpu.memory_space<semaphore_mem>> -> memref<!tpu.dma_semaphore, #tpu.memory_space<semaphore_mem>>
      %dma_start3A_62 = arith.constant 0 : i32
      %dma_start3A_63 = arith.constant 0 : i32
      %dma_start3A_64 = tpu.memref_slice %arg11[%rem3A_52, %dma_start3A_62, %dma_start3A_63] : memref<2x8x64xi32, #tpu.memory_space<vmem>> -> memref<1x8x64xi32, #tpu.memory_space<vmem>>
      %dma_start3A_65 = tpu.memref_squeeze %dma_start3A_64 : memref<1x8x64xi32, #tpu.memory_space<vmem>> -> memref<8x64xi32, #tpu.memory_space<vmem>>
      %dma_start3A_66 = arith.constant 0 : i32
      %dma_start3A_67 = tpu.memref_slice %arg7[%multiple_of3A, %dma_start3A_66] : memref<5120x64xi32, #tpu.memory_space<hbm>> -> memref<8x64xi32, #tpu.memory_space<hbm>>
      tpu.enqueue_dma source(%dma_start3A_67 : memref<8x64xi32, #tpu.memory_space<hbm>>) target(%dma_start3A_65 : memref<8x64xi32, #tpu.memory_space<vmem>>) target_semaphore(%dma_start3A_61 : memref<!tpu.dma_semaphore, #tpu.memory_space<semaphore_mem>>)
      %dma_start3A_68 = arith.constant 0 : i32
      %dma_start3A_69 = arith.constant 0 : i32
      %dma_start3A_70 = tpu.memref_slice %arg12[%rem3A_52, %dma_start3A_68, %dma_start3A_69] : memref<2x8x64xi32, #tpu.memory_space<vmem>> -> memref<1x8x64xi32, #tpu.memory_space<vmem>>
      %dma_start3A_71 = tpu.memref_squeeze %dma_start3A_70 : memref<1x8x64xi32, #tpu.memory_space<vmem>> -> memref<8x64xi32, #tpu.memory_space<vmem>>
      %dma_start3A_72 = arith.constant 0 : i32
      %dma_start3A_73 = tpu.memref_slice %arg8[%multiple_of3A, %dma_start3A_72] : memref<5120x64xi32, #tpu.memory_space<hbm>> -> memref<8x64xi32, #tpu.memory_space<hbm>>
      %dma_start3A_74 = tpu.memref_slice %arg18[%rem3A_52] : memref<2x!tpu.dma_semaphore, #tpu.memory_space<semaphore_mem>> -> memref<1x!tpu.dma_semaphore, #tpu.memory_space<semaphore_mem>>
      %dma_start3A_75 = tpu.memref_squeeze %dma_start3A_74 : memref<1x!tpu.dma_semaphore, #tpu.memory_space<semaphore_mem>> -> memref<!tpu.dma_semaphore, #tpu.memory_space<semaphore_mem>>
      %dma_start3A_76 = arith.constant 0 : i32
      %dma_start3A_77 = arith.constant 0 : i32
      %dma_start3A_78 = tpu.memref_slice %arg12[%rem3A_52, %dma_start3A_76, %dma_start3A_77] : memref<2x8x64xi32, #tpu.memory_space<vmem>> -> memref<1x8x64xi32, #tpu.memory_space<vmem>>
      %dma_start3A_79 = tpu.memref_squeeze %dma_start3A_78 : memref<1x8x64xi32, #tpu.memory_space<vmem>> -> memref<8x64xi32, #tpu.memory_space<vmem>>
      %dma_start3A_80 = arith.constant 0 : i32
      %dma_start3A_81 = tpu.memref_slice %arg8[%multiple_of3A, %dma_start3A_80] : memref<5120x64xi32, #tpu.memory_space<hbm>> -> memref<8x64xi32, #tpu.memory_space<hbm>>
      tpu.enqueue_dma source(%dma_start3A_81 : memref<8x64xi32, #tpu.memory_space<hbm>>) target(%dma_start3A_79 : memref<8x64xi32, #tpu.memory_space<vmem>>) target_semaphore(%dma_start3A_75 : memref<!tpu.dma_semaphore, #tpu.memory_space<semaphore_mem>>)
      %dma_start3A_82 = arith.constant 0 : i32
      %dma_start3A_83 = arith.constant 0 : i32
      %dma_start3A_84 = tpu.memref_slice %arg13[%rem3A_52, %dma_start3A_82, %dma_start3A_83] : memref<2x8x64xf32, #tpu.memory_space<vmem>> -> memref<1x8x64xf32, #tpu.memory_space<vmem>>
      %dma_start3A_85 = tpu.memref_squeeze %dma_start3A_84 : memref<1x8x64xf32, #tpu.memory_space<vmem>> -> memref<8x64xf32, #tpu.memory_space<vmem>>
      %dma_start3A_86 = arith.constant 0 : i32
      %dma_start3A_87 = tpu.memref_slice %arg9[%multiple_of3A, %dma_start3A_86] : memref<5120x64xf32, #tpu.memory_space<hbm>> -> memref<8x64xf32, #tpu.memory_space<hbm>>
      %dma_start3A_88 = tpu.memref_slice %arg18[%rem3A_52] : memref<2x!tpu.dma_semaphore, #tpu.memory_space<semaphore_mem>> -> memref<1x!tpu.dma_semaphore, #tpu.memory_space<semaphore_mem>>
      %dma_start3A_89 = tpu.memref_squeeze %dma_start3A_88 : memref<1x!tpu.dma_semaphore, #tpu.memory_space<semaphore_mem>> -> memref<!tpu.dma_semaphore, #tpu.memory_space<semaphore_mem>>
      %dma_start3A_90 = arith.constant 0 : i32
      %dma_start3A_91 = arith.constant 0 : i32
      %dma_start3A_92 = tpu.memref_slice %arg13[%rem3A_52, %dma_start3A_90, %dma_start3A_91] : memref<2x8x64xf32, #tpu.memory_space<vmem>> -> memref<1x8x64xf32, #tpu.memory_space<vmem>>
      %dma_start3A_93 = tpu.memref_squeeze %dma_start3A_92 : memref<1x8x64xf32, #tpu.memory_space<vmem>> -> memref<8x64xf32, #tpu.memory_space<vmem>>
      %dma_start3A_94 = arith.constant 0 : i32
      %dma_start3A_95 = tpu.memref_slice %arg9[%multiple_of3A, %dma_start3A_94] : memref<5120x64xf32, #tpu.memory_space<hbm>> -> memref<8x64xf32, #tpu.memory_space<hbm>>
      tpu.enqueue_dma source(%dma_start3A_95 : memref<8x64xf32, #tpu.memory_space<hbm>>) target(%dma_start3A_93 : memref<8x64xf32, #tpu.memory_space<vmem>>) target_semaphore(%dma_start3A_89 : memref<!tpu.dma_semaphore, #tpu.memory_space<semaphore_mem>>)
      %rem3A_96 = arith.constant 0 : i32
      %rem3A_97 = arith.constant 2 : i32
      %rem3A_98 = arith.remsi %rem3A_96, %rem3A_97 : i32
      %dma_wait3A = arith.constant 0 : i32
      %dma_wait3A_99 = arith.constant 0 : i32
      %dma_wait3A_100 = tpu.memref_slice %arg11[%rem3A_98, %dma_wait3A, %dma_wait3A_99] : memref<2x8x64xi32, #tpu.memory_space<vmem>> -> memref<1x8x64xi32, #tpu.memory_space<vmem>>
      %dma_wait3A_101 = tpu.memref_squeeze %dma_wait3A_100 : memref<1x8x64xi32, #tpu.memory_space<vmem>> -> memref<8x64xi32, #tpu.memory_space<vmem>>
      %dma_wait3A_102 = arith.constant 0 : i32
      %dma_wait3A_103 = arith.constant 0 : i32
      %dma_wait3A_104 = tpu.memref_slice %arg7[%dma_wait3A_102, %dma_wait3A_103] : memref<5120x64xi32, #tpu.memory_space<hbm>> -> memref<8x64xi32, #tpu.memory_space<hbm>>
      %dma_wait3A_105 = tpu.memref_slice %arg18[%rem3A_98] : memref<2x!tpu.dma_semaphore, #tpu.memory_space<semaphore_mem>> -> memref<1x!tpu.dma_semaphore, #tpu.memory_space<semaphore_mem>>
      %dma_wait3A_106 = tpu.memref_squeeze %dma_wait3A_105 : memref<1x!tpu.dma_semaphore, #tpu.memory_space<semaphore_mem>> -> memref<!tpu.dma_semaphore, #tpu.memory_space<semaphore_mem>>
      %dma_wait3A_107 = arith.constant 0 : i32
      %dma_wait3A_108 = arith.constant 0 : i32
      %dma_wait3A_109 = tpu.memref_slice %arg11[%rem3A_98, %dma_wait3A_107, %dma_wait3A_108] : memref<2x8x64xi32, #tpu.memory_space<vmem>> -> memref<1x8x64xi32, #tpu.memory_space<vmem>>
      %dma_wait3A_110 = tpu.memref_squeeze %dma_wait3A_109 : memref<1x8x64xi32, #tpu.memory_space<vmem>> -> memref<8x64xi32, #tpu.memory_space<vmem>>
      %dma_wait3A_111 = arith.constant 0 : i32
      %dma_wait3A_112 = arith.constant 0 : i32
      %dma_wait3A_113 = tpu.memref_slice %arg7[%dma_wait3A_111, %dma_wait3A_112] : memref<5120x64xi32, #tpu.memory_space<hbm>> -> memref<8x64xi32, #tpu.memory_space<hbm>>
      tpu.wait_dma2 semaphore(%dma_wait3A_106 : memref<!tpu.dma_semaphore, #tpu.memory_space<semaphore_mem>>) src(%dma_wait3A_113 : memref<8x64xi32, #tpu.memory_space<hbm>>) dst(%dma_wait3A_110 : memref<8x64xi32, #tpu.memory_space<vmem>>)
      %dma_wait3A_114 = arith.constant 0 : i32
      %dma_wait3A_115 = arith.constant 0 : i32
      %dma_wait3A_116 = tpu.memref_slice %arg12[%rem3A_98, %dma_wait3A_114, %dma_wait3A_115] : memref<2x8x64xi32, #tpu.memory_space<vmem>> -> memref<1x8x64xi32, #tpu.memory_space<vmem>>
      %dma_wait3A_117 = tpu.memref_squeeze %dma_wait3A_116 : memref<1x8x64xi32, #tpu.memory_space<vmem>> -> memref<8x64xi32, #tpu.memory_space<vmem>>
      %dma_wait3A_118 = arith.constant 0 : i32
      %dma_wait3A_119 = arith.constant 0 : i32
      %dma_wait3A_120 = tpu.memref_slice %arg7[%dma_wait3A_118, %dma_wait3A_119] : memref<5120x64xi32, #tpu.memory_space<hbm>> -> memref<8x64xi32, #tpu.memory_space<hbm>>
      %dma_wait3A_121 = tpu.memref_slice %arg18[%rem3A_98] : memref<2x!tpu.dma_semaphore, #tpu.memory_space<semaphore_mem>> -> memref<1x!tpu.dma_semaphore, #tpu.memory_space<semaphore_mem>>
      %dma_wait3A_122 = tpu.memref_squeeze %dma_wait3A_121 : memref<1x!tpu.dma_semaphore, #tpu.memory_space<semaphore_mem>> -> memref<!tpu.dma_semaphore, #tpu.memory_space<semaphore_mem>>
      %dma_wait3A_123 = arith.constant 0 : i32
      %dma_wait3A_124 = arith.constant 0 : i32
      %dma_wait3A_125 = tpu.memref_slice %arg12[%rem3A_98, %dma_wait3A_123, %dma_wait3A_124] : memref<2x8x64xi32, #tpu.memory_space<vmem>> -> memref<1x8x64xi32, #tpu.memory_space<vmem>>
      %dma_wait3A_126 = tpu.memref_squeeze %dma_wait3A_125 : memref<1x8x64xi32, #tpu.memory_space<vmem>> -> memref<8x64xi32, #tpu.memory_space<vmem>>
      %dma_wait3A_127 = arith.constant 0 : i32
      %dma_wait3A_128 = arith.constant 0 : i32
      %dma_wait3A_129 = tpu.memref_slice %arg7[%dma_wait3A_127, %dma_wait3A_128] : memref<5120x64xi32, #tpu.memory_space<hbm>> -> memref<8x64xi32, #tpu.memory_space<hbm>>
      tpu.wait_dma2 semaphore(%dma_wait3A_122 : memref<!tpu.dma_semaphore, #tpu.memory_space<semaphore_mem>>) src(%dma_wait3A_129 : memref<8x64xi32, #tpu.memory_space<hbm>>) dst(%dma_wait3A_126 : memref<8x64xi32, #tpu.memory_space<vmem>>)
      %dma_wait3A_130 = arith.constant 0 : i32
      %dma_wait3A_131 = arith.constant 0 : i32
      %dma_wait3A_132 = tpu.memref_slice %arg13[%rem3A_98, %dma_wait3A_130, %dma_wait3A_131] : memref<2x8x64xf32, #tpu.memory_space<vmem>> -> memref<1x8x64xf32, #tpu.memory_space<vmem>>
      %dma_wait3A_133 = tpu.memref_squeeze %dma_wait3A_132 : memref<1x8x64xf32, #tpu.memory_space<vmem>> -> memref<8x64xf32, #tpu.memory_space<vmem>>
      %dma_wait3A_134 = arith.constant 0 : i32
      %dma_wait3A_135 = arith.constant 0 : i32
      %dma_wait3A_136 = tpu.memref_slice %arg7[%dma_wait3A_134, %dma_wait3A_135] : memref<5120x64xi32, #tpu.memory_space<hbm>> -> memref<8x64xi32, #tpu.memory_space<hbm>>
      %dma_wait3A_137 = tpu.memref_slice %arg18[%rem3A_98] : memref<2x!tpu.dma_semaphore, #tpu.memory_space<semaphore_mem>> -> memref<1x!tpu.dma_semaphore, #tpu.memory_space<semaphore_mem>>
      %dma_wait3A_138 = tpu.memref_squeeze %dma_wait3A_137 : memref<1x!tpu.dma_semaphore, #tpu.memory_space<semaphore_mem>> -> memref<!tpu.dma_semaphore, #tpu.memory_space<semaphore_mem>>
      %dma_wait3A_139 = arith.constant 0 : i32
      %dma_wait3A_140 = arith.constant 0 : i32
      %dma_wait3A_141 = tpu.memref_slice %arg13[%rem3A_98, %dma_wait3A_139, %dma_wait3A_140] : memref<2x8x64xf32, #tpu.memory_space<vmem>> -> memref<1x8x64xf32, #tpu.memory_space<vmem>>
      %dma_wait3A_142 = tpu.memref_squeeze %dma_wait3A_141 : memref<1x8x64xf32, #tpu.memory_space<vmem>> -> memref<8x64xf32, #tpu.memory_space<vmem>>
      %dma_wait3A_143 = arith.constant 0 : i32
      %dma_wait3A_144 = arith.constant 0 : i32
      %dma_wait3A_145 = tpu.memref_slice %arg7[%dma_wait3A_143, %dma_wait3A_144] : memref<5120x64xi32, #tpu.memory_space<hbm>> -> memref<8x64xi32, #tpu.memory_space<hbm>>
      tpu.wait_dma2 semaphore(%dma_wait3A_138 : memref<!tpu.dma_semaphore, #tpu.memory_space<semaphore_mem>>) src(%dma_wait3A_145 : memref<8x64xi32, #tpu.memory_space<hbm>>) dst(%dma_wait3A_142 : memref<8x64xf32, #tpu.memory_space<vmem>>)
      %div3A = arith.constant 0 : i32
      %div3A_146 = arith.constant 8 : i32
      %div3A_147 = arith.divsi %div3A, %div3A_146 : i32
      %rem3A_148 = arith.constant 2 : i32
      %rem3A_149 = arith.remsi %div3A_147, %rem3A_148 : i32
      %rem3A_150 = arith.constant 0 : i32
      %rem3A_151 = arith.constant 8 : i32
      %rem3A_152 = arith.remsi %rem3A_150, %rem3A_151 : i32
      %dma_start3A_153 = arith.constant 0 : i32
      %dma_start3A_154 = arith.constant 0 : i32
      %dma_start3A_155 = arith.constant 0 : i32
      %dma_start3A_156 = arith.constant 0 : i32
      %dma_start3A_157 = tpu.memref_slice %arg14[%dma_start3A_153, %dma_start3A_155, %dma_start3A_156] : memref<5x64x128xf32, #tpu.memory_space<vmem>> -> memref<1x64x128xf32, #tpu.memory_space<vmem>>
      %dma_start3A_158 = tpu.memref_squeeze %dma_start3A_157 : memref<1x64x128xf32, #tpu.memory_space<vmem>> -> memref<64x128xf32, #tpu.memory_space<vmem>>
      %dma_start3A_159 = arith.constant 0 : i32
      %dma_start3A_160 = tpu.memref_slice %arg11[%rem3A_149, %rem3A_152, %dma_start3A_159] : memref<2x8x64xi32, #tpu.memory_space<vmem>> -> memref<1x1x64xi32, #tpu.memory_space<vmem>>
      %dma_start3A_161 = tpu.memref_squeeze %dma_start3A_160 : memref<1x1x64xi32, #tpu.memory_space<vmem>> -> memref<64xi32, #tpu.memory_space<vmem>>
      %dma_start3A_162 = arith.constant 0 : i32
      %dma_start3A_163 = arith.constant 0 : i32
      %dma_start3A_164 = tpu.memref_slice %arg3[%dma_start3A_162, %dma_start3A_163] : memref<10000x128xf32, #tpu.memory_space<hbm>> -> memref<10000x128xf32, #tpu.memory_space<hbm>>
      %dma_start3A_165 = tpu.memref_slice %arg16[%dma_start3A_154] : memref<5x!tpu.dma_semaphore, #tpu.memory_space<semaphore_mem>> -> memref<1x!tpu.dma_semaphore, #tpu.memory_space<semaphore_mem>>
      %dma_start3A_166 = tpu.memref_squeeze %dma_start3A_165 : memref<1x!tpu.dma_semaphore, #tpu.memory_space<semaphore_mem>> -> memref<!tpu.dma_semaphore, #tpu.memory_space<semaphore_mem>>
      tpu.enqueue_indirect_dma source(%dma_start3A_164 : memref<10000x128xf32, #tpu.memory_space<hbm>>) target(%dma_start3A_158 : memref<64x128xf32, #tpu.memory_space<vmem>>) offsets(%dma_start3A_161 : memref<64xi32, #tpu.memory_space<vmem>>) semaphore(%dma_start3A_166 : memref<!tpu.dma_semaphore, #tpu.memory_space<semaphore_mem>>)
      %div3A_167 = arith.constant 1 : i32
      %div3A_168 = arith.constant 8 : i32
      %div3A_169 = arith.divsi %div3A_167, %div3A_168 : i32
      %rem3A_170 = arith.constant 2 : i32
      %rem3A_171 = arith.remsi %div3A_169, %rem3A_170 : i32
      %rem3A_172 = arith.constant 1 : i32
      %rem3A_173 = arith.constant 8 : i32
      %rem3A_174 = arith.remsi %rem3A_172, %rem3A_173 : i32
      %dma_start3A_175 = arith.constant 1 : i32
      %dma_start3A_176 = arith.constant 1 : i32
      %dma_start3A_177 = arith.constant 0 : i32
      %dma_start3A_178 = arith.constant 0 : i32
      %dma_start3A_179 = tpu.memref_slice %arg14[%dma_start3A_175, %dma_start3A_177, %dma_start3A_178] : memref<5x64x128xf32, #tpu.memory_space<vmem>> -> memref<1x64x128xf32, #tpu.memory_space<vmem>>
      %dma_start3A_180 = tpu.memref_squeeze %dma_start3A_179 : memref<1x64x128xf32, #tpu.memory_space<vmem>> -> memref<64x128xf32, #tpu.memory_space<vmem>>
      %dma_start3A_181 = arith.constant 0 : i32
      %dma_start3A_182 = tpu.memref_slice %arg11[%rem3A_171, %rem3A_174, %dma_start3A_181] : memref<2x8x64xi32, #tpu.memory_space<vmem>> -> memref<1x1x64xi32, #tpu.memory_space<vmem>>
      %dma_start3A_183 = tpu.memref_squeeze %dma_start3A_182 : memref<1x1x64xi32, #tpu.memory_space<vmem>> -> memref<64xi32, #tpu.memory_space<vmem>>
      %dma_start3A_184 = arith.constant 0 : i32
      %dma_start3A_185 = arith.constant 0 : i32
      %dma_start3A_186 = tpu.memref_slice %arg3[%dma_start3A_184, %dma_start3A_185] : memref<10000x128xf32, #tpu.memory_space<hbm>> -> memref<10000x128xf32, #tpu.memory_space<hbm>>
      %dma_start3A_187 = tpu.memref_slice %arg16[%dma_start3A_176] : memref<5x!tpu.dma_semaphore, #tpu.memory_space<semaphore_mem>> -> memref<1x!tpu.dma_semaphore, #tpu.memory_space<semaphore_mem>>
      %dma_start3A_188 = tpu.memref_squeeze %dma_start3A_187 : memref<1x!tpu.dma_semaphore, #tpu.memory_space<semaphore_mem>> -> memref<!tpu.dma_semaphore, #tpu.memory_space<semaphore_mem>>
      tpu.enqueue_indirect_dma source(%dma_start3A_186 : memref<10000x128xf32, #tpu.memory_space<hbm>>) target(%dma_start3A_180 : memref<64x128xf32, #tpu.memory_space<vmem>>) offsets(%dma_start3A_183 : memref<64xi32, #tpu.memory_space<vmem>>) semaphore(%dma_start3A_188 : memref<!tpu.dma_semaphore, #tpu.memory_space<semaphore_mem>>)
      %div3A_189 = arith.constant 2 : i32
      %div3A_190 = arith.constant 8 : i32
      %div3A_191 = arith.divsi %div3A_189, %div3A_190 : i32
      %rem3A_192 = arith.constant 2 : i32
      %rem3A_193 = arith.remsi %div3A_191, %rem3A_192 : i32
      %rem3A_194 = arith.constant 2 : i32
      %rem3A_195 = arith.constant 8 : i32
      %rem3A_196 = arith.remsi %rem3A_194, %rem3A_195 : i32
      %dma_start3A_197 = arith.constant 2 : i32
      %dma_start3A_198 = arith.constant 2 : i32
      %dma_start3A_199 = arith.constant 0 : i32
      %dma_start3A_200 = arith.constant 0 : i32
      %dma_start3A_201 = tpu.memref_slice %arg14[%dma_start3A_197, %dma_start3A_199, %dma_start3A_200] : memref<5x64x128xf32, #tpu.memory_space<vmem>> -> memref<1x64x128xf32, #tpu.memory_space<vmem>>
      %dma_start3A_202 = tpu.memref_squeeze %dma_start3A_201 : memref<1x64x128xf32, #tpu.memory_space<vmem>> -> memref<64x128xf32, #tpu.memory_space<vmem>>
      %dma_start3A_203 = arith.constant 0 : i32
      %dma_start3A_204 = tpu.memref_slice %arg11[%rem3A_193, %rem3A_196, %dma_start3A_203] : memref<2x8x64xi32, #tpu.memory_space<vmem>> -> memref<1x1x64xi32, #tpu.memory_space<vmem>>
      %dma_start3A_205 = tpu.memref_squeeze %dma_start3A_204 : memref<1x1x64xi32, #tpu.memory_space<vmem>> -> memref<64xi32, #tpu.memory_space<vmem>>
      %dma_start3A_206 = arith.constant 0 : i32
      %dma_start3A_207 = arith.constant 0 : i32
      %dma_start3A_208 = tpu.memref_slice %arg3[%dma_start3A_206, %dma_start3A_207] : memref<10000x128xf32, #tpu.memory_space<hbm>> -> memref<10000x128xf32, #tpu.memory_space<hbm>>
      %dma_start3A_209 = tpu.memref_slice %arg16[%dma_start3A_198] : memref<5x!tpu.dma_semaphore, #tpu.memory_space<semaphore_mem>> -> memref<1x!tpu.dma_semaphore, #tpu.memory_space<semaphore_mem>>
      %dma_start3A_210 = tpu.memref_squeeze %dma_start3A_209 : memref<1x!tpu.dma_semaphore, #tpu.memory_space<semaphore_mem>> -> memref<!tpu.dma_semaphore, #tpu.memory_space<semaphore_mem>>
      tpu.enqueue_indirect_dma source(%dma_start3A_208 : memref<10000x128xf32, #tpu.memory_space<hbm>>) target(%dma_start3A_202 : memref<64x128xf32, #tpu.memory_space<vmem>>) offsets(%dma_start3A_205 : memref<64xi32, #tpu.memory_space<vmem>>) semaphore(%dma_start3A_210 : memref<!tpu.dma_semaphore, #tpu.memory_space<semaphore_mem>>)
      %scan3A_211 = arith.constant 0 : i32
      %scan3A_212 = arith.constant 0 : i32
      %scan3A_213 = arith.constant 320 : i32
      %scan3A_214 = arith.addi %scan3A_212, %scan3A_213 : i32
      %scan3A_215 = arith.constant 1 : i32
      %scan3A_216 = scf.for %scan3A_250 = %scan3A_212 to %scan3A_214 step %scan3A_215 iter_args(%scan3A_251 = %scan3A_211) -> (i32)  : i32 {
        %rem3A_252 = arith.constant 8 : i32
        %rem3A_253 = arith.remsi %scan3A_250, %rem3A_252 : i32
        %div3A_254 = arith.constant 8 : i32
        %div3A_255 = arith.divsi %scan3A_250, %div3A_254 : i32
        %add3A_256 = arith.constant 3 : i32
        %add3A_257 = arith.addi %scan3A_250, %add3A_256 : i32
        %rem3A_258 = arith.constant 5 : i32
        %rem3A_259 = arith.remsi %add3A_257, %rem3A_258 : i32
        %rem3A_260 = arith.constant 5 : i32
        %rem3A_261 = arith.remsi %scan3A_250, %rem3A_260 : i32
        %eq3A_262 = arith.constant 2 : i32
        %eq3A_263 = arith.cmpi eq, %rem3A_253, %eq3A_262 : i32
        %sub3A = arith.constant 2 : i32
        %sub3A_264 = arith.subi %scan3A_250, %sub3A : i32
        %add3A_265 = arith.constant 8 : i32
        %add3A_266 = arith.addi %sub3A_264, %add3A_265 : i32
        %lt3A_267 = arith.constant 320 : i32
        %lt3A_268 = arith.cmpi slt, %add3A_266, %lt3A_267 : i32
        %and3A = arith.andi %eq3A_263, %lt3A_268 : i1
        %convert_element_type3A_269 = arith.extui %and3A : i1 to i32
        %cond3A_270 = arith.constant 0 : i32
        %cond3A_271 = arith.cmpi ne, %convert_element_type3A_269, %cond3A_270 : i32
        scf.if %cond3A_271 {
          %add3A_334 = arith.constant 1 : i32
          %add3A_335 = arith.addi %div3A_255, %add3A_334 : i32
          %rem3A_336 = arith.constant 2 : i32
          %rem3A_337 = arith.remsi %add3A_335, %rem3A_336 : i32
          %mul3A_338 = arith.constant 8 : i32
          %mul3A_339 = arith.muli %add3A_335, %mul3A_338 : i32
          %add3A_340 = arith.addi %mul3A_50, %mul3A_339 : i32
          %multiple_of3A_341 = tpu.assume_multiple %add3A_340, 8 : i32
          %dma_start3A_342 = arith.constant 0 : i32
          %dma_start3A_343 = arith.constant 0 : i32
          %dma_start3A_344 = tpu.memref_slice %arg11[%rem3A_337, %dma_start3A_342, %dma_start3A_343] : memref<2x8x64xi32, #tpu.memory_space<vmem>> -> memref<1x8x64xi32, #tpu.memory_space<vmem>>
          %dma_start3A_345 = tpu.memref_squeeze %dma_start3A_344 : memref<1x8x64xi32, #tpu.memory_space<vmem>> -> memref<8x64xi32, #tpu.memory_space<vmem>>
          %dma_start3A_346 = arith.constant 0 : i32
          %dma_start3A_347 = tpu.memref_slice %arg7[%multiple_of3A_341, %dma_start3A_346] : memref<5120x64xi32, #tpu.memory_space<hbm>> -> memref<8x64xi32, #tpu.memory_space<hbm>>
          %dma_start3A_348 = tpu.memref_slice %arg18[%rem3A_337] : memref<2x!tpu.dma_semaphore, #tpu.memory_space<semaphore_mem>> -> memref<1x!tpu.dma_semaphore, #tpu.memory_space<semaphore_mem>>
          %dma_start3A_349 = tpu.memref_squeeze %dma_start3A_348 : memref<1x!tpu.dma_semaphore, #tpu.memory_space<semaphore_mem>> -> memref<!tpu.dma_semaphore, #tpu.memory_space<semaphore_mem>>
          %dma_start3A_350 = arith.constant 0 : i32
          %dma_start3A_351 = arith.constant 0 : i32
          %dma_start3A_352 = tpu.memref_slice %arg11[%rem3A_337, %dma_start3A_350, %dma_start3A_351] : memref<2x8x64xi32, #tpu.memory_space<vmem>> -> memref<1x8x64xi32, #tpu.memory_space<vmem>>
          %dma_start3A_353 = tpu.memref_squeeze %dma_start3A_352 : memref<1x8x64xi32, #tpu.memory_space<vmem>> -> memref<8x64xi32, #tpu.memory_space<vmem>>
          %dma_start3A_354 = arith.constant 0 : i32
          %dma_start3A_355 = tpu.memref_slice %arg7[%multiple_of3A_341, %dma_start3A_354] : memref<5120x64xi32, #tpu.memory_space<hbm>> -> memref<8x64xi32, #tpu.memory_space<hbm>>
          tpu.enqueue_dma source(%dma_start3A_355 : memref<8x64xi32, #tpu.memory_space<hbm>>) target(%dma_start3A_353 : memref<8x64xi32, #tpu.memory_space<vmem>>) target_semaphore(%dma_start3A_349 : memref<!tpu.dma_semaphore, #tpu.memory_space<semaphore_mem>>)
          %dma_start3A_356 = arith.constant 0 : i32
          %dma_start3A_357 = arith.constant 0 : i32
          %dma_start3A_358 = tpu.memref_slice %arg12[%rem3A_337, %dma_start3A_356, %dma_start3A_357] : memref<2x8x64xi32, #tpu.memory_space<vmem>> -> memref<1x8x64xi32, #tpu.memory_space<vmem>>
          %dma_start3A_359 = tpu.memref_squeeze %dma_start3A_358 : memref<1x8x64xi32, #tpu.memory_space<vmem>> -> memref<8x64xi32, #tpu.memory_space<vmem>>
          %dma_start3A_360 = arith.constant 0 : i32
          %dma_start3A_361 = tpu.memref_slice %arg8[%multiple_of3A_341, %dma_start3A_360] : memref<5120x64xi32, #tpu.memory_space<hbm>> -> memref<8x64xi32, #tpu.memory_space<hbm>>
          %dma_start3A_362 = tpu.memref_slice %arg18[%rem3A_337] : memref<2x!tpu.dma_semaphore, #tpu.memory_space<semaphore_mem>> -> memref<1x!tpu.dma_semaphore, #tpu.memory_space<semaphore_mem>>
          %dma_start3A_363 = tpu.memref_squeeze %dma_start3A_362 : memref<1x!tpu.dma_semaphore, #tpu.memory_space<semaphore_mem>> -> memref<!tpu.dma_semaphore, #tpu.memory_space<semaphore_mem>>
          %dma_start3A_364 = arith.constant 0 : i32
          %dma_start3A_365 = arith.constant 0 : i32
          %dma_start3A_366 = tpu.memref_slice %arg12[%rem3A_337, %dma_start3A_364, %dma_start3A_365] : memref<2x8x64xi32, #tpu.memory_space<vmem>> -> memref<1x8x64xi32, #tpu.memory_space<vmem>>
          %dma_start3A_367 = tpu.memref_squeeze %dma_start3A_366 : memref<1x8x64xi32, #tpu.memory_space<vmem>> -> memref<8x64xi32, #tpu.memory_space<vmem>>
          %dma_start3A_368 = arith.constant 0 : i32
          %dma_start3A_369 = tpu.memref_slice %arg8[%multiple_of3A_341, %dma_start3A_368] : memref<5120x64xi32, #tpu.memory_space<hbm>> -> memref<8x64xi32, #tpu.memory_space<hbm>>
          tpu.enqueue_dma source(%dma_start3A_369 : memref<8x64xi32, #tpu.memory_space<hbm>>) target(%dma_start3A_367 : memref<8x64xi32, #tpu.memory_space<vmem>>) target_semaphore(%dma_start3A_363 : memref<!tpu.dma_semaphore, #tpu.memory_space<semaphore_mem>>)
          %dma_start3A_370 = arith.constant 0 : i32
          %dma_start3A_371 = arith.constant 0 : i32
          %dma_start3A_372 = tpu.memref_slice %arg13[%rem3A_337, %dma_start3A_370, %dma_start3A_371] : memref<2x8x64xf32, #tpu.memory_space<vmem>> -> memref<1x8x64xf32, #tpu.memory_space<vmem>>
          %dma_start3A_373 = tpu.memref_squeeze %dma_start3A_372 : memref<1x8x64xf32, #tpu.memory_space<vmem>> -> memref<8x64xf32, #tpu.memory_space<vmem>>
          %dma_start3A_374 = arith.constant 0 : i32
          %dma_start3A_375 = tpu.memref_slice %arg9[%multiple_of3A_341, %dma_start3A_374] : memref<5120x64xf32, #tpu.memory_space<hbm>> -> memref<8x64xf32, #tpu.memory_space<hbm>>
          %dma_start3A_376 = tpu.memref_slice %arg18[%rem3A_337] : memref<2x!tpu.dma_semaphore, #tpu.memory_space<semaphore_mem>> -> memref<1x!tpu.dma_semaphore, #tpu.memory_space<semaphore_mem>>
          %dma_start3A_377 = tpu.memref_squeeze %dma_start3A_376 : memref<1x!tpu.dma_semaphore, #tpu.memory_space<semaphore_mem>> -> memref<!tpu.dma_semaphore, #tpu.memory_space<semaphore_mem>>
          %dma_start3A_378 = arith.constant 0 : i32
          %dma_start3A_379 = arith.constant 0 : i32
          %dma_start3A_380 = tpu.memref_slice %arg13[%rem3A_337, %dma_start3A_378, %dma_start3A_379] : memref<2x8x64xf32, #tpu.memory_space<vmem>> -> memref<1x8x64xf32, #tpu.memory_space<vmem>>
          %dma_start3A_381 = tpu.memref_squeeze %dma_start3A_380 : memref<1x8x64xf32, #tpu.memory_space<vmem>> -> memref<8x64xf32, #tpu.memory_space<vmem>>
          %dma_start3A_382 = arith.constant 0 : i32
          %dma_start3A_383 = tpu.memref_slice %arg9[%multiple_of3A_341, %dma_start3A_382] : memref<5120x64xf32, #tpu.memory_space<hbm>> -> memref<8x64xf32, #tpu.memory_space<hbm>>
          tpu.enqueue_dma source(%dma_start3A_383 : memref<8x64xf32, #tpu.memory_space<hbm>>) target(%dma_start3A_381 : memref<8x64xf32, #tpu.memory_space<vmem>>) target_semaphore(%dma_start3A_377 : memref<!tpu.dma_semaphore, #tpu.memory_space<semaphore_mem>>)
        } else {
        }
        %eq3A_272 = arith.constant 5 : i32
        %eq3A_273 = arith.cmpi eq, %rem3A_253, %eq3A_272 : i32
        %add3A_274 = arith.constant 3 : i32
        %add3A_275 = arith.addi %scan3A_250, %add3A_274 : i32
        %lt3A_276 = arith.constant 320 : i32
        %lt3A_277 = arith.cmpi slt, %add3A_275, %lt3A_276 : i32
        %and3A_278 = arith.andi %eq3A_273, %lt3A_277 : i1
        %convert_element_type3A_279 = arith.extui %and3A_278 : i1 to i32
        %cond3A_280 = arith.constant 0 : i32
        %cond3A_281 = arith.cmpi ne, %convert_element_type3A_279, %cond3A_280 : i32
        scf.if %cond3A_281 {
          %add3A_334 = arith.constant 1 : i32
          %add3A_335 = arith.addi %div3A_255, %add3A_334 : i32
          %rem3A_336 = arith.constant 2 : i32
          %rem3A_337 = arith.remsi %add3A_335, %rem3A_336 : i32
          %dma_wait3A_338 = arith.constant 0 : i32
          %dma_wait3A_339 = arith.constant 0 : i32
          %dma_wait3A_340 = tpu.memref_slice %arg11[%rem3A_337, %dma_wait3A_338, %dma_wait3A_339] : memref<2x8x64xi32, #tpu.memory_space<vmem>> -> memref<1x8x64xi32, #tpu.memory_space<vmem>>
          %dma_wait3A_341 = tpu.memref_squeeze %dma_wait3A_340 : memref<1x8x64xi32, #tpu.memory_space<vmem>> -> memref<8x64xi32, #tpu.memory_space<vmem>>
          %dma_wait3A_342 = arith.constant 0 : i32
          %dma_wait3A_343 = arith.constant 0 : i32
          %dma_wait3A_344 = tpu.memref_slice %arg7[%dma_wait3A_342, %dma_wait3A_343] : memref<5120x64xi32, #tpu.memory_space<hbm>> -> memref<8x64xi32, #tpu.memory_space<hbm>>
          %dma_wait3A_345 = tpu.memref_slice %arg18[%rem3A_337] : memref<2x!tpu.dma_semaphore, #tpu.memory_space<semaphore_mem>> -> memref<1x!tpu.dma_semaphore, #tpu.memory_space<semaphore_mem>>
          %dma_wait3A_346 = tpu.memref_squeeze %dma_wait3A_345 : memref<1x!tpu.dma_semaphore, #tpu.memory_space<semaphore_mem>> -> memref<!tpu.dma_semaphore, #tpu.memory_space<semaphore_mem>>
          %dma_wait3A_347 = arith.constant 0 : i32
          %dma_wait3A_348 = arith.constant 0 : i32
          %dma_wait3A_349 = tpu.memref_slice %arg11[%rem3A_337, %dma_wait3A_347, %dma_wait3A_348] : memref<2x8x64xi32, #tpu.memory_space<vmem>> -> memref<1x8x64xi32, #tpu.memory_space<vmem>>
          %dma_wait3A_350 = tpu.memref_squeeze %dma_wait3A_349 : memref<1x8x64xi32, #tpu.memory_space<vmem>> -> memref<8x64xi32, #tpu.memory_space<vmem>>
          %dma_wait3A_351 = arith.constant 0 : i32
          %dma_wait3A_352 = arith.constant 0 : i32
          %dma_wait3A_353 = tpu.memref_slice %arg7[%dma_wait3A_351, %dma_wait3A_352] : memref<5120x64xi32, #tpu.memory_space<hbm>> -> memref<8x64xi32, #tpu.memory_space<hbm>>
          tpu.wait_dma2 semaphore(%dma_wait3A_346 : memref<!tpu.dma_semaphore, #tpu.memory_space<semaphore_mem>>) src(%dma_wait3A_353 : memref<8x64xi32, #tpu.memory_space<hbm>>) dst(%dma_wait3A_350 : memref<8x64xi32, #tpu.memory_space<vmem>>)
          %dma_wait3A_354 = arith.constant 0 : i32
          %dma_wait3A_355 = arith.constant 0 : i32
          %dma_wait3A_356 = tpu.memref_slice %arg12[%rem3A_337, %dma_wait3A_354, %dma_wait3A_355] : memref<2x8x64xi32, #tpu.memory_space<vmem>> -> memref<1x8x64xi32, #tpu.memory_space<vmem>>
          %dma_wait3A_357 = tpu.memref_squeeze %dma_wait3A_356 : memref<1x8x64xi32, #tpu.memory_space<vmem>> -> memref<8x64xi32, #tpu.memory_space<vmem>>
          %dma_wait3A_358 = arith.constant 0 : i32
          %dma_wait3A_359 = arith.constant 0 : i32
          %dma_wait3A_360 = tpu.memref_slice %arg7[%dma_wait3A_358, %dma_wait3A_359] : memref<5120x64xi32, #tpu.memory_space<hbm>> -> memref<8x64xi32, #tpu.memory_space<hbm>>
          %dma_wait3A_361 = tpu.memref_slice %arg18[%rem3A_337] : memref<2x!tpu.dma_semaphore, #tpu.memory_space<semaphore_mem>> -> memref<1x!tpu.dma_semaphore, #tpu.memory_space<semaphore_mem>>
          %dma_wait3A_362 = tpu.memref_squeeze %dma_wait3A_361 : memref<1x!tpu.dma_semaphore, #tpu.memory_space<semaphore_mem>> -> memref<!tpu.dma_semaphore, #tpu.memory_space<semaphore_mem>>
          %dma_wait3A_363 = arith.constant 0 : i32
          %dma_wait3A_364 = arith.constant 0 : i32
          %dma_wait3A_365 = tpu.memref_slice %arg12[%rem3A_337, %dma_wait3A_363, %dma_wait3A_364] : memref<2x8x64xi32, #tpu.memory_space<vmem>> -> memref<1x8x64xi32, #tpu.memory_space<vmem>>
          %dma_wait3A_366 = tpu.memref_squeeze %dma_wait3A_365 : memref<1x8x64xi32, #tpu.memory_space<vmem>> -> memref<8x64xi32, #tpu.memory_space<vmem>>
          %dma_wait3A_367 = arith.constant 0 : i32
          %dma_wait3A_368 = arith.constant 0 : i32
          %dma_wait3A_369 = tpu.memref_slice %arg7[%dma_wait3A_367, %dma_wait3A_368] : memref<5120x64xi32, #tpu.memory_space<hbm>> -> memref<8x64xi32, #tpu.memory_space<hbm>>
          tpu.wait_dma2 semaphore(%dma_wait3A_362 : memref<!tpu.dma_semaphore, #tpu.memory_space<semaphore_mem>>) src(%dma_wait3A_369 : memref<8x64xi32, #tpu.memory_space<hbm>>) dst(%dma_wait3A_366 : memref<8x64xi32, #tpu.memory_space<vmem>>)
          %dma_wait3A_370 = arith.constant 0 : i32
          %dma_wait3A_371 = arith.constant 0 : i32
          %dma_wait3A_372 = tpu.memref_slice %arg13[%rem3A_337, %dma_wait3A_370, %dma_wait3A_371] : memref<2x8x64xf32, #tpu.memory_space<vmem>> -> memref<1x8x64xf32, #tpu.memory_space<vmem>>
          %dma_wait3A_373 = tpu.memref_squeeze %dma_wait3A_372 : memref<1x8x64xf32, #tpu.memory_space<vmem>> -> memref<8x64xf32, #tpu.memory_space<vmem>>
          %dma_wait3A_374 = arith.constant 0 : i32
          %dma_wait3A_375 = arith.constant 0 : i32
          %dma_wait3A_376 = tpu.memref_slice %arg7[%dma_wait3A_374, %dma_wait3A_375] : memref<5120x64xi32, #tpu.memory_space<hbm>> -> memref<8x64xi32, #tpu.memory_space<hbm>>
          %dma_wait3A_377 = tpu.memref_slice %arg18[%rem3A_337] : memref<2x!tpu.dma_semaphore, #tpu.memory_space<semaphore_mem>> -> memref<1x!tpu.dma_semaphore, #tpu.memory_space<semaphore_mem>>
          %dma_wait3A_378 = tpu.memref_squeeze %dma_wait3A_377 : memref<1x!tpu.dma_semaphore, #tpu.memory_space<semaphore_mem>> -> memref<!tpu.dma_semaphore, #tpu.memory_space<semaphore_mem>>
          %dma_wait3A_379 = arith.constant 0 : i32
          %dma_wait3A_380 = arith.constant 0 : i32
          %dma_wait3A_381 = tpu.memref_slice %arg13[%rem3A_337, %dma_wait3A_379, %dma_wait3A_380] : memref<2x8x64xf32, #tpu.memory_space<vmem>> -> memref<1x8x64xf32, #tpu.memory_space<vmem>>
          %dma_wait3A_382 = tpu.memref_squeeze %dma_wait3A_381 : memref<1x8x64xf32, #tpu.memory_space<vmem>> -> memref<8x64xf32, #tpu.memory_space<vmem>>
          %dma_wait3A_383 = arith.constant 0 : i32
          %dma_wait3A_384 = arith.constant 0 : i32
          %dma_wait3A_385 = tpu.memref_slice %arg7[%dma_wait3A_383, %dma_wait3A_384] : memref<5120x64xi32, #tpu.memory_space<hbm>> -> memref<8x64xi32, #tpu.memory_space<hbm>>
          tpu.wait_dma2 semaphore(%dma_wait3A_378 : memref<!tpu.dma_semaphore, #tpu.memory_space<semaphore_mem>>) src(%dma_wait3A_385 : memref<8x64xi32, #tpu.memory_space<hbm>>) dst(%dma_wait3A_382 : memref<8x64xf32, #tpu.memory_space<vmem>>)
        } else {
        }
        %ge3A = arith.constant 2 : i32
        %ge3A_282 = arith.cmpi sge, %scan3A_250, %ge3A : i32
        %convert_element_type3A_283 = arith.extui %ge3A_282 : i1 to i32
        %cond3A_284 = arith.constant 0 : i32
        %cond3A_285 = arith.cmpi ne, %convert_element_type3A_283, %cond3A_284 : i32
        scf.if %cond3A_285 {
          %div3A_334 = arith.constant 8 : i32
          %div3A_335 = arith.divsi %scan3A_250, %div3A_334 : i32
          %rem3A_336 = arith.constant 2 : i32
          %rem3A_337 = arith.remsi %div3A_335, %rem3A_336 : i32
          %rem3A_338 = arith.constant 8 : i32
          %rem3A_339 = arith.remsi %scan3A_250, %rem3A_338 : i32
          %dma_wait3A_340 = arith.constant 0 : i32
          %dma_wait3A_341 = arith.constant 0 : i32
          %dma_wait3A_342 = tpu.memref_slice %arg14[%rem3A_259, %dma_wait3A_340, %dma_wait3A_341] : memref<5x64x128xf32, #tpu.memory_space<vmem>> -> memref<1x64x128xf32, #tpu.memory_space<vmem>>
          %dma_wait3A_343 = tpu.memref_squeeze %dma_wait3A_342 : memref<1x64x128xf32, #tpu.memory_space<vmem>> -> memref<64x128xf32, #tpu.memory_space<vmem>>
          %dma_wait3A_344 = arith.constant 0 : i32
          %dma_wait3A_345 = tpu.memref_slice %arg12[%rem3A_337, %rem3A_339, %dma_wait3A_344] : memref<2x8x64xi32, #tpu.memory_space<vmem>> -> memref<1x1x64xi32, #tpu.memory_space<vmem>>
          %dma_wait3A_346 = tpu.memref_squeeze %dma_wait3A_345 : memref<1x1x64xi32, #tpu.memory_space<vmem>> -> memref<64xi32, #tpu.memory_space<vmem>>
          %dma_wait3A_347 = arith.constant 0 : i32
          %dma_wait3A_348 = arith.constant 0 : i32
          %dma_wait3A_349 = tpu.memref_slice %arg15[%dma_wait3A_347, %dma_wait3A_348] : memref<10000x128xf32, #tpu.memory_space<vmem_shared>> -> memref<10000x128xf32, #tpu.memory_space<vmem_shared>>
          %dma_wait3A_350 = tpu.memref_slice %arg17[%rem3A_259] : memref<5x!tpu.dma_semaphore, #tpu.memory_space<semaphore_mem>> -> memref<1x!tpu.dma_semaphore, #tpu.memory_space<semaphore_mem>>
          %dma_wait3A_351 = tpu.memref_squeeze %dma_wait3A_350 : memref<1x!tpu.dma_semaphore, #tpu.memory_space<semaphore_mem>> -> memref<!tpu.dma_semaphore, #tpu.memory_space<semaphore_mem>>
          tpu.wait_indirect_dma semaphore(%dma_wait3A_351 : memref<!tpu.dma_semaphore, #tpu.memory_space<semaphore_mem>>) src(%dma_wait3A_343 : memref<64x128xf32, #tpu.memory_space<vmem>>) dst(%dma_wait3A_349 : memref<10000x128xf32, #tpu.memory_space<vmem_shared>>)
        } else {
        }
        %add3A_286 = arith.constant 3 : i32
        %add3A_287 = arith.addi %scan3A_250, %add3A_286 : i32
        %lt3A_288 = arith.constant 320 : i32
        %lt3A_289 = arith.cmpi slt, %add3A_287, %lt3A_288 : i32
        %convert_element_type3A_290 = arith.extui %lt3A_289 : i1 to i32
        %cond3A_291 = arith.constant 0 : i32
        %cond3A_292 = arith.cmpi ne, %convert_element_type3A_290, %cond3A_291 : i32
        scf.if %cond3A_292 {
          %add3A_334 = arith.constant 3 : i32
          %add3A_335 = arith.addi %scan3A_250, %add3A_334 : i32
          %div3A_336 = arith.constant 8 : i32
          %div3A_337 = arith.divsi %add3A_335, %div3A_336 : i32
          %rem3A_338 = arith.constant 2 : i32
          %rem3A_339 = arith.remsi %div3A_337, %rem3A_338 : i32
          %rem3A_340 = arith.constant 8 : i32
          %rem3A_341 = arith.remsi %add3A_335, %rem3A_340 : i32
          %dma_start3A_342 = arith.constant 0 : i32
          %dma_start3A_343 = arith.constant 0 : i32
          %dma_start3A_344 = tpu.memref_slice %arg14[%rem3A_259, %dma_start3A_342, %dma_start3A_343] : memref<5x64x128xf32, #tpu.memory_space<vmem>> -> memref<1x64x128xf32, #tpu.memory_space<vmem>>
          %dma_start3A_345 = tpu.memref_squeeze %dma_start3A_344 : memref<1x64x128xf32, #tpu.memory_space<vmem>> -> memref<64x128xf32, #tpu.memory_space<vmem>>
          %dma_start3A_346 = arith.constant 0 : i32
          %dma_start3A_347 = tpu.memref_slice %arg11[%rem3A_339, %rem3A_341, %dma_start3A_346] : memref<2x8x64xi32, #tpu.memory_space<vmem>> -> memref<1x1x64xi32, #tpu.memory_space<vmem>>
          %dma_start3A_348 = tpu.memref_squeeze %dma_start3A_347 : memref<1x1x64xi32, #tpu.memory_space<vmem>> -> memref<64xi32, #tpu.memory_space<vmem>>
          %dma_start3A_349 = arith.constant 0 : i32
          %dma_start3A_350 = arith.constant 0 : i32
          %dma_start3A_351 = tpu.memref_slice %arg3[%dma_start3A_349, %dma_start3A_350] : memref<10000x128xf32, #tpu.memory_space<hbm>> -> memref<10000x128xf32, #tpu.memory_space<hbm>>
          %dma_start3A_352 = tpu.memref_slice %arg16[%rem3A_259] : memref<5x!tpu.dma_semaphore, #tpu.memory_space<semaphore_mem>> -> memref<1x!tpu.dma_semaphore, #tpu.memory_space<semaphore_mem>>
          %dma_start3A_353 = tpu.memref_squeeze %dma_start3A_352 : memref<1x!tpu.dma_semaphore, #tpu.memory_space<semaphore_mem>> -> memref<!tpu.dma_semaphore, #tpu.memory_space<semaphore_mem>>
          tpu.enqueue_indirect_dma source(%dma_start3A_351 : memref<10000x128xf32, #tpu.memory_space<hbm>>) target(%dma_start3A_345 : memref<64x128xf32, #tpu.memory_space<vmem>>) offsets(%dma_start3A_348 : memref<64xi32, #tpu.memory_space<vmem>>) semaphore(%dma_start3A_353 : memref<!tpu.dma_semaphore, #tpu.memory_space<semaphore_mem>>)
        } else {
        }
        %div3A_293 = arith.constant 8 : i32
        %div3A_294 = arith.divsi %scan3A_250, %div3A_293 : i32
        %rem3A_295 = arith.constant 2 : i32
        %rem3A_296 = arith.remsi %div3A_294, %rem3A_295 : i32
        %rem3A_297 = arith.constant 8 : i32
        %rem3A_298 = arith.remsi %scan3A_250, %rem3A_297 : i32
        %dma_wait3A_299 = arith.constant 0 : i32
        %dma_wait3A_300 = arith.constant 0 : i32
        %dma_wait3A_301 = tpu.memref_slice %arg14[%rem3A_261, %dma_wait3A_299, %dma_wait3A_300] : memref<5x64x128xf32, #tpu.memory_space<vmem>> -> memref<1x64x128xf32, #tpu.memory_space<vmem>>
        %dma_wait3A_302 = tpu.memref_squeeze %dma_wait3A_301 : memref<1x64x128xf32, #tpu.memory_space<vmem>> -> memref<64x128xf32, #tpu.memory_space<vmem>>
        %dma_wait3A_303 = arith.constant 0 : i32
        %dma_wait3A_304 = tpu.memref_slice %arg11[%rem3A_296, %rem3A_298, %dma_wait3A_303] : memref<2x8x64xi32, #tpu.memory_space<vmem>> -> memref<1x1x64xi32, #tpu.memory_space<vmem>>
        %dma_wait3A_305 = tpu.memref_squeeze %dma_wait3A_304 : memref<1x1x64xi32, #tpu.memory_space<vmem>> -> memref<64xi32, #tpu.memory_space<vmem>>
        %dma_wait3A_306 = arith.constant 0 : i32
        %dma_wait3A_307 = arith.constant 0 : i32
        %dma_wait3A_308 = tpu.memref_slice %arg3[%dma_wait3A_306, %dma_wait3A_307] : memref<10000x128xf32, #tpu.memory_space<hbm>> -> memref<10000x128xf32, #tpu.memory_space<hbm>>
        %dma_wait3A_309 = tpu.memref_slice %arg16[%rem3A_261] : memref<5x!tpu.dma_semaphore, #tpu.memory_space<semaphore_mem>> -> memref<1x!tpu.dma_semaphore, #tpu.memory_space<semaphore_mem>>
        %dma_wait3A_310 = tpu.memref_squeeze %dma_wait3A_309 : memref<1x!tpu.dma_semaphore, #tpu.memory_space<semaphore_mem>> -> memref<!tpu.dma_semaphore, #tpu.memory_space<semaphore_mem>>
        tpu.wait_indirect_dma semaphore(%dma_wait3A_310 : memref<!tpu.dma_semaphore, #tpu.memory_space<semaphore_mem>>) src(%dma_wait3A_308 : memref<10000x128xf32, #tpu.memory_space<hbm>>) dst(%dma_wait3A_302 : memref<64x128xf32, #tpu.memory_space<vmem>>)
        %rem3A_311 = arith.constant 2 : i32
        %rem3A_312 = arith.remsi %div3A_255, %rem3A_311 : i32
        %parallel_loop3A = arith.constant 0 : i32
        %parallel_loop3A_313 = arith.constant 64 : i32
        %parallel_loop3A_314 = arith.constant 1 : i32
        scf.for %parallel_loop3A_334 = %parallel_loop3A to %parallel_loop3A_313 step %parallel_loop3A_314  : i32 {
          %parallel_loop3A_335 = arith.constant 16 : i32
          %parallel_loop3A_336 = arith.divsi %parallel_loop3A_334, %parallel_loop3A_335 : i32
          %parallel_loop3A_337 = arith.constant 0 : i32
          %parallel_loop3A_338 = arith.cmpi sgt, %parallel_loop3A_334, %parallel_loop3A_337 : i32
          %parallel_loop3A_339 = arith.extui %parallel_loop3A_338 : i1 to i32
          %parallel_loop3A_340 = arith.constant 0 : i32
          %parallel_loop3A_341 = arith.cmpi slt, %parallel_loop3A_334, %parallel_loop3A_340 : i32
          %parallel_loop3A_342 = arith.extui %parallel_loop3A_341 : i1 to i32
          %parallel_loop3A_343 = arith.subi %parallel_loop3A_339, %parallel_loop3A_342 : i32
          %parallel_loop3A_344 = arith.constant 0 : i32
          %parallel_loop3A_345 = arith.cmpi sgt, %parallel_loop3A_335, %parallel_loop3A_344 : i32
          %parallel_loop3A_346 = arith.extui %parallel_loop3A_345 : i1 to i32
          %parallel_loop3A_347 = arith.constant 0 : i32
          %parallel_loop3A_348 = arith.cmpi slt, %parallel_loop3A_335, %parallel_loop3A_347 : i32
          %parallel_loop3A_349 = arith.extui %parallel_loop3A_348 : i1 to i32
          %parallel_loop3A_350 = arith.subi %parallel_loop3A_346, %parallel_loop3A_349 : i32
          %parallel_loop3A_351 = arith.cmpi ne, %parallel_loop3A_343, %parallel_loop3A_350 : i32
          %parallel_loop3A_352 = arith.remsi %parallel_loop3A_334, %parallel_loop3A_335 : i32
          %parallel_loop3A_353 = arith.constant 0 : i32
          %parallel_loop3A_354 = arith.cmpi ne, %parallel_loop3A_352, %parallel_loop3A_353 : i32
          %parallel_loop3A_355 = arith.andi %parallel_loop3A_351, %parallel_loop3A_354 : i1
          %parallel_loop3A_356 = arith.constant 1 : i32
          %parallel_loop3A_357 = arith.subi %parallel_loop3A_336, %parallel_loop3A_356 : i32
          %parallel_loop3A_358 = arith.select %parallel_loop3A_355, %parallel_loop3A_357, %parallel_loop3A_336 : i32
          %parallel_loop3A_359 = arith.constant 16 : i32
          %parallel_loop3A_360 = arith.muli %parallel_loop3A_358, %parallel_loop3A_359 : i32
          %parallel_loop3A_361 = tpu.assume_multiple %parallel_loop3A_360, 16 : i32
          %parallel_loop3A_362 = arith.index_cast %rem3A_312 : i32 to index
          %parallel_loop3A_363 = arith.index_cast %rem3A_253 : i32 to index
          %parallel_loop3A_364 = arith.index_cast %parallel_loop3A_361 : i32 to index
          %parallel_loop3A_365 = tpu.vector_load %arg13[%parallel_loop3A_362, %parallel_loop3A_363, %parallel_loop3A_364] {strides = array<i32>} : memref<2x8x64xf32, #tpu.memory_space<vmem>>, vector<1x1x16xf32>,
          %parallel_loop3A_366 = vector.shape_cast %parallel_loop3A_365 : vector<1x1x16xf32> to vector<16xf32>
          %parallel_loop3A_367 = arith.constant 16 : i32
          %parallel_loop3A_368 = arith.remsi %parallel_loop3A_334, %parallel_loop3A_367 : i32
          %parallel_loop3A_369 = vector.broadcast %parallel_loop3A_368 : i32 to vector<16xi32>
          %parallel_loop3A_370 = arith.constant 0 : i32
          %parallel_loop3A_371 = vector.broadcast %parallel_loop3A_370 : i32 to vector<16xi32>
          %parallel_loop3A_372 = arith.cmpi slt, %parallel_loop3A_369, %parallel_loop3A_371 : vector<16xi32>
          %parallel_loop3A_373 = arith.constant 16 : i32
          %parallel_loop3A_374 = vector.broadcast %parallel_loop3A_373 : i32 to vector<16xi32>
          %parallel_loop3A_375 = arith.addi %parallel_loop3A_369, %parallel_loop3A_374 : vector<16xi32>
          %parallel_loop3A_376 = arith.select %parallel_loop3A_372, %parallel_loop3A_375, %parallel_loop3A_369 : vector<16xi1>, vector<16xi32>
          %parallel_loop3A_377 = vector.shape_cast %parallel_loop3A_376 : vector<16xi32> to vector<16x1xi32>
          %parallel_loop3A_378 = vector.shape_cast %parallel_loop3A_377 : vector<16x1xi32> to vector<16xi32>
          %parallel_loop3A_379 = tpu.dynamic_gather %parallel_loop3A_366[%parallel_loop3A_378] in [0] : vector<16xf32>, vector<16xi32> -> vector<16xf32>
          %parallel_loop3A_380 = arith.index_cast %rem3A_261 : i32 to index
          %parallel_loop3A_381 = arith.index_cast %parallel_loop3A_334 : i32 to index
          %parallel_loop3A_382 = arith.constant 0 : index
          %parallel_loop3A_383 = tpu.vector_load %arg14[%parallel_loop3A_380, %parallel_loop3A_381, %parallel_loop3A_382] {strides = array<i32>} : memref<5x64x128xf32, #tpu.memory_space<vmem>>, vector<1x1x16xf32>,
          %parallel_loop3A_384 = vector.shape_cast %parallel_loop3A_383 : vector<1x1x16xf32> to vector<16xf32>
          %parallel_loop3A_385 = arith.mulf %parallel_loop3A_384, %parallel_loop3A_379 : vector<16xf32>
          %parallel_loop3A_386 = arith.index_cast %rem3A_261 : i32 to index
          %parallel_loop3A_387 = arith.index_cast %parallel_loop3A_334 : i32 to index
          %parallel_loop3A_388 = arith.constant 0 : index
          %parallel_loop3A_389 = tpu.vector_load %arg14[%parallel_loop3A_386, %parallel_loop3A_387, %parallel_loop3A_388] {strides = array<i32>} : memref<5x64x128xf32, #tpu.memory_space<vmem>>, vector<1x1x16xf32>,
          %parallel_loop3A_390 = vector.shape_cast %parallel_loop3A_389 : vector<1x1x16xf32> to vector<16xf32>
          %parallel_loop3A_391 = vector.shape_cast %parallel_loop3A_385 : vector<16xf32> to vector<1x1x16xf32>
          tpu.vector_store %arg14[%parallel_loop3A_386, %parallel_loop3A_387, %parallel_loop3A_388], %parallel_loop3A_391 {strides = array<i32>} : memref<5x64x128xf32, #tpu.memory_space<vmem>>, vector<1x1x16xf32>,
          %parallel_loop3A_392 = arith.index_cast %rem3A_261 : i32 to index
          %parallel_loop3A_393 = arith.index_cast %parallel_loop3A_334 : i32 to index
          %parallel_loop3A_394 = arith.constant 16 : index
          %parallel_loop3A_395 = tpu.vector_load %arg14[%parallel_loop3A_392, %parallel_loop3A_393, %parallel_loop3A_394] {strides = array<i32>} : memref<5x64x128xf32, #tpu.memory_space<vmem>>, vector<1x1x16xf32>,
          %parallel_loop3A_396 = vector.shape_cast %parallel_loop3A_395 : vector<1x1x16xf32> to vector<16xf32>
          %parallel_loop3A_397 = arith.mulf %parallel_loop3A_396, %parallel_loop3A_379 : vector<16xf32>
          %parallel_loop3A_398 = arith.index_cast %rem3A_261 : i32 to index
          %parallel_loop3A_399 = arith.index_cast %parallel_loop3A_334 : i32 to index
          %parallel_loop3A_400 = arith.constant 16 : index
          %parallel_loop3A_401 = tpu.vector_load %arg14[%parallel_loop3A_398, %parallel_loop3A_399, %parallel_loop3A_400] {strides = array<i32>} : memref<5x64x128xf32, #tpu.memory_space<vmem>>, vector<1x1x16xf32>,
          %parallel_loop3A_402 = vector.shape_cast %parallel_loop3A_401 : vector<1x1x16xf32> to vector<16xf32>
          %parallel_loop3A_403 = vector.shape_cast %parallel_loop3A_397 : vector<16xf32> to vector<1x1x16xf32>
          tpu.vector_store %arg14[%parallel_loop3A_398, %parallel_loop3A_399, %parallel_loop3A_400], %parallel_loop3A_403 {strides = array<i32>} : memref<5x64x128xf32, #tpu.memory_space<vmem>>, vector<1x1x16xf32>,
          %parallel_loop3A_404 = arith.index_cast %rem3A_261 : i32 to index
          %parallel_loop3A_405 = arith.index_cast %parallel_loop3A_334 : i32 to index
          %parallel_loop3A_406 = arith.constant 32 : index
          %parallel_loop3A_407 = tpu.vector_load %arg14[%parallel_loop3A_404, %parallel_loop3A_405, %parallel_loop3A_406] {strides = array<i32>} : memref<5x64x128xf32, #tpu.memory_space<vmem>>, vector<1x1x16xf32>,
          %parallel_loop3A_408 = vector.shape_cast %parallel_loop3A_407 : vector<1x1x16xf32> to vector<16xf32>
          %parallel_loop3A_409 = arith.mulf %parallel_loop3A_408, %parallel_loop3A_379 : vector<16xf32>
          %parallel_loop3A_410 = arith.index_cast %rem3A_261 : i32 to index
          %parallel_loop3A_411 = arith.index_cast %parallel_loop3A_334 : i32 to index
          %parallel_loop3A_412 = arith.constant 32 : index
          %parallel_loop3A_413 = tpu.vector_load %arg14[%parallel_loop3A_410, %parallel_loop3A_411, %parallel_loop3A_412] {strides = array<i32>} : memref<5x64x128xf32, #tpu.memory_space<vmem>>, vector<1x1x16xf32>,
          %parallel_loop3A_414 = vector.shape_cast %parallel_loop3A_413 : vector<1x1x16xf32> to vector<16xf32>
          %parallel_loop3A_415 = vector.shape_cast %parallel_loop3A_409 : vector<16xf32> to vector<1x1x16xf32>
          tpu.vector_store %arg14[%parallel_loop3A_410, %parallel_loop3A_411, %parallel_loop3A_412], %parallel_loop3A_415 {strides = array<i32>} : memref<5x64x128xf32, #tpu.memory_space<vmem>>, vector<1x1x16xf32>,
          %parallel_loop3A_416 = arith.index_cast %rem3A_261 : i32 to index
          %parallel_loop3A_417 = arith.index_cast %parallel_loop3A_334 : i32 to index
          %parallel_loop3A_418 = arith.constant 48 : index
          %parallel_loop3A_419 = tpu.vector_load %arg14[%parallel_loop3A_416, %parallel_loop3A_417, %parallel_loop3A_418] {strides = array<i32>} : memref<5x64x128xf32, #tpu.memory_space<vmem>>, vector<1x1x16xf32>,
          %parallel_loop3A_420 = vector.shape_cast %parallel_loop3A_419 : vector<1x1x16xf32> to vector<16xf32>
          %parallel_loop3A_421 = arith.mulf %parallel_loop3A_420, %parallel_loop3A_379 : vector<16xf32>
          %parallel_loop3A_422 = arith.index_cast %rem3A_261 : i32 to index
          %parallel_loop3A_423 = arith.index_cast %parallel_loop3A_334 : i32 to index
          %parallel_loop3A_424 = arith.constant 48 : index
          %parallel_loop3A_425 = tpu.vector_load %arg14[%parallel_loop3A_422, %parallel_loop3A_423, %parallel_loop3A_424] {strides = array<i32>} : memref<5x64x128xf32, #tpu.memory_space<vmem>>, vector<1x1x16xf32>,
          %parallel_loop3A_426 = vector.shape_cast %parallel_loop3A_425 : vector<1x1x16xf32> to vector<16xf32>
          %parallel_loop3A_427 = vector.shape_cast %parallel_loop3A_421 : vector<16xf32> to vector<1x1x16xf32>
          tpu.vector_store %arg14[%parallel_loop3A_422, %parallel_loop3A_423, %parallel_loop3A_424], %parallel_loop3A_427 {strides = array<i32>} : memref<5x64x128xf32, #tpu.memory_space<vmem>>, vector<1x1x16xf32>,
          %parallel_loop3A_428 = arith.index_cast %rem3A_261 : i32 to index
          %parallel_loop3A_429 = arith.index_cast %parallel_loop3A_334 : i32 to index
          %parallel_loop3A_430 = arith.constant 64 : index
          %parallel_loop3A_431 = tpu.vector_load %arg14[%parallel_loop3A_428, %parallel_loop3A_429, %parallel_loop3A_430] {strides = array<i32>} : memref<5x64x128xf32, #tpu.memory_space<vmem>>, vector<1x1x16xf32>,
          %parallel_loop3A_432 = vector.shape_cast %parallel_loop3A_431 : vector<1x1x16xf32> to vector<16xf32>
          %parallel_loop3A_433 = arith.mulf %parallel_loop3A_432, %parallel_loop3A_379 : vector<16xf32>
          %parallel_loop3A_434 = arith.index_cast %rem3A_261 : i32 to index
          %parallel_loop3A_435 = arith.index_cast %parallel_loop3A_334 : i32 to index
          %parallel_loop3A_436 = arith.constant 64 : index
          %parallel_loop3A_437 = tpu.vector_load %arg14[%parallel_loop3A_434, %parallel_loop3A_435, %parallel_loop3A_436] {strides = array<i32>} : memref<5x64x128xf32, #tpu.memory_space<vmem>>, vector<1x1x16xf32>,
          %parallel_loop3A_438 = vector.shape_cast %parallel_loop3A_437 : vector<1x1x16xf32> to vector<16xf32>
          %parallel_loop3A_439 = vector.shape_cast %parallel_loop3A_433 : vector<16xf32> to vector<1x1x16xf32>
          tpu.vector_store %arg14[%parallel_loop3A_434, %parallel_loop3A_435, %parallel_loop3A_436], %parallel_loop3A_439 {strides = array<i32>} : memref<5x64x128xf32, #tpu.memory_space<vmem>>, vector<1x1x16xf32>,
          %parallel_loop3A_440 = arith.index_cast %rem3A_261 : i32 to index
          %parallel_loop3A_441 = arith.index_cast %parallel_loop3A_334 : i32 to index
          %parallel_loop3A_442 = arith.constant 80 : index
          %parallel_loop3A_443 = tpu.vector_load %arg14[%parallel_loop3A_440, %parallel_loop3A_441, %parallel_loop3A_442] {strides = array<i32>} : memref<5x64x128xf32, #tpu.memory_space<vmem>>, vector<1x1x16xf32>,
          %parallel_loop3A_444 = vector.shape_cast %parallel_loop3A_443 : vector<1x1x16xf32> to vector<16xf32>
          %parallel_loop3A_445 = arith.mulf %parallel_loop3A_444, %parallel_loop3A_379 : vector<16xf32>
          %parallel_loop3A_446 = arith.index_cast %rem3A_261 : i32 to index
          %parallel_loop3A_447 = arith.index_cast %parallel_loop3A_334 : i32 to index
          %parallel_loop3A_448 = arith.constant 80 : index
          %parallel_loop3A_449 = tpu.vector_load %arg14[%parallel_loop3A_446, %parallel_loop3A_447, %parallel_loop3A_448] {strides = array<i32>} : memref<5x64x128xf32, #tpu.memory_space<vmem>>, vector<1x1x16xf32>,
          %parallel_loop3A_450 = vector.shape_cast %parallel_loop3A_449 : vector<1x1x16xf32> to vector<16xf32>
          %parallel_loop3A_451 = vector.shape_cast %parallel_loop3A_445 : vector<16xf32> to vector<1x1x16xf32>
          tpu.vector_store %arg14[%parallel_loop3A_446, %parallel_loop3A_447, %parallel_loop3A_448], %parallel_loop3A_451 {strides = array<i32>} : memref<5x64x128xf32, #tpu.memory_space<vmem>>, vector<1x1x16xf32>,
          %parallel_loop3A_452 = arith.index_cast %rem3A_261 : i32 to index
          %parallel_loop3A_453 = arith.index_cast %parallel_loop3A_334 : i32 to index
          %parallel_loop3A_454 = arith.constant 96 : index
          %parallel_loop3A_455 = tpu.vector_load %arg14[%parallel_loop3A_452, %parallel_loop3A_453, %parallel_loop3A_454] {strides = array<i32>} : memref<5x64x128xf32, #tpu.memory_space<vmem>>, vector<1x1x16xf32>,
          %parallel_loop3A_456 = vector.shape_cast %parallel_loop3A_455 : vector<1x1x16xf32> to vector<16xf32>
          %parallel_loop3A_457 = arith.mulf %parallel_loop3A_456, %parallel_loop3A_379 : vector<16xf32>
          %parallel_loop3A_458 = arith.index_cast %rem3A_261 : i32 to index
          %parallel_loop3A_459 = arith.index_cast %parallel_loop3A_334 : i32 to index
          %parallel_loop3A_460 = arith.constant 96 : index
          %parallel_loop3A_461 = tpu.vector_load %arg14[%parallel_loop3A_458, %parallel_loop3A_459, %parallel_loop3A_460] {strides = array<i32>} : memref<5x64x128xf32, #tpu.memory_space<vmem>>, vector<1x1x16xf32>,
          %parallel_loop3A_462 = vector.shape_cast %parallel_loop3A_461 : vector<1x1x16xf32> to vector<16xf32>
          %parallel_loop3A_463 = vector.shape_cast %parallel_loop3A_457 : vector<16xf32> to vector<1x1x16xf32>
          tpu.vector_store %arg14[%parallel_loop3A_458, %parallel_loop3A_459, %parallel_loop3A_460], %parallel_loop3A_463 {strides = array<i32>} : memref<5x64x128xf32, #tpu.memory_space<vmem>>, vector<1x1x16xf32>,
          %parallel_loop3A_464 = arith.index_cast %rem3A_261 : i32 to index
          %parallel_loop3A_465 = arith.index_cast %parallel_loop3A_334 : i32 to index
          %parallel_loop3A_466 = arith.constant 112 : index
          %parallel_loop3A_467 = tpu.vector_load %arg14[%parallel_loop3A_464, %parallel_loop3A_465, %parallel_loop3A_466] {strides = array<i32>} : memref<5x64x128xf32, #tpu.memory_space<vmem>>, vector<1x1x16xf32>,
          %parallel_loop3A_468 = vector.shape_cast %parallel_loop3A_467 : vector<1x1x16xf32> to vector<16xf32>
          %parallel_loop3A_469 = arith.mulf %parallel_loop3A_468, %parallel_loop3A_379 : vector<16xf32>
          %parallel_loop3A_470 = arith.index_cast %rem3A_261 : i32 to index
          %parallel_loop3A_471 = arith.index_cast %parallel_loop3A_334 : i32 to index
          %parallel_loop3A_472 = arith.constant 112 : index
          %parallel_loop3A_473 = tpu.vector_load %arg14[%parallel_loop3A_470, %parallel_loop3A_471, %parallel_loop3A_472] {strides = array<i32>} : memref<5x64x128xf32, #tpu.memory_space<vmem>>, vector<1x1x16xf32>,
          %parallel_loop3A_474 = vector.shape_cast %parallel_loop3A_473 : vector<1x1x16xf32> to vector<16xf32>
          %parallel_loop3A_475 = vector.shape_cast %parallel_loop3A_469 : vector<16xf32> to vector<1x1x16xf32>
          tpu.vector_store %arg14[%parallel_loop3A_470, %parallel_loop3A_471, %parallel_loop3A_472], %parallel_loop3A_475 {strides = array<i32>} : memref<5x64x128xf32, #tpu.memory_space<vmem>>, vector<1x1x16xf32>,
        } {sc.loop_unroll_factor = 4 : i64, sc.parallel_access}
        %div3A_315 = arith.constant 8 : i32
        %div3A_316 = arith.divsi %scan3A_250, %div3A_315 : i32
        %rem3A_317 = arith.constant 2 : i32
        %rem3A_318 = arith.remsi %div3A_316, %rem3A_317 : i32
        %rem3A_319 = arith.constant 8 : i32
        %rem3A_320 = arith.remsi %scan3A_250, %rem3A_319 : i32
        %dma_start3A_321 = arith.constant 0 : i32
        %dma_start3A_322 = arith.constant 0 : i32
        %dma_start3A_323 = tpu.memref_slice %arg14[%rem3A_261, %dma_start3A_321, %dma_start3A_322] : memref<5x64x128xf32, #tpu.memory_space<vmem>> -> memref<1x64x128xf32, #tpu.memory_space<vmem>>
        %dma_start3A_324 = tpu.memref_squeeze %dma_start3A_323 : memref<1x64x128xf32, #tpu.memory_space<vmem>> -> memref<64x128xf32, #tpu.memory_space<vmem>>
        %dma_start3A_325 = arith.constant 0 : i32
        %dma_start3A_326 = tpu.memref_slice %arg12[%rem3A_318, %rem3A_320, %dma_start3A_325] : memref<2x8x64xi32, #tpu.memory_space<vmem>> -> memref<1x1x64xi32, #tpu.memory_space<vmem>>
        %dma_start3A_327 = tpu.memref_squeeze %dma_start3A_326 : memref<1x1x64xi32, #tpu.memory_space<vmem>> -> memref<64xi32, #tpu.memory_space<vmem>>
        %dma_start3A_328 = arith.constant 0 : i32
        %dma_start3A_329 = arith.constant 0 : i32
        %dma_start3A_330 = tpu.memref_slice %arg15[%dma_start3A_328, %dma_start3A_329] : memref<10000x128xf32, #tpu.memory_space<vmem_shared>> -> memref<10000x128xf32, #tpu.memory_space<vmem_shared>>
        %dma_start3A_331 = tpu.memref_slice %arg17[%rem3A_261] : memref<5x!tpu.dma_semaphore, #tpu.memory_space<semaphore_mem>> -> memref<1x!tpu.dma_semaphore, #tpu.memory_space<semaphore_mem>>
        %dma_start3A_332 = tpu.memref_squeeze %dma_start3A_331 : memref<1x!tpu.dma_semaphore, #tpu.memory_space<semaphore_mem>> -> memref<!tpu.dma_semaphore, #tpu.memory_space<semaphore_mem>>
        tpu.enqueue_indirect_dma source(%dma_start3A_324 : memref<64x128xf32, #tpu.memory_space<vmem>>) target(%dma_start3A_330 : memref<10000x128xf32, #tpu.memory_space<vmem_shared>>) offsets(%dma_start3A_327 : memref<64xi32, #tpu.memory_space<vmem>>) semaphore(%dma_start3A_332 : memref<!tpu.dma_semaphore, #tpu.memory_space<semaphore_mem>>) {add = true}
        %scan3A_333 = arith.constant 0 : i32
        scf.yield %scan3A_333 : i32
      }
      %scan3A_217 = arith.constant 320 : i32
      %dma_wait3A_218 = arith.constant 3 : i32
      %dma_wait3A_219 = arith.constant 1 : i32
      %dma_wait3A_220 = arith.constant 6 : i32
      %dma_wait3A_221 = arith.constant 3 : i32
      %dma_wait3A_222 = arith.constant 0 : i32
      %dma_wait3A_223 = arith.constant 0 : i32
      %dma_wait3A_224 = tpu.memref_slice %arg14[%dma_wait3A_218, %dma_wait3A_222, %dma_wait3A_223] : memref<5x64x128xf32, #tpu.memory_space<vmem>> -> memref<1x64x128xf32, #tpu.memory_space<vmem>>
      %dma_wait3A_225 = tpu.memref_squeeze %dma_wait3A_224 : memref<1x64x128xf32, #tpu.memory_space<vmem>> -> memref<64x128xf32, #tpu.memory_space<vmem>>
      %dma_wait3A_226 = arith.constant 0 : i32
      %dma_wait3A_227 = tpu.memref_slice %arg12[%dma_wait3A_219, %dma_wait3A_220, %dma_wait3A_226] : memref<2x8x64xi32, #tpu.memory_space<vmem>> -> memref<1x1x64xi32, #tpu.memory_space<vmem>>
      %dma_wait3A_228 = tpu.memref_squeeze %dma_wait3A_227 : memref<1x1x64xi32, #tpu.memory_space<vmem>> -> memref<64xi32, #tpu.memory_space<vmem>>
      %dma_wait3A_229 = arith.constant 0 : i32
      %dma_wait3A_230 = arith.constant 0 : i32
      %dma_wait3A_231 = tpu.memref_slice %arg15[%dma_wait3A_229, %dma_wait3A_230] : memref<10000x128xf32, #tpu.memory_space<vmem_shared>> -> memref<10000x128xf32, #tpu.memory_space<vmem_shared>>
      %dma_wait3A_232 = tpu.memref_slice %arg17[%dma_wait3A_221] : memref<5x!tpu.dma_semaphore, #tpu.memory_space<semaphore_mem>> -> memref<1x!tpu.dma_semaphore, #tpu.memory_space<semaphore_mem>>
      %dma_wait3A_233 = tpu.memref_squeeze %dma_wait3A_232 : memref<1x!tpu.dma_semaphore, #tpu.memory_space<semaphore_mem>> -> memref<!tpu.dma_semaphore, #tpu.memory_space<semaphore_mem>>
      tpu.wait_indirect_dma semaphore(%dma_wait3A_233 : memref<!tpu.dma_semaphore, #tpu.memory_space<semaphore_mem>>) src(%dma_wait3A_225 : memref<64x128xf32, #tpu.memory_space<vmem>>) dst(%dma_wait3A_231 : memref<10000x128xf32, #tpu.memory_space<vmem_shared>>)
      %dma_wait3A_234 = arith.constant 4 : i32
      %dma_wait3A_235 = arith.constant 1 : i32
      %dma_wait3A_236 = arith.constant 7 : i32
      %dma_wait3A_237 = arith.constant 4 : i32
      %dma_wait3A_238 = arith.constant 0 : i32
      %dma_wait3A_239 = arith.constant 0 : i32
      %dma_wait3A_240 = tpu.memref_slice %arg14[%dma_wait3A_234, %dma_wait3A_238, %dma_wait3A_239] : memref<5x64x128xf32, #tpu.memory_space<vmem>> -> memref<1x64x128xf32, #tpu.memory_space<vmem>>
      %dma_wait3A_241 = tpu.memref_squeeze %dma_wait3A_240 : memref<1x64x128xf32, #tpu.memory_space<vmem>> -> memref<64x128xf32, #tpu.memory_space<vmem>>
      %dma_wait3A_242 = arith.constant 0 : i32
      %dma_wait3A_243 = tpu.memref_slice %arg12[%dma_wait3A_235, %dma_wait3A_236, %dma_wait3A_242] : memref<2x8x64xi32, #tpu.memory_space<vmem>> -> memref<1x1x64xi32, #tpu.memory_space<vmem>>
      %dma_wait3A_244 = tpu.memref_squeeze %dma_wait3A_243 : memref<1x1x64xi32, #tpu.memory_space<vmem>> -> memref<64xi32, #tpu.memory_space<vmem>>
      %dma_wait3A_245 = arith.constant 0 : i32
      %dma_wait3A_246 = arith.constant 0 : i32
      %dma_wait3A_247 = tpu.memref_slice %arg15[%dma_wait3A_245, %dma_wait3A_246] : memref<10000x128xf32, #tpu.memory_space<vmem_shared>> -> memref<10000x128xf32, #tpu.memory_space<vmem_shared>>
      %dma_wait3A_248 = tpu.memref_slice %arg17[%dma_wait3A_237] : memref<5x!tpu.dma_semaphore, #tpu.memory_space<semaphore_mem>> -> memref<1x!tpu.dma_semaphore, #tpu.memory_space<semaphore_mem>>
      %dma_wait3A_249 = tpu.memref_squeeze %dma_wait3A_248 : memref<1x!tpu.dma_semaphore, #tpu.memory_space<semaphore_mem>> -> memref<!tpu.dma_semaphore, #tpu.memory_space<semaphore_mem>>
      tpu.wait_indirect_dma semaphore(%dma_wait3A_249 : memref<!tpu.dma_semaphore, #tpu.memory_space<semaphore_mem>>) src(%dma_wait3A_241 : memref<64x128xf32, #tpu.memory_space<vmem>>) dst(%dma_wait3A_247 : memref<10000x128xf32, #tpu.memory_space<vmem_shared>>)
    } else {
    }
    %barrier3A_32 = arith.constant 0 : index
    tpu.barrier barrier_id(%barrier3A_32)
    %while3A_33 = arith.constant 0 : i32
    %while3A_34 = arith.constant 0 : i32
    %while3A_35 = arith.subi %add3A_2, %while3A_33 : i32
    %while3A_36 = arith.addi %while3A_33, %while3A_35 : i32
    %while3A_37 = arith.constant 1 : i32
    %while3A_38 = arith.divsi %while3A_35, %while3A_37 : i32
    %while3A_39 = arith.muli %while3A_38, %while3A_37 : i32
    %while3A_40 = arith.addi %while3A_33, %while3A_39 : i32
    %while3A_41 = arith.constant 1 : i32
    %while3A_42 = scf.for %while3A_50 = %while3A_33 to %while3A_40 step %while3A_41 iter_args(%while3A_51 = %while3A_34) -> (i32)  : i32 {
      %mul3A = arith.constant 16 : i32
      %mul3A_52 = arith.muli %while3A_50, %mul3A : i32
      %add3A_53 = arith.addi %arg1, %mul3A_52 : i32
      %mul3A_54 = arith.constant 64 : i32
      %mul3A_55 = arith.muli %add3A_53, %mul3A_54 : i32
      %multiple_of3A = tpu.assume_multiple %mul3A_55, 64 : i32
      "tpu.region"() ({
        %run_scoped3A = tpu.sem_alloc : memref<!tpu.dma_semaphore, #tpu.memory_space<semaphore_mem>>
        %dma_start3A = arith.constant 0 : i32
        %dma_start3A_57 = tpu.memref_slice %arg10[%arg0, %multiple_of3A, %dma_start3A] : memref<2x10000x128xf32, #tpu.memory_space<hbm>> -> memref<1x64x128xf32, #tpu.memory_space<hbm>>
        %dma_start3A_58 = tpu.memref_squeeze %dma_start3A_57 : memref<1x64x128xf32, #tpu.memory_space<hbm>> -> memref<64x128xf32, #tpu.memory_space<hbm>>
        %dma_start3A_59 = arith.constant 0 : i32
        %dma_start3A_60 = tpu.memref_slice %arg15[%multiple_of3A, %dma_start3A_59] : memref<10000x128xf32, #tpu.memory_space<vmem_shared>> -> memref<64x128xf32, #tpu.memory_space<vmem_shared>>
        tpu.enqueue_dma source(%dma_start3A_60 : memref<64x128xf32, #tpu.memory_space<vmem_shared>>) target(%dma_start3A_58 : memref<64x128xf32, #tpu.memory_space<hbm>>) target_semaphore(%run_scoped3A : memref<!tpu.dma_semaphore, #tpu.memory_space<semaphore_mem>>)
        %dma_wait3A = arith.constant 0 : i32
        %dma_wait3A_61 = tpu.memref_slice %arg10[%arg0, %multiple_of3A, %dma_wait3A] : memref<2x10000x128xf32, #tpu.memory_space<hbm>> -> memref<1x64x128xf32, #tpu.memory_space<hbm>>
        %dma_wait3A_62 = tpu.memref_squeeze %dma_wait3A_61 : memref<1x64x128xf32, #tpu.memory_space<hbm>> -> memref<64x128xf32, #tpu.memory_space<hbm>>
        %dma_wait3A_63 = arith.constant 0 : i32
        %dma_wait3A_64 = tpu.memref_slice %arg15[%multiple_of3A, %dma_wait3A_63] : memref<10000x128xf32, #tpu.memory_space<vmem_shared>> -> memref<64x128xf32, #tpu.memory_space<vmem_shared>>
        tpu.wait_dma2 semaphore(%run_scoped3A : memref<!tpu.dma_semaphore, #tpu.memory_space<semaphore_mem>>) src(%dma_wait3A_64 : memref<64x128xf32, #tpu.memory_space<vmem_shared>>) dst(%dma_wait3A_62 : memref<64x128xf32, #tpu.memory_space<hbm>>)
        tpu.yield
      }) : () -> ()
      %while3A_56 = arith.constant 0 : i32
      scf.yield %while3A_56 : i32
    }
    %while3A_43 = arith.constant 1 : i32
    %while3A_44 = scf.for %while3A_50 = %while3A_40 to %while3A_36 step %while3A_43 iter_args(%while3A_51 = %while3A_42) -> (i32)  : i32 {
      %mul3A = arith.constant 16 : i32
      %mul3A_52 = arith.muli %while3A_50, %mul3A : i32
      %add3A_53 = arith.addi %arg1, %mul3A_52 : i32
      %mul3A_54 = arith.constant 64 : i32
      %mul3A_55 = arith.muli %add3A_53, %mul3A_54 : i32
      %multiple_of3A = tpu.assume_multiple %mul3A_55, 64 : i32
      "tpu.region"() ({
        %run_scoped3A = tpu.sem_alloc : memref<!tpu.dma_semaphore, #tpu.memory_space<semaphore_mem>>
        %dma_start3A = arith.constant 0 : i32
        %dma_start3A_57 = tpu.memref_slice %arg10[%arg0, %multiple_of3A, %dma_start3A] : memref<2x10000x128xf32, #tpu.memory_space<hbm>> -> memref<1x64x128xf32, #tpu.memory_space<hbm>>
        %dma_start3A_58 = tpu.memref_squeeze %dma_start3A_57 : memref<1x64x128xf32, #tpu.memory_space<hbm>> -> memref<64x128xf32, #tpu.memory_space<hbm>>
        %dma_start3A_59 = arith.constant 0 : i32
        %dma_start3A_60 = tpu.memref_slice %arg15[%multiple_of3A, %dma_start3A_59] : memref<10000x128xf32, #tpu.memory_space<vmem_shared>> -> memref<64x128xf32, #tpu.memory_space<vmem_shared>>
        tpu.enqueue_dma source(%dma_start3A_60 : memref<64x128xf32, #tpu.memory_space<vmem_shared>>) target(%dma_start3A_58 : memref<64x128xf32, #tpu.memory_space<hbm>>) target_semaphore(%run_scoped3A : memref<!tpu.dma_semaphore, #tpu.memory_space<semaphore_mem>>)
        %dma_wait3A = arith.constant 0 : i32
        %dma_wait3A_61 = tpu.memref_slice %arg10[%arg0, %multiple_of3A, %dma_wait3A] : memref<2x10000x128xf32, #tpu.memory_space<hbm>> -> memref<1x64x128xf32, #tpu.memory_space<hbm>>
        %dma_wait3A_62 = tpu.memref_squeeze %dma_wait3A_61 : memref<1x64x128xf32, #tpu.memory_space<hbm>> -> memref<64x128xf32, #tpu.memory_space<hbm>>
        %dma_wait3A_63 = arith.constant 0 : i32
        %dma_wait3A_64 = tpu.memref_slice %arg15[%multiple_of3A, %dma_wait3A_63] : memref<10000x128xf32, #tpu.memory_space<vmem_shared>> -> memref<64x128xf32, #tpu.memory_space<vmem_shared>>
        tpu.wait_dma2 semaphore(%run_scoped3A : memref<!tpu.dma_semaphore, #tpu.memory_space<semaphore_mem>>) src(%dma_wait3A_64 : memref<64x128xf32, #tpu.memory_space<vmem_shared>>) dst(%dma_wait3A_62 : memref<64x128xf32, #tpu.memory_space<hbm>>)
        tpu.yield
      }) : () -> ()
      %while3A_56 = arith.constant 0 : i32
      scf.yield %while3A_56 : i32
    }
    %eq3A_45 = arith.constant 15 : i32
    %eq3A_46 = arith.cmpi eq, %arg1, %eq3A_45 : i32
    %convert_element_type3A_47 = arith.extui %eq3A_46 : i1 to i32
    %cond3A_48 = arith.constant 0 : i32
    %cond3A_49 = arith.cmpi ne, %convert_element_type3A_47, %cond3A_48 : i32
    scf.if %cond3A_49 {
      "tpu.region"() ({
        %run_scoped3A = tpu.sem_alloc : memref<!tpu.dma_semaphore, #tpu.memory_space<semaphore_mem>>
        %dma_start3A = arith.constant 9984 : i32
        %dma_start3A_50 = arith.constant 0 : i32
        %dma_start3A_51 = tpu.memref_slice %arg10[%arg0, %dma_start3A, %dma_start3A_50] : memref<2x10000x128xf32, #tpu.memory_space<hbm>> -> memref<1x16x128xf32, #tpu.memory_space<hbm>>
        %dma_start3A_52 = tpu.memref_squeeze %dma_start3A_51 : memref<1x16x128xf32, #tpu.memory_space<hbm>> -> memref<16x128xf32, #tpu.memory_space<hbm>>
        %dma_start3A_53 = arith.constant 9984 : i32
        %dma_start3A_54 = arith.constant 0 : i32
        %dma_start3A_55 = tpu.memref_slice %arg15[%dma_start3A_53, %dma_start3A_54] : memref<10000x128xf32, #tpu.memory_space<vmem_shared>> -> memref<16x128xf32, #tpu.memory_space<vmem_shared>>
        tpu.enqueue_dma source(%dma_start3A_55 : memref<16x128xf32, #tpu.memory_space<vmem_shared>>) target(%dma_start3A_52 : memref<16x128xf32, #tpu.memory_space<hbm>>) target_semaphore(%run_scoped3A : memref<!tpu.dma_semaphore, #tpu.memory_space<semaphore_mem>>)
        %dma_wait3A = arith.constant 9984 : i32
        %dma_wait3A_56 = arith.constant 0 : i32
        %dma_wait3A_57 = tpu.memref_slice %arg10[%arg0, %dma_wait3A, %dma_wait3A_56] : memref<2x10000x128xf32, #tpu.memory_space<hbm>> -> memref<1x16x128xf32, #tpu.memory_space<hbm>>
        %dma_wait3A_58 = tpu.memref_squeeze %dma_wait3A_57 : memref<1x16x128xf32, #tpu.memory_space<hbm>> -> memref<16x128xf32, #tpu.memory_space<hbm>>
        %dma_wait3A_59 = arith.constant 9984 : i32
        %dma_wait3A_60 = arith.constant 0 : i32
        %dma_wait3A_61 = tpu.memref_slice %arg15[%dma_wait3A_59, %dma_wait3A_60] : memref<10000x128xf32, #tpu.memory_space<vmem_shared>> -> memref<16x128xf32, #tpu.memory_space<vmem_shared>>
        tpu.wait_dma2 semaphore(%run_scoped3A : memref<!tpu.dma_semaphore, #tpu.memory_space<semaphore_mem>>) src(%dma_wait3A_61 : memref<16x128xf32, #tpu.memory_space<vmem_shared>>) dst(%dma_wait3A_58 : memref<16x128xf32, #tpu.memory_space<hbm>>)
        tpu.yield
      }) : () -> ()
    } else {
    }
    return
  }
}

#map = affine_map<(d0, d1) -> (0, 0)>
#map1 = affine_map<(d0, d1) -> (0, 0, 0)>
module attributes {stable_mosaic.version = 14 : i64} {
  func.func @body(%arg0: i32, %arg1: i32, %arg2: memref<10000x64xf32, #tpu.memory_space<hbm>>, %arg3: memref<10000x64xf32, #tpu.memory_space<hbm>>, %arg4: memref<5120x64xi32, #tpu.memory_space<hbm>>, %arg5: memref<5120x64xi32, #tpu.memory_space<hbm>>, %arg6: memref<5120x64xf32, #tpu.memory_space<hbm>>, %arg7: memref<5120x64xi32, #tpu.memory_space<hbm>>, %arg8: memref<5120x64xi32, #tpu.memory_space<hbm>>, %arg9: memref<5120x64xf32, #tpu.memory_space<hbm>>, %arg10: memref<2x10000x64xf32, #tpu.memory_space<hbm>>, %arg11: memref<2x16x64xi32, #tpu.memory_space<vmem>>, %arg12: memref<2x16x64xi32, #tpu.memory_space<vmem>>, %arg13: memref<2x16x64xf32, #tpu.memory_space<vmem>>, %arg14: memref<8x64x64xf32, #tpu.memory_space<vmem>>, %arg15: memref<10000x64xf32, #tpu.memory_space<vmem_shared>>, %arg16: memref<8x!tpu.dma_semaphore, #tpu.memory_space<semaphore_mem>>, %arg17: memref<8x!tpu.dma_semaphore, #tpu.memory_space<semaphore_mem>>, %arg18: memref<2x!tpu.dma_semaphore, #tpu.memory_space<semaphore_mem>>) attributes {dimension_semantics = [#tpu.dimension_semantics<core_parallel>, #tpu.dimension_semantics<subcore_parallel>], iteration_bounds = array<i64: 2, 16>, scalar_prefetch = 0 : i64, scratch_operands = 8 : i64, tpu.core_type = #tpu.core_type<sc_vector_subcore>, window_params = [{transform_indices = #map}, {transform_indices = #map}, {transform_indices = #map}, {transform_indices = #map}, {transform_indices = #map}, {transform_indices = #map}, {transform_indices = #map}, {transform_indices = #map}, {transform_indices = #map1}]} {
    %lt3A = arith.constant 12 : i32
    %lt3A_0 = arith.cmpi slt, %arg1, %lt3A : i32
    %jit3A = arith.constant 1 : i32
    %jit3A_1 = arith.constant 0 : i32
    %select_n3A = arith.select %lt3A_0, %jit3A, %jit3A_1 : i32
    %add3A = arith.constant 9 : i32
    %add3A_2 = arith.addi %add3A, %select_n3A : i32
    %scan3A = arith.constant 0 : i32
    %scan3A_3 = arith.constant 0 : i32
    %scan3A_4 = arith.constant 64 : i32
    %scan3A_5 = arith.addi %scan3A_3, %scan3A_4 : i32
    %scan3A_6 = arith.constant 1 : i32
    %scan3A_7 = scf.for %scan3A_50 = %scan3A_3 to %scan3A_5 step %scan3A_6 iter_args(%scan3A_51 = %scan3A) -> (i32)  : i32 {
      %broadcast_in_dim3A = arith.constant 0.000000e+00 : f32
      %broadcast_in_dim3A_52 = vector.broadcast %broadcast_in_dim3A : f32 to vector<16xf32>
      %swap3A = arith.constant 0 : i32
      %swap3A_53 = arith.index_cast %swap3A : i32 to index
      %swap3A_54 = arith.index_cast %scan3A_50 : i32 to index
      %swap3A_55 = arith.constant 0 : index
      %swap3A_56 = tpu.vector_load %arg14[%swap3A_53, %swap3A_54, %swap3A_55] {strides = array<i32>} : memref<8x64x64xf32, #tpu.memory_space<vmem>>, vector<1x1x16xf32>,
      %swap3A_57 = vector.shape_cast %swap3A_56 : vector<1x1x16xf32> to vector<16xf32>
      %swap3A_58 = vector.shape_cast %broadcast_in_dim3A_52 : vector<16xf32> to vector<1x1x16xf32>
      tpu.vector_store %arg14[%swap3A_53, %swap3A_54, %swap3A_55], %swap3A_58 {strides = array<i32>} : memref<8x64x64xf32, #tpu.memory_space<vmem>>, vector<1x1x16xf32>,
      %broadcast_in_dim3A_59 = arith.constant 0.000000e+00 : f32
      %broadcast_in_dim3A_60 = vector.broadcast %broadcast_in_dim3A_59 : f32 to vector<16xf32>
      %swap3A_61 = arith.constant 0 : i32
      %swap3A_62 = arith.index_cast %swap3A_61 : i32 to index
      %swap3A_63 = arith.index_cast %scan3A_50 : i32 to index
      %swap3A_64 = arith.constant 16 : index
      %swap3A_65 = tpu.vector_load %arg14[%swap3A_62, %swap3A_63, %swap3A_64] {strides = array<i32>} : memref<8x64x64xf32, #tpu.memory_space<vmem>>, vector<1x1x16xf32>,
      %swap3A_66 = vector.shape_cast %swap3A_65 : vector<1x1x16xf32> to vector<16xf32>
      %swap3A_67 = vector.shape_cast %broadcast_in_dim3A_60 : vector<16xf32> to vector<1x1x16xf32>
      tpu.vector_store %arg14[%swap3A_62, %swap3A_63, %swap3A_64], %swap3A_67 {strides = array<i32>} : memref<8x64x64xf32, #tpu.memory_space<vmem>>, vector<1x1x16xf32>,
      %broadcast_in_dim3A_68 = arith.constant 0.000000e+00 : f32
      %broadcast_in_dim3A_69 = vector.broadcast %broadcast_in_dim3A_68 : f32 to vector<16xf32>
      %swap3A_70 = arith.constant 0 : i32
      %swap3A_71 = arith.index_cast %swap3A_70 : i32 to index
      %swap3A_72 = arith.index_cast %scan3A_50 : i32 to index
      %swap3A_73 = arith.constant 32 : index
      %swap3A_74 = tpu.vector_load %arg14[%swap3A_71, %swap3A_72, %swap3A_73] {strides = array<i32>} : memref<8x64x64xf32, #tpu.memory_space<vmem>>, vector<1x1x16xf32>,
      %swap3A_75 = vector.shape_cast %swap3A_74 : vector<1x1x16xf32> to vector<16xf32>
      %swap3A_76 = vector.shape_cast %broadcast_in_dim3A_69 : vector<16xf32> to vector<1x1x16xf32>
      tpu.vector_store %arg14[%swap3A_71, %swap3A_72, %swap3A_73], %swap3A_76 {strides = array<i32>} : memref<8x64x64xf32, #tpu.memory_space<vmem>>, vector<1x1x16xf32>,
      %broadcast_in_dim3A_77 = arith.constant 0.000000e+00 : f32
      %broadcast_in_dim3A_78 = vector.broadcast %broadcast_in_dim3A_77 : f32 to vector<16xf32>
      %swap3A_79 = arith.constant 0 : i32
      %swap3A_80 = arith.index_cast %swap3A_79 : i32 to index
      %swap3A_81 = arith.index_cast %scan3A_50 : i32 to index
      %swap3A_82 = arith.constant 48 : index
      %swap3A_83 = tpu.vector_load %arg14[%swap3A_80, %swap3A_81, %swap3A_82] {strides = array<i32>} : memref<8x64x64xf32, #tpu.memory_space<vmem>>, vector<1x1x16xf32>,
      %swap3A_84 = vector.shape_cast %swap3A_83 : vector<1x1x16xf32> to vector<16xf32>
      %swap3A_85 = vector.shape_cast %broadcast_in_dim3A_78 : vector<16xf32> to vector<1x1x16xf32>
      tpu.vector_store %arg14[%swap3A_80, %swap3A_81, %swap3A_82], %swap3A_85 {strides = array<i32>} : memref<8x64x64xf32, #tpu.memory_space<vmem>>, vector<1x1x16xf32>,
      %scan3A_86 = arith.constant 0 : i32
      scf.yield %scan3A_86 : i32
    }
    %scan3A_8 = arith.constant 64 : i32
    %while3A = arith.constant 0 : i32
    %while3A_9 = arith.constant 0 : i32
    %while3A_10 = arith.subi %add3A_2, %while3A : i32
    %while3A_11 = arith.addi %while3A, %while3A_10 : i32
    %while3A_12 = arith.constant 1 : i32
    %while3A_13 = arith.divsi %while3A_10, %while3A_12 : i32
    %while3A_14 = arith.muli %while3A_13, %while3A_12 : i32
    %while3A_15 = arith.addi %while3A, %while3A_14 : i32
    %while3A_16 = arith.constant 1 : i32
    %while3A_17 = scf.for %while3A_50 = %while3A to %while3A_15 step %while3A_16 iter_args(%while3A_51 = %while3A_9) -> (i32)  : i32 {
      %mul3A = arith.constant 16 : i32
      %mul3A_52 = arith.muli %while3A_50, %mul3A : i32
      %add3A_53 = arith.addi %arg1, %mul3A_52 : i32
      %mul3A_54 = arith.constant 64 : i32
      %mul3A_55 = arith.muli %add3A_53, %mul3A_54 : i32
      %multiple_of3A = tpu.assume_multiple %mul3A_55, 64 : i32
      %run_scoped3A = arith.constant 0 : i32
      "tpu.region"() ({
        %run_scoped3A_57 = tpu.sem_alloc : memref<!tpu.dma_semaphore, #tpu.memory_space<semaphore_mem>>
        %dma_start3A = arith.constant 0 : i32
        %dma_start3A_58 = arith.constant 0 : i32
        %dma_start3A_59 = tpu.memref_slice %arg14[%run_scoped3A, %dma_start3A, %dma_start3A_58] : memref<8x64x64xf32, #tpu.memory_space<vmem>> -> memref<1x64x64xf32, #tpu.memory_space<vmem>>
        %dma_start3A_60 = tpu.memref_squeeze %dma_start3A_59 : memref<1x64x64xf32, #tpu.memory_space<vmem>> -> memref<64x64xf32, #tpu.memory_space<vmem>>
        %dma_start3A_61 = arith.constant 0 : i32
        %dma_start3A_62 = tpu.memref_slice %arg15[%multiple_of3A, %dma_start3A_61] : memref<10000x64xf32, #tpu.memory_space<vmem_shared>> -> memref<64x64xf32, #tpu.memory_space<vmem_shared>>
        %dma_start3A_63 = arith.constant 0 : i32
        %dma_start3A_64 = tpu.memref_slice %arg15[%multiple_of3A, %dma_start3A_63] : memref<10000x64xf32, #tpu.memory_space<vmem_shared>> -> memref<64x64xf32, #tpu.memory_space<vmem_shared>>
        %dma_start3A_65 = arith.constant 0 : i32
        %dma_start3A_66 = arith.constant 0 : i32
        %dma_start3A_67 = tpu.memref_slice %arg14[%run_scoped3A, %dma_start3A_65, %dma_start3A_66] : memref<8x64x64xf32, #tpu.memory_space<vmem>> -> memref<1x64x64xf32, #tpu.memory_space<vmem>>
        %dma_start3A_68 = tpu.memref_squeeze %dma_start3A_67 : memref<1x64x64xf32, #tpu.memory_space<vmem>> -> memref<64x64xf32, #tpu.memory_space<vmem>>
        tpu.enqueue_dma source(%dma_start3A_68 : memref<64x64xf32, #tpu.memory_space<vmem>>) target(%dma_start3A_64 : memref<64x64xf32, #tpu.memory_space<vmem_shared>>) target_semaphore(%run_scoped3A_57 : memref<!tpu.dma_semaphore, #tpu.memory_space<semaphore_mem>>)
        %dma_wait3A = arith.constant 0 : i32
        %dma_wait3A_69 = arith.constant 0 : i32
        %dma_wait3A_70 = tpu.memref_slice %arg14[%run_scoped3A, %dma_wait3A, %dma_wait3A_69] : memref<8x64x64xf32, #tpu.memory_space<vmem>> -> memref<1x64x64xf32, #tpu.memory_space<vmem>>
        %dma_wait3A_71 = tpu.memref_squeeze %dma_wait3A_70 : memref<1x64x64xf32, #tpu.memory_space<vmem>> -> memref<64x64xf32, #tpu.memory_space<vmem>>
        %dma_wait3A_72 = arith.constant 0 : i32
        %dma_wait3A_73 = tpu.memref_slice %arg15[%multiple_of3A, %dma_wait3A_72] : memref<10000x64xf32, #tpu.memory_space<vmem_shared>> -> memref<64x64xf32, #tpu.memory_space<vmem_shared>>
        %dma_wait3A_74 = arith.constant 0 : i32
        %dma_wait3A_75 = tpu.memref_slice %arg15[%multiple_of3A, %dma_wait3A_74] : memref<10000x64xf32, #tpu.memory_space<vmem_shared>> -> memref<64x64xf32, #tpu.memory_space<vmem_shared>>
        %dma_wait3A_76 = arith.constant 0 : i32
        %dma_wait3A_77 = arith.constant 0 : i32
        %dma_wait3A_78 = tpu.memref_slice %arg14[%run_scoped3A, %dma_wait3A_76, %dma_wait3A_77] : memref<8x64x64xf32, #tpu.memory_space<vmem>> -> memref<1x64x64xf32, #tpu.memory_space<vmem>>
        %dma_wait3A_79 = tpu.memref_squeeze %dma_wait3A_78 : memref<1x64x64xf32, #tpu.memory_space<vmem>> -> memref<64x64xf32, #tpu.memory_space<vmem>>
        tpu.wait_dma2 semaphore(%run_scoped3A_57 : memref<!tpu.dma_semaphore, #tpu.memory_space<semaphore_mem>>) src(%dma_wait3A_79 : memref<64x64xf32, #tpu.memory_space<vmem>>) dst(%dma_wait3A_75 : memref<64x64xf32, #tpu.memory_space<vmem_shared>>)
        tpu.yield
      }) : () -> ()
      %while3A_56 = arith.constant 0 : i32
      scf.yield %while3A_56 : i32
    }
    %while3A_18 = arith.constant 1 : i32
    %while3A_19 = scf.for %while3A_50 = %while3A_15 to %while3A_11 step %while3A_18 iter_args(%while3A_51 = %while3A_17) -> (i32)  : i32 {
      %mul3A = arith.constant 16 : i32
      %mul3A_52 = arith.muli %while3A_50, %mul3A : i32
      %add3A_53 = arith.addi %arg1, %mul3A_52 : i32
      %mul3A_54 = arith.constant 64 : i32
      %mul3A_55 = arith.muli %add3A_53, %mul3A_54 : i32
      %multiple_of3A = tpu.assume_multiple %mul3A_55, 64 : i32
      %run_scoped3A = arith.constant 0 : i32
      "tpu.region"() ({
        %run_scoped3A_57 = tpu.sem_alloc : memref<!tpu.dma_semaphore, #tpu.memory_space<semaphore_mem>>
        %dma_start3A = arith.constant 0 : i32
        %dma_start3A_58 = arith.constant 0 : i32
        %dma_start3A_59 = tpu.memref_slice %arg14[%run_scoped3A, %dma_start3A, %dma_start3A_58] : memref<8x64x64xf32, #tpu.memory_space<vmem>> -> memref<1x64x64xf32, #tpu.memory_space<vmem>>
        %dma_start3A_60 = tpu.memref_squeeze %dma_start3A_59 : memref<1x64x64xf32, #tpu.memory_space<vmem>> -> memref<64x64xf32, #tpu.memory_space<vmem>>
        %dma_start3A_61 = arith.constant 0 : i32
        %dma_start3A_62 = tpu.memref_slice %arg15[%multiple_of3A, %dma_start3A_61] : memref<10000x64xf32, #tpu.memory_space<vmem_shared>> -> memref<64x64xf32, #tpu.memory_space<vmem_shared>>
        %dma_start3A_63 = arith.constant 0 : i32
        %dma_start3A_64 = tpu.memref_slice %arg15[%multiple_of3A, %dma_start3A_63] : memref<10000x64xf32, #tpu.memory_space<vmem_shared>> -> memref<64x64xf32, #tpu.memory_space<vmem_shared>>
        %dma_start3A_65 = arith.constant 0 : i32
        %dma_start3A_66 = arith.constant 0 : i32
        %dma_start3A_67 = tpu.memref_slice %arg14[%run_scoped3A, %dma_start3A_65, %dma_start3A_66] : memref<8x64x64xf32, #tpu.memory_space<vmem>> -> memref<1x64x64xf32, #tpu.memory_space<vmem>>
        %dma_start3A_68 = tpu.memref_squeeze %dma_start3A_67 : memref<1x64x64xf32, #tpu.memory_space<vmem>> -> memref<64x64xf32, #tpu.memory_space<vmem>>
        tpu.enqueue_dma source(%dma_start3A_68 : memref<64x64xf32, #tpu.memory_space<vmem>>) target(%dma_start3A_64 : memref<64x64xf32, #tpu.memory_space<vmem_shared>>) target_semaphore(%run_scoped3A_57 : memref<!tpu.dma_semaphore, #tpu.memory_space<semaphore_mem>>)
        %dma_wait3A = arith.constant 0 : i32
        %dma_wait3A_69 = arith.constant 0 : i32
        %dma_wait3A_70 = tpu.memref_slice %arg14[%run_scoped3A, %dma_wait3A, %dma_wait3A_69] : memref<8x64x64xf32, #tpu.memory_space<vmem>> -> memref<1x64x64xf32, #tpu.memory_space<vmem>>
        %dma_wait3A_71 = tpu.memref_squeeze %dma_wait3A_70 : memref<1x64x64xf32, #tpu.memory_space<vmem>> -> memref<64x64xf32, #tpu.memory_space<vmem>>
        %dma_wait3A_72 = arith.constant 0 : i32
        %dma_wait3A_73 = tpu.memref_slice %arg15[%multiple_of3A, %dma_wait3A_72] : memref<10000x64xf32, #tpu.memory_space<vmem_shared>> -> memref<64x64xf32, #tpu.memory_space<vmem_shared>>
        %dma_wait3A_74 = arith.constant 0 : i32
        %dma_wait3A_75 = tpu.memref_slice %arg15[%multiple_of3A, %dma_wait3A_74] : memref<10000x64xf32, #tpu.memory_space<vmem_shared>> -> memref<64x64xf32, #tpu.memory_space<vmem_shared>>
        %dma_wait3A_76 = arith.constant 0 : i32
        %dma_wait3A_77 = arith.constant 0 : i32
        %dma_wait3A_78 = tpu.memref_slice %arg14[%run_scoped3A, %dma_wait3A_76, %dma_wait3A_77] : memref<8x64x64xf32, #tpu.memory_space<vmem>> -> memref<1x64x64xf32, #tpu.memory_space<vmem>>
        %dma_wait3A_79 = tpu.memref_squeeze %dma_wait3A_78 : memref<1x64x64xf32, #tpu.memory_space<vmem>> -> memref<64x64xf32, #tpu.memory_space<vmem>>
        tpu.wait_dma2 semaphore(%run_scoped3A_57 : memref<!tpu.dma_semaphore, #tpu.memory_space<semaphore_mem>>) src(%dma_wait3A_79 : memref<64x64xf32, #tpu.memory_space<vmem>>) dst(%dma_wait3A_75 : memref<64x64xf32, #tpu.memory_space<vmem_shared>>)
        tpu.yield
      }) : () -> ()
      %while3A_56 = arith.constant 0 : i32
      scf.yield %while3A_56 : i32
    }
    %eq3A = arith.constant 15 : i32
    %eq3A_20 = arith.cmpi eq, %arg1, %eq3A : i32
    %convert_element_type3A = arith.extui %eq3A_20 : i1 to i32
    %cond3A = arith.constant 0 : i32
    %cond3A_21 = arith.cmpi ne, %convert_element_type3A, %cond3A : i32
    scf.if %cond3A_21 {
      %run_scoped3A = arith.constant 0 : i32
      "tpu.region"() ({
        %run_scoped3A_50 = tpu.sem_alloc : memref<!tpu.dma_semaphore, #tpu.memory_space<semaphore_mem>>
        %dma_start3A = arith.constant 0 : i32
        %dma_start3A_51 = arith.constant 0 : i32
        %dma_start3A_52 = tpu.memref_slice %arg14[%run_scoped3A, %dma_start3A, %dma_start3A_51] : memref<8x64x64xf32, #tpu.memory_space<vmem>> -> memref<1x16x64xf32, #tpu.memory_space<vmem>>
        %dma_start3A_53 = tpu.memref_squeeze %dma_start3A_52 : memref<1x16x64xf32, #tpu.memory_space<vmem>> -> memref<16x64xf32, #tpu.memory_space<vmem>>
        %dma_start3A_54 = arith.constant 9984 : i32
        %dma_start3A_55 = arith.constant 0 : i32
        %dma_start3A_56 = tpu.memref_slice %arg15[%dma_start3A_54, %dma_start3A_55] : memref<10000x64xf32, #tpu.memory_space<vmem_shared>> -> memref<16x64xf32, #tpu.memory_space<vmem_shared>>
        %dma_start3A_57 = arith.constant 9984 : i32
        %dma_start3A_58 = arith.constant 0 : i32
        %dma_start3A_59 = tpu.memref_slice %arg15[%dma_start3A_57, %dma_start3A_58] : memref<10000x64xf32, #tpu.memory_space<vmem_shared>> -> memref<16x64xf32, #tpu.memory_space<vmem_shared>>
        %dma_start3A_60 = arith.constant 0 : i32
        %dma_start3A_61 = arith.constant 0 : i32
        %dma_start3A_62 = tpu.memref_slice %arg14[%run_scoped3A, %dma_start3A_60, %dma_start3A_61] : memref<8x64x64xf32, #tpu.memory_space<vmem>> -> memref<1x16x64xf32, #tpu.memory_space<vmem>>
        %dma_start3A_63 = tpu.memref_squeeze %dma_start3A_62 : memref<1x16x64xf32, #tpu.memory_space<vmem>> -> memref<16x64xf32, #tpu.memory_space<vmem>>
        tpu.enqueue_dma source(%dma_start3A_63 : memref<16x64xf32, #tpu.memory_space<vmem>>) target(%dma_start3A_59 : memref<16x64xf32, #tpu.memory_space<vmem_shared>>) target_semaphore(%run_scoped3A_50 : memref<!tpu.dma_semaphore, #tpu.memory_space<semaphore_mem>>)
        %dma_wait3A = arith.constant 0 : i32
        %dma_wait3A_64 = arith.constant 0 : i32
        %dma_wait3A_65 = tpu.memref_slice %arg14[%run_scoped3A, %dma_wait3A, %dma_wait3A_64] : memref<8x64x64xf32, #tpu.memory_space<vmem>> -> memref<1x16x64xf32, #tpu.memory_space<vmem>>
        %dma_wait3A_66 = tpu.memref_squeeze %dma_wait3A_65 : memref<1x16x64xf32, #tpu.memory_space<vmem>> -> memref<16x64xf32, #tpu.memory_space<vmem>>
        %dma_wait3A_67 = arith.constant 9984 : i32
        %dma_wait3A_68 = arith.constant 0 : i32
        %dma_wait3A_69 = tpu.memref_slice %arg15[%dma_wait3A_67, %dma_wait3A_68] : memref<10000x64xf32, #tpu.memory_space<vmem_shared>> -> memref<16x64xf32, #tpu.memory_space<vmem_shared>>
        %dma_wait3A_70 = arith.constant 9984 : i32
        %dma_wait3A_71 = arith.constant 0 : i32
        %dma_wait3A_72 = tpu.memref_slice %arg15[%dma_wait3A_70, %dma_wait3A_71] : memref<10000x64xf32, #tpu.memory_space<vmem_shared>> -> memref<16x64xf32, #tpu.memory_space<vmem_shared>>
        %dma_wait3A_73 = arith.constant 0 : i32
        %dma_wait3A_74 = arith.constant 0 : i32
        %dma_wait3A_75 = tpu.memref_slice %arg14[%run_scoped3A, %dma_wait3A_73, %dma_wait3A_74] : memref<8x64x64xf32, #tpu.memory_space<vmem>> -> memref<1x16x64xf32, #tpu.memory_space<vmem>>
        %dma_wait3A_76 = tpu.memref_squeeze %dma_wait3A_75 : memref<1x16x64xf32, #tpu.memory_space<vmem>> -> memref<16x64xf32, #tpu.memory_space<vmem>>
        tpu.wait_dma2 semaphore(%run_scoped3A_50 : memref<!tpu.dma_semaphore, #tpu.memory_space<semaphore_mem>>) src(%dma_wait3A_76 : memref<16x64xf32, #tpu.memory_space<vmem>>) dst(%dma_wait3A_72 : memref<16x64xf32, #tpu.memory_space<vmem_shared>>)
        tpu.yield
      }) : () -> ()
    } else {
    }
    %barrier3A = arith.constant 0 : index
    tpu.barrier barrier_id(%barrier3A)
    %eq3A_22 = arith.constant 0 : i32
    %eq3A_23 = arith.cmpi eq, %arg0, %eq3A_22 : i32
    %convert_element_type3A_24 = arith.extui %eq3A_23 : i1 to i32
    %cond3A_25 = arith.constant 0 : i32
    %cond3A_26 = arith.cmpi ne, %convert_element_type3A_24, %cond3A_25 : i32
    scf.if %cond3A_26 {
      %mul3A = arith.constant 320 : i32
      %mul3A_50 = arith.muli %arg1, %mul3A : i32
      %rem3A = arith.constant 0 : i32
      %rem3A_51 = arith.constant 2 : i32
      %rem3A_52 = arith.remsi %rem3A, %rem3A_51 : i32
      %add3A_53 = arith.constant 0 : i32
      %add3A_54 = arith.addi %mul3A_50, %add3A_53 : i32
      %multiple_of3A = tpu.assume_multiple %add3A_54, 8 : i32
      %dma_start3A = arith.constant 0 : i32
      %dma_start3A_55 = arith.constant 0 : i32
      %dma_start3A_56 = tpu.memref_slice %arg11[%rem3A_52, %dma_start3A, %dma_start3A_55] : memref<2x16x64xi32, #tpu.memory_space<vmem>> -> memref<1x16x64xi32, #tpu.memory_space<vmem>>
      %dma_start3A_57 = tpu.memref_squeeze %dma_start3A_56 : memref<1x16x64xi32, #tpu.memory_space<vmem>> -> memref<16x64xi32, #tpu.memory_space<vmem>>
      %dma_start3A_58 = arith.constant 0 : i32
      %dma_start3A_59 = tpu.memref_slice %arg4[%multiple_of3A, %dma_start3A_58] : memref<5120x64xi32, #tpu.memory_space<hbm>> -> memref<16x64xi32, #tpu.memory_space<hbm>>
      %dma_start3A_60 = tpu.memref_slice %arg18[%rem3A_52] : memref<2x!tpu.dma_semaphore, #tpu.memory_space<semaphore_mem>> -> memref<1x!tpu.dma_semaphore, #tpu.memory_space<semaphore_mem>>
      %dma_start3A_61 = tpu.memref_squeeze %dma_start3A_60 : memref<1x!tpu.dma_semaphore, #tpu.memory_space<semaphore_mem>> -> memref<!tpu.dma_semaphore, #tpu.memory_space<semaphore_mem>>
      %dma_start3A_62 = arith.constant 0 : i32
      %dma_start3A_63 = arith.constant 0 : i32
      %dma_start3A_64 = tpu.memref_slice %arg11[%rem3A_52, %dma_start3A_62, %dma_start3A_63] : memref<2x16x64xi32, #tpu.memory_space<vmem>> -> memref<1x16x64xi32, #tpu.memory_space<vmem>>
      %dma_start3A_65 = tpu.memref_squeeze %dma_start3A_64 : memref<1x16x64xi32, #tpu.memory_space<vmem>> -> memref<16x64xi32, #tpu.memory_space<vmem>>
      %dma_start3A_66 = arith.constant 0 : i32
      %dma_start3A_67 = tpu.memref_slice %arg4[%multiple_of3A, %dma_start3A_66] : memref<5120x64xi32, #tpu.memory_space<hbm>> -> memref<16x64xi32, #tpu.memory_space<hbm>>
      tpu.enqueue_dma source(%dma_start3A_67 : memref<16x64xi32, #tpu.memory_space<hbm>>) target(%dma_start3A_65 : memref<16x64xi32, #tpu.memory_space<vmem>>) target_semaphore(%dma_start3A_61 : memref<!tpu.dma_semaphore, #tpu.memory_space<semaphore_mem>>)
      %dma_start3A_68 = arith.constant 0 : i32
      %dma_start3A_69 = arith.constant 0 : i32
      %dma_start3A_70 = tpu.memref_slice %arg12[%rem3A_52, %dma_start3A_68, %dma_start3A_69] : memref<2x16x64xi32, #tpu.memory_space<vmem>> -> memref<1x16x64xi32, #tpu.memory_space<vmem>>
      %dma_start3A_71 = tpu.memref_squeeze %dma_start3A_70 : memref<1x16x64xi32, #tpu.memory_space<vmem>> -> memref<16x64xi32, #tpu.memory_space<vmem>>
      %dma_start3A_72 = arith.constant 0 : i32
      %dma_start3A_73 = tpu.memref_slice %arg5[%multiple_of3A, %dma_start3A_72] : memref<5120x64xi32, #tpu.memory_space<hbm>> -> memref<16x64xi32, #tpu.memory_space<hbm>>
      %dma_start3A_74 = tpu.memref_slice %arg18[%rem3A_52] : memref<2x!tpu.dma_semaphore, #tpu.memory_space<semaphore_mem>> -> memref<1x!tpu.dma_semaphore, #tpu.memory_space<semaphore_mem>>
      %dma_start3A_75 = tpu.memref_squeeze %dma_start3A_74 : memref<1x!tpu.dma_semaphore, #tpu.memory_space<semaphore_mem>> -> memref<!tpu.dma_semaphore, #tpu.memory_space<semaphore_mem>>
      %dma_start3A_76 = arith.constant 0 : i32
      %dma_start3A_77 = arith.constant 0 : i32
      %dma_start3A_78 = tpu.memref_slice %arg12[%rem3A_52, %dma_start3A_76, %dma_start3A_77] : memref<2x16x64xi32, #tpu.memory_space<vmem>> -> memref<1x16x64xi32, #tpu.memory_space<vmem>>
      %dma_start3A_79 = tpu.memref_squeeze %dma_start3A_78 : memref<1x16x64xi32, #tpu.memory_space<vmem>> -> memref<16x64xi32, #tpu.memory_space<vmem>>
      %dma_start3A_80 = arith.constant 0 : i32
      %dma_start3A_81 = tpu.memref_slice %arg5[%multiple_of3A, %dma_start3A_80] : memref<5120x64xi32, #tpu.memory_space<hbm>> -> memref<16x64xi32, #tpu.memory_space<hbm>>
      tpu.enqueue_dma source(%dma_start3A_81 : memref<16x64xi32, #tpu.memory_space<hbm>>) target(%dma_start3A_79 : memref<16x64xi32, #tpu.memory_space<vmem>>) target_semaphore(%dma_start3A_75 : memref<!tpu.dma_semaphore, #tpu.memory_space<semaphore_mem>>)
      %dma_start3A_82 = arith.constant 0 : i32
      %dma_start3A_83 = arith.constant 0 : i32
      %dma_start3A_84 = tpu.memref_slice %arg13[%rem3A_52, %dma_start3A_82, %dma_start3A_83] : memref<2x16x64xf32, #tpu.memory_space<vmem>> -> memref<1x16x64xf32, #tpu.memory_space<vmem>>
      %dma_start3A_85 = tpu.memref_squeeze %dma_start3A_84 : memref<1x16x64xf32, #tpu.memory_space<vmem>> -> memref<16x64xf32, #tpu.memory_space<vmem>>
      %dma_start3A_86 = arith.constant 0 : i32
      %dma_start3A_87 = tpu.memref_slice %arg6[%multiple_of3A, %dma_start3A_86] : memref<5120x64xf32, #tpu.memory_space<hbm>> -> memref<16x64xf32, #tpu.memory_space<hbm>>
      %dma_start3A_88 = tpu.memref_slice %arg18[%rem3A_52] : memref<2x!tpu.dma_semaphore, #tpu.memory_space<semaphore_mem>> -> memref<1x!tpu.dma_semaphore, #tpu.memory_space<semaphore_mem>>
      %dma_start3A_89 = tpu.memref_squeeze %dma_start3A_88 : memref<1x!tpu.dma_semaphore, #tpu.memory_space<semaphore_mem>> -> memref<!tpu.dma_semaphore, #tpu.memory_space<semaphore_mem>>
      %dma_start3A_90 = arith.constant 0 : i32
      %dma_start3A_91 = arith.constant 0 : i32
      %dma_start3A_92 = tpu.memref_slice %arg13[%rem3A_52, %dma_start3A_90, %dma_start3A_91] : memref<2x16x64xf32, #tpu.memory_space<vmem>> -> memref<1x16x64xf32, #tpu.memory_space<vmem>>
      %dma_start3A_93 = tpu.memref_squeeze %dma_start3A_92 : memref<1x16x64xf32, #tpu.memory_space<vmem>> -> memref<16x64xf32, #tpu.memory_space<vmem>>
      %dma_start3A_94 = arith.constant 0 : i32
      %dma_start3A_95 = tpu.memref_slice %arg6[%multiple_of3A, %dma_start3A_94] : memref<5120x64xf32, #tpu.memory_space<hbm>> -> memref<16x64xf32, #tpu.memory_space<hbm>>
      tpu.enqueue_dma source(%dma_start3A_95 : memref<16x64xf32, #tpu.memory_space<hbm>>) target(%dma_start3A_93 : memref<16x64xf32, #tpu.memory_space<vmem>>) target_semaphore(%dma_start3A_89 : memref<!tpu.dma_semaphore, #tpu.memory_space<semaphore_mem>>)
      %rem3A_96 = arith.constant 0 : i32
      %rem3A_97 = arith.constant 2 : i32
      %rem3A_98 = arith.remsi %rem3A_96, %rem3A_97 : i32
      %dma_wait3A = arith.constant 0 : i32
      %dma_wait3A_99 = arith.constant 0 : i32
      %dma_wait3A_100 = tpu.memref_slice %arg11[%rem3A_98, %dma_wait3A, %dma_wait3A_99] : memref<2x16x64xi32, #tpu.memory_space<vmem>> -> memref<1x16x64xi32, #tpu.memory_space<vmem>>
      %dma_wait3A_101 = tpu.memref_squeeze %dma_wait3A_100 : memref<1x16x64xi32, #tpu.memory_space<vmem>> -> memref<16x64xi32, #tpu.memory_space<vmem>>
      %dma_wait3A_102 = arith.constant 0 : i32
      %dma_wait3A_103 = arith.constant 0 : i32
      %dma_wait3A_104 = tpu.memref_slice %arg4[%dma_wait3A_102, %dma_wait3A_103] : memref<5120x64xi32, #tpu.memory_space<hbm>> -> memref<16x64xi32, #tpu.memory_space<hbm>>
      %dma_wait3A_105 = tpu.memref_slice %arg18[%rem3A_98] : memref<2x!tpu.dma_semaphore, #tpu.memory_space<semaphore_mem>> -> memref<1x!tpu.dma_semaphore, #tpu.memory_space<semaphore_mem>>
      %dma_wait3A_106 = tpu.memref_squeeze %dma_wait3A_105 : memref<1x!tpu.dma_semaphore, #tpu.memory_space<semaphore_mem>> -> memref<!tpu.dma_semaphore, #tpu.memory_space<semaphore_mem>>
      %dma_wait3A_107 = arith.constant 0 : i32
      %dma_wait3A_108 = arith.constant 0 : i32
      %dma_wait3A_109 = tpu.memref_slice %arg11[%rem3A_98, %dma_wait3A_107, %dma_wait3A_108] : memref<2x16x64xi32, #tpu.memory_space<vmem>> -> memref<1x16x64xi32, #tpu.memory_space<vmem>>
      %dma_wait3A_110 = tpu.memref_squeeze %dma_wait3A_109 : memref<1x16x64xi32, #tpu.memory_space<vmem>> -> memref<16x64xi32, #tpu.memory_space<vmem>>
      %dma_wait3A_111 = arith.constant 0 : i32
      %dma_wait3A_112 = arith.constant 0 : i32
      %dma_wait3A_113 = tpu.memref_slice %arg4[%dma_wait3A_111, %dma_wait3A_112] : memref<5120x64xi32, #tpu.memory_space<hbm>> -> memref<16x64xi32, #tpu.memory_space<hbm>>
      tpu.wait_dma2 semaphore(%dma_wait3A_106 : memref<!tpu.dma_semaphore, #tpu.memory_space<semaphore_mem>>) src(%dma_wait3A_113 : memref<16x64xi32, #tpu.memory_space<hbm>>) dst(%dma_wait3A_110 : memref<16x64xi32, #tpu.memory_space<vmem>>)
      %dma_wait3A_114 = arith.constant 0 : i32
      %dma_wait3A_115 = arith.constant 0 : i32
      %dma_wait3A_116 = tpu.memref_slice %arg12[%rem3A_98, %dma_wait3A_114, %dma_wait3A_115] : memref<2x16x64xi32, #tpu.memory_space<vmem>> -> memref<1x16x64xi32, #tpu.memory_space<vmem>>
      %dma_wait3A_117 = tpu.memref_squeeze %dma_wait3A_116 : memref<1x16x64xi32, #tpu.memory_space<vmem>> -> memref<16x64xi32, #tpu.memory_space<vmem>>
      %dma_wait3A_118 = arith.constant 0 : i32
      %dma_wait3A_119 = arith.constant 0 : i32
      %dma_wait3A_120 = tpu.memref_slice %arg4[%dma_wait3A_118, %dma_wait3A_119] : memref<5120x64xi32, #tpu.memory_space<hbm>> -> memref<16x64xi32, #tpu.memory_space<hbm>>
      %dma_wait3A_121 = tpu.memref_slice %arg18[%rem3A_98] : memref<2x!tpu.dma_semaphore, #tpu.memory_space<semaphore_mem>> -> memref<1x!tpu.dma_semaphore, #tpu.memory_space<semaphore_mem>>
      %dma_wait3A_122 = tpu.memref_squeeze %dma_wait3A_121 : memref<1x!tpu.dma_semaphore, #tpu.memory_space<semaphore_mem>> -> memref<!tpu.dma_semaphore, #tpu.memory_space<semaphore_mem>>
      %dma_wait3A_123 = arith.constant 0 : i32
      %dma_wait3A_124 = arith.constant 0 : i32
      %dma_wait3A_125 = tpu.memref_slice %arg12[%rem3A_98, %dma_wait3A_123, %dma_wait3A_124] : memref<2x16x64xi32, #tpu.memory_space<vmem>> -> memref<1x16x64xi32, #tpu.memory_space<vmem>>
      %dma_wait3A_126 = tpu.memref_squeeze %dma_wait3A_125 : memref<1x16x64xi32, #tpu.memory_space<vmem>> -> memref<16x64xi32, #tpu.memory_space<vmem>>
      %dma_wait3A_127 = arith.constant 0 : i32
      %dma_wait3A_128 = arith.constant 0 : i32
      %dma_wait3A_129 = tpu.memref_slice %arg4[%dma_wait3A_127, %dma_wait3A_128] : memref<5120x64xi32, #tpu.memory_space<hbm>> -> memref<16x64xi32, #tpu.memory_space<hbm>>
      tpu.wait_dma2 semaphore(%dma_wait3A_122 : memref<!tpu.dma_semaphore, #tpu.memory_space<semaphore_mem>>) src(%dma_wait3A_129 : memref<16x64xi32, #tpu.memory_space<hbm>>) dst(%dma_wait3A_126 : memref<16x64xi32, #tpu.memory_space<vmem>>)
      %dma_wait3A_130 = arith.constant 0 : i32
      %dma_wait3A_131 = arith.constant 0 : i32
      %dma_wait3A_132 = tpu.memref_slice %arg13[%rem3A_98, %dma_wait3A_130, %dma_wait3A_131] : memref<2x16x64xf32, #tpu.memory_space<vmem>> -> memref<1x16x64xf32, #tpu.memory_space<vmem>>
      %dma_wait3A_133 = tpu.memref_squeeze %dma_wait3A_132 : memref<1x16x64xf32, #tpu.memory_space<vmem>> -> memref<16x64xf32, #tpu.memory_space<vmem>>
      %dma_wait3A_134 = arith.constant 0 : i32
      %dma_wait3A_135 = arith.constant 0 : i32
      %dma_wait3A_136 = tpu.memref_slice %arg4[%dma_wait3A_134, %dma_wait3A_135] : memref<5120x64xi32, #tpu.memory_space<hbm>> -> memref<16x64xi32, #tpu.memory_space<hbm>>
      %dma_wait3A_137 = tpu.memref_slice %arg18[%rem3A_98] : memref<2x!tpu.dma_semaphore, #tpu.memory_space<semaphore_mem>> -> memref<1x!tpu.dma_semaphore, #tpu.memory_space<semaphore_mem>>
      %dma_wait3A_138 = tpu.memref_squeeze %dma_wait3A_137 : memref<1x!tpu.dma_semaphore, #tpu.memory_space<semaphore_mem>> -> memref<!tpu.dma_semaphore, #tpu.memory_space<semaphore_mem>>
      %dma_wait3A_139 = arith.constant 0 : i32
      %dma_wait3A_140 = arith.constant 0 : i32
      %dma_wait3A_141 = tpu.memref_slice %arg13[%rem3A_98, %dma_wait3A_139, %dma_wait3A_140] : memref<2x16x64xf32, #tpu.memory_space<vmem>> -> memref<1x16x64xf32, #tpu.memory_space<vmem>>
      %dma_wait3A_142 = tpu.memref_squeeze %dma_wait3A_141 : memref<1x16x64xf32, #tpu.memory_space<vmem>> -> memref<16x64xf32, #tpu.memory_space<vmem>>
      %dma_wait3A_143 = arith.constant 0 : i32
      %dma_wait3A_144 = arith.constant 0 : i32
      %dma_wait3A_145 = tpu.memref_slice %arg4[%dma_wait3A_143, %dma_wait3A_144] : memref<5120x64xi32, #tpu.memory_space<hbm>> -> memref<16x64xi32, #tpu.memory_space<hbm>>
      tpu.wait_dma2 semaphore(%dma_wait3A_138 : memref<!tpu.dma_semaphore, #tpu.memory_space<semaphore_mem>>) src(%dma_wait3A_145 : memref<16x64xi32, #tpu.memory_space<hbm>>) dst(%dma_wait3A_142 : memref<16x64xf32, #tpu.memory_space<vmem>>)
      %div3A = arith.constant 0 : i32
      %div3A_146 = arith.constant 16 : i32
      %div3A_147 = arith.divsi %div3A, %div3A_146 : i32
      %rem3A_148 = arith.constant 2 : i32
      %rem3A_149 = arith.remsi %div3A_147, %rem3A_148 : i32
      %rem3A_150 = arith.constant 0 : i32
      %rem3A_151 = arith.constant 16 : i32
      %rem3A_152 = arith.remsi %rem3A_150, %rem3A_151 : i32
      %dma_start3A_153 = arith.constant 0 : i32
      %dma_start3A_154 = arith.constant 0 : i32
      %dma_start3A_155 = arith.constant 0 : i32
      %dma_start3A_156 = arith.constant 0 : i32
      %dma_start3A_157 = tpu.memref_slice %arg14[%dma_start3A_153, %dma_start3A_155, %dma_start3A_156] : memref<8x64x64xf32, #tpu.memory_space<vmem>> -> memref<1x64x64xf32, #tpu.memory_space<vmem>>
      %dma_start3A_158 = tpu.memref_squeeze %dma_start3A_157 : memref<1x64x64xf32, #tpu.memory_space<vmem>> -> memref<64x64xf32, #tpu.memory_space<vmem>>
      %dma_start3A_159 = arith.constant 0 : i32
      %dma_start3A_160 = tpu.memref_slice %arg11[%rem3A_149, %rem3A_152, %dma_start3A_159] : memref<2x16x64xi32, #tpu.memory_space<vmem>> -> memref<1x1x64xi32, #tpu.memory_space<vmem>>
      %dma_start3A_161 = tpu.memref_squeeze %dma_start3A_160 : memref<1x1x64xi32, #tpu.memory_space<vmem>> -> memref<64xi32, #tpu.memory_space<vmem>>
      %dma_start3A_162 = arith.constant 0 : i32
      %dma_start3A_163 = arith.constant 0 : i32
      %dma_start3A_164 = tpu.memref_slice %arg2[%dma_start3A_162, %dma_start3A_163] : memref<10000x64xf32, #tpu.memory_space<hbm>> -> memref<10000x64xf32, #tpu.memory_space<hbm>>
      %dma_start3A_165 = tpu.memref_slice %arg16[%dma_start3A_154] : memref<8x!tpu.dma_semaphore, #tpu.memory_space<semaphore_mem>> -> memref<1x!tpu.dma_semaphore, #tpu.memory_space<semaphore_mem>>
      %dma_start3A_166 = tpu.memref_squeeze %dma_start3A_165 : memref<1x!tpu.dma_semaphore, #tpu.memory_space<semaphore_mem>> -> memref<!tpu.dma_semaphore, #tpu.memory_space<semaphore_mem>>
      tpu.enqueue_indirect_dma source(%dma_start3A_164 : memref<10000x64xf32, #tpu.memory_space<hbm>>) target(%dma_start3A_158 : memref<64x64xf32, #tpu.memory_space<vmem>>) offsets(%dma_start3A_161 : memref<64xi32, #tpu.memory_space<vmem>>) semaphore(%dma_start3A_166 : memref<!tpu.dma_semaphore, #tpu.memory_space<semaphore_mem>>)
      %div3A_167 = arith.constant 1 : i32
      %div3A_168 = arith.constant 16 : i32
      %div3A_169 = arith.divsi %div3A_167, %div3A_168 : i32
      %rem3A_170 = arith.constant 2 : i32
      %rem3A_171 = arith.remsi %div3A_169, %rem3A_170 : i32
      %rem3A_172 = arith.constant 1 : i32
      %rem3A_173 = arith.constant 16 : i32
      %rem3A_174 = arith.remsi %rem3A_172, %rem3A_173 : i32
      %dma_start3A_175 = arith.constant 1 : i32
      %dma_start3A_176 = arith.constant 1 : i32
      %dma_start3A_177 = arith.constant 0 : i32
      %dma_start3A_178 = arith.constant 0 : i32
      %dma_start3A_179 = tpu.memref_slice %arg14[%dma_start3A_175, %dma_start3A_177, %dma_start3A_178] : memref<8x64x64xf32, #tpu.memory_space<vmem>> -> memref<1x64x64xf32, #tpu.memory_space<vmem>>
      %dma_start3A_180 = tpu.memref_squeeze %dma_start3A_179 : memref<1x64x64xf32, #tpu.memory_space<vmem>> -> memref<64x64xf32, #tpu.memory_space<vmem>>
      %dma_start3A_181 = arith.constant 0 : i32
      %dma_start3A_182 = tpu.memref_slice %arg11[%rem3A_171, %rem3A_174, %dma_start3A_181] : memref<2x16x64xi32, #tpu.memory_space<vmem>> -> memref<1x1x64xi32, #tpu.memory_space<vmem>>
      %dma_start3A_183 = tpu.memref_squeeze %dma_start3A_182 : memref<1x1x64xi32, #tpu.memory_space<vmem>> -> memref<64xi32, #tpu.memory_space<vmem>>
      %dma_start3A_184 = arith.constant 0 : i32
      %dma_start3A_185 = arith.constant 0 : i32
      %dma_start3A_186 = tpu.memref_slice %arg2[%dma_start3A_184, %dma_start3A_185] : memref<10000x64xf32, #tpu.memory_space<hbm>> -> memref<10000x64xf32, #tpu.memory_space<hbm>>
      %dma_start3A_187 = tpu.memref_slice %arg16[%dma_start3A_176] : memref<8x!tpu.dma_semaphore, #tpu.memory_space<semaphore_mem>> -> memref<1x!tpu.dma_semaphore, #tpu.memory_space<semaphore_mem>>
      %dma_start3A_188 = tpu.memref_squeeze %dma_start3A_187 : memref<1x!tpu.dma_semaphore, #tpu.memory_space<semaphore_mem>> -> memref<!tpu.dma_semaphore, #tpu.memory_space<semaphore_mem>>
      tpu.enqueue_indirect_dma source(%dma_start3A_186 : memref<10000x64xf32, #tpu.memory_space<hbm>>) target(%dma_start3A_180 : memref<64x64xf32, #tpu.memory_space<vmem>>) offsets(%dma_start3A_183 : memref<64xi32, #tpu.memory_space<vmem>>) semaphore(%dma_start3A_188 : memref<!tpu.dma_semaphore, #tpu.memory_space<semaphore_mem>>)
      %div3A_189 = arith.constant 2 : i32
      %div3A_190 = arith.constant 16 : i32
      %div3A_191 = arith.divsi %div3A_189, %div3A_190 : i32
      %rem3A_192 = arith.constant 2 : i32
      %rem3A_193 = arith.remsi %div3A_191, %rem3A_192 : i32
      %rem3A_194 = arith.constant 2 : i32
      %rem3A_195 = arith.constant 16 : i32
      %rem3A_196 = arith.remsi %rem3A_194, %rem3A_195 : i32
      %dma_start3A_197 = arith.constant 2 : i32
      %dma_start3A_198 = arith.constant 2 : i32
      %dma_start3A_199 = arith.constant 0 : i32
      %dma_start3A_200 = arith.constant 0 : i32
      %dma_start3A_201 = tpu.memref_slice %arg14[%dma_start3A_197, %dma_start3A_199, %dma_start3A_200] : memref<8x64x64xf32, #tpu.memory_space<vmem>> -> memref<1x64x64xf32, #tpu.memory_space<vmem>>
      %dma_start3A_202 = tpu.memref_squeeze %dma_start3A_201 : memref<1x64x64xf32, #tpu.memory_space<vmem>> -> memref<64x64xf32, #tpu.memory_space<vmem>>
      %dma_start3A_203 = arith.constant 0 : i32
      %dma_start3A_204 = tpu.memref_slice %arg11[%rem3A_193, %rem3A_196, %dma_start3A_203] : memref<2x16x64xi32, #tpu.memory_space<vmem>> -> memref<1x1x64xi32, #tpu.memory_space<vmem>>
      %dma_start3A_205 = tpu.memref_squeeze %dma_start3A_204 : memref<1x1x64xi32, #tpu.memory_space<vmem>> -> memref<64xi32, #tpu.memory_space<vmem>>
      %dma_start3A_206 = arith.constant 0 : i32
      %dma_start3A_207 = arith.constant 0 : i32
      %dma_start3A_208 = tpu.memref_slice %arg2[%dma_start3A_206, %dma_start3A_207] : memref<10000x64xf32, #tpu.memory_space<hbm>> -> memref<10000x64xf32, #tpu.memory_space<hbm>>
      %dma_start3A_209 = tpu.memref_slice %arg16[%dma_start3A_198] : memref<8x!tpu.dma_semaphore, #tpu.memory_space<semaphore_mem>> -> memref<1x!tpu.dma_semaphore, #tpu.memory_space<semaphore_mem>>
      %dma_start3A_210 = tpu.memref_squeeze %dma_start3A_209 : memref<1x!tpu.dma_semaphore, #tpu.memory_space<semaphore_mem>> -> memref<!tpu.dma_semaphore, #tpu.memory_space<semaphore_mem>>
      tpu.enqueue_indirect_dma source(%dma_start3A_208 : memref<10000x64xf32, #tpu.memory_space<hbm>>) target(%dma_start3A_202 : memref<64x64xf32, #tpu.memory_space<vmem>>) offsets(%dma_start3A_205 : memref<64xi32, #tpu.memory_space<vmem>>) semaphore(%dma_start3A_210 : memref<!tpu.dma_semaphore, #tpu.memory_space<semaphore_mem>>)
      %div3A_211 = arith.constant 3 : i32
      %div3A_212 = arith.constant 16 : i32
      %div3A_213 = arith.divsi %div3A_211, %div3A_212 : i32
      %rem3A_214 = arith.constant 2 : i32
      %rem3A_215 = arith.remsi %div3A_213, %rem3A_214 : i32
      %rem3A_216 = arith.constant 3 : i32
      %rem3A_217 = arith.constant 16 : i32
      %rem3A_218 = arith.remsi %rem3A_216, %rem3A_217 : i32
      %dma_start3A_219 = arith.constant 3 : i32
      %dma_start3A_220 = arith.constant 3 : i32
      %dma_start3A_221 = arith.constant 0 : i32
      %dma_start3A_222 = arith.constant 0 : i32
      %dma_start3A_223 = tpu.memref_slice %arg14[%dma_start3A_219, %dma_start3A_221, %dma_start3A_222] : memref<8x64x64xf32, #tpu.memory_space<vmem>> -> memref<1x64x64xf32, #tpu.memory_space<vmem>>
      %dma_start3A_224 = tpu.memref_squeeze %dma_start3A_223 : memref<1x64x64xf32, #tpu.memory_space<vmem>> -> memref<64x64xf32, #tpu.memory_space<vmem>>
      %dma_start3A_225 = arith.constant 0 : i32
      %dma_start3A_226 = tpu.memref_slice %arg11[%rem3A_215, %rem3A_218, %dma_start3A_225] : memref<2x16x64xi32, #tpu.memory_space<vmem>> -> memref<1x1x64xi32, #tpu.memory_space<vmem>>
      %dma_start3A_227 = tpu.memref_squeeze %dma_start3A_226 : memref<1x1x64xi32, #tpu.memory_space<vmem>> -> memref<64xi32, #tpu.memory_space<vmem>>
      %dma_start3A_228 = arith.constant 0 : i32
      %dma_start3A_229 = arith.constant 0 : i32
      %dma_start3A_230 = tpu.memref_slice %arg2[%dma_start3A_228, %dma_start3A_229] : memref<10000x64xf32, #tpu.memory_space<hbm>> -> memref<10000x64xf32, #tpu.memory_space<hbm>>
      %dma_start3A_231 = tpu.memref_slice %arg16[%dma_start3A_220] : memref<8x!tpu.dma_semaphore, #tpu.memory_space<semaphore_mem>> -> memref<1x!tpu.dma_semaphore, #tpu.memory_space<semaphore_mem>>
      %dma_start3A_232 = tpu.memref_squeeze %dma_start3A_231 : memref<1x!tpu.dma_semaphore, #tpu.memory_space<semaphore_mem>> -> memref<!tpu.dma_semaphore, #tpu.memory_space<semaphore_mem>>
      tpu.enqueue_indirect_dma source(%dma_start3A_230 : memref<10000x64xf32, #tpu.memory_space<hbm>>) target(%dma_start3A_224 : memref<64x64xf32, #tpu.memory_space<vmem>>) offsets(%dma_start3A_227 : memref<64xi32, #tpu.memory_space<vmem>>) semaphore(%dma_start3A_232 : memref<!tpu.dma_semaphore, #tpu.memory_space<semaphore_mem>>)
      %div3A_233 = arith.constant 4 : i32
      %div3A_234 = arith.constant 16 : i32
      %div3A_235 = arith.divsi %div3A_233, %div3A_234 : i32
      %rem3A_236 = arith.constant 2 : i32
      %rem3A_237 = arith.remsi %div3A_235, %rem3A_236 : i32
      %rem3A_238 = arith.constant 4 : i32
      %rem3A_239 = arith.constant 16 : i32
      %rem3A_240 = arith.remsi %rem3A_238, %rem3A_239 : i32
      %dma_start3A_241 = arith.constant 4 : i32
      %dma_start3A_242 = arith.constant 4 : i32
      %dma_start3A_243 = arith.constant 0 : i32
      %dma_start3A_244 = arith.constant 0 : i32
      %dma_start3A_245 = tpu.memref_slice %arg14[%dma_start3A_241, %dma_start3A_243, %dma_start3A_244] : memref<8x64x64xf32, #tpu.memory_space<vmem>> -> memref<1x64x64xf32, #tpu.memory_space<vmem>>
      %dma_start3A_246 = tpu.memref_squeeze %dma_start3A_245 : memref<1x64x64xf32, #tpu.memory_space<vmem>> -> memref<64x64xf32, #tpu.memory_space<vmem>>
      %dma_start3A_247 = arith.constant 0 : i32
      %dma_start3A_248 = tpu.memref_slice %arg11[%rem3A_237, %rem3A_240, %dma_start3A_247] : memref<2x16x64xi32, #tpu.memory_space<vmem>> -> memref<1x1x64xi32, #tpu.memory_space<vmem>>
      %dma_start3A_249 = tpu.memref_squeeze %dma_start3A_248 : memref<1x1x64xi32, #tpu.memory_space<vmem>> -> memref<64xi32, #tpu.memory_space<vmem>>
      %dma_start3A_250 = arith.constant 0 : i32
      %dma_start3A_251 = arith.constant 0 : i32
      %dma_start3A_252 = tpu.memref_slice %arg2[%dma_start3A_250, %dma_start3A_251] : memref<10000x64xf32, #tpu.memory_space<hbm>> -> memref<10000x64xf32, #tpu.memory_space<hbm>>
      %dma_start3A_253 = tpu.memref_slice %arg16[%dma_start3A_242] : memref<8x!tpu.dma_semaphore, #tpu.memory_space<semaphore_mem>> -> memref<1x!tpu.dma_semaphore, #tpu.memory_space<semaphore_mem>>
      %dma_start3A_254 = tpu.memref_squeeze %dma_start3A_253 : memref<1x!tpu.dma_semaphore, #tpu.memory_space<semaphore_mem>> -> memref<!tpu.dma_semaphore, #tpu.memory_space<semaphore_mem>>
      tpu.enqueue_indirect_dma source(%dma_start3A_252 : memref<10000x64xf32, #tpu.memory_space<hbm>>) target(%dma_start3A_246 : memref<64x64xf32, #tpu.memory_space<vmem>>) offsets(%dma_start3A_249 : memref<64xi32, #tpu.memory_space<vmem>>) semaphore(%dma_start3A_254 : memref<!tpu.dma_semaphore, #tpu.memory_space<semaphore_mem>>)
      %div3A_255 = arith.constant 5 : i32
      %div3A_256 = arith.constant 16 : i32
      %div3A_257 = arith.divsi %div3A_255, %div3A_256 : i32
      %rem3A_258 = arith.constant 2 : i32
      %rem3A_259 = arith.remsi %div3A_257, %rem3A_258 : i32
      %rem3A_260 = arith.constant 5 : i32
      %rem3A_261 = arith.constant 16 : i32
      %rem3A_262 = arith.remsi %rem3A_260, %rem3A_261 : i32
      %dma_start3A_263 = arith.constant 5 : i32
      %dma_start3A_264 = arith.constant 5 : i32
      %dma_start3A_265 = arith.constant 0 : i32
      %dma_start3A_266 = arith.constant 0 : i32
      %dma_start3A_267 = tpu.memref_slice %arg14[%dma_start3A_263, %dma_start3A_265, %dma_start3A_266] : memref<8x64x64xf32, #tpu.memory_space<vmem>> -> memref<1x64x64xf32, #tpu.memory_space<vmem>>
      %dma_start3A_268 = tpu.memref_squeeze %dma_start3A_267 : memref<1x64x64xf32, #tpu.memory_space<vmem>> -> memref<64x64xf32, #tpu.memory_space<vmem>>
      %dma_start3A_269 = arith.constant 0 : i32
      %dma_start3A_270 = tpu.memref_slice %arg11[%rem3A_259, %rem3A_262, %dma_start3A_269] : memref<2x16x64xi32, #tpu.memory_space<vmem>> -> memref<1x1x64xi32, #tpu.memory_space<vmem>>
      %dma_start3A_271 = tpu.memref_squeeze %dma_start3A_270 : memref<1x1x64xi32, #tpu.memory_space<vmem>> -> memref<64xi32, #tpu.memory_space<vmem>>
      %dma_start3A_272 = arith.constant 0 : i32
      %dma_start3A_273 = arith.constant 0 : i32
      %dma_start3A_274 = tpu.memref_slice %arg2[%dma_start3A_272, %dma_start3A_273] : memref<10000x64xf32, #tpu.memory_space<hbm>> -> memref<10000x64xf32, #tpu.memory_space<hbm>>
      %dma_start3A_275 = tpu.memref_slice %arg16[%dma_start3A_264] : memref<8x!tpu.dma_semaphore, #tpu.memory_space<semaphore_mem>> -> memref<1x!tpu.dma_semaphore, #tpu.memory_space<semaphore_mem>>
      %dma_start3A_276 = tpu.memref_squeeze %dma_start3A_275 : memref<1x!tpu.dma_semaphore, #tpu.memory_space<semaphore_mem>> -> memref<!tpu.dma_semaphore, #tpu.memory_space<semaphore_mem>>
      tpu.enqueue_indirect_dma source(%dma_start3A_274 : memref<10000x64xf32, #tpu.memory_space<hbm>>) target(%dma_start3A_268 : memref<64x64xf32, #tpu.memory_space<vmem>>) offsets(%dma_start3A_271 : memref<64xi32, #tpu.memory_space<vmem>>) semaphore(%dma_start3A_276 : memref<!tpu.dma_semaphore, #tpu.memory_space<semaphore_mem>>)
      %scan3A_277 = arith.constant 0 : i32
      %scan3A_278 = arith.constant 0 : i32
      %scan3A_279 = arith.constant 320 : i32
      %scan3A_280 = arith.addi %scan3A_278, %scan3A_279 : i32
      %scan3A_281 = arith.constant 1 : i32
      %scan3A_282 = scf.for %scan3A_316 = %scan3A_278 to %scan3A_280 step %scan3A_281 iter_args(%scan3A_317 = %scan3A_277) -> (i32)  : i32 {
        %rem3A_318 = arith.constant 16 : i32
        %rem3A_319 = arith.remsi %scan3A_316, %rem3A_318 : i32
        %div3A_320 = arith.constant 16 : i32
        %div3A_321 = arith.divsi %scan3A_316, %div3A_320 : i32
        %add3A_322 = arith.constant 6 : i32
        %add3A_323 = arith.addi %scan3A_316, %add3A_322 : i32
        %rem3A_324 = arith.constant 8 : i32
        %rem3A_325 = arith.remsi %add3A_323, %rem3A_324 : i32
        %rem3A_326 = arith.constant 8 : i32
        %rem3A_327 = arith.remsi %scan3A_316, %rem3A_326 : i32
        %eq3A_328 = arith.constant 2 : i32
        %eq3A_329 = arith.cmpi eq, %rem3A_319, %eq3A_328 : i32
        %sub3A = arith.constant 2 : i32
        %sub3A_330 = arith.subi %scan3A_316, %sub3A : i32
        %add3A_331 = arith.constant 16 : i32
        %add3A_332 = arith.addi %sub3A_330, %add3A_331 : i32
        %lt3A_333 = arith.constant 320 : i32
        %lt3A_334 = arith.cmpi slt, %add3A_332, %lt3A_333 : i32
        %and3A = arith.andi %eq3A_329, %lt3A_334 : i1
        %convert_element_type3A_335 = arith.extui %and3A : i1 to i32
        %cond3A_336 = arith.constant 0 : i32
        %cond3A_337 = arith.cmpi ne, %convert_element_type3A_335, %cond3A_336 : i32
        scf.if %cond3A_337 {
          %add3A_400 = arith.constant 1 : i32
          %add3A_401 = arith.addi %div3A_321, %add3A_400 : i32
          %rem3A_402 = arith.constant 2 : i32
          %rem3A_403 = arith.remsi %add3A_401, %rem3A_402 : i32
          %mul3A_404 = arith.constant 16 : i32
          %mul3A_405 = arith.muli %add3A_401, %mul3A_404 : i32
          %add3A_406 = arith.addi %mul3A_50, %mul3A_405 : i32
          %multiple_of3A_407 = tpu.assume_multiple %add3A_406, 8 : i32
          %dma_start3A_408 = arith.constant 0 : i32
          %dma_start3A_409 = arith.constant 0 : i32
          %dma_start3A_410 = tpu.memref_slice %arg11[%rem3A_403, %dma_start3A_408, %dma_start3A_409] : memref<2x16x64xi32, #tpu.memory_space<vmem>> -> memref<1x16x64xi32, #tpu.memory_space<vmem>>
          %dma_start3A_411 = tpu.memref_squeeze %dma_start3A_410 : memref<1x16x64xi32, #tpu.memory_space<vmem>> -> memref<16x64xi32, #tpu.memory_space<vmem>>
          %dma_start3A_412 = arith.constant 0 : i32
          %dma_start3A_413 = tpu.memref_slice %arg4[%multiple_of3A_407, %dma_start3A_412] : memref<5120x64xi32, #tpu.memory_space<hbm>> -> memref<16x64xi32, #tpu.memory_space<hbm>>
          %dma_start3A_414 = tpu.memref_slice %arg18[%rem3A_403] : memref<2x!tpu.dma_semaphore, #tpu.memory_space<semaphore_mem>> -> memref<1x!tpu.dma_semaphore, #tpu.memory_space<semaphore_mem>>
          %dma_start3A_415 = tpu.memref_squeeze %dma_start3A_414 : memref<1x!tpu.dma_semaphore, #tpu.memory_space<semaphore_mem>> -> memref<!tpu.dma_semaphore, #tpu.memory_space<semaphore_mem>>
          %dma_start3A_416 = arith.constant 0 : i32
          %dma_start3A_417 = arith.constant 0 : i32
          %dma_start3A_418 = tpu.memref_slice %arg11[%rem3A_403, %dma_start3A_416, %dma_start3A_417] : memref<2x16x64xi32, #tpu.memory_space<vmem>> -> memref<1x16x64xi32, #tpu.memory_space<vmem>>
          %dma_start3A_419 = tpu.memref_squeeze %dma_start3A_418 : memref<1x16x64xi32, #tpu.memory_space<vmem>> -> memref<16x64xi32, #tpu.memory_space<vmem>>
          %dma_start3A_420 = arith.constant 0 : i32
          %dma_start3A_421 = tpu.memref_slice %arg4[%multiple_of3A_407, %dma_start3A_420] : memref<5120x64xi32, #tpu.memory_space<hbm>> -> memref<16x64xi32, #tpu.memory_space<hbm>>
          tpu.enqueue_dma source(%dma_start3A_421 : memref<16x64xi32, #tpu.memory_space<hbm>>) target(%dma_start3A_419 : memref<16x64xi32, #tpu.memory_space<vmem>>) target_semaphore(%dma_start3A_415 : memref<!tpu.dma_semaphore, #tpu.memory_space<semaphore_mem>>)
          %dma_start3A_422 = arith.constant 0 : i32
          %dma_start3A_423 = arith.constant 0 : i32
          %dma_start3A_424 = tpu.memref_slice %arg12[%rem3A_403, %dma_start3A_422, %dma_start3A_423] : memref<2x16x64xi32, #tpu.memory_space<vmem>> -> memref<1x16x64xi32, #tpu.memory_space<vmem>>
          %dma_start3A_425 = tpu.memref_squeeze %dma_start3A_424 : memref<1x16x64xi32, #tpu.memory_space<vmem>> -> memref<16x64xi32, #tpu.memory_space<vmem>>
          %dma_start3A_426 = arith.constant 0 : i32
          %dma_start3A_427 = tpu.memref_slice %arg5[%multiple_of3A_407, %dma_start3A_426] : memref<5120x64xi32, #tpu.memory_space<hbm>> -> memref<16x64xi32, #tpu.memory_space<hbm>>
          %dma_start3A_428 = tpu.memref_slice %arg18[%rem3A_403] : memref<2x!tpu.dma_semaphore, #tpu.memory_space<semaphore_mem>> -> memref<1x!tpu.dma_semaphore, #tpu.memory_space<semaphore_mem>>
          %dma_start3A_429 = tpu.memref_squeeze %dma_start3A_428 : memref<1x!tpu.dma_semaphore, #tpu.memory_space<semaphore_mem>> -> memref<!tpu.dma_semaphore, #tpu.memory_space<semaphore_mem>>
          %dma_start3A_430 = arith.constant 0 : i32
          %dma_start3A_431 = arith.constant 0 : i32
          %dma_start3A_432 = tpu.memref_slice %arg12[%rem3A_403, %dma_start3A_430, %dma_start3A_431] : memref<2x16x64xi32, #tpu.memory_space<vmem>> -> memref<1x16x64xi32, #tpu.memory_space<vmem>>
          %dma_start3A_433 = tpu.memref_squeeze %dma_start3A_432 : memref<1x16x64xi32, #tpu.memory_space<vmem>> -> memref<16x64xi32, #tpu.memory_space<vmem>>
          %dma_start3A_434 = arith.constant 0 : i32
          %dma_start3A_435 = tpu.memref_slice %arg5[%multiple_of3A_407, %dma_start3A_434] : memref<5120x64xi32, #tpu.memory_space<hbm>> -> memref<16x64xi32, #tpu.memory_space<hbm>>
          tpu.enqueue_dma source(%dma_start3A_435 : memref<16x64xi32, #tpu.memory_space<hbm>>) target(%dma_start3A_433 : memref<16x64xi32, #tpu.memory_space<vmem>>) target_semaphore(%dma_start3A_429 : memref<!tpu.dma_semaphore, #tpu.memory_space<semaphore_mem>>)
          %dma_start3A_436 = arith.constant 0 : i32
          %dma_start3A_437 = arith.constant 0 : i32
          %dma_start3A_438 = tpu.memref_slice %arg13[%rem3A_403, %dma_start3A_436, %dma_start3A_437] : memref<2x16x64xf32, #tpu.memory_space<vmem>> -> memref<1x16x64xf32, #tpu.memory_space<vmem>>
          %dma_start3A_439 = tpu.memref_squeeze %dma_start3A_438 : memref<1x16x64xf32, #tpu.memory_space<vmem>> -> memref<16x64xf32, #tpu.memory_space<vmem>>
          %dma_start3A_440 = arith.constant 0 : i32
          %dma_start3A_441 = tpu.memref_slice %arg6[%multiple_of3A_407, %dma_start3A_440] : memref<5120x64xf32, #tpu.memory_space<hbm>> -> memref<16x64xf32, #tpu.memory_space<hbm>>
          %dma_start3A_442 = tpu.memref_slice %arg18[%rem3A_403] : memref<2x!tpu.dma_semaphore, #tpu.memory_space<semaphore_mem>> -> memref<1x!tpu.dma_semaphore, #tpu.memory_space<semaphore_mem>>
          %dma_start3A_443 = tpu.memref_squeeze %dma_start3A_442 : memref<1x!tpu.dma_semaphore, #tpu.memory_space<semaphore_mem>> -> memref<!tpu.dma_semaphore, #tpu.memory_space<semaphore_mem>>
          %dma_start3A_444 = arith.constant 0 : i32
          %dma_start3A_445 = arith.constant 0 : i32
          %dma_start3A_446 = tpu.memref_slice %arg13[%rem3A_403, %dma_start3A_444, %dma_start3A_445] : memref<2x16x64xf32, #tpu.memory_space<vmem>> -> memref<1x16x64xf32, #tpu.memory_space<vmem>>
          %dma_start3A_447 = tpu.memref_squeeze %dma_start3A_446 : memref<1x16x64xf32, #tpu.memory_space<vmem>> -> memref<16x64xf32, #tpu.memory_space<vmem>>
          %dma_start3A_448 = arith.constant 0 : i32
          %dma_start3A_449 = tpu.memref_slice %arg6[%multiple_of3A_407, %dma_start3A_448] : memref<5120x64xf32, #tpu.memory_space<hbm>> -> memref<16x64xf32, #tpu.memory_space<hbm>>
          tpu.enqueue_dma source(%dma_start3A_449 : memref<16x64xf32, #tpu.memory_space<hbm>>) target(%dma_start3A_447 : memref<16x64xf32, #tpu.memory_space<vmem>>) target_semaphore(%dma_start3A_443 : memref<!tpu.dma_semaphore, #tpu.memory_space<semaphore_mem>>)
        } else {
        }
        %eq3A_338 = arith.constant 10 : i32
        %eq3A_339 = arith.cmpi eq, %rem3A_319, %eq3A_338 : i32
        %add3A_340 = arith.constant 6 : i32
        %add3A_341 = arith.addi %scan3A_316, %add3A_340 : i32
        %lt3A_342 = arith.constant 320 : i32
        %lt3A_343 = arith.cmpi slt, %add3A_341, %lt3A_342 : i32
        %and3A_344 = arith.andi %eq3A_339, %lt3A_343 : i1
        %convert_element_type3A_345 = arith.extui %and3A_344 : i1 to i32
        %cond3A_346 = arith.constant 0 : i32
        %cond3A_347 = arith.cmpi ne, %convert_element_type3A_345, %cond3A_346 : i32
        scf.if %cond3A_347 {
          %add3A_400 = arith.constant 1 : i32
          %add3A_401 = arith.addi %div3A_321, %add3A_400 : i32
          %rem3A_402 = arith.constant 2 : i32
          %rem3A_403 = arith.remsi %add3A_401, %rem3A_402 : i32
          %dma_wait3A_404 = arith.constant 0 : i32
          %dma_wait3A_405 = arith.constant 0 : i32
          %dma_wait3A_406 = tpu.memref_slice %arg11[%rem3A_403, %dma_wait3A_404, %dma_wait3A_405] : memref<2x16x64xi32, #tpu.memory_space<vmem>> -> memref<1x16x64xi32, #tpu.memory_space<vmem>>
          %dma_wait3A_407 = tpu.memref_squeeze %dma_wait3A_406 : memref<1x16x64xi32, #tpu.memory_space<vmem>> -> memref<16x64xi32, #tpu.memory_space<vmem>>
          %dma_wait3A_408 = arith.constant 0 : i32
          %dma_wait3A_409 = arith.constant 0 : i32
          %dma_wait3A_410 = tpu.memref_slice %arg4[%dma_wait3A_408, %dma_wait3A_409] : memref<5120x64xi32, #tpu.memory_space<hbm>> -> memref<16x64xi32, #tpu.memory_space<hbm>>
          %dma_wait3A_411 = tpu.memref_slice %arg18[%rem3A_403] : memref<2x!tpu.dma_semaphore, #tpu.memory_space<semaphore_mem>> -> memref<1x!tpu.dma_semaphore, #tpu.memory_space<semaphore_mem>>
          %dma_wait3A_412 = tpu.memref_squeeze %dma_wait3A_411 : memref<1x!tpu.dma_semaphore, #tpu.memory_space<semaphore_mem>> -> memref<!tpu.dma_semaphore, #tpu.memory_space<semaphore_mem>>
          %dma_wait3A_413 = arith.constant 0 : i32
          %dma_wait3A_414 = arith.constant 0 : i32
          %dma_wait3A_415 = tpu.memref_slice %arg11[%rem3A_403, %dma_wait3A_413, %dma_wait3A_414] : memref<2x16x64xi32, #tpu.memory_space<vmem>> -> memref<1x16x64xi32, #tpu.memory_space<vmem>>
          %dma_wait3A_416 = tpu.memref_squeeze %dma_wait3A_415 : memref<1x16x64xi32, #tpu.memory_space<vmem>> -> memref<16x64xi32, #tpu.memory_space<vmem>>
          %dma_wait3A_417 = arith.constant 0 : i32
          %dma_wait3A_418 = arith.constant 0 : i32
          %dma_wait3A_419 = tpu.memref_slice %arg4[%dma_wait3A_417, %dma_wait3A_418] : memref<5120x64xi32, #tpu.memory_space<hbm>> -> memref<16x64xi32, #tpu.memory_space<hbm>>
          tpu.wait_dma2 semaphore(%dma_wait3A_412 : memref<!tpu.dma_semaphore, #tpu.memory_space<semaphore_mem>>) src(%dma_wait3A_419 : memref<16x64xi32, #tpu.memory_space<hbm>>) dst(%dma_wait3A_416 : memref<16x64xi32, #tpu.memory_space<vmem>>)
          %dma_wait3A_420 = arith.constant 0 : i32
          %dma_wait3A_421 = arith.constant 0 : i32
          %dma_wait3A_422 = tpu.memref_slice %arg12[%rem3A_403, %dma_wait3A_420, %dma_wait3A_421] : memref<2x16x64xi32, #tpu.memory_space<vmem>> -> memref<1x16x64xi32, #tpu.memory_space<vmem>>
          %dma_wait3A_423 = tpu.memref_squeeze %dma_wait3A_422 : memref<1x16x64xi32, #tpu.memory_space<vmem>> -> memref<16x64xi32, #tpu.memory_space<vmem>>
          %dma_wait3A_424 = arith.constant 0 : i32
          %dma_wait3A_425 = arith.constant 0 : i32
          %dma_wait3A_426 = tpu.memref_slice %arg4[%dma_wait3A_424, %dma_wait3A_425] : memref<5120x64xi32, #tpu.memory_space<hbm>> -> memref<16x64xi32, #tpu.memory_space<hbm>>
          %dma_wait3A_427 = tpu.memref_slice %arg18[%rem3A_403] : memref<2x!tpu.dma_semaphore, #tpu.memory_space<semaphore_mem>> -> memref<1x!tpu.dma_semaphore, #tpu.memory_space<semaphore_mem>>
          %dma_wait3A_428 = tpu.memref_squeeze %dma_wait3A_427 : memref<1x!tpu.dma_semaphore, #tpu.memory_space<semaphore_mem>> -> memref<!tpu.dma_semaphore, #tpu.memory_space<semaphore_mem>>
          %dma_wait3A_429 = arith.constant 0 : i32
          %dma_wait3A_430 = arith.constant 0 : i32
          %dma_wait3A_431 = tpu.memref_slice %arg12[%rem3A_403, %dma_wait3A_429, %dma_wait3A_430] : memref<2x16x64xi32, #tpu.memory_space<vmem>> -> memref<1x16x64xi32, #tpu.memory_space<vmem>>
          %dma_wait3A_432 = tpu.memref_squeeze %dma_wait3A_431 : memref<1x16x64xi32, #tpu.memory_space<vmem>> -> memref<16x64xi32, #tpu.memory_space<vmem>>
          %dma_wait3A_433 = arith.constant 0 : i32
          %dma_wait3A_434 = arith.constant 0 : i32
          %dma_wait3A_435 = tpu.memref_slice %arg4[%dma_wait3A_433, %dma_wait3A_434] : memref<5120x64xi32, #tpu.memory_space<hbm>> -> memref<16x64xi32, #tpu.memory_space<hbm>>
          tpu.wait_dma2 semaphore(%dma_wait3A_428 : memref<!tpu.dma_semaphore, #tpu.memory_space<semaphore_mem>>) src(%dma_wait3A_435 : memref<16x64xi32, #tpu.memory_space<hbm>>) dst(%dma_wait3A_432 : memref<16x64xi32, #tpu.memory_space<vmem>>)
          %dma_wait3A_436 = arith.constant 0 : i32
          %dma_wait3A_437 = arith.constant 0 : i32
          %dma_wait3A_438 = tpu.memref_slice %arg13[%rem3A_403, %dma_wait3A_436, %dma_wait3A_437] : memref<2x16x64xf32, #tpu.memory_space<vmem>> -> memref<1x16x64xf32, #tpu.memory_space<vmem>>
          %dma_wait3A_439 = tpu.memref_squeeze %dma_wait3A_438 : memref<1x16x64xf32, #tpu.memory_space<vmem>> -> memref<16x64xf32, #tpu.memory_space<vmem>>
          %dma_wait3A_440 = arith.constant 0 : i32
          %dma_wait3A_441 = arith.constant 0 : i32
          %dma_wait3A_442 = tpu.memref_slice %arg4[%dma_wait3A_440, %dma_wait3A_441] : memref<5120x64xi32, #tpu.memory_space<hbm>> -> memref<16x64xi32, #tpu.memory_space<hbm>>
          %dma_wait3A_443 = tpu.memref_slice %arg18[%rem3A_403] : memref<2x!tpu.dma_semaphore, #tpu.memory_space<semaphore_mem>> -> memref<1x!tpu.dma_semaphore, #tpu.memory_space<semaphore_mem>>
          %dma_wait3A_444 = tpu.memref_squeeze %dma_wait3A_443 : memref<1x!tpu.dma_semaphore, #tpu.memory_space<semaphore_mem>> -> memref<!tpu.dma_semaphore, #tpu.memory_space<semaphore_mem>>
          %dma_wait3A_445 = arith.constant 0 : i32
          %dma_wait3A_446 = arith.constant 0 : i32
          %dma_wait3A_447 = tpu.memref_slice %arg13[%rem3A_403, %dma_wait3A_445, %dma_wait3A_446] : memref<2x16x64xf32, #tpu.memory_space<vmem>> -> memref<1x16x64xf32, #tpu.memory_space<vmem>>
          %dma_wait3A_448 = tpu.memref_squeeze %dma_wait3A_447 : memref<1x16x64xf32, #tpu.memory_space<vmem>> -> memref<16x64xf32, #tpu.memory_space<vmem>>
          %dma_wait3A_449 = arith.constant 0 : i32
          %dma_wait3A_450 = arith.constant 0 : i32
          %dma_wait3A_451 = tpu.memref_slice %arg4[%dma_wait3A_449, %dma_wait3A_450] : memref<5120x64xi32, #tpu.memory_space<hbm>> -> memref<16x64xi32, #tpu.memory_space<hbm>>
          tpu.wait_dma2 semaphore(%dma_wait3A_444 : memref<!tpu.dma_semaphore, #tpu.memory_space<semaphore_mem>>) src(%dma_wait3A_451 : memref<16x64xi32, #tpu.memory_space<hbm>>) dst(%dma_wait3A_448 : memref<16x64xf32, #tpu.memory_space<vmem>>)
        } else {
        }
        %ge3A = arith.constant 2 : i32
        %ge3A_348 = arith.cmpi sge, %scan3A_316, %ge3A : i32
        %convert_element_type3A_349 = arith.extui %ge3A_348 : i1 to i32
        %cond3A_350 = arith.constant 0 : i32
        %cond3A_351 = arith.cmpi ne, %convert_element_type3A_349, %cond3A_350 : i32
        scf.if %cond3A_351 {
          %div3A_400 = arith.constant 16 : i32
          %div3A_401 = arith.divsi %scan3A_316, %div3A_400 : i32
          %rem3A_402 = arith.constant 2 : i32
          %rem3A_403 = arith.remsi %div3A_401, %rem3A_402 : i32
          %rem3A_404 = arith.constant 16 : i32
          %rem3A_405 = arith.remsi %scan3A_316, %rem3A_404 : i32
          %dma_wait3A_406 = arith.constant 0 : i32
          %dma_wait3A_407 = arith.constant 0 : i32
          %dma_wait3A_408 = tpu.memref_slice %arg14[%rem3A_325, %dma_wait3A_406, %dma_wait3A_407] : memref<8x64x64xf32, #tpu.memory_space<vmem>> -> memref<1x64x64xf32, #tpu.memory_space<vmem>>
          %dma_wait3A_409 = tpu.memref_squeeze %dma_wait3A_408 : memref<1x64x64xf32, #tpu.memory_space<vmem>> -> memref<64x64xf32, #tpu.memory_space<vmem>>
          %dma_wait3A_410 = arith.constant 0 : i32
          %dma_wait3A_411 = tpu.memref_slice %arg12[%rem3A_403, %rem3A_405, %dma_wait3A_410] : memref<2x16x64xi32, #tpu.memory_space<vmem>> -> memref<1x1x64xi32, #tpu.memory_space<vmem>>
          %dma_wait3A_412 = tpu.memref_squeeze %dma_wait3A_411 : memref<1x1x64xi32, #tpu.memory_space<vmem>> -> memref<64xi32, #tpu.memory_space<vmem>>
          %dma_wait3A_413 = arith.constant 0 : i32
          %dma_wait3A_414 = arith.constant 0 : i32
          %dma_wait3A_415 = tpu.memref_slice %arg15[%dma_wait3A_413, %dma_wait3A_414] : memref<10000x64xf32, #tpu.memory_space<vmem_shared>> -> memref<10000x64xf32, #tpu.memory_space<vmem_shared>>
          %dma_wait3A_416 = tpu.memref_slice %arg17[%rem3A_325] : memref<8x!tpu.dma_semaphore, #tpu.memory_space<semaphore_mem>> -> memref<1x!tpu.dma_semaphore, #tpu.memory_space<semaphore_mem>>
          %dma_wait3A_417 = tpu.memref_squeeze %dma_wait3A_416 : memref<1x!tpu.dma_semaphore, #tpu.memory_space<semaphore_mem>> -> memref<!tpu.dma_semaphore, #tpu.memory_space<semaphore_mem>>
          tpu.wait_indirect_dma semaphore(%dma_wait3A_417 : memref<!tpu.dma_semaphore, #tpu.memory_space<semaphore_mem>>) src(%dma_wait3A_409 : memref<64x64xf32, #tpu.memory_space<vmem>>) dst(%dma_wait3A_415 : memref<10000x64xf32, #tpu.memory_space<vmem_shared>>)
        } else {
        }
        %add3A_352 = arith.constant 6 : i32
        %add3A_353 = arith.addi %scan3A_316, %add3A_352 : i32
        %lt3A_354 = arith.constant 320 : i32
        %lt3A_355 = arith.cmpi slt, %add3A_353, %lt3A_354 : i32
        %convert_element_type3A_356 = arith.extui %lt3A_355 : i1 to i32
        %cond3A_357 = arith.constant 0 : i32
        %cond3A_358 = arith.cmpi ne, %convert_element_type3A_356, %cond3A_357 : i32
        scf.if %cond3A_358 {
          %add3A_400 = arith.constant 6 : i32
          %add3A_401 = arith.addi %scan3A_316, %add3A_400 : i32
          %div3A_402 = arith.constant 16 : i32
          %div3A_403 = arith.divsi %add3A_401, %div3A_402 : i32
          %rem3A_404 = arith.constant 2 : i32
          %rem3A_405 = arith.remsi %div3A_403, %rem3A_404 : i32
          %rem3A_406 = arith.constant 16 : i32
          %rem3A_407 = arith.remsi %add3A_401, %rem3A_406 : i32
          %dma_start3A_408 = arith.constant 0 : i32
          %dma_start3A_409 = arith.constant 0 : i32
          %dma_start3A_410 = tpu.memref_slice %arg14[%rem3A_325, %dma_start3A_408, %dma_start3A_409] : memref<8x64x64xf32, #tpu.memory_space<vmem>> -> memref<1x64x64xf32, #tpu.memory_space<vmem>>
          %dma_start3A_411 = tpu.memref_squeeze %dma_start3A_410 : memref<1x64x64xf32, #tpu.memory_space<vmem>> -> memref<64x64xf32, #tpu.memory_space<vmem>>
          %dma_start3A_412 = arith.constant 0 : i32
          %dma_start3A_413 = tpu.memref_slice %arg11[%rem3A_405, %rem3A_407, %dma_start3A_412] : memref<2x16x64xi32, #tpu.memory_space<vmem>> -> memref<1x1x64xi32, #tpu.memory_space<vmem>>
          %dma_start3A_414 = tpu.memref_squeeze %dma_start3A_413 : memref<1x1x64xi32, #tpu.memory_space<vmem>> -> memref<64xi32, #tpu.memory_space<vmem>>
          %dma_start3A_415 = arith.constant 0 : i32
          %dma_start3A_416 = arith.constant 0 : i32
          %dma_start3A_417 = tpu.memref_slice %arg2[%dma_start3A_415, %dma_start3A_416] : memref<10000x64xf32, #tpu.memory_space<hbm>> -> memref<10000x64xf32, #tpu.memory_space<hbm>>
          %dma_start3A_418 = tpu.memref_slice %arg16[%rem3A_325] : memref<8x!tpu.dma_semaphore, #tpu.memory_space<semaphore_mem>> -> memref<1x!tpu.dma_semaphore, #tpu.memory_space<semaphore_mem>>
          %dma_start3A_419 = tpu.memref_squeeze %dma_start3A_418 : memref<1x!tpu.dma_semaphore, #tpu.memory_space<semaphore_mem>> -> memref<!tpu.dma_semaphore, #tpu.memory_space<semaphore_mem>>
          tpu.enqueue_indirect_dma source(%dma_start3A_417 : memref<10000x64xf32, #tpu.memory_space<hbm>>) target(%dma_start3A_411 : memref<64x64xf32, #tpu.memory_space<vmem>>) offsets(%dma_start3A_414 : memref<64xi32, #tpu.memory_space<vmem>>) semaphore(%dma_start3A_419 : memref<!tpu.dma_semaphore, #tpu.memory_space<semaphore_mem>>)
        } else {
        }
        %div3A_359 = arith.constant 16 : i32
        %div3A_360 = arith.divsi %scan3A_316, %div3A_359 : i32
        %rem3A_361 = arith.constant 2 : i32
        %rem3A_362 = arith.remsi %div3A_360, %rem3A_361 : i32
        %rem3A_363 = arith.constant 16 : i32
        %rem3A_364 = arith.remsi %scan3A_316, %rem3A_363 : i32
        %dma_wait3A_365 = arith.constant 0 : i32
        %dma_wait3A_366 = arith.constant 0 : i32
        %dma_wait3A_367 = tpu.memref_slice %arg14[%rem3A_327, %dma_wait3A_365, %dma_wait3A_366] : memref<8x64x64xf32, #tpu.memory_space<vmem>> -> memref<1x64x64xf32, #tpu.memory_space<vmem>>
        %dma_wait3A_368 = tpu.memref_squeeze %dma_wait3A_367 : memref<1x64x64xf32, #tpu.memory_space<vmem>> -> memref<64x64xf32, #tpu.memory_space<vmem>>
        %dma_wait3A_369 = arith.constant 0 : i32
        %dma_wait3A_370 = tpu.memref_slice %arg11[%rem3A_362, %rem3A_364, %dma_wait3A_369] : memref<2x16x64xi32, #tpu.memory_space<vmem>> -> memref<1x1x64xi32, #tpu.memory_space<vmem>>
        %dma_wait3A_371 = tpu.memref_squeeze %dma_wait3A_370 : memref<1x1x64xi32, #tpu.memory_space<vmem>> -> memref<64xi32, #tpu.memory_space<vmem>>
        %dma_wait3A_372 = arith.constant 0 : i32
        %dma_wait3A_373 = arith.constant 0 : i32
        %dma_wait3A_374 = tpu.memref_slice %arg2[%dma_wait3A_372, %dma_wait3A_373] : memref<10000x64xf32, #tpu.memory_space<hbm>> -> memref<10000x64xf32, #tpu.memory_space<hbm>>
        %dma_wait3A_375 = tpu.memref_slice %arg16[%rem3A_327] : memref<8x!tpu.dma_semaphore, #tpu.memory_space<semaphore_mem>> -> memref<1x!tpu.dma_semaphore, #tpu.memory_space<semaphore_mem>>
        %dma_wait3A_376 = tpu.memref_squeeze %dma_wait3A_375 : memref<1x!tpu.dma_semaphore, #tpu.memory_space<semaphore_mem>> -> memref<!tpu.dma_semaphore, #tpu.memory_space<semaphore_mem>>
        tpu.wait_indirect_dma semaphore(%dma_wait3A_376 : memref<!tpu.dma_semaphore, #tpu.memory_space<semaphore_mem>>) src(%dma_wait3A_374 : memref<10000x64xf32, #tpu.memory_space<hbm>>) dst(%dma_wait3A_368 : memref<64x64xf32, #tpu.memory_space<vmem>>)
        %rem3A_377 = arith.constant 2 : i32
        %rem3A_378 = arith.remsi %div3A_321, %rem3A_377 : i32
        %parallel_loop3A = arith.constant 0 : i32
        %parallel_loop3A_379 = arith.constant 64 : i32
        %parallel_loop3A_380 = arith.constant 1 : i32
        scf.for %parallel_loop3A_400 = %parallel_loop3A to %parallel_loop3A_379 step %parallel_loop3A_380  : i32 {
          %parallel_loop3A_401 = arith.constant 16 : i32
          %parallel_loop3A_402 = arith.divsi %parallel_loop3A_400, %parallel_loop3A_401 : i32
          %parallel_loop3A_403 = arith.constant 0 : i32
          %parallel_loop3A_404 = arith.cmpi sgt, %parallel_loop3A_400, %parallel_loop3A_403 : i32
          %parallel_loop3A_405 = arith.extui %parallel_loop3A_404 : i1 to i32
          %parallel_loop3A_406 = arith.constant 0 : i32
          %parallel_loop3A_407 = arith.cmpi slt, %parallel_loop3A_400, %parallel_loop3A_406 : i32
          %parallel_loop3A_408 = arith.extui %parallel_loop3A_407 : i1 to i32
          %parallel_loop3A_409 = arith.subi %parallel_loop3A_405, %parallel_loop3A_408 : i32
          %parallel_loop3A_410 = arith.constant 0 : i32
          %parallel_loop3A_411 = arith.cmpi sgt, %parallel_loop3A_401, %parallel_loop3A_410 : i32
          %parallel_loop3A_412 = arith.extui %parallel_loop3A_411 : i1 to i32
          %parallel_loop3A_413 = arith.constant 0 : i32
          %parallel_loop3A_414 = arith.cmpi slt, %parallel_loop3A_401, %parallel_loop3A_413 : i32
          %parallel_loop3A_415 = arith.extui %parallel_loop3A_414 : i1 to i32
          %parallel_loop3A_416 = arith.subi %parallel_loop3A_412, %parallel_loop3A_415 : i32
          %parallel_loop3A_417 = arith.cmpi ne, %parallel_loop3A_409, %parallel_loop3A_416 : i32
          %parallel_loop3A_418 = arith.remsi %parallel_loop3A_400, %parallel_loop3A_401 : i32
          %parallel_loop3A_419 = arith.constant 0 : i32
          %parallel_loop3A_420 = arith.cmpi ne, %parallel_loop3A_418, %parallel_loop3A_419 : i32
          %parallel_loop3A_421 = arith.andi %parallel_loop3A_417, %parallel_loop3A_420 : i1
          %parallel_loop3A_422 = arith.constant 1 : i32
          %parallel_loop3A_423 = arith.subi %parallel_loop3A_402, %parallel_loop3A_422 : i32
          %parallel_loop3A_424 = arith.select %parallel_loop3A_421, %parallel_loop3A_423, %parallel_loop3A_402 : i32
          %parallel_loop3A_425 = arith.constant 16 : i32
          %parallel_loop3A_426 = arith.muli %parallel_loop3A_424, %parallel_loop3A_425 : i32
          %parallel_loop3A_427 = tpu.assume_multiple %parallel_loop3A_426, 16 : i32
          %parallel_loop3A_428 = arith.index_cast %rem3A_378 : i32 to index
          %parallel_loop3A_429 = arith.index_cast %rem3A_319 : i32 to index
          %parallel_loop3A_430 = arith.index_cast %parallel_loop3A_427 : i32 to index
          %parallel_loop3A_431 = tpu.vector_load %arg13[%parallel_loop3A_428, %parallel_loop3A_429, %parallel_loop3A_430] {strides = array<i32>} : memref<2x16x64xf32, #tpu.memory_space<vmem>>, vector<1x1x16xf32>,
          %parallel_loop3A_432 = vector.shape_cast %parallel_loop3A_431 : vector<1x1x16xf32> to vector<16xf32>
          %parallel_loop3A_433 = arith.constant 16 : i32
          %parallel_loop3A_434 = arith.remsi %parallel_loop3A_400, %parallel_loop3A_433 : i32
          %parallel_loop3A_435 = vector.broadcast %parallel_loop3A_434 : i32 to vector<16xi32>
          %parallel_loop3A_436 = arith.constant 0 : i32
          %parallel_loop3A_437 = vector.broadcast %parallel_loop3A_436 : i32 to vector<16xi32>
          %parallel_loop3A_438 = arith.cmpi slt, %parallel_loop3A_435, %parallel_loop3A_437 : vector<16xi32>
          %parallel_loop3A_439 = arith.constant 16 : i32
          %parallel_loop3A_440 = vector.broadcast %parallel_loop3A_439 : i32 to vector<16xi32>
          %parallel_loop3A_441 = arith.addi %parallel_loop3A_435, %parallel_loop3A_440 : vector<16xi32>
          %parallel_loop3A_442 = arith.select %parallel_loop3A_438, %parallel_loop3A_441, %parallel_loop3A_435 : vector<16xi1>, vector<16xi32>
          %parallel_loop3A_443 = vector.shape_cast %parallel_loop3A_442 : vector<16xi32> to vector<16x1xi32>
          %parallel_loop3A_444 = vector.shape_cast %parallel_loop3A_443 : vector<16x1xi32> to vector<16xi32>
          %parallel_loop3A_445 = tpu.dynamic_gather %parallel_loop3A_432[%parallel_loop3A_444] in [0] : vector<16xf32>, vector<16xi32> -> vector<16xf32>
          %parallel_loop3A_446 = arith.index_cast %rem3A_327 : i32 to index
          %parallel_loop3A_447 = arith.index_cast %parallel_loop3A_400 : i32 to index
          %parallel_loop3A_448 = arith.constant 0 : index
          %parallel_loop3A_449 = tpu.vector_load %arg14[%parallel_loop3A_446, %parallel_loop3A_447, %parallel_loop3A_448] {strides = array<i32>} : memref<8x64x64xf32, #tpu.memory_space<vmem>>, vector<1x1x16xf32>,
          %parallel_loop3A_450 = vector.shape_cast %parallel_loop3A_449 : vector<1x1x16xf32> to vector<16xf32>
          %parallel_loop3A_451 = arith.mulf %parallel_loop3A_450, %parallel_loop3A_445 : vector<16xf32>
          %parallel_loop3A_452 = arith.index_cast %rem3A_327 : i32 to index
          %parallel_loop3A_453 = arith.index_cast %parallel_loop3A_400 : i32 to index
          %parallel_loop3A_454 = arith.constant 0 : index
          %parallel_loop3A_455 = tpu.vector_load %arg14[%parallel_loop3A_452, %parallel_loop3A_453, %parallel_loop3A_454] {strides = array<i32>} : memref<8x64x64xf32, #tpu.memory_space<vmem>>, vector<1x1x16xf32>,
          %parallel_loop3A_456 = vector.shape_cast %parallel_loop3A_455 : vector<1x1x16xf32> to vector<16xf32>
          %parallel_loop3A_457 = vector.shape_cast %parallel_loop3A_451 : vector<16xf32> to vector<1x1x16xf32>
          tpu.vector_store %arg14[%parallel_loop3A_452, %parallel_loop3A_453, %parallel_loop3A_454], %parallel_loop3A_457 {strides = array<i32>} : memref<8x64x64xf32, #tpu.memory_space<vmem>>, vector<1x1x16xf32>,
          %parallel_loop3A_458 = arith.index_cast %rem3A_327 : i32 to index
          %parallel_loop3A_459 = arith.index_cast %parallel_loop3A_400 : i32 to index
          %parallel_loop3A_460 = arith.constant 16 : index
          %parallel_loop3A_461 = tpu.vector_load %arg14[%parallel_loop3A_458, %parallel_loop3A_459, %parallel_loop3A_460] {strides = array<i32>} : memref<8x64x64xf32, #tpu.memory_space<vmem>>, vector<1x1x16xf32>,
          %parallel_loop3A_462 = vector.shape_cast %parallel_loop3A_461 : vector<1x1x16xf32> to vector<16xf32>
          %parallel_loop3A_463 = arith.mulf %parallel_loop3A_462, %parallel_loop3A_445 : vector<16xf32>
          %parallel_loop3A_464 = arith.index_cast %rem3A_327 : i32 to index
          %parallel_loop3A_465 = arith.index_cast %parallel_loop3A_400 : i32 to index
          %parallel_loop3A_466 = arith.constant 16 : index
          %parallel_loop3A_467 = tpu.vector_load %arg14[%parallel_loop3A_464, %parallel_loop3A_465, %parallel_loop3A_466] {strides = array<i32>} : memref<8x64x64xf32, #tpu.memory_space<vmem>>, vector<1x1x16xf32>,
          %parallel_loop3A_468 = vector.shape_cast %parallel_loop3A_467 : vector<1x1x16xf32> to vector<16xf32>
          %parallel_loop3A_469 = vector.shape_cast %parallel_loop3A_463 : vector<16xf32> to vector<1x1x16xf32>
          tpu.vector_store %arg14[%parallel_loop3A_464, %parallel_loop3A_465, %parallel_loop3A_466], %parallel_loop3A_469 {strides = array<i32>} : memref<8x64x64xf32, #tpu.memory_space<vmem>>, vector<1x1x16xf32>,
          %parallel_loop3A_470 = arith.index_cast %rem3A_327 : i32 to index
          %parallel_loop3A_471 = arith.index_cast %parallel_loop3A_400 : i32 to index
          %parallel_loop3A_472 = arith.constant 32 : index
          %parallel_loop3A_473 = tpu.vector_load %arg14[%parallel_loop3A_470, %parallel_loop3A_471, %parallel_loop3A_472] {strides = array<i32>} : memref<8x64x64xf32, #tpu.memory_space<vmem>>, vector<1x1x16xf32>,
          %parallel_loop3A_474 = vector.shape_cast %parallel_loop3A_473 : vector<1x1x16xf32> to vector<16xf32>
          %parallel_loop3A_475 = arith.mulf %parallel_loop3A_474, %parallel_loop3A_445 : vector<16xf32>
          %parallel_loop3A_476 = arith.index_cast %rem3A_327 : i32 to index
          %parallel_loop3A_477 = arith.index_cast %parallel_loop3A_400 : i32 to index
          %parallel_loop3A_478 = arith.constant 32 : index
          %parallel_loop3A_479 = tpu.vector_load %arg14[%parallel_loop3A_476, %parallel_loop3A_477, %parallel_loop3A_478] {strides = array<i32>} : memref<8x64x64xf32, #tpu.memory_space<vmem>>, vector<1x1x16xf32>,
          %parallel_loop3A_480 = vector.shape_cast %parallel_loop3A_479 : vector<1x1x16xf32> to vector<16xf32>
          %parallel_loop3A_481 = vector.shape_cast %parallel_loop3A_475 : vector<16xf32> to vector<1x1x16xf32>
          tpu.vector_store %arg14[%parallel_loop3A_476, %parallel_loop3A_477, %parallel_loop3A_478], %parallel_loop3A_481 {strides = array<i32>} : memref<8x64x64xf32, #tpu.memory_space<vmem>>, vector<1x1x16xf32>,
          %parallel_loop3A_482 = arith.index_cast %rem3A_327 : i32 to index
          %parallel_loop3A_483 = arith.index_cast %parallel_loop3A_400 : i32 to index
          %parallel_loop3A_484 = arith.constant 48 : index
          %parallel_loop3A_485 = tpu.vector_load %arg14[%parallel_loop3A_482, %parallel_loop3A_483, %parallel_loop3A_484] {strides = array<i32>} : memref<8x64x64xf32, #tpu.memory_space<vmem>>, vector<1x1x16xf32>,
          %parallel_loop3A_486 = vector.shape_cast %parallel_loop3A_485 : vector<1x1x16xf32> to vector<16xf32>
          %parallel_loop3A_487 = arith.mulf %parallel_loop3A_486, %parallel_loop3A_445 : vector<16xf32>
          %parallel_loop3A_488 = arith.index_cast %rem3A_327 : i32 to index
          %parallel_loop3A_489 = arith.index_cast %parallel_loop3A_400 : i32 to index
          %parallel_loop3A_490 = arith.constant 48 : index
          %parallel_loop3A_491 = tpu.vector_load %arg14[%parallel_loop3A_488, %parallel_loop3A_489, %parallel_loop3A_490] {strides = array<i32>} : memref<8x64x64xf32, #tpu.memory_space<vmem>>, vector<1x1x16xf32>,
          %parallel_loop3A_492 = vector.shape_cast %parallel_loop3A_491 : vector<1x1x16xf32> to vector<16xf32>
          %parallel_loop3A_493 = vector.shape_cast %parallel_loop3A_487 : vector<16xf32> to vector<1x1x16xf32>
          tpu.vector_store %arg14[%parallel_loop3A_488, %parallel_loop3A_489, %parallel_loop3A_490], %parallel_loop3A_493 {strides = array<i32>} : memref<8x64x64xf32, #tpu.memory_space<vmem>>, vector<1x1x16xf32>,
        } {sc.loop_unroll_factor = 4 : i64, sc.parallel_access}
        %div3A_381 = arith.constant 16 : i32
        %div3A_382 = arith.divsi %scan3A_316, %div3A_381 : i32
        %rem3A_383 = arith.constant 2 : i32
        %rem3A_384 = arith.remsi %div3A_382, %rem3A_383 : i32
        %rem3A_385 = arith.constant 16 : i32
        %rem3A_386 = arith.remsi %scan3A_316, %rem3A_385 : i32
        %dma_start3A_387 = arith.constant 0 : i32
        %dma_start3A_388 = arith.constant 0 : i32
        %dma_start3A_389 = tpu.memref_slice %arg14[%rem3A_327, %dma_start3A_387, %dma_start3A_388] : memref<8x64x64xf32, #tpu.memory_space<vmem>> -> memref<1x64x64xf32, #tpu.memory_space<vmem>>
        %dma_start3A_390 = tpu.memref_squeeze %dma_start3A_389 : memref<1x64x64xf32, #tpu.memory_space<vmem>> -> memref<64x64xf32, #tpu.memory_space<vmem>>
        %dma_start3A_391 = arith.constant 0 : i32
        %dma_start3A_392 = tpu.memref_slice %arg12[%rem3A_384, %rem3A_386, %dma_start3A_391] : memref<2x16x64xi32, #tpu.memory_space<vmem>> -> memref<1x1x64xi32, #tpu.memory_space<vmem>>
        %dma_start3A_393 = tpu.memref_squeeze %dma_start3A_392 : memref<1x1x64xi32, #tpu.memory_space<vmem>> -> memref<64xi32, #tpu.memory_space<vmem>>
        %dma_start3A_394 = arith.constant 0 : i32
        %dma_start3A_395 = arith.constant 0 : i32
        %dma_start3A_396 = tpu.memref_slice %arg15[%dma_start3A_394, %dma_start3A_395] : memref<10000x64xf32, #tpu.memory_space<vmem_shared>> -> memref<10000x64xf32, #tpu.memory_space<vmem_shared>>
        %dma_start3A_397 = tpu.memref_slice %arg17[%rem3A_327] : memref<8x!tpu.dma_semaphore, #tpu.memory_space<semaphore_mem>> -> memref<1x!tpu.dma_semaphore, #tpu.memory_space<semaphore_mem>>
        %dma_start3A_398 = tpu.memref_squeeze %dma_start3A_397 : memref<1x!tpu.dma_semaphore, #tpu.memory_space<semaphore_mem>> -> memref<!tpu.dma_semaphore, #tpu.memory_space<semaphore_mem>>
        tpu.enqueue_indirect_dma source(%dma_start3A_390 : memref<64x64xf32, #tpu.memory_space<vmem>>) target(%dma_start3A_396 : memref<10000x64xf32, #tpu.memory_space<vmem_shared>>) offsets(%dma_start3A_393 : memref<64xi32, #tpu.memory_space<vmem>>) semaphore(%dma_start3A_398 : memref<!tpu.dma_semaphore, #tpu.memory_space<semaphore_mem>>) {add = true}
        %scan3A_399 = arith.constant 0 : i32
        scf.yield %scan3A_399 : i32
      }
      %scan3A_283 = arith.constant 320 : i32
      %dma_wait3A_284 = arith.constant 6 : i32
      %dma_wait3A_285 = arith.constant 1 : i32
      %dma_wait3A_286 = arith.constant 14 : i32
      %dma_wait3A_287 = arith.constant 6 : i32
      %dma_wait3A_288 = arith.constant 0 : i32
      %dma_wait3A_289 = arith.constant 0 : i32
      %dma_wait3A_290 = tpu.memref_slice %arg14[%dma_wait3A_284, %dma_wait3A_288, %dma_wait3A_289] : memref<8x64x64xf32, #tpu.memory_space<vmem>> -> memref<1x64x64xf32, #tpu.memory_space<vmem>>
      %dma_wait3A_291 = tpu.memref_squeeze %dma_wait3A_290 : memref<1x64x64xf32, #tpu.memory_space<vmem>> -> memref<64x64xf32, #tpu.memory_space<vmem>>
      %dma_wait3A_292 = arith.constant 0 : i32
      %dma_wait3A_293 = tpu.memref_slice %arg12[%dma_wait3A_285, %dma_wait3A_286, %dma_wait3A_292] : memref<2x16x64xi32, #tpu.memory_space<vmem>> -> memref<1x1x64xi32, #tpu.memory_space<vmem>>
      %dma_wait3A_294 = tpu.memref_squeeze %dma_wait3A_293 : memref<1x1x64xi32, #tpu.memory_space<vmem>> -> memref<64xi32, #tpu.memory_space<vmem>>
      %dma_wait3A_295 = arith.constant 0 : i32
      %dma_wait3A_296 = arith.constant 0 : i32
      %dma_wait3A_297 = tpu.memref_slice %arg15[%dma_wait3A_295, %dma_wait3A_296] : memref<10000x64xf32, #tpu.memory_space<vmem_shared>> -> memref<10000x64xf32, #tpu.memory_space<vmem_shared>>
      %dma_wait3A_298 = tpu.memref_slice %arg17[%dma_wait3A_287] : memref<8x!tpu.dma_semaphore, #tpu.memory_space<semaphore_mem>> -> memref<1x!tpu.dma_semaphore, #tpu.memory_space<semaphore_mem>>
      %dma_wait3A_299 = tpu.memref_squeeze %dma_wait3A_298 : memref<1x!tpu.dma_semaphore, #tpu.memory_space<semaphore_mem>> -> memref<!tpu.dma_semaphore, #tpu.memory_space<semaphore_mem>>
      tpu.wait_indirect_dma semaphore(%dma_wait3A_299 : memref<!tpu.dma_semaphore, #tpu.memory_space<semaphore_mem>>) src(%dma_wait3A_291 : memref<64x64xf32, #tpu.memory_space<vmem>>) dst(%dma_wait3A_297 : memref<10000x64xf32, #tpu.memory_space<vmem_shared>>)
      %dma_wait3A_300 = arith.constant 7 : i32
      %dma_wait3A_301 = arith.constant 1 : i32
      %dma_wait3A_302 = arith.constant 15 : i32
      %dma_wait3A_303 = arith.constant 7 : i32
      %dma_wait3A_304 = arith.constant 0 : i32
      %dma_wait3A_305 = arith.constant 0 : i32
      %dma_wait3A_306 = tpu.memref_slice %arg14[%dma_wait3A_300, %dma_wait3A_304, %dma_wait3A_305] : memref<8x64x64xf32, #tpu.memory_space<vmem>> -> memref<1x64x64xf32, #tpu.memory_space<vmem>>
      %dma_wait3A_307 = tpu.memref_squeeze %dma_wait3A_306 : memref<1x64x64xf32, #tpu.memory_space<vmem>> -> memref<64x64xf32, #tpu.memory_space<vmem>>
      %dma_wait3A_308 = arith.constant 0 : i32
      %dma_wait3A_309 = tpu.memref_slice %arg12[%dma_wait3A_301, %dma_wait3A_302, %dma_wait3A_308] : memref<2x16x64xi32, #tpu.memory_space<vmem>> -> memref<1x1x64xi32, #tpu.memory_space<vmem>>
      %dma_wait3A_310 = tpu.memref_squeeze %dma_wait3A_309 : memref<1x1x64xi32, #tpu.memory_space<vmem>> -> memref<64xi32, #tpu.memory_space<vmem>>
      %dma_wait3A_311 = arith.constant 0 : i32
      %dma_wait3A_312 = arith.constant 0 : i32
      %dma_wait3A_313 = tpu.memref_slice %arg15[%dma_wait3A_311, %dma_wait3A_312] : memref<10000x64xf32, #tpu.memory_space<vmem_shared>> -> memref<10000x64xf32, #tpu.memory_space<vmem_shared>>
      %dma_wait3A_314 = tpu.memref_slice %arg17[%dma_wait3A_303] : memref<8x!tpu.dma_semaphore, #tpu.memory_space<semaphore_mem>> -> memref<1x!tpu.dma_semaphore, #tpu.memory_space<semaphore_mem>>
      %dma_wait3A_315 = tpu.memref_squeeze %dma_wait3A_314 : memref<1x!tpu.dma_semaphore, #tpu.memory_space<semaphore_mem>> -> memref<!tpu.dma_semaphore, #tpu.memory_space<semaphore_mem>>
      tpu.wait_indirect_dma semaphore(%dma_wait3A_315 : memref<!tpu.dma_semaphore, #tpu.memory_space<semaphore_mem>>) src(%dma_wait3A_307 : memref<64x64xf32, #tpu.memory_space<vmem>>) dst(%dma_wait3A_313 : memref<10000x64xf32, #tpu.memory_space<vmem_shared>>)
    } else {
    }
    %eq3A_27 = arith.constant 1 : i32
    %eq3A_28 = arith.cmpi eq, %arg0, %eq3A_27 : i32
    %convert_element_type3A_29 = arith.extui %eq3A_28 : i1 to i32
    %cond3A_30 = arith.constant 0 : i32
    %cond3A_31 = arith.cmpi ne, %convert_element_type3A_29, %cond3A_30 : i32
    scf.if %cond3A_31 {
      %mul3A = arith.constant 320 : i32
      %mul3A_50 = arith.muli %arg1, %mul3A : i32
      %rem3A = arith.constant 0 : i32
      %rem3A_51 = arith.constant 2 : i32
      %rem3A_52 = arith.remsi %rem3A, %rem3A_51 : i32
      %add3A_53 = arith.constant 0 : i32
      %add3A_54 = arith.addi %mul3A_50, %add3A_53 : i32
      %multiple_of3A = tpu.assume_multiple %add3A_54, 8 : i32
      %dma_start3A = arith.constant 0 : i32
      %dma_start3A_55 = arith.constant 0 : i32
      %dma_start3A_56 = tpu.memref_slice %arg11[%rem3A_52, %dma_start3A, %dma_start3A_55] : memref<2x16x64xi32, #tpu.memory_space<vmem>> -> memref<1x16x64xi32, #tpu.memory_space<vmem>>
      %dma_start3A_57 = tpu.memref_squeeze %dma_start3A_56 : memref<1x16x64xi32, #tpu.memory_space<vmem>> -> memref<16x64xi32, #tpu.memory_space<vmem>>
      %dma_start3A_58 = arith.constant 0 : i32
      %dma_start3A_59 = tpu.memref_slice %arg7[%multiple_of3A, %dma_start3A_58] : memref<5120x64xi32, #tpu.memory_space<hbm>> -> memref<16x64xi32, #tpu.memory_space<hbm>>
      %dma_start3A_60 = tpu.memref_slice %arg18[%rem3A_52] : memref<2x!tpu.dma_semaphore, #tpu.memory_space<semaphore_mem>> -> memref<1x!tpu.dma_semaphore, #tpu.memory_space<semaphore_mem>>
      %dma_start3A_61 = tpu.memref_squeeze %dma_start3A_60 : memref<1x!tpu.dma_semaphore, #tpu.memory_space<semaphore_mem>> -> memref<!tpu.dma_semaphore, #tpu.memory_space<semaphore_mem>>
      %dma_start3A_62 = arith.constant 0 : i32
      %dma_start3A_63 = arith.constant 0 : i32
      %dma_start3A_64 = tpu.memref_slice %arg11[%rem3A_52, %dma_start3A_62, %dma_start3A_63] : memref<2x16x64xi32, #tpu.memory_space<vmem>> -> memref<1x16x64xi32, #tpu.memory_space<vmem>>
      %dma_start3A_65 = tpu.memref_squeeze %dma_start3A_64 : memref<1x16x64xi32, #tpu.memory_space<vmem>> -> memref<16x64xi32, #tpu.memory_space<vmem>>
      %dma_start3A_66 = arith.constant 0 : i32
      %dma_start3A_67 = tpu.memref_slice %arg7[%multiple_of3A, %dma_start3A_66] : memref<5120x64xi32, #tpu.memory_space<hbm>> -> memref<16x64xi32, #tpu.memory_space<hbm>>
      tpu.enqueue_dma source(%dma_start3A_67 : memref<16x64xi32, #tpu.memory_space<hbm>>) target(%dma_start3A_65 : memref<16x64xi32, #tpu.memory_space<vmem>>) target_semaphore(%dma_start3A_61 : memref<!tpu.dma_semaphore, #tpu.memory_space<semaphore_mem>>)
      %dma_start3A_68 = arith.constant 0 : i32
      %dma_start3A_69 = arith.constant 0 : i32
      %dma_start3A_70 = tpu.memref_slice %arg12[%rem3A_52, %dma_start3A_68, %dma_start3A_69] : memref<2x16x64xi32, #tpu.memory_space<vmem>> -> memref<1x16x64xi32, #tpu.memory_space<vmem>>
      %dma_start3A_71 = tpu.memref_squeeze %dma_start3A_70 : memref<1x16x64xi32, #tpu.memory_space<vmem>> -> memref<16x64xi32, #tpu.memory_space<vmem>>
      %dma_start3A_72 = arith.constant 0 : i32
      %dma_start3A_73 = tpu.memref_slice %arg8[%multiple_of3A, %dma_start3A_72] : memref<5120x64xi32, #tpu.memory_space<hbm>> -> memref<16x64xi32, #tpu.memory_space<hbm>>
      %dma_start3A_74 = tpu.memref_slice %arg18[%rem3A_52] : memref<2x!tpu.dma_semaphore, #tpu.memory_space<semaphore_mem>> -> memref<1x!tpu.dma_semaphore, #tpu.memory_space<semaphore_mem>>
      %dma_start3A_75 = tpu.memref_squeeze %dma_start3A_74 : memref<1x!tpu.dma_semaphore, #tpu.memory_space<semaphore_mem>> -> memref<!tpu.dma_semaphore, #tpu.memory_space<semaphore_mem>>
      %dma_start3A_76 = arith.constant 0 : i32
      %dma_start3A_77 = arith.constant 0 : i32
      %dma_start3A_78 = tpu.memref_slice %arg12[%rem3A_52, %dma_start3A_76, %dma_start3A_77] : memref<2x16x64xi32, #tpu.memory_space<vmem>> -> memref<1x16x64xi32, #tpu.memory_space<vmem>>
      %dma_start3A_79 = tpu.memref_squeeze %dma_start3A_78 : memref<1x16x64xi32, #tpu.memory_space<vmem>> -> memref<16x64xi32, #tpu.memory_space<vmem>>
      %dma_start3A_80 = arith.constant 0 : i32
      %dma_start3A_81 = tpu.memref_slice %arg8[%multiple_of3A, %dma_start3A_80] : memref<5120x64xi32, #tpu.memory_space<hbm>> -> memref<16x64xi32, #tpu.memory_space<hbm>>
      tpu.enqueue_dma source(%dma_start3A_81 : memref<16x64xi32, #tpu.memory_space<hbm>>) target(%dma_start3A_79 : memref<16x64xi32, #tpu.memory_space<vmem>>) target_semaphore(%dma_start3A_75 : memref<!tpu.dma_semaphore, #tpu.memory_space<semaphore_mem>>)
      %dma_start3A_82 = arith.constant 0 : i32
      %dma_start3A_83 = arith.constant 0 : i32
      %dma_start3A_84 = tpu.memref_slice %arg13[%rem3A_52, %dma_start3A_82, %dma_start3A_83] : memref<2x16x64xf32, #tpu.memory_space<vmem>> -> memref<1x16x64xf32, #tpu.memory_space<vmem>>
      %dma_start3A_85 = tpu.memref_squeeze %dma_start3A_84 : memref<1x16x64xf32, #tpu.memory_space<vmem>> -> memref<16x64xf32, #tpu.memory_space<vmem>>
      %dma_start3A_86 = arith.constant 0 : i32
      %dma_start3A_87 = tpu.memref_slice %arg9[%multiple_of3A, %dma_start3A_86] : memref<5120x64xf32, #tpu.memory_space<hbm>> -> memref<16x64xf32, #tpu.memory_space<hbm>>
      %dma_start3A_88 = tpu.memref_slice %arg18[%rem3A_52] : memref<2x!tpu.dma_semaphore, #tpu.memory_space<semaphore_mem>> -> memref<1x!tpu.dma_semaphore, #tpu.memory_space<semaphore_mem>>
      %dma_start3A_89 = tpu.memref_squeeze %dma_start3A_88 : memref<1x!tpu.dma_semaphore, #tpu.memory_space<semaphore_mem>> -> memref<!tpu.dma_semaphore, #tpu.memory_space<semaphore_mem>>
      %dma_start3A_90 = arith.constant 0 : i32
      %dma_start3A_91 = arith.constant 0 : i32
      %dma_start3A_92 = tpu.memref_slice %arg13[%rem3A_52, %dma_start3A_90, %dma_start3A_91] : memref<2x16x64xf32, #tpu.memory_space<vmem>> -> memref<1x16x64xf32, #tpu.memory_space<vmem>>
      %dma_start3A_93 = tpu.memref_squeeze %dma_start3A_92 : memref<1x16x64xf32, #tpu.memory_space<vmem>> -> memref<16x64xf32, #tpu.memory_space<vmem>>
      %dma_start3A_94 = arith.constant 0 : i32
      %dma_start3A_95 = tpu.memref_slice %arg9[%multiple_of3A, %dma_start3A_94] : memref<5120x64xf32, #tpu.memory_space<hbm>> -> memref<16x64xf32, #tpu.memory_space<hbm>>
      tpu.enqueue_dma source(%dma_start3A_95 : memref<16x64xf32, #tpu.memory_space<hbm>>) target(%dma_start3A_93 : memref<16x64xf32, #tpu.memory_space<vmem>>) target_semaphore(%dma_start3A_89 : memref<!tpu.dma_semaphore, #tpu.memory_space<semaphore_mem>>)
      %rem3A_96 = arith.constant 0 : i32
      %rem3A_97 = arith.constant 2 : i32
      %rem3A_98 = arith.remsi %rem3A_96, %rem3A_97 : i32
      %dma_wait3A = arith.constant 0 : i32
      %dma_wait3A_99 = arith.constant 0 : i32
      %dma_wait3A_100 = tpu.memref_slice %arg11[%rem3A_98, %dma_wait3A, %dma_wait3A_99] : memref<2x16x64xi32, #tpu.memory_space<vmem>> -> memref<1x16x64xi32, #tpu.memory_space<vmem>>
      %dma_wait3A_101 = tpu.memref_squeeze %dma_wait3A_100 : memref<1x16x64xi32, #tpu.memory_space<vmem>> -> memref<16x64xi32, #tpu.memory_space<vmem>>
      %dma_wait3A_102 = arith.constant 0 : i32
      %dma_wait3A_103 = arith.constant 0 : i32
      %dma_wait3A_104 = tpu.memref_slice %arg7[%dma_wait3A_102, %dma_wait3A_103] : memref<5120x64xi32, #tpu.memory_space<hbm>> -> memref<16x64xi32, #tpu.memory_space<hbm>>
      %dma_wait3A_105 = tpu.memref_slice %arg18[%rem3A_98] : memref<2x!tpu.dma_semaphore, #tpu.memory_space<semaphore_mem>> -> memref<1x!tpu.dma_semaphore, #tpu.memory_space<semaphore_mem>>
      %dma_wait3A_106 = tpu.memref_squeeze %dma_wait3A_105 : memref<1x!tpu.dma_semaphore, #tpu.memory_space<semaphore_mem>> -> memref<!tpu.dma_semaphore, #tpu.memory_space<semaphore_mem>>
      %dma_wait3A_107 = arith.constant 0 : i32
      %dma_wait3A_108 = arith.constant 0 : i32
      %dma_wait3A_109 = tpu.memref_slice %arg11[%rem3A_98, %dma_wait3A_107, %dma_wait3A_108] : memref<2x16x64xi32, #tpu.memory_space<vmem>> -> memref<1x16x64xi32, #tpu.memory_space<vmem>>
      %dma_wait3A_110 = tpu.memref_squeeze %dma_wait3A_109 : memref<1x16x64xi32, #tpu.memory_space<vmem>> -> memref<16x64xi32, #tpu.memory_space<vmem>>
      %dma_wait3A_111 = arith.constant 0 : i32
      %dma_wait3A_112 = arith.constant 0 : i32
      %dma_wait3A_113 = tpu.memref_slice %arg7[%dma_wait3A_111, %dma_wait3A_112] : memref<5120x64xi32, #tpu.memory_space<hbm>> -> memref<16x64xi32, #tpu.memory_space<hbm>>
      tpu.wait_dma2 semaphore(%dma_wait3A_106 : memref<!tpu.dma_semaphore, #tpu.memory_space<semaphore_mem>>) src(%dma_wait3A_113 : memref<16x64xi32, #tpu.memory_space<hbm>>) dst(%dma_wait3A_110 : memref<16x64xi32, #tpu.memory_space<vmem>>)
      %dma_wait3A_114 = arith.constant 0 : i32
      %dma_wait3A_115 = arith.constant 0 : i32
      %dma_wait3A_116 = tpu.memref_slice %arg12[%rem3A_98, %dma_wait3A_114, %dma_wait3A_115] : memref<2x16x64xi32, #tpu.memory_space<vmem>> -> memref<1x16x64xi32, #tpu.memory_space<vmem>>
      %dma_wait3A_117 = tpu.memref_squeeze %dma_wait3A_116 : memref<1x16x64xi32, #tpu.memory_space<vmem>> -> memref<16x64xi32, #tpu.memory_space<vmem>>
      %dma_wait3A_118 = arith.constant 0 : i32
      %dma_wait3A_119 = arith.constant 0 : i32
      %dma_wait3A_120 = tpu.memref_slice %arg7[%dma_wait3A_118, %dma_wait3A_119] : memref<5120x64xi32, #tpu.memory_space<hbm>> -> memref<16x64xi32, #tpu.memory_space<hbm>>
      %dma_wait3A_121 = tpu.memref_slice %arg18[%rem3A_98] : memref<2x!tpu.dma_semaphore, #tpu.memory_space<semaphore_mem>> -> memref<1x!tpu.dma_semaphore, #tpu.memory_space<semaphore_mem>>
      %dma_wait3A_122 = tpu.memref_squeeze %dma_wait3A_121 : memref<1x!tpu.dma_semaphore, #tpu.memory_space<semaphore_mem>> -> memref<!tpu.dma_semaphore, #tpu.memory_space<semaphore_mem>>
      %dma_wait3A_123 = arith.constant 0 : i32
      %dma_wait3A_124 = arith.constant 0 : i32
      %dma_wait3A_125 = tpu.memref_slice %arg12[%rem3A_98, %dma_wait3A_123, %dma_wait3A_124] : memref<2x16x64xi32, #tpu.memory_space<vmem>> -> memref<1x16x64xi32, #tpu.memory_space<vmem>>
      %dma_wait3A_126 = tpu.memref_squeeze %dma_wait3A_125 : memref<1x16x64xi32, #tpu.memory_space<vmem>> -> memref<16x64xi32, #tpu.memory_space<vmem>>
      %dma_wait3A_127 = arith.constant 0 : i32
      %dma_wait3A_128 = arith.constant 0 : i32
      %dma_wait3A_129 = tpu.memref_slice %arg7[%dma_wait3A_127, %dma_wait3A_128] : memref<5120x64xi32, #tpu.memory_space<hbm>> -> memref<16x64xi32, #tpu.memory_space<hbm>>
      tpu.wait_dma2 semaphore(%dma_wait3A_122 : memref<!tpu.dma_semaphore, #tpu.memory_space<semaphore_mem>>) src(%dma_wait3A_129 : memref<16x64xi32, #tpu.memory_space<hbm>>) dst(%dma_wait3A_126 : memref<16x64xi32, #tpu.memory_space<vmem>>)
      %dma_wait3A_130 = arith.constant 0 : i32
      %dma_wait3A_131 = arith.constant 0 : i32
      %dma_wait3A_132 = tpu.memref_slice %arg13[%rem3A_98, %dma_wait3A_130, %dma_wait3A_131] : memref<2x16x64xf32, #tpu.memory_space<vmem>> -> memref<1x16x64xf32, #tpu.memory_space<vmem>>
      %dma_wait3A_133 = tpu.memref_squeeze %dma_wait3A_132 : memref<1x16x64xf32, #tpu.memory_space<vmem>> -> memref<16x64xf32, #tpu.memory_space<vmem>>
      %dma_wait3A_134 = arith.constant 0 : i32
      %dma_wait3A_135 = arith.constant 0 : i32
      %dma_wait3A_136 = tpu.memref_slice %arg7[%dma_wait3A_134, %dma_wait3A_135] : memref<5120x64xi32, #tpu.memory_space<hbm>> -> memref<16x64xi32, #tpu.memory_space<hbm>>
      %dma_wait3A_137 = tpu.memref_slice %arg18[%rem3A_98] : memref<2x!tpu.dma_semaphore, #tpu.memory_space<semaphore_mem>> -> memref<1x!tpu.dma_semaphore, #tpu.memory_space<semaphore_mem>>
      %dma_wait3A_138 = tpu.memref_squeeze %dma_wait3A_137 : memref<1x!tpu.dma_semaphore, #tpu.memory_space<semaphore_mem>> -> memref<!tpu.dma_semaphore, #tpu.memory_space<semaphore_mem>>
      %dma_wait3A_139 = arith.constant 0 : i32
      %dma_wait3A_140 = arith.constant 0 : i32
      %dma_wait3A_141 = tpu.memref_slice %arg13[%rem3A_98, %dma_wait3A_139, %dma_wait3A_140] : memref<2x16x64xf32, #tpu.memory_space<vmem>> -> memref<1x16x64xf32, #tpu.memory_space<vmem>>
      %dma_wait3A_142 = tpu.memref_squeeze %dma_wait3A_141 : memref<1x16x64xf32, #tpu.memory_space<vmem>> -> memref<16x64xf32, #tpu.memory_space<vmem>>
      %dma_wait3A_143 = arith.constant 0 : i32
      %dma_wait3A_144 = arith.constant 0 : i32
      %dma_wait3A_145 = tpu.memref_slice %arg7[%dma_wait3A_143, %dma_wait3A_144] : memref<5120x64xi32, #tpu.memory_space<hbm>> -> memref<16x64xi32, #tpu.memory_space<hbm>>
      tpu.wait_dma2 semaphore(%dma_wait3A_138 : memref<!tpu.dma_semaphore, #tpu.memory_space<semaphore_mem>>) src(%dma_wait3A_145 : memref<16x64xi32, #tpu.memory_space<hbm>>) dst(%dma_wait3A_142 : memref<16x64xf32, #tpu.memory_space<vmem>>)
      %div3A = arith.constant 0 : i32
      %div3A_146 = arith.constant 16 : i32
      %div3A_147 = arith.divsi %div3A, %div3A_146 : i32
      %rem3A_148 = arith.constant 2 : i32
      %rem3A_149 = arith.remsi %div3A_147, %rem3A_148 : i32
      %rem3A_150 = arith.constant 0 : i32
      %rem3A_151 = arith.constant 16 : i32
      %rem3A_152 = arith.remsi %rem3A_150, %rem3A_151 : i32
      %dma_start3A_153 = arith.constant 0 : i32
      %dma_start3A_154 = arith.constant 0 : i32
      %dma_start3A_155 = arith.constant 0 : i32
      %dma_start3A_156 = arith.constant 0 : i32
      %dma_start3A_157 = tpu.memref_slice %arg14[%dma_start3A_153, %dma_start3A_155, %dma_start3A_156] : memref<8x64x64xf32, #tpu.memory_space<vmem>> -> memref<1x64x64xf32, #tpu.memory_space<vmem>>
      %dma_start3A_158 = tpu.memref_squeeze %dma_start3A_157 : memref<1x64x64xf32, #tpu.memory_space<vmem>> -> memref<64x64xf32, #tpu.memory_space<vmem>>
      %dma_start3A_159 = arith.constant 0 : i32
      %dma_start3A_160 = tpu.memref_slice %arg11[%rem3A_149, %rem3A_152, %dma_start3A_159] : memref<2x16x64xi32, #tpu.memory_space<vmem>> -> memref<1x1x64xi32, #tpu.memory_space<vmem>>
      %dma_start3A_161 = tpu.memref_squeeze %dma_start3A_160 : memref<1x1x64xi32, #tpu.memory_space<vmem>> -> memref<64xi32, #tpu.memory_space<vmem>>
      %dma_start3A_162 = arith.constant 0 : i32
      %dma_start3A_163 = arith.constant 0 : i32
      %dma_start3A_164 = tpu.memref_slice %arg3[%dma_start3A_162, %dma_start3A_163] : memref<10000x64xf32, #tpu.memory_space<hbm>> -> memref<10000x64xf32, #tpu.memory_space<hbm>>
      %dma_start3A_165 = tpu.memref_slice %arg16[%dma_start3A_154] : memref<8x!tpu.dma_semaphore, #tpu.memory_space<semaphore_mem>> -> memref<1x!tpu.dma_semaphore, #tpu.memory_space<semaphore_mem>>
      %dma_start3A_166 = tpu.memref_squeeze %dma_start3A_165 : memref<1x!tpu.dma_semaphore, #tpu.memory_space<semaphore_mem>> -> memref<!tpu.dma_semaphore, #tpu.memory_space<semaphore_mem>>
      tpu.enqueue_indirect_dma source(%dma_start3A_164 : memref<10000x64xf32, #tpu.memory_space<hbm>>) target(%dma_start3A_158 : memref<64x64xf32, #tpu.memory_space<vmem>>) offsets(%dma_start3A_161 : memref<64xi32, #tpu.memory_space<vmem>>) semaphore(%dma_start3A_166 : memref<!tpu.dma_semaphore, #tpu.memory_space<semaphore_mem>>)
      %div3A_167 = arith.constant 1 : i32
      %div3A_168 = arith.constant 16 : i32
      %div3A_169 = arith.divsi %div3A_167, %div3A_168 : i32
      %rem3A_170 = arith.constant 2 : i32
      %rem3A_171 = arith.remsi %div3A_169, %rem3A_170 : i32
      %rem3A_172 = arith.constant 1 : i32
      %rem3A_173 = arith.constant 16 : i32
      %rem3A_174 = arith.remsi %rem3A_172, %rem3A_173 : i32
      %dma_start3A_175 = arith.constant 1 : i32
      %dma_start3A_176 = arith.constant 1 : i32
      %dma_start3A_177 = arith.constant 0 : i32
      %dma_start3A_178 = arith.constant 0 : i32
      %dma_start3A_179 = tpu.memref_slice %arg14[%dma_start3A_175, %dma_start3A_177, %dma_start3A_178] : memref<8x64x64xf32, #tpu.memory_space<vmem>> -> memref<1x64x64xf32, #tpu.memory_space<vmem>>
      %dma_start3A_180 = tpu.memref_squeeze %dma_start3A_179 : memref<1x64x64xf32, #tpu.memory_space<vmem>> -> memref<64x64xf32, #tpu.memory_space<vmem>>
      %dma_start3A_181 = arith.constant 0 : i32
      %dma_start3A_182 = tpu.memref_slice %arg11[%rem3A_171, %rem3A_174, %dma_start3A_181] : memref<2x16x64xi32, #tpu.memory_space<vmem>> -> memref<1x1x64xi32, #tpu.memory_space<vmem>>
      %dma_start3A_183 = tpu.memref_squeeze %dma_start3A_182 : memref<1x1x64xi32, #tpu.memory_space<vmem>> -> memref<64xi32, #tpu.memory_space<vmem>>
      %dma_start3A_184 = arith.constant 0 : i32
      %dma_start3A_185 = arith.constant 0 : i32
      %dma_start3A_186 = tpu.memref_slice %arg3[%dma_start3A_184, %dma_start3A_185] : memref<10000x64xf32, #tpu.memory_space<hbm>> -> memref<10000x64xf32, #tpu.memory_space<hbm>>
      %dma_start3A_187 = tpu.memref_slice %arg16[%dma_start3A_176] : memref<8x!tpu.dma_semaphore, #tpu.memory_space<semaphore_mem>> -> memref<1x!tpu.dma_semaphore, #tpu.memory_space<semaphore_mem>>
      %dma_start3A_188 = tpu.memref_squeeze %dma_start3A_187 : memref<1x!tpu.dma_semaphore, #tpu.memory_space<semaphore_mem>> -> memref<!tpu.dma_semaphore, #tpu.memory_space<semaphore_mem>>
      tpu.enqueue_indirect_dma source(%dma_start3A_186 : memref<10000x64xf32, #tpu.memory_space<hbm>>) target(%dma_start3A_180 : memref<64x64xf32, #tpu.memory_space<vmem>>) offsets(%dma_start3A_183 : memref<64xi32, #tpu.memory_space<vmem>>) semaphore(%dma_start3A_188 : memref<!tpu.dma_semaphore, #tpu.memory_space<semaphore_mem>>)
      %div3A_189 = arith.constant 2 : i32
      %div3A_190 = arith.constant 16 : i32
      %div3A_191 = arith.divsi %div3A_189, %div3A_190 : i32
      %rem3A_192 = arith.constant 2 : i32
      %rem3A_193 = arith.remsi %div3A_191, %rem3A_192 : i32
      %rem3A_194 = arith.constant 2 : i32
      %rem3A_195 = arith.constant 16 : i32
      %rem3A_196 = arith.remsi %rem3A_194, %rem3A_195 : i32
      %dma_start3A_197 = arith.constant 2 : i32
      %dma_start3A_198 = arith.constant 2 : i32
      %dma_start3A_199 = arith.constant 0 : i32
      %dma_start3A_200 = arith.constant 0 : i32
      %dma_start3A_201 = tpu.memref_slice %arg14[%dma_start3A_197, %dma_start3A_199, %dma_start3A_200] : memref<8x64x64xf32, #tpu.memory_space<vmem>> -> memref<1x64x64xf32, #tpu.memory_space<vmem>>
      %dma_start3A_202 = tpu.memref_squeeze %dma_start3A_201 : memref<1x64x64xf32, #tpu.memory_space<vmem>> -> memref<64x64xf32, #tpu.memory_space<vmem>>
      %dma_start3A_203 = arith.constant 0 : i32
      %dma_start3A_204 = tpu.memref_slice %arg11[%rem3A_193, %rem3A_196, %dma_start3A_203] : memref<2x16x64xi32, #tpu.memory_space<vmem>> -> memref<1x1x64xi32, #tpu.memory_space<vmem>>
      %dma_start3A_205 = tpu.memref_squeeze %dma_start3A_204 : memref<1x1x64xi32, #tpu.memory_space<vmem>> -> memref<64xi32, #tpu.memory_space<vmem>>
      %dma_start3A_206 = arith.constant 0 : i32
      %dma_start3A_207 = arith.constant 0 : i32
      %dma_start3A_208 = tpu.memref_slice %arg3[%dma_start3A_206, %dma_start3A_207] : memref<10000x64xf32, #tpu.memory_space<hbm>> -> memref<10000x64xf32, #tpu.memory_space<hbm>>
      %dma_start3A_209 = tpu.memref_slice %arg16[%dma_start3A_198] : memref<8x!tpu.dma_semaphore, #tpu.memory_space<semaphore_mem>> -> memref<1x!tpu.dma_semaphore, #tpu.memory_space<semaphore_mem>>
      %dma_start3A_210 = tpu.memref_squeeze %dma_start3A_209 : memref<1x!tpu.dma_semaphore, #tpu.memory_space<semaphore_mem>> -> memref<!tpu.dma_semaphore, #tpu.memory_space<semaphore_mem>>
      tpu.enqueue_indirect_dma source(%dma_start3A_208 : memref<10000x64xf32, #tpu.memory_space<hbm>>) target(%dma_start3A_202 : memref<64x64xf32, #tpu.memory_space<vmem>>) offsets(%dma_start3A_205 : memref<64xi32, #tpu.memory_space<vmem>>) semaphore(%dma_start3A_210 : memref<!tpu.dma_semaphore, #tpu.memory_space<semaphore_mem>>)
      %div3A_211 = arith.constant 3 : i32
      %div3A_212 = arith.constant 16 : i32
      %div3A_213 = arith.divsi %div3A_211, %div3A_212 : i32
      %rem3A_214 = arith.constant 2 : i32
      %rem3A_215 = arith.remsi %div3A_213, %rem3A_214 : i32
      %rem3A_216 = arith.constant 3 : i32
      %rem3A_217 = arith.constant 16 : i32
      %rem3A_218 = arith.remsi %rem3A_216, %rem3A_217 : i32
      %dma_start3A_219 = arith.constant 3 : i32
      %dma_start3A_220 = arith.constant 3 : i32
      %dma_start3A_221 = arith.constant 0 : i32
      %dma_start3A_222 = arith.constant 0 : i32
      %dma_start3A_223 = tpu.memref_slice %arg14[%dma_start3A_219, %dma_start3A_221, %dma_start3A_222] : memref<8x64x64xf32, #tpu.memory_space<vmem>> -> memref<1x64x64xf32, #tpu.memory_space<vmem>>
      %dma_start3A_224 = tpu.memref_squeeze %dma_start3A_223 : memref<1x64x64xf32, #tpu.memory_space<vmem>> -> memref<64x64xf32, #tpu.memory_space<vmem>>
      %dma_start3A_225 = arith.constant 0 : i32
      %dma_start3A_226 = tpu.memref_slice %arg11[%rem3A_215, %rem3A_218, %dma_start3A_225] : memref<2x16x64xi32, #tpu.memory_space<vmem>> -> memref<1x1x64xi32, #tpu.memory_space<vmem>>
      %dma_start3A_227 = tpu.memref_squeeze %dma_start3A_226 : memref<1x1x64xi32, #tpu.memory_space<vmem>> -> memref<64xi32, #tpu.memory_space<vmem>>
      %dma_start3A_228 = arith.constant 0 : i32
      %dma_start3A_229 = arith.constant 0 : i32
      %dma_start3A_230 = tpu.memref_slice %arg3[%dma_start3A_228, %dma_start3A_229] : memref<10000x64xf32, #tpu.memory_space<hbm>> -> memref<10000x64xf32, #tpu.memory_space<hbm>>
      %dma_start3A_231 = tpu.memref_slice %arg16[%dma_start3A_220] : memref<8x!tpu.dma_semaphore, #tpu.memory_space<semaphore_mem>> -> memref<1x!tpu.dma_semaphore, #tpu.memory_space<semaphore_mem>>
      %dma_start3A_232 = tpu.memref_squeeze %dma_start3A_231 : memref<1x!tpu.dma_semaphore, #tpu.memory_space<semaphore_mem>> -> memref<!tpu.dma_semaphore, #tpu.memory_space<semaphore_mem>>
      tpu.enqueue_indirect_dma source(%dma_start3A_230 : memref<10000x64xf32, #tpu.memory_space<hbm>>) target(%dma_start3A_224 : memref<64x64xf32, #tpu.memory_space<vmem>>) offsets(%dma_start3A_227 : memref<64xi32, #tpu.memory_space<vmem>>) semaphore(%dma_start3A_232 : memref<!tpu.dma_semaphore, #tpu.memory_space<semaphore_mem>>)
      %div3A_233 = arith.constant 4 : i32
      %div3A_234 = arith.constant 16 : i32
      %div3A_235 = arith.divsi %div3A_233, %div3A_234 : i32
      %rem3A_236 = arith.constant 2 : i32
      %rem3A_237 = arith.remsi %div3A_235, %rem3A_236 : i32
      %rem3A_238 = arith.constant 4 : i32
      %rem3A_239 = arith.constant 16 : i32
      %rem3A_240 = arith.remsi %rem3A_238, %rem3A_239 : i32
      %dma_start3A_241 = arith.constant 4 : i32
      %dma_start3A_242 = arith.constant 4 : i32
      %dma_start3A_243 = arith.constant 0 : i32
      %dma_start3A_244 = arith.constant 0 : i32
      %dma_start3A_245 = tpu.memref_slice %arg14[%dma_start3A_241, %dma_start3A_243, %dma_start3A_244] : memref<8x64x64xf32, #tpu.memory_space<vmem>> -> memref<1x64x64xf32, #tpu.memory_space<vmem>>
      %dma_start3A_246 = tpu.memref_squeeze %dma_start3A_245 : memref<1x64x64xf32, #tpu.memory_space<vmem>> -> memref<64x64xf32, #tpu.memory_space<vmem>>
      %dma_start3A_247 = arith.constant 0 : i32
      %dma_start3A_248 = tpu.memref_slice %arg11[%rem3A_237, %rem3A_240, %dma_start3A_247] : memref<2x16x64xi32, #tpu.memory_space<vmem>> -> memref<1x1x64xi32, #tpu.memory_space<vmem>>
      %dma_start3A_249 = tpu.memref_squeeze %dma_start3A_248 : memref<1x1x64xi32, #tpu.memory_space<vmem>> -> memref<64xi32, #tpu.memory_space<vmem>>
      %dma_start3A_250 = arith.constant 0 : i32
      %dma_start3A_251 = arith.constant 0 : i32
      %dma_start3A_252 = tpu.memref_slice %arg3[%dma_start3A_250, %dma_start3A_251] : memref<10000x64xf32, #tpu.memory_space<hbm>> -> memref<10000x64xf32, #tpu.memory_space<hbm>>
      %dma_start3A_253 = tpu.memref_slice %arg16[%dma_start3A_242] : memref<8x!tpu.dma_semaphore, #tpu.memory_space<semaphore_mem>> -> memref<1x!tpu.dma_semaphore, #tpu.memory_space<semaphore_mem>>
      %dma_start3A_254 = tpu.memref_squeeze %dma_start3A_253 : memref<1x!tpu.dma_semaphore, #tpu.memory_space<semaphore_mem>> -> memref<!tpu.dma_semaphore, #tpu.memory_space<semaphore_mem>>
      tpu.enqueue_indirect_dma source(%dma_start3A_252 : memref<10000x64xf32, #tpu.memory_space<hbm>>) target(%dma_start3A_246 : memref<64x64xf32, #tpu.memory_space<vmem>>) offsets(%dma_start3A_249 : memref<64xi32, #tpu.memory_space<vmem>>) semaphore(%dma_start3A_254 : memref<!tpu.dma_semaphore, #tpu.memory_space<semaphore_mem>>)
      %div3A_255 = arith.constant 5 : i32
      %div3A_256 = arith.constant 16 : i32
      %div3A_257 = arith.divsi %div3A_255, %div3A_256 : i32
      %rem3A_258 = arith.constant 2 : i32
      %rem3A_259 = arith.remsi %div3A_257, %rem3A_258 : i32
      %rem3A_260 = arith.constant 5 : i32
      %rem3A_261 = arith.constant 16 : i32
      %rem3A_262 = arith.remsi %rem3A_260, %rem3A_261 : i32
      %dma_start3A_263 = arith.constant 5 : i32
      %dma_start3A_264 = arith.constant 5 : i32
      %dma_start3A_265 = arith.constant 0 : i32
      %dma_start3A_266 = arith.constant 0 : i32
      %dma_start3A_267 = tpu.memref_slice %arg14[%dma_start3A_263, %dma_start3A_265, %dma_start3A_266] : memref<8x64x64xf32, #tpu.memory_space<vmem>> -> memref<1x64x64xf32, #tpu.memory_space<vmem>>
      %dma_start3A_268 = tpu.memref_squeeze %dma_start3A_267 : memref<1x64x64xf32, #tpu.memory_space<vmem>> -> memref<64x64xf32, #tpu.memory_space<vmem>>
      %dma_start3A_269 = arith.constant 0 : i32
      %dma_start3A_270 = tpu.memref_slice %arg11[%rem3A_259, %rem3A_262, %dma_start3A_269] : memref<2x16x64xi32, #tpu.memory_space<vmem>> -> memref<1x1x64xi32, #tpu.memory_space<vmem>>
      %dma_start3A_271 = tpu.memref_squeeze %dma_start3A_270 : memref<1x1x64xi32, #tpu.memory_space<vmem>> -> memref<64xi32, #tpu.memory_space<vmem>>
      %dma_start3A_272 = arith.constant 0 : i32
      %dma_start3A_273 = arith.constant 0 : i32
      %dma_start3A_274 = tpu.memref_slice %arg3[%dma_start3A_272, %dma_start3A_273] : memref<10000x64xf32, #tpu.memory_space<hbm>> -> memref<10000x64xf32, #tpu.memory_space<hbm>>
      %dma_start3A_275 = tpu.memref_slice %arg16[%dma_start3A_264] : memref<8x!tpu.dma_semaphore, #tpu.memory_space<semaphore_mem>> -> memref<1x!tpu.dma_semaphore, #tpu.memory_space<semaphore_mem>>
      %dma_start3A_276 = tpu.memref_squeeze %dma_start3A_275 : memref<1x!tpu.dma_semaphore, #tpu.memory_space<semaphore_mem>> -> memref<!tpu.dma_semaphore, #tpu.memory_space<semaphore_mem>>
      tpu.enqueue_indirect_dma source(%dma_start3A_274 : memref<10000x64xf32, #tpu.memory_space<hbm>>) target(%dma_start3A_268 : memref<64x64xf32, #tpu.memory_space<vmem>>) offsets(%dma_start3A_271 : memref<64xi32, #tpu.memory_space<vmem>>) semaphore(%dma_start3A_276 : memref<!tpu.dma_semaphore, #tpu.memory_space<semaphore_mem>>)
      %scan3A_277 = arith.constant 0 : i32
      %scan3A_278 = arith.constant 0 : i32
      %scan3A_279 = arith.constant 320 : i32
      %scan3A_280 = arith.addi %scan3A_278, %scan3A_279 : i32
      %scan3A_281 = arith.constant 1 : i32
      %scan3A_282 = scf.for %scan3A_316 = %scan3A_278 to %scan3A_280 step %scan3A_281 iter_args(%scan3A_317 = %scan3A_277) -> (i32)  : i32 {
        %rem3A_318 = arith.constant 16 : i32
        %rem3A_319 = arith.remsi %scan3A_316, %rem3A_318 : i32
        %div3A_320 = arith.constant 16 : i32
        %div3A_321 = arith.divsi %scan3A_316, %div3A_320 : i32
        %add3A_322 = arith.constant 6 : i32
        %add3A_323 = arith.addi %scan3A_316, %add3A_322 : i32
        %rem3A_324 = arith.constant 8 : i32
        %rem3A_325 = arith.remsi %add3A_323, %rem3A_324 : i32
        %rem3A_326 = arith.constant 8 : i32
        %rem3A_327 = arith.remsi %scan3A_316, %rem3A_326 : i32
        %eq3A_328 = arith.constant 2 : i32
        %eq3A_329 = arith.cmpi eq, %rem3A_319, %eq3A_328 : i32
        %sub3A = arith.constant 2 : i32
        %sub3A_330 = arith.subi %scan3A_316, %sub3A : i32
        %add3A_331 = arith.constant 16 : i32
        %add3A_332 = arith.addi %sub3A_330, %add3A_331 : i32
        %lt3A_333 = arith.constant 320 : i32
        %lt3A_334 = arith.cmpi slt, %add3A_332, %lt3A_333 : i32
        %and3A = arith.andi %eq3A_329, %lt3A_334 : i1
        %convert_element_type3A_335 = arith.extui %and3A : i1 to i32
        %cond3A_336 = arith.constant 0 : i32
        %cond3A_337 = arith.cmpi ne, %convert_element_type3A_335, %cond3A_336 : i32
        scf.if %cond3A_337 {
          %add3A_400 = arith.constant 1 : i32
          %add3A_401 = arith.addi %div3A_321, %add3A_400 : i32
          %rem3A_402 = arith.constant 2 : i32
          %rem3A_403 = arith.remsi %add3A_401, %rem3A_402 : i32
          %mul3A_404 = arith.constant 16 : i32
          %mul3A_405 = arith.muli %add3A_401, %mul3A_404 : i32
          %add3A_406 = arith.addi %mul3A_50, %mul3A_405 : i32
          %multiple_of3A_407 = tpu.assume_multiple %add3A_406, 8 : i32
          %dma_start3A_408 = arith.constant 0 : i32
          %dma_start3A_409 = arith.constant 0 : i32
          %dma_start3A_410 = tpu.memref_slice %arg11[%rem3A_403, %dma_start3A_408, %dma_start3A_409] : memref<2x16x64xi32, #tpu.memory_space<vmem>> -> memref<1x16x64xi32, #tpu.memory_space<vmem>>
          %dma_start3A_411 = tpu.memref_squeeze %dma_start3A_410 : memref<1x16x64xi32, #tpu.memory_space<vmem>> -> memref<16x64xi32, #tpu.memory_space<vmem>>
          %dma_start3A_412 = arith.constant 0 : i32
          %dma_start3A_413 = tpu.memref_slice %arg7[%multiple_of3A_407, %dma_start3A_412] : memref<5120x64xi32, #tpu.memory_space<hbm>> -> memref<16x64xi32, #tpu.memory_space<hbm>>
          %dma_start3A_414 = tpu.memref_slice %arg18[%rem3A_403] : memref<2x!tpu.dma_semaphore, #tpu.memory_space<semaphore_mem>> -> memref<1x!tpu.dma_semaphore, #tpu.memory_space<semaphore_mem>>
          %dma_start3A_415 = tpu.memref_squeeze %dma_start3A_414 : memref<1x!tpu.dma_semaphore, #tpu.memory_space<semaphore_mem>> -> memref<!tpu.dma_semaphore, #tpu.memory_space<semaphore_mem>>
          %dma_start3A_416 = arith.constant 0 : i32
          %dma_start3A_417 = arith.constant 0 : i32
          %dma_start3A_418 = tpu.memref_slice %arg11[%rem3A_403, %dma_start3A_416, %dma_start3A_417] : memref<2x16x64xi32, #tpu.memory_space<vmem>> -> memref<1x16x64xi32, #tpu.memory_space<vmem>>
          %dma_start3A_419 = tpu.memref_squeeze %dma_start3A_418 : memref<1x16x64xi32, #tpu.memory_space<vmem>> -> memref<16x64xi32, #tpu.memory_space<vmem>>
          %dma_start3A_420 = arith.constant 0 : i32
          %dma_start3A_421 = tpu.memref_slice %arg7[%multiple_of3A_407, %dma_start3A_420] : memref<5120x64xi32, #tpu.memory_space<hbm>> -> memref<16x64xi32, #tpu.memory_space<hbm>>
          tpu.enqueue_dma source(%dma_start3A_421 : memref<16x64xi32, #tpu.memory_space<hbm>>) target(%dma_start3A_419 : memref<16x64xi32, #tpu.memory_space<vmem>>) target_semaphore(%dma_start3A_415 : memref<!tpu.dma_semaphore, #tpu.memory_space<semaphore_mem>>)
          %dma_start3A_422 = arith.constant 0 : i32
          %dma_start3A_423 = arith.constant 0 : i32
          %dma_start3A_424 = tpu.memref_slice %arg12[%rem3A_403, %dma_start3A_422, %dma_start3A_423] : memref<2x16x64xi32, #tpu.memory_space<vmem>> -> memref<1x16x64xi32, #tpu.memory_space<vmem>>
          %dma_start3A_425 = tpu.memref_squeeze %dma_start3A_424 : memref<1x16x64xi32, #tpu.memory_space<vmem>> -> memref<16x64xi32, #tpu.memory_space<vmem>>
          %dma_start3A_426 = arith.constant 0 : i32
          %dma_start3A_427 = tpu.memref_slice %arg8[%multiple_of3A_407, %dma_start3A_426] : memref<5120x64xi32, #tpu.memory_space<hbm>> -> memref<16x64xi32, #tpu.memory_space<hbm>>
          %dma_start3A_428 = tpu.memref_slice %arg18[%rem3A_403] : memref<2x!tpu.dma_semaphore, #tpu.memory_space<semaphore_mem>> -> memref<1x!tpu.dma_semaphore, #tpu.memory_space<semaphore_mem>>
          %dma_start3A_429 = tpu.memref_squeeze %dma_start3A_428 : memref<1x!tpu.dma_semaphore, #tpu.memory_space<semaphore_mem>> -> memref<!tpu.dma_semaphore, #tpu.memory_space<semaphore_mem>>
          %dma_start3A_430 = arith.constant 0 : i32
          %dma_start3A_431 = arith.constant 0 : i32
          %dma_start3A_432 = tpu.memref_slice %arg12[%rem3A_403, %dma_start3A_430, %dma_start3A_431] : memref<2x16x64xi32, #tpu.memory_space<vmem>> -> memref<1x16x64xi32, #tpu.memory_space<vmem>>
          %dma_start3A_433 = tpu.memref_squeeze %dma_start3A_432 : memref<1x16x64xi32, #tpu.memory_space<vmem>> -> memref<16x64xi32, #tpu.memory_space<vmem>>
          %dma_start3A_434 = arith.constant 0 : i32
          %dma_start3A_435 = tpu.memref_slice %arg8[%multiple_of3A_407, %dma_start3A_434] : memref<5120x64xi32, #tpu.memory_space<hbm>> -> memref<16x64xi32, #tpu.memory_space<hbm>>
          tpu.enqueue_dma source(%dma_start3A_435 : memref<16x64xi32, #tpu.memory_space<hbm>>) target(%dma_start3A_433 : memref<16x64xi32, #tpu.memory_space<vmem>>) target_semaphore(%dma_start3A_429 : memref<!tpu.dma_semaphore, #tpu.memory_space<semaphore_mem>>)
          %dma_start3A_436 = arith.constant 0 : i32
          %dma_start3A_437 = arith.constant 0 : i32
          %dma_start3A_438 = tpu.memref_slice %arg13[%rem3A_403, %dma_start3A_436, %dma_start3A_437] : memref<2x16x64xf32, #tpu.memory_space<vmem>> -> memref<1x16x64xf32, #tpu.memory_space<vmem>>
          %dma_start3A_439 = tpu.memref_squeeze %dma_start3A_438 : memref<1x16x64xf32, #tpu.memory_space<vmem>> -> memref<16x64xf32, #tpu.memory_space<vmem>>
          %dma_start3A_440 = arith.constant 0 : i32
          %dma_start3A_441 = tpu.memref_slice %arg9[%multiple_of3A_407, %dma_start3A_440] : memref<5120x64xf32, #tpu.memory_space<hbm>> -> memref<16x64xf32, #tpu.memory_space<hbm>>
          %dma_start3A_442 = tpu.memref_slice %arg18[%rem3A_403] : memref<2x!tpu.dma_semaphore, #tpu.memory_space<semaphore_mem>> -> memref<1x!tpu.dma_semaphore, #tpu.memory_space<semaphore_mem>>
          %dma_start3A_443 = tpu.memref_squeeze %dma_start3A_442 : memref<1x!tpu.dma_semaphore, #tpu.memory_space<semaphore_mem>> -> memref<!tpu.dma_semaphore, #tpu.memory_space<semaphore_mem>>
          %dma_start3A_444 = arith.constant 0 : i32
          %dma_start3A_445 = arith.constant 0 : i32
          %dma_start3A_446 = tpu.memref_slice %arg13[%rem3A_403, %dma_start3A_444, %dma_start3A_445] : memref<2x16x64xf32, #tpu.memory_space<vmem>> -> memref<1x16x64xf32, #tpu.memory_space<vmem>>
          %dma_start3A_447 = tpu.memref_squeeze %dma_start3A_446 : memref<1x16x64xf32, #tpu.memory_space<vmem>> -> memref<16x64xf32, #tpu.memory_space<vmem>>
          %dma_start3A_448 = arith.constant 0 : i32
          %dma_start3A_449 = tpu.memref_slice %arg9[%multiple_of3A_407, %dma_start3A_448] : memref<5120x64xf32, #tpu.memory_space<hbm>> -> memref<16x64xf32, #tpu.memory_space<hbm>>
          tpu.enqueue_dma source(%dma_start3A_449 : memref<16x64xf32, #tpu.memory_space<hbm>>) target(%dma_start3A_447 : memref<16x64xf32, #tpu.memory_space<vmem>>) target_semaphore(%dma_start3A_443 : memref<!tpu.dma_semaphore, #tpu.memory_space<semaphore_mem>>)
        } else {
        }
        %eq3A_338 = arith.constant 10 : i32
        %eq3A_339 = arith.cmpi eq, %rem3A_319, %eq3A_338 : i32
        %add3A_340 = arith.constant 6 : i32
        %add3A_341 = arith.addi %scan3A_316, %add3A_340 : i32
        %lt3A_342 = arith.constant 320 : i32
        %lt3A_343 = arith.cmpi slt, %add3A_341, %lt3A_342 : i32
        %and3A_344 = arith.andi %eq3A_339, %lt3A_343 : i1
        %convert_element_type3A_345 = arith.extui %and3A_344 : i1 to i32
        %cond3A_346 = arith.constant 0 : i32
        %cond3A_347 = arith.cmpi ne, %convert_element_type3A_345, %cond3A_346 : i32
        scf.if %cond3A_347 {
          %add3A_400 = arith.constant 1 : i32
          %add3A_401 = arith.addi %div3A_321, %add3A_400 : i32
          %rem3A_402 = arith.constant 2 : i32
          %rem3A_403 = arith.remsi %add3A_401, %rem3A_402 : i32
          %dma_wait3A_404 = arith.constant 0 : i32
          %dma_wait3A_405 = arith.constant 0 : i32
          %dma_wait3A_406 = tpu.memref_slice %arg11[%rem3A_403, %dma_wait3A_404, %dma_wait3A_405] : memref<2x16x64xi32, #tpu.memory_space<vmem>> -> memref<1x16x64xi32, #tpu.memory_space<vmem>>
          %dma_wait3A_407 = tpu.memref_squeeze %dma_wait3A_406 : memref<1x16x64xi32, #tpu.memory_space<vmem>> -> memref<16x64xi32, #tpu.memory_space<vmem>>
          %dma_wait3A_408 = arith.constant 0 : i32
          %dma_wait3A_409 = arith.constant 0 : i32
          %dma_wait3A_410 = tpu.memref_slice %arg7[%dma_wait3A_408, %dma_wait3A_409] : memref<5120x64xi32, #tpu.memory_space<hbm>> -> memref<16x64xi32, #tpu.memory_space<hbm>>
          %dma_wait3A_411 = tpu.memref_slice %arg18[%rem3A_403] : memref<2x!tpu.dma_semaphore, #tpu.memory_space<semaphore_mem>> -> memref<1x!tpu.dma_semaphore, #tpu.memory_space<semaphore_mem>>
          %dma_wait3A_412 = tpu.memref_squeeze %dma_wait3A_411 : memref<1x!tpu.dma_semaphore, #tpu.memory_space<semaphore_mem>> -> memref<!tpu.dma_semaphore, #tpu.memory_space<semaphore_mem>>
          %dma_wait3A_413 = arith.constant 0 : i32
          %dma_wait3A_414 = arith.constant 0 : i32
          %dma_wait3A_415 = tpu.memref_slice %arg11[%rem3A_403, %dma_wait3A_413, %dma_wait3A_414] : memref<2x16x64xi32, #tpu.memory_space<vmem>> -> memref<1x16x64xi32, #tpu.memory_space<vmem>>
          %dma_wait3A_416 = tpu.memref_squeeze %dma_wait3A_415 : memref<1x16x64xi32, #tpu.memory_space<vmem>> -> memref<16x64xi32, #tpu.memory_space<vmem>>
          %dma_wait3A_417 = arith.constant 0 : i32
          %dma_wait3A_418 = arith.constant 0 : i32
          %dma_wait3A_419 = tpu.memref_slice %arg7[%dma_wait3A_417, %dma_wait3A_418] : memref<5120x64xi32, #tpu.memory_space<hbm>> -> memref<16x64xi32, #tpu.memory_space<hbm>>
          tpu.wait_dma2 semaphore(%dma_wait3A_412 : memref<!tpu.dma_semaphore, #tpu.memory_space<semaphore_mem>>) src(%dma_wait3A_419 : memref<16x64xi32, #tpu.memory_space<hbm>>) dst(%dma_wait3A_416 : memref<16x64xi32, #tpu.memory_space<vmem>>)
          %dma_wait3A_420 = arith.constant 0 : i32
          %dma_wait3A_421 = arith.constant 0 : i32
          %dma_wait3A_422 = tpu.memref_slice %arg12[%rem3A_403, %dma_wait3A_420, %dma_wait3A_421] : memref<2x16x64xi32, #tpu.memory_space<vmem>> -> memref<1x16x64xi32, #tpu.memory_space<vmem>>
          %dma_wait3A_423 = tpu.memref_squeeze %dma_wait3A_422 : memref<1x16x64xi32, #tpu.memory_space<vmem>> -> memref<16x64xi32, #tpu.memory_space<vmem>>
          %dma_wait3A_424 = arith.constant 0 : i32
          %dma_wait3A_425 = arith.constant 0 : i32
          %dma_wait3A_426 = tpu.memref_slice %arg7[%dma_wait3A_424, %dma_wait3A_425] : memref<5120x64xi32, #tpu.memory_space<hbm>> -> memref<16x64xi32, #tpu.memory_space<hbm>>
          %dma_wait3A_427 = tpu.memref_slice %arg18[%rem3A_403] : memref<2x!tpu.dma_semaphore, #tpu.memory_space<semaphore_mem>> -> memref<1x!tpu.dma_semaphore, #tpu.memory_space<semaphore_mem>>
          %dma_wait3A_428 = tpu.memref_squeeze %dma_wait3A_427 : memref<1x!tpu.dma_semaphore, #tpu.memory_space<semaphore_mem>> -> memref<!tpu.dma_semaphore, #tpu.memory_space<semaphore_mem>>
          %dma_wait3A_429 = arith.constant 0 : i32
          %dma_wait3A_430 = arith.constant 0 : i32
          %dma_wait3A_431 = tpu.memref_slice %arg12[%rem3A_403, %dma_wait3A_429, %dma_wait3A_430] : memref<2x16x64xi32, #tpu.memory_space<vmem>> -> memref<1x16x64xi32, #tpu.memory_space<vmem>>
          %dma_wait3A_432 = tpu.memref_squeeze %dma_wait3A_431 : memref<1x16x64xi32, #tpu.memory_space<vmem>> -> memref<16x64xi32, #tpu.memory_space<vmem>>
          %dma_wait3A_433 = arith.constant 0 : i32
          %dma_wait3A_434 = arith.constant 0 : i32
          %dma_wait3A_435 = tpu.memref_slice %arg7[%dma_wait3A_433, %dma_wait3A_434] : memref<5120x64xi32, #tpu.memory_space<hbm>> -> memref<16x64xi32, #tpu.memory_space<hbm>>
          tpu.wait_dma2 semaphore(%dma_wait3A_428 : memref<!tpu.dma_semaphore, #tpu.memory_space<semaphore_mem>>) src(%dma_wait3A_435 : memref<16x64xi32, #tpu.memory_space<hbm>>) dst(%dma_wait3A_432 : memref<16x64xi32, #tpu.memory_space<vmem>>)
          %dma_wait3A_436 = arith.constant 0 : i32
          %dma_wait3A_437 = arith.constant 0 : i32
          %dma_wait3A_438 = tpu.memref_slice %arg13[%rem3A_403, %dma_wait3A_436, %dma_wait3A_437] : memref<2x16x64xf32, #tpu.memory_space<vmem>> -> memref<1x16x64xf32, #tpu.memory_space<vmem>>
          %dma_wait3A_439 = tpu.memref_squeeze %dma_wait3A_438 : memref<1x16x64xf32, #tpu.memory_space<vmem>> -> memref<16x64xf32, #tpu.memory_space<vmem>>
          %dma_wait3A_440 = arith.constant 0 : i32
          %dma_wait3A_441 = arith.constant 0 : i32
          %dma_wait3A_442 = tpu.memref_slice %arg7[%dma_wait3A_440, %dma_wait3A_441] : memref<5120x64xi32, #tpu.memory_space<hbm>> -> memref<16x64xi32, #tpu.memory_space<hbm>>
          %dma_wait3A_443 = tpu.memref_slice %arg18[%rem3A_403] : memref<2x!tpu.dma_semaphore, #tpu.memory_space<semaphore_mem>> -> memref<1x!tpu.dma_semaphore, #tpu.memory_space<semaphore_mem>>
          %dma_wait3A_444 = tpu.memref_squeeze %dma_wait3A_443 : memref<1x!tpu.dma_semaphore, #tpu.memory_space<semaphore_mem>> -> memref<!tpu.dma_semaphore, #tpu.memory_space<semaphore_mem>>
          %dma_wait3A_445 = arith.constant 0 : i32
          %dma_wait3A_446 = arith.constant 0 : i32
          %dma_wait3A_447 = tpu.memref_slice %arg13[%rem3A_403, %dma_wait3A_445, %dma_wait3A_446] : memref<2x16x64xf32, #tpu.memory_space<vmem>> -> memref<1x16x64xf32, #tpu.memory_space<vmem>>
          %dma_wait3A_448 = tpu.memref_squeeze %dma_wait3A_447 : memref<1x16x64xf32, #tpu.memory_space<vmem>> -> memref<16x64xf32, #tpu.memory_space<vmem>>
          %dma_wait3A_449 = arith.constant 0 : i32
          %dma_wait3A_450 = arith.constant 0 : i32
          %dma_wait3A_451 = tpu.memref_slice %arg7[%dma_wait3A_449, %dma_wait3A_450] : memref<5120x64xi32, #tpu.memory_space<hbm>> -> memref<16x64xi32, #tpu.memory_space<hbm>>
          tpu.wait_dma2 semaphore(%dma_wait3A_444 : memref<!tpu.dma_semaphore, #tpu.memory_space<semaphore_mem>>) src(%dma_wait3A_451 : memref<16x64xi32, #tpu.memory_space<hbm>>) dst(%dma_wait3A_448 : memref<16x64xf32, #tpu.memory_space<vmem>>)
        } else {
        }
        %ge3A = arith.constant 2 : i32
        %ge3A_348 = arith.cmpi sge, %scan3A_316, %ge3A : i32
        %convert_element_type3A_349 = arith.extui %ge3A_348 : i1 to i32
        %cond3A_350 = arith.constant 0 : i32
        %cond3A_351 = arith.cmpi ne, %convert_element_type3A_349, %cond3A_350 : i32
        scf.if %cond3A_351 {
          %div3A_400 = arith.constant 16 : i32
          %div3A_401 = arith.divsi %scan3A_316, %div3A_400 : i32
          %rem3A_402 = arith.constant 2 : i32
          %rem3A_403 = arith.remsi %div3A_401, %rem3A_402 : i32
          %rem3A_404 = arith.constant 16 : i32
          %rem3A_405 = arith.remsi %scan3A_316, %rem3A_404 : i32
          %dma_wait3A_406 = arith.constant 0 : i32
          %dma_wait3A_407 = arith.constant 0 : i32
          %dma_wait3A_408 = tpu.memref_slice %arg14[%rem3A_325, %dma_wait3A_406, %dma_wait3A_407] : memref<8x64x64xf32, #tpu.memory_space<vmem>> -> memref<1x64x64xf32, #tpu.memory_space<vmem>>
          %dma_wait3A_409 = tpu.memref_squeeze %dma_wait3A_408 : memref<1x64x64xf32, #tpu.memory_space<vmem>> -> memref<64x64xf32, #tpu.memory_space<vmem>>
          %dma_wait3A_410 = arith.constant 0 : i32
          %dma_wait3A_411 = tpu.memref_slice %arg12[%rem3A_403, %rem3A_405, %dma_wait3A_410] : memref<2x16x64xi32, #tpu.memory_space<vmem>> -> memref<1x1x64xi32, #tpu.memory_space<vmem>>
          %dma_wait3A_412 = tpu.memref_squeeze %dma_wait3A_411 : memref<1x1x64xi32, #tpu.memory_space<vmem>> -> memref<64xi32, #tpu.memory_space<vmem>>
          %dma_wait3A_413 = arith.constant 0 : i32
          %dma_wait3A_414 = arith.constant 0 : i32
          %dma_wait3A_415 = tpu.memref_slice %arg15[%dma_wait3A_413, %dma_wait3A_414] : memref<10000x64xf32, #tpu.memory_space<vmem_shared>> -> memref<10000x64xf32, #tpu.memory_space<vmem_shared>>
          %dma_wait3A_416 = tpu.memref_slice %arg17[%rem3A_325] : memref<8x!tpu.dma_semaphore, #tpu.memory_space<semaphore_mem>> -> memref<1x!tpu.dma_semaphore, #tpu.memory_space<semaphore_mem>>
          %dma_wait3A_417 = tpu.memref_squeeze %dma_wait3A_416 : memref<1x!tpu.dma_semaphore, #tpu.memory_space<semaphore_mem>> -> memref<!tpu.dma_semaphore, #tpu.memory_space<semaphore_mem>>
          tpu.wait_indirect_dma semaphore(%dma_wait3A_417 : memref<!tpu.dma_semaphore, #tpu.memory_space<semaphore_mem>>) src(%dma_wait3A_409 : memref<64x64xf32, #tpu.memory_space<vmem>>) dst(%dma_wait3A_415 : memref<10000x64xf32, #tpu.memory_space<vmem_shared>>)
        } else {
        }
        %add3A_352 = arith.constant 6 : i32
        %add3A_353 = arith.addi %scan3A_316, %add3A_352 : i32
        %lt3A_354 = arith.constant 320 : i32
        %lt3A_355 = arith.cmpi slt, %add3A_353, %lt3A_354 : i32
        %convert_element_type3A_356 = arith.extui %lt3A_355 : i1 to i32
        %cond3A_357 = arith.constant 0 : i32
        %cond3A_358 = arith.cmpi ne, %convert_element_type3A_356, %cond3A_357 : i32
        scf.if %cond3A_358 {
          %add3A_400 = arith.constant 6 : i32
          %add3A_401 = arith.addi %scan3A_316, %add3A_400 : i32
          %div3A_402 = arith.constant 16 : i32
          %div3A_403 = arith.divsi %add3A_401, %div3A_402 : i32
          %rem3A_404 = arith.constant 2 : i32
          %rem3A_405 = arith.remsi %div3A_403, %rem3A_404 : i32
          %rem3A_406 = arith.constant 16 : i32
          %rem3A_407 = arith.remsi %add3A_401, %rem3A_406 : i32
          %dma_start3A_408 = arith.constant 0 : i32
          %dma_start3A_409 = arith.constant 0 : i32
          %dma_start3A_410 = tpu.memref_slice %arg14[%rem3A_325, %dma_start3A_408, %dma_start3A_409] : memref<8x64x64xf32, #tpu.memory_space<vmem>> -> memref<1x64x64xf32, #tpu.memory_space<vmem>>
          %dma_start3A_411 = tpu.memref_squeeze %dma_start3A_410 : memref<1x64x64xf32, #tpu.memory_space<vmem>> -> memref<64x64xf32, #tpu.memory_space<vmem>>
          %dma_start3A_412 = arith.constant 0 : i32
          %dma_start3A_413 = tpu.memref_slice %arg11[%rem3A_405, %rem3A_407, %dma_start3A_412] : memref<2x16x64xi32, #tpu.memory_space<vmem>> -> memref<1x1x64xi32, #tpu.memory_space<vmem>>
          %dma_start3A_414 = tpu.memref_squeeze %dma_start3A_413 : memref<1x1x64xi32, #tpu.memory_space<vmem>> -> memref<64xi32, #tpu.memory_space<vmem>>
          %dma_start3A_415 = arith.constant 0 : i32
          %dma_start3A_416 = arith.constant 0 : i32
          %dma_start3A_417 = tpu.memref_slice %arg3[%dma_start3A_415, %dma_start3A_416] : memref<10000x64xf32, #tpu.memory_space<hbm>> -> memref<10000x64xf32, #tpu.memory_space<hbm>>
          %dma_start3A_418 = tpu.memref_slice %arg16[%rem3A_325] : memref<8x!tpu.dma_semaphore, #tpu.memory_space<semaphore_mem>> -> memref<1x!tpu.dma_semaphore, #tpu.memory_space<semaphore_mem>>
          %dma_start3A_419 = tpu.memref_squeeze %dma_start3A_418 : memref<1x!tpu.dma_semaphore, #tpu.memory_space<semaphore_mem>> -> memref<!tpu.dma_semaphore, #tpu.memory_space<semaphore_mem>>
          tpu.enqueue_indirect_dma source(%dma_start3A_417 : memref<10000x64xf32, #tpu.memory_space<hbm>>) target(%dma_start3A_411 : memref<64x64xf32, #tpu.memory_space<vmem>>) offsets(%dma_start3A_414 : memref<64xi32, #tpu.memory_space<vmem>>) semaphore(%dma_start3A_419 : memref<!tpu.dma_semaphore, #tpu.memory_space<semaphore_mem>>)
        } else {
        }
        %div3A_359 = arith.constant 16 : i32
        %div3A_360 = arith.divsi %scan3A_316, %div3A_359 : i32
        %rem3A_361 = arith.constant 2 : i32
        %rem3A_362 = arith.remsi %div3A_360, %rem3A_361 : i32
        %rem3A_363 = arith.constant 16 : i32
        %rem3A_364 = arith.remsi %scan3A_316, %rem3A_363 : i32
        %dma_wait3A_365 = arith.constant 0 : i32
        %dma_wait3A_366 = arith.constant 0 : i32
        %dma_wait3A_367 = tpu.memref_slice %arg14[%rem3A_327, %dma_wait3A_365, %dma_wait3A_366] : memref<8x64x64xf32, #tpu.memory_space<vmem>> -> memref<1x64x64xf32, #tpu.memory_space<vmem>>
        %dma_wait3A_368 = tpu.memref_squeeze %dma_wait3A_367 : memref<1x64x64xf32, #tpu.memory_space<vmem>> -> memref<64x64xf32, #tpu.memory_space<vmem>>
        %dma_wait3A_369 = arith.constant 0 : i32
        %dma_wait3A_370 = tpu.memref_slice %arg11[%rem3A_362, %rem3A_364, %dma_wait3A_369] : memref<2x16x64xi32, #tpu.memory_space<vmem>> -> memref<1x1x64xi32, #tpu.memory_space<vmem>>
        %dma_wait3A_371 = tpu.memref_squeeze %dma_wait3A_370 : memref<1x1x64xi32, #tpu.memory_space<vmem>> -> memref<64xi32, #tpu.memory_space<vmem>>
        %dma_wait3A_372 = arith.constant 0 : i32
        %dma_wait3A_373 = arith.constant 0 : i32
        %dma_wait3A_374 = tpu.memref_slice %arg3[%dma_wait3A_372, %dma_wait3A_373] : memref<10000x64xf32, #tpu.memory_space<hbm>> -> memref<10000x64xf32, #tpu.memory_space<hbm>>
        %dma_wait3A_375 = tpu.memref_slice %arg16[%rem3A_327] : memref<8x!tpu.dma_semaphore, #tpu.memory_space<semaphore_mem>> -> memref<1x!tpu.dma_semaphore, #tpu.memory_space<semaphore_mem>>
        %dma_wait3A_376 = tpu.memref_squeeze %dma_wait3A_375 : memref<1x!tpu.dma_semaphore, #tpu.memory_space<semaphore_mem>> -> memref<!tpu.dma_semaphore, #tpu.memory_space<semaphore_mem>>
        tpu.wait_indirect_dma semaphore(%dma_wait3A_376 : memref<!tpu.dma_semaphore, #tpu.memory_space<semaphore_mem>>) src(%dma_wait3A_374 : memref<10000x64xf32, #tpu.memory_space<hbm>>) dst(%dma_wait3A_368 : memref<64x64xf32, #tpu.memory_space<vmem>>)
        %rem3A_377 = arith.constant 2 : i32
        %rem3A_378 = arith.remsi %div3A_321, %rem3A_377 : i32
        %parallel_loop3A = arith.constant 0 : i32
        %parallel_loop3A_379 = arith.constant 64 : i32
        %parallel_loop3A_380 = arith.constant 1 : i32
        scf.for %parallel_loop3A_400 = %parallel_loop3A to %parallel_loop3A_379 step %parallel_loop3A_380  : i32 {
          %parallel_loop3A_401 = arith.constant 16 : i32
          %parallel_loop3A_402 = arith.divsi %parallel_loop3A_400, %parallel_loop3A_401 : i32
          %parallel_loop3A_403 = arith.constant 0 : i32
          %parallel_loop3A_404 = arith.cmpi sgt, %parallel_loop3A_400, %parallel_loop3A_403 : i32
          %parallel_loop3A_405 = arith.extui %parallel_loop3A_404 : i1 to i32
          %parallel_loop3A_406 = arith.constant 0 : i32
          %parallel_loop3A_407 = arith.cmpi slt, %parallel_loop3A_400, %parallel_loop3A_406 : i32
          %parallel_loop3A_408 = arith.extui %parallel_loop3A_407 : i1 to i32
          %parallel_loop3A_409 = arith.subi %parallel_loop3A_405, %parallel_loop3A_408 : i32
          %parallel_loop3A_410 = arith.constant 0 : i32
          %parallel_loop3A_411 = arith.cmpi sgt, %parallel_loop3A_401, %parallel_loop3A_410 : i32
          %parallel_loop3A_412 = arith.extui %parallel_loop3A_411 : i1 to i32
          %parallel_loop3A_413 = arith.constant 0 : i32
          %parallel_loop3A_414 = arith.cmpi slt, %parallel_loop3A_401, %parallel_loop3A_413 : i32
          %parallel_loop3A_415 = arith.extui %parallel_loop3A_414 : i1 to i32
          %parallel_loop3A_416 = arith.subi %parallel_loop3A_412, %parallel_loop3A_415 : i32
          %parallel_loop3A_417 = arith.cmpi ne, %parallel_loop3A_409, %parallel_loop3A_416 : i32
          %parallel_loop3A_418 = arith.remsi %parallel_loop3A_400, %parallel_loop3A_401 : i32
          %parallel_loop3A_419 = arith.constant 0 : i32
          %parallel_loop3A_420 = arith.cmpi ne, %parallel_loop3A_418, %parallel_loop3A_419 : i32
          %parallel_loop3A_421 = arith.andi %parallel_loop3A_417, %parallel_loop3A_420 : i1
          %parallel_loop3A_422 = arith.constant 1 : i32
          %parallel_loop3A_423 = arith.subi %parallel_loop3A_402, %parallel_loop3A_422 : i32
          %parallel_loop3A_424 = arith.select %parallel_loop3A_421, %parallel_loop3A_423, %parallel_loop3A_402 : i32
          %parallel_loop3A_425 = arith.constant 16 : i32
          %parallel_loop3A_426 = arith.muli %parallel_loop3A_424, %parallel_loop3A_425 : i32
          %parallel_loop3A_427 = tpu.assume_multiple %parallel_loop3A_426, 16 : i32
          %parallel_loop3A_428 = arith.index_cast %rem3A_378 : i32 to index
          %parallel_loop3A_429 = arith.index_cast %rem3A_319 : i32 to index
          %parallel_loop3A_430 = arith.index_cast %parallel_loop3A_427 : i32 to index
          %parallel_loop3A_431 = tpu.vector_load %arg13[%parallel_loop3A_428, %parallel_loop3A_429, %parallel_loop3A_430] {strides = array<i32>} : memref<2x16x64xf32, #tpu.memory_space<vmem>>, vector<1x1x16xf32>,
          %parallel_loop3A_432 = vector.shape_cast %parallel_loop3A_431 : vector<1x1x16xf32> to vector<16xf32>
          %parallel_loop3A_433 = arith.constant 16 : i32
          %parallel_loop3A_434 = arith.remsi %parallel_loop3A_400, %parallel_loop3A_433 : i32
          %parallel_loop3A_435 = vector.broadcast %parallel_loop3A_434 : i32 to vector<16xi32>
          %parallel_loop3A_436 = arith.constant 0 : i32
          %parallel_loop3A_437 = vector.broadcast %parallel_loop3A_436 : i32 to vector<16xi32>
          %parallel_loop3A_438 = arith.cmpi slt, %parallel_loop3A_435, %parallel_loop3A_437 : vector<16xi32>
          %parallel_loop3A_439 = arith.constant 16 : i32
          %parallel_loop3A_440 = vector.broadcast %parallel_loop3A_439 : i32 to vector<16xi32>
          %parallel_loop3A_441 = arith.addi %parallel_loop3A_435, %parallel_loop3A_440 : vector<16xi32>
          %parallel_loop3A_442 = arith.select %parallel_loop3A_438, %parallel_loop3A_441, %parallel_loop3A_435 : vector<16xi1>, vector<16xi32>
          %parallel_loop3A_443 = vector.shape_cast %parallel_loop3A_442 : vector<16xi32> to vector<16x1xi32>
          %parallel_loop3A_444 = vector.shape_cast %parallel_loop3A_443 : vector<16x1xi32> to vector<16xi32>
          %parallel_loop3A_445 = tpu.dynamic_gather %parallel_loop3A_432[%parallel_loop3A_444] in [0] : vector<16xf32>, vector<16xi32> -> vector<16xf32>
          %parallel_loop3A_446 = arith.index_cast %rem3A_327 : i32 to index
          %parallel_loop3A_447 = arith.index_cast %parallel_loop3A_400 : i32 to index
          %parallel_loop3A_448 = arith.constant 0 : index
          %parallel_loop3A_449 = tpu.vector_load %arg14[%parallel_loop3A_446, %parallel_loop3A_447, %parallel_loop3A_448] {strides = array<i32>} : memref<8x64x64xf32, #tpu.memory_space<vmem>>, vector<1x1x16xf32>,
          %parallel_loop3A_450 = vector.shape_cast %parallel_loop3A_449 : vector<1x1x16xf32> to vector<16xf32>
          %parallel_loop3A_451 = arith.mulf %parallel_loop3A_450, %parallel_loop3A_445 : vector<16xf32>
          %parallel_loop3A_452 = arith.index_cast %rem3A_327 : i32 to index
          %parallel_loop3A_453 = arith.index_cast %parallel_loop3A_400 : i32 to index
          %parallel_loop3A_454 = arith.constant 0 : index
          %parallel_loop3A_455 = tpu.vector_load %arg14[%parallel_loop3A_452, %parallel_loop3A_453, %parallel_loop3A_454] {strides = array<i32>} : memref<8x64x64xf32, #tpu.memory_space<vmem>>, vector<1x1x16xf32>,
          %parallel_loop3A_456 = vector.shape_cast %parallel_loop3A_455 : vector<1x1x16xf32> to vector<16xf32>
          %parallel_loop3A_457 = vector.shape_cast %parallel_loop3A_451 : vector<16xf32> to vector<1x1x16xf32>
          tpu.vector_store %arg14[%parallel_loop3A_452, %parallel_loop3A_453, %parallel_loop3A_454], %parallel_loop3A_457 {strides = array<i32>} : memref<8x64x64xf32, #tpu.memory_space<vmem>>, vector<1x1x16xf32>,
          %parallel_loop3A_458 = arith.index_cast %rem3A_327 : i32 to index
          %parallel_loop3A_459 = arith.index_cast %parallel_loop3A_400 : i32 to index
          %parallel_loop3A_460 = arith.constant 16 : index
          %parallel_loop3A_461 = tpu.vector_load %arg14[%parallel_loop3A_458, %parallel_loop3A_459, %parallel_loop3A_460] {strides = array<i32>} : memref<8x64x64xf32, #tpu.memory_space<vmem>>, vector<1x1x16xf32>,
          %parallel_loop3A_462 = vector.shape_cast %parallel_loop3A_461 : vector<1x1x16xf32> to vector<16xf32>
          %parallel_loop3A_463 = arith.mulf %parallel_loop3A_462, %parallel_loop3A_445 : vector<16xf32>
          %parallel_loop3A_464 = arith.index_cast %rem3A_327 : i32 to index
          %parallel_loop3A_465 = arith.index_cast %parallel_loop3A_400 : i32 to index
          %parallel_loop3A_466 = arith.constant 16 : index
          %parallel_loop3A_467 = tpu.vector_load %arg14[%parallel_loop3A_464, %parallel_loop3A_465, %parallel_loop3A_466] {strides = array<i32>} : memref<8x64x64xf32, #tpu.memory_space<vmem>>, vector<1x1x16xf32>,
          %parallel_loop3A_468 = vector.shape_cast %parallel_loop3A_467 : vector<1x1x16xf32> to vector<16xf32>
          %parallel_loop3A_469 = vector.shape_cast %parallel_loop3A_463 : vector<16xf32> to vector<1x1x16xf32>
          tpu.vector_store %arg14[%parallel_loop3A_464, %parallel_loop3A_465, %parallel_loop3A_466], %parallel_loop3A_469 {strides = array<i32>} : memref<8x64x64xf32, #tpu.memory_space<vmem>>, vector<1x1x16xf32>,
          %parallel_loop3A_470 = arith.index_cast %rem3A_327 : i32 to index
          %parallel_loop3A_471 = arith.index_cast %parallel_loop3A_400 : i32 to index
          %parallel_loop3A_472 = arith.constant 32 : index
          %parallel_loop3A_473 = tpu.vector_load %arg14[%parallel_loop3A_470, %parallel_loop3A_471, %parallel_loop3A_472] {strides = array<i32>} : memref<8x64x64xf32, #tpu.memory_space<vmem>>, vector<1x1x16xf32>,
          %parallel_loop3A_474 = vector.shape_cast %parallel_loop3A_473 : vector<1x1x16xf32> to vector<16xf32>
          %parallel_loop3A_475 = arith.mulf %parallel_loop3A_474, %parallel_loop3A_445 : vector<16xf32>
          %parallel_loop3A_476 = arith.index_cast %rem3A_327 : i32 to index
          %parallel_loop3A_477 = arith.index_cast %parallel_loop3A_400 : i32 to index
          %parallel_loop3A_478 = arith.constant 32 : index
          %parallel_loop3A_479 = tpu.vector_load %arg14[%parallel_loop3A_476, %parallel_loop3A_477, %parallel_loop3A_478] {strides = array<i32>} : memref<8x64x64xf32, #tpu.memory_space<vmem>>, vector<1x1x16xf32>,
          %parallel_loop3A_480 = vector.shape_cast %parallel_loop3A_479 : vector<1x1x16xf32> to vector<16xf32>
          %parallel_loop3A_481 = vector.shape_cast %parallel_loop3A_475 : vector<16xf32> to vector<1x1x16xf32>
          tpu.vector_store %arg14[%parallel_loop3A_476, %parallel_loop3A_477, %parallel_loop3A_478], %parallel_loop3A_481 {strides = array<i32>} : memref<8x64x64xf32, #tpu.memory_space<vmem>>, vector<1x1x16xf32>,
          %parallel_loop3A_482 = arith.index_cast %rem3A_327 : i32 to index
          %parallel_loop3A_483 = arith.index_cast %parallel_loop3A_400 : i32 to index
          %parallel_loop3A_484 = arith.constant 48 : index
          %parallel_loop3A_485 = tpu.vector_load %arg14[%parallel_loop3A_482, %parallel_loop3A_483, %parallel_loop3A_484] {strides = array<i32>} : memref<8x64x64xf32, #tpu.memory_space<vmem>>, vector<1x1x16xf32>,
          %parallel_loop3A_486 = vector.shape_cast %parallel_loop3A_485 : vector<1x1x16xf32> to vector<16xf32>
          %parallel_loop3A_487 = arith.mulf %parallel_loop3A_486, %parallel_loop3A_445 : vector<16xf32>
          %parallel_loop3A_488 = arith.index_cast %rem3A_327 : i32 to index
          %parallel_loop3A_489 = arith.index_cast %parallel_loop3A_400 : i32 to index
          %parallel_loop3A_490 = arith.constant 48 : index
          %parallel_loop3A_491 = tpu.vector_load %arg14[%parallel_loop3A_488, %parallel_loop3A_489, %parallel_loop3A_490] {strides = array<i32>} : memref<8x64x64xf32, #tpu.memory_space<vmem>>, vector<1x1x16xf32>,
          %parallel_loop3A_492 = vector.shape_cast %parallel_loop3A_491 : vector<1x1x16xf32> to vector<16xf32>
          %parallel_loop3A_493 = vector.shape_cast %parallel_loop3A_487 : vector<16xf32> to vector<1x1x16xf32>
          tpu.vector_store %arg14[%parallel_loop3A_488, %parallel_loop3A_489, %parallel_loop3A_490], %parallel_loop3A_493 {strides = array<i32>} : memref<8x64x64xf32, #tpu.memory_space<vmem>>, vector<1x1x16xf32>,
        } {sc.loop_unroll_factor = 4 : i64, sc.parallel_access}
        %div3A_381 = arith.constant 16 : i32
        %div3A_382 = arith.divsi %scan3A_316, %div3A_381 : i32
        %rem3A_383 = arith.constant 2 : i32
        %rem3A_384 = arith.remsi %div3A_382, %rem3A_383 : i32
        %rem3A_385 = arith.constant 16 : i32
        %rem3A_386 = arith.remsi %scan3A_316, %rem3A_385 : i32
        %dma_start3A_387 = arith.constant 0 : i32
        %dma_start3A_388 = arith.constant 0 : i32
        %dma_start3A_389 = tpu.memref_slice %arg14[%rem3A_327, %dma_start3A_387, %dma_start3A_388] : memref<8x64x64xf32, #tpu.memory_space<vmem>> -> memref<1x64x64xf32, #tpu.memory_space<vmem>>
        %dma_start3A_390 = tpu.memref_squeeze %dma_start3A_389 : memref<1x64x64xf32, #tpu.memory_space<vmem>> -> memref<64x64xf32, #tpu.memory_space<vmem>>
        %dma_start3A_391 = arith.constant 0 : i32
        %dma_start3A_392 = tpu.memref_slice %arg12[%rem3A_384, %rem3A_386, %dma_start3A_391] : memref<2x16x64xi32, #tpu.memory_space<vmem>> -> memref<1x1x64xi32, #tpu.memory_space<vmem>>
        %dma_start3A_393 = tpu.memref_squeeze %dma_start3A_392 : memref<1x1x64xi32, #tpu.memory_space<vmem>> -> memref<64xi32, #tpu.memory_space<vmem>>
        %dma_start3A_394 = arith.constant 0 : i32
        %dma_start3A_395 = arith.constant 0 : i32
        %dma_start3A_396 = tpu.memref_slice %arg15[%dma_start3A_394, %dma_start3A_395] : memref<10000x64xf32, #tpu.memory_space<vmem_shared>> -> memref<10000x64xf32, #tpu.memory_space<vmem_shared>>
        %dma_start3A_397 = tpu.memref_slice %arg17[%rem3A_327] : memref<8x!tpu.dma_semaphore, #tpu.memory_space<semaphore_mem>> -> memref<1x!tpu.dma_semaphore, #tpu.memory_space<semaphore_mem>>
        %dma_start3A_398 = tpu.memref_squeeze %dma_start3A_397 : memref<1x!tpu.dma_semaphore, #tpu.memory_space<semaphore_mem>> -> memref<!tpu.dma_semaphore, #tpu.memory_space<semaphore_mem>>
        tpu.enqueue_indirect_dma source(%dma_start3A_390 : memref<64x64xf32, #tpu.memory_space<vmem>>) target(%dma_start3A_396 : memref<10000x64xf32, #tpu.memory_space<vmem_shared>>) offsets(%dma_start3A_393 : memref<64xi32, #tpu.memory_space<vmem>>) semaphore(%dma_start3A_398 : memref<!tpu.dma_semaphore, #tpu.memory_space<semaphore_mem>>) {add = true}
        %scan3A_399 = arith.constant 0 : i32
        scf.yield %scan3A_399 : i32
      }
      %scan3A_283 = arith.constant 320 : i32
      %dma_wait3A_284 = arith.constant 6 : i32
      %dma_wait3A_285 = arith.constant 1 : i32
      %dma_wait3A_286 = arith.constant 14 : i32
      %dma_wait3A_287 = arith.constant 6 : i32
      %dma_wait3A_288 = arith.constant 0 : i32
      %dma_wait3A_289 = arith.constant 0 : i32
      %dma_wait3A_290 = tpu.memref_slice %arg14[%dma_wait3A_284, %dma_wait3A_288, %dma_wait3A_289] : memref<8x64x64xf32, #tpu.memory_space<vmem>> -> memref<1x64x64xf32, #tpu.memory_space<vmem>>
      %dma_wait3A_291 = tpu.memref_squeeze %dma_wait3A_290 : memref<1x64x64xf32, #tpu.memory_space<vmem>> -> memref<64x64xf32, #tpu.memory_space<vmem>>
      %dma_wait3A_292 = arith.constant 0 : i32
      %dma_wait3A_293 = tpu.memref_slice %arg12[%dma_wait3A_285, %dma_wait3A_286, %dma_wait3A_292] : memref<2x16x64xi32, #tpu.memory_space<vmem>> -> memref<1x1x64xi32, #tpu.memory_space<vmem>>
      %dma_wait3A_294 = tpu.memref_squeeze %dma_wait3A_293 : memref<1x1x64xi32, #tpu.memory_space<vmem>> -> memref<64xi32, #tpu.memory_space<vmem>>
      %dma_wait3A_295 = arith.constant 0 : i32
      %dma_wait3A_296 = arith.constant 0 : i32
      %dma_wait3A_297 = tpu.memref_slice %arg15[%dma_wait3A_295, %dma_wait3A_296] : memref<10000x64xf32, #tpu.memory_space<vmem_shared>> -> memref<10000x64xf32, #tpu.memory_space<vmem_shared>>
      %dma_wait3A_298 = tpu.memref_slice %arg17[%dma_wait3A_287] : memref<8x!tpu.dma_semaphore, #tpu.memory_space<semaphore_mem>> -> memref<1x!tpu.dma_semaphore, #tpu.memory_space<semaphore_mem>>
      %dma_wait3A_299 = tpu.memref_squeeze %dma_wait3A_298 : memref<1x!tpu.dma_semaphore, #tpu.memory_space<semaphore_mem>> -> memref<!tpu.dma_semaphore, #tpu.memory_space<semaphore_mem>>
      tpu.wait_indirect_dma semaphore(%dma_wait3A_299 : memref<!tpu.dma_semaphore, #tpu.memory_space<semaphore_mem>>) src(%dma_wait3A_291 : memref<64x64xf32, #tpu.memory_space<vmem>>) dst(%dma_wait3A_297 : memref<10000x64xf32, #tpu.memory_space<vmem_shared>>)
      %dma_wait3A_300 = arith.constant 7 : i32
      %dma_wait3A_301 = arith.constant 1 : i32
      %dma_wait3A_302 = arith.constant 15 : i32
      %dma_wait3A_303 = arith.constant 7 : i32
      %dma_wait3A_304 = arith.constant 0 : i32
      %dma_wait3A_305 = arith.constant 0 : i32
      %dma_wait3A_306 = tpu.memref_slice %arg14[%dma_wait3A_300, %dma_wait3A_304, %dma_wait3A_305] : memref<8x64x64xf32, #tpu.memory_space<vmem>> -> memref<1x64x64xf32, #tpu.memory_space<vmem>>
      %dma_wait3A_307 = tpu.memref_squeeze %dma_wait3A_306 : memref<1x64x64xf32, #tpu.memory_space<vmem>> -> memref<64x64xf32, #tpu.memory_space<vmem>>
      %dma_wait3A_308 = arith.constant 0 : i32
      %dma_wait3A_309 = tpu.memref_slice %arg12[%dma_wait3A_301, %dma_wait3A_302, %dma_wait3A_308] : memref<2x16x64xi32, #tpu.memory_space<vmem>> -> memref<1x1x64xi32, #tpu.memory_space<vmem>>
      %dma_wait3A_310 = tpu.memref_squeeze %dma_wait3A_309 : memref<1x1x64xi32, #tpu.memory_space<vmem>> -> memref<64xi32, #tpu.memory_space<vmem>>
      %dma_wait3A_311 = arith.constant 0 : i32
      %dma_wait3A_312 = arith.constant 0 : i32
      %dma_wait3A_313 = tpu.memref_slice %arg15[%dma_wait3A_311, %dma_wait3A_312] : memref<10000x64xf32, #tpu.memory_space<vmem_shared>> -> memref<10000x64xf32, #tpu.memory_space<vmem_shared>>
      %dma_wait3A_314 = tpu.memref_slice %arg17[%dma_wait3A_303] : memref<8x!tpu.dma_semaphore, #tpu.memory_space<semaphore_mem>> -> memref<1x!tpu.dma_semaphore, #tpu.memory_space<semaphore_mem>>
      %dma_wait3A_315 = tpu.memref_squeeze %dma_wait3A_314 : memref<1x!tpu.dma_semaphore, #tpu.memory_space<semaphore_mem>> -> memref<!tpu.dma_semaphore, #tpu.memory_space<semaphore_mem>>
      tpu.wait_indirect_dma semaphore(%dma_wait3A_315 : memref<!tpu.dma_semaphore, #tpu.memory_space<semaphore_mem>>) src(%dma_wait3A_307 : memref<64x64xf32, #tpu.memory_space<vmem>>) dst(%dma_wait3A_313 : memref<10000x64xf32, #tpu.memory_space<vmem_shared>>)
    } else {
    }
    %barrier3A_32 = arith.constant 0 : index
    tpu.barrier barrier_id(%barrier3A_32)
    %while3A_33 = arith.constant 0 : i32
    %while3A_34 = arith.constant 0 : i32
    %while3A_35 = arith.subi %add3A_2, %while3A_33 : i32
    %while3A_36 = arith.addi %while3A_33, %while3A_35 : i32
    %while3A_37 = arith.constant 1 : i32
    %while3A_38 = arith.divsi %while3A_35, %while3A_37 : i32
    %while3A_39 = arith.muli %while3A_38, %while3A_37 : i32
    %while3A_40 = arith.addi %while3A_33, %while3A_39 : i32
    %while3A_41 = arith.constant 1 : i32
    %while3A_42 = scf.for %while3A_50 = %while3A_33 to %while3A_40 step %while3A_41 iter_args(%while3A_51 = %while3A_34) -> (i32)  : i32 {
      %mul3A = arith.constant 16 : i32
      %mul3A_52 = arith.muli %while3A_50, %mul3A : i32
      %add3A_53 = arith.addi %arg1, %mul3A_52 : i32
      %mul3A_54 = arith.constant 64 : i32
      %mul3A_55 = arith.muli %add3A_53, %mul3A_54 : i32
      %multiple_of3A = tpu.assume_multiple %mul3A_55, 64 : i32
      "tpu.region"() ({
        %run_scoped3A = tpu.sem_alloc : memref<!tpu.dma_semaphore, #tpu.memory_space<semaphore_mem>>
        %dma_start3A = arith.constant 0 : i32
        %dma_start3A_57 = tpu.memref_slice %arg10[%arg0, %multiple_of3A, %dma_start3A] : memref<2x10000x64xf32, #tpu.memory_space<hbm>> -> memref<1x64x64xf32, #tpu.memory_space<hbm>>
        %dma_start3A_58 = tpu.memref_squeeze %dma_start3A_57 : memref<1x64x64xf32, #tpu.memory_space<hbm>> -> memref<64x64xf32, #tpu.memory_space<hbm>>
        %dma_start3A_59 = arith.constant 0 : i32
        %dma_start3A_60 = tpu.memref_slice %arg15[%multiple_of3A, %dma_start3A_59] : memref<10000x64xf32, #tpu.memory_space<vmem_shared>> -> memref<64x64xf32, #tpu.memory_space<vmem_shared>>
        tpu.enqueue_dma source(%dma_start3A_60 : memref<64x64xf32, #tpu.memory_space<vmem_shared>>) target(%dma_start3A_58 : memref<64x64xf32, #tpu.memory_space<hbm>>) target_semaphore(%run_scoped3A : memref<!tpu.dma_semaphore, #tpu.memory_space<semaphore_mem>>)
        %dma_wait3A = arith.constant 0 : i32
        %dma_wait3A_61 = tpu.memref_slice %arg10[%arg0, %multiple_of3A, %dma_wait3A] : memref<2x10000x64xf32, #tpu.memory_space<hbm>> -> memref<1x64x64xf32, #tpu.memory_space<hbm>>
        %dma_wait3A_62 = tpu.memref_squeeze %dma_wait3A_61 : memref<1x64x64xf32, #tpu.memory_space<hbm>> -> memref<64x64xf32, #tpu.memory_space<hbm>>
        %dma_wait3A_63 = arith.constant 0 : i32
        %dma_wait3A_64 = tpu.memref_slice %arg15[%multiple_of3A, %dma_wait3A_63] : memref<10000x64xf32, #tpu.memory_space<vmem_shared>> -> memref<64x64xf32, #tpu.memory_space<vmem_shared>>
        tpu.wait_dma2 semaphore(%run_scoped3A : memref<!tpu.dma_semaphore, #tpu.memory_space<semaphore_mem>>) src(%dma_wait3A_64 : memref<64x64xf32, #tpu.memory_space<vmem_shared>>) dst(%dma_wait3A_62 : memref<64x64xf32, #tpu.memory_space<hbm>>)
        tpu.yield
      }) : () -> ()
      %while3A_56 = arith.constant 0 : i32
      scf.yield %while3A_56 : i32
    }
    %while3A_43 = arith.constant 1 : i32
    %while3A_44 = scf.for %while3A_50 = %while3A_40 to %while3A_36 step %while3A_43 iter_args(%while3A_51 = %while3A_42) -> (i32)  : i32 {
      %mul3A = arith.constant 16 : i32
      %mul3A_52 = arith.muli %while3A_50, %mul3A : i32
      %add3A_53 = arith.addi %arg1, %mul3A_52 : i32
      %mul3A_54 = arith.constant 64 : i32
      %mul3A_55 = arith.muli %add3A_53, %mul3A_54 : i32
      %multiple_of3A = tpu.assume_multiple %mul3A_55, 64 : i32
      "tpu.region"() ({
        %run_scoped3A = tpu.sem_alloc : memref<!tpu.dma_semaphore, #tpu.memory_space<semaphore_mem>>
        %dma_start3A = arith.constant 0 : i32
        %dma_start3A_57 = tpu.memref_slice %arg10[%arg0, %multiple_of3A, %dma_start3A] : memref<2x10000x64xf32, #tpu.memory_space<hbm>> -> memref<1x64x64xf32, #tpu.memory_space<hbm>>
        %dma_start3A_58 = tpu.memref_squeeze %dma_start3A_57 : memref<1x64x64xf32, #tpu.memory_space<hbm>> -> memref<64x64xf32, #tpu.memory_space<hbm>>
        %dma_start3A_59 = arith.constant 0 : i32
        %dma_start3A_60 = tpu.memref_slice %arg15[%multiple_of3A, %dma_start3A_59] : memref<10000x64xf32, #tpu.memory_space<vmem_shared>> -> memref<64x64xf32, #tpu.memory_space<vmem_shared>>
        tpu.enqueue_dma source(%dma_start3A_60 : memref<64x64xf32, #tpu.memory_space<vmem_shared>>) target(%dma_start3A_58 : memref<64x64xf32, #tpu.memory_space<hbm>>) target_semaphore(%run_scoped3A : memref<!tpu.dma_semaphore, #tpu.memory_space<semaphore_mem>>)
        %dma_wait3A = arith.constant 0 : i32
        %dma_wait3A_61 = tpu.memref_slice %arg10[%arg0, %multiple_of3A, %dma_wait3A] : memref<2x10000x64xf32, #tpu.memory_space<hbm>> -> memref<1x64x64xf32, #tpu.memory_space<hbm>>
        %dma_wait3A_62 = tpu.memref_squeeze %dma_wait3A_61 : memref<1x64x64xf32, #tpu.memory_space<hbm>> -> memref<64x64xf32, #tpu.memory_space<hbm>>
        %dma_wait3A_63 = arith.constant 0 : i32
        %dma_wait3A_64 = tpu.memref_slice %arg15[%multiple_of3A, %dma_wait3A_63] : memref<10000x64xf32, #tpu.memory_space<vmem_shared>> -> memref<64x64xf32, #tpu.memory_space<vmem_shared>>
        tpu.wait_dma2 semaphore(%run_scoped3A : memref<!tpu.dma_semaphore, #tpu.memory_space<semaphore_mem>>) src(%dma_wait3A_64 : memref<64x64xf32, #tpu.memory_space<vmem_shared>>) dst(%dma_wait3A_62 : memref<64x64xf32, #tpu.memory_space<hbm>>)
        tpu.yield
      }) : () -> ()
      %while3A_56 = arith.constant 0 : i32
      scf.yield %while3A_56 : i32
    }
    %eq3A_45 = arith.constant 15 : i32
    %eq3A_46 = arith.cmpi eq, %arg1, %eq3A_45 : i32
    %convert_element_type3A_47 = arith.extui %eq3A_46 : i1 to i32
    %cond3A_48 = arith.constant 0 : i32
    %cond3A_49 = arith.cmpi ne, %convert_element_type3A_47, %cond3A_48 : i32
    scf.if %cond3A_49 {
      "tpu.region"() ({
        %run_scoped3A = tpu.sem_alloc : memref<!tpu.dma_semaphore, #tpu.memory_space<semaphore_mem>>
        %dma_start3A = arith.constant 9984 : i32
        %dma_start3A_50 = arith.constant 0 : i32
        %dma_start3A_51 = tpu.memref_slice %arg10[%arg0, %dma_start3A, %dma_start3A_50] : memref<2x10000x64xf32, #tpu.memory_space<hbm>> -> memref<1x16x64xf32, #tpu.memory_space<hbm>>
        %dma_start3A_52 = tpu.memref_squeeze %dma_start3A_51 : memref<1x16x64xf32, #tpu.memory_space<hbm>> -> memref<16x64xf32, #tpu.memory_space<hbm>>
        %dma_start3A_53 = arith.constant 9984 : i32
        %dma_start3A_54 = arith.constant 0 : i32
        %dma_start3A_55 = tpu.memref_slice %arg15[%dma_start3A_53, %dma_start3A_54] : memref<10000x64xf32, #tpu.memory_space<vmem_shared>> -> memref<16x64xf32, #tpu.memory_space<vmem_shared>>
        tpu.enqueue_dma source(%dma_start3A_55 : memref<16x64xf32, #tpu.memory_space<vmem_shared>>) target(%dma_start3A_52 : memref<16x64xf32, #tpu.memory_space<hbm>>) target_semaphore(%run_scoped3A : memref<!tpu.dma_semaphore, #tpu.memory_space<semaphore_mem>>)
        %dma_wait3A = arith.constant 9984 : i32
        %dma_wait3A_56 = arith.constant 0 : i32
        %dma_wait3A_57 = tpu.memref_slice %arg10[%arg0, %dma_wait3A, %dma_wait3A_56] : memref<2x10000x64xf32, #tpu.memory_space<hbm>> -> memref<1x16x64xf32, #tpu.memory_space<hbm>>
        %dma_wait3A_58 = tpu.memref_squeeze %dma_wait3A_57 : memref<1x16x64xf32, #tpu.memory_space<hbm>> -> memref<16x64xf32, #tpu.memory_space<hbm>>
        %dma_wait3A_59 = arith.constant 9984 : i32
        %dma_wait3A_60 = arith.constant 0 : i32
        %dma_wait3A_61 = tpu.memref_slice %arg15[%dma_wait3A_59, %dma_wait3A_60] : memref<10000x64xf32, #tpu.memory_space<vmem_shared>> -> memref<16x64xf32, #tpu.memory_space<vmem_shared>>
        tpu.wait_dma2 semaphore(%run_scoped3A : memref<!tpu.dma_semaphore, #tpu.memory_space<semaphore_mem>>) src(%dma_wait3A_61 : memref<16x64xf32, #tpu.memory_space<vmem_shared>>) dst(%dma_wait3A_58 : memref<16x64xf32, #tpu.memory_space<hbm>>)
        tpu.yield
      }) : () -> ()
    } else {
    }
    return
  }
}

module attributes {stable_mosaic.version = 14 : i64} {
  func.func @_mm1_body(%arg0: i32, %arg1: memref<2000x128xf32, #tpu.memory_space<vmem>>, %arg2: memref<128x384xf32, #tpu.memory_space<vmem>>, %arg3: memref<1x128xf32, #tpu.memory_space<vmem>>, %arg4: memref<2000x128xf32, #tpu.memory_space<vmem>>, %arg5: memref<2000x128xf32, #tpu.memory_space<vmem>>, %arg6: memref<2000x128xf32, #tpu.memory_space<vmem>>) attributes {dimension_semantics = [#tpu.dimension_semantics<arbitrary>], iteration_bounds = array<i64: 5>, scalar_prefetch = 0 : i64, scratch_operands = 0 : i64, tpu.core_type = #tpu.core_type<tc>, window_params = [{transform_indices = @transform_0, window_bounds = array<i64: 2000, 128>}, {pipeline_mode = #tpu.pipeline_mode<synchronous>, transform_indices = @transform_1, window_bounds = array<i64: 128, 384>}, {pipeline_mode = #tpu.pipeline_mode<synchronous>, transform_indices = @transform_2, window_bounds = array<i64: 1, 128>}, {transform_indices = @transform_3, window_bounds = array<i64: 2000, 128>}, {transform_indices = @transform_4, window_bounds = array<i64: 2000, 128>}, {transform_indices = @transform_5, window_bounds = array<i64: 2000, 128>}]} {
    %get3A = arith.constant 0 : index
    %get3A_0 = arith.constant 0 : index
    %get3A_1 = vector.load %arg1[%get3A, %get3A_0] : memref<2000x128xf32, #tpu.memory_space<vmem>>, vector<2000x128xf32>
    %get3A_2 = arith.constant 0 : index
    %get3A_3 = arith.constant 0 : index
    %get3A_4 = vector.load %arg2[%get3A_2, %get3A_3] : memref<128x384xf32, #tpu.memory_space<vmem>>, vector<128x384xf32>
    %dot_general3A = arith.constant dense<0.000000e+00> : vector<2000x384xf32>
    %dot_general3A_5 = tpu.matmul %get3A_1, %get3A_4, %dot_general3A {dimension_numbers = #tpu.dot_dimension_numbers<[1], [0], [0], [1], [0, 0, 1, 1], [], []>, transpose_lhs_hint = false} : vector<2000x128xf32>, vector<128x384xf32>, vector<2000x384xf32> -> vector<2000x384xf32>
    %slice3A = vector.extract_strided_slice %dot_general3A_5 {offsets = [0, 0], sizes = [2000, 128], strides = [1, 1]} : vector<2000x384xf32> to vector<2000x128xf32>
    %get3A_6 = arith.constant 0 : index
    %get3A_7 = arith.constant 0 : index
    %get3A_8 = vector.load %arg3[%get3A_6, %get3A_7] : memref<1x128xf32, #tpu.memory_space<vmem>>, vector<1x128xf32>
    %add3A = vector.broadcast %get3A_8 : vector<1x128xf32> to vector<2000x128xf32>
    %add3A_9 = arith.addf %slice3A, %add3A : vector<2000x128xf32>
    %swap3A = arith.constant 0 : index
    %swap3A_10 = arith.constant 0 : index
    %swap3A_11 = vector.load %arg4[%swap3A, %swap3A_10] : memref<2000x128xf32, #tpu.memory_space<vmem>>, vector<2000x128xf32>
    tpu.vector_store %arg4[%swap3A, %swap3A_10], %add3A_9 {strides = array<i32>} : memref<2000x128xf32, #tpu.memory_space<vmem>>, vector<2000x128xf32>,
    %slice3A_12 = vector.extract_strided_slice %dot_general3A_5 {offsets = [0, 128], sizes = [2000, 128], strides = [1, 1]} : vector<2000x384xf32> to vector<2000x128xf32>
    %swap3A_13 = arith.constant 0 : index
    %swap3A_14 = arith.constant 0 : index
    %swap3A_15 = vector.load %arg5[%swap3A_13, %swap3A_14] : memref<2000x128xf32, #tpu.memory_space<vmem>>, vector<2000x128xf32>
    tpu.vector_store %arg5[%swap3A_13, %swap3A_14], %slice3A_12 {strides = array<i32>} : memref<2000x128xf32, #tpu.memory_space<vmem>>, vector<2000x128xf32>,
    %slice3A_16 = vector.extract_strided_slice %dot_general3A_5 {offsets = [0, 256], sizes = [2000, 128], strides = [1, 1]} : vector<2000x384xf32> to vector<2000x128xf32>
    %swap3A_17 = arith.constant 0 : index
    %swap3A_18 = arith.constant 0 : index
    %swap3A_19 = vector.load %arg6[%swap3A_17, %swap3A_18] : memref<2000x128xf32, #tpu.memory_space<vmem>>, vector<2000x128xf32>
    tpu.vector_store %arg6[%swap3A_17, %swap3A_18], %slice3A_16 {strides = array<i32>} : memref<2000x128xf32, #tpu.memory_space<vmem>>, vector<2000x128xf32>,
    return
  }
  func.func @transform_0(%arg0: i32) -> (i32, i32) {
    %c0_i32 = arith.constant 0 : i32
    %c0_i32_0 = arith.constant 0 : i32
    return %arg0, %c0_i32 : i32, i32
  }
  func.func @transform_1(%arg0: i32) -> (i32, i32) {
    %c0_i32 = arith.constant 0 : i32
    %c0_i32_0 = arith.constant 0 : i32
    %c0_i32_1 = arith.constant 0 : i32
    return %c0_i32, %c0_i32_0 : i32, i32
  }
  func.func @transform_2(%arg0: i32) -> (i32, i32) {
    %c0_i32 = arith.constant 0 : i32
    %c0_i32_0 = arith.constant 0 : i32
    %c0_i32_1 = arith.constant 0 : i32
    return %c0_i32, %c0_i32_0 : i32, i32
  }
  func.func @transform_3(%arg0: i32) -> (i32, i32) {
    %c0_i32 = arith.constant 0 : i32
    %c0_i32_0 = arith.constant 0 : i32
    return %arg0, %c0_i32 : i32, i32
  }
  func.func @transform_4(%arg0: i32) -> (i32, i32) {
    %c0_i32 = arith.constant 0 : i32
    %c0_i32_0 = arith.constant 0 : i32
    return %arg0, %c0_i32 : i32, i32
  }
  func.func @transform_5(%arg0: i32) -> (i32, i32) {
    %c0_i32 = arith.constant 0 : i32
    %c0_i32_0 = arith.constant 0 : i32
    return %arg0, %c0_i32 : i32, i32
  }
}

module attributes {stable_mosaic.version = 14 : i64} {
  func.func @_mm2_body(%arg0: i32, %arg1: memref<2000x128xf32, #tpu.memory_space<vmem>>, %arg2: memref<2x2000x128xf32, #tpu.memory_space<vmem>>, %arg3: memref<128x192xf32, #tpu.memory_space<vmem>>, %arg4: memref<1x64xf32, #tpu.memory_space<vmem>>, %arg5: memref<2000x64xf32, #tpu.memory_space<vmem>>, %arg6: memref<2000x64xf32, #tpu.memory_space<vmem>>, %arg7: memref<2000x64xf32, #tpu.memory_space<vmem>>) attributes {dimension_semantics = [#tpu.dimension_semantics<arbitrary>], iteration_bounds = array<i64: 5>, scalar_prefetch = 0 : i64, scratch_operands = 0 : i64, tpu.core_type = #tpu.core_type<tc>, window_params = [{transform_indices = @transform_0, window_bounds = array<i64: 2000, 128>}, {transform_indices = @transform_1, window_bounds = array<i64: 2, 2000, 128>}, {pipeline_mode = #tpu.pipeline_mode<synchronous>, transform_indices = @transform_2, window_bounds = array<i64: 128, 192>}, {pipeline_mode = #tpu.pipeline_mode<synchronous>, transform_indices = @transform_3, window_bounds = array<i64: 1, 64>}, {transform_indices = @transform_4, window_bounds = array<i64: 2000, 64>}, {transform_indices = @transform_5, window_bounds = array<i64: 2000, 64>}, {transform_indices = @transform_6, window_bounds = array<i64: 2000, 64>}]} {
    %get3A = arith.constant 0 : index
    %get3A_0 = arith.constant 0 : index
    %get3A_1 = vector.load %arg1[%get3A, %get3A_0] : memref<2000x128xf32, #tpu.memory_space<vmem>>, vector<2000x128xf32>
    %get3A_2 = arith.constant 0 : index
    %get3A_3 = arith.constant 0 : index
    %get3A_4 = arith.constant 0 : index
    %get3A_5 = vector.load %arg2[%get3A_2, %get3A_3, %get3A_4] : memref<2x2000x128xf32, #tpu.memory_space<vmem>>, vector<1x2000x128xf32>
    %get3A_6 = vector.shape_cast %get3A_5 : vector<1x2000x128xf32> to vector<2000x128xf32>
    %add3A = arith.addf %get3A_1, %get3A_6 : vector<2000x128xf32>
    %get3A_7 = arith.constant 1 : index
    %get3A_8 = arith.constant 0 : index
    %get3A_9 = arith.constant 0 : index
    %get3A_10 = vector.load %arg2[%get3A_7, %get3A_8, %get3A_9] : memref<2x2000x128xf32, #tpu.memory_space<vmem>>, vector<1x2000x128xf32>
    %get3A_11 = vector.shape_cast %get3A_10 : vector<1x2000x128xf32> to vector<2000x128xf32>
    %add3A_12 = arith.addf %add3A, %get3A_11 : vector<2000x128xf32>
    %get3A_13 = arith.constant 0 : index
    %get3A_14 = arith.constant 0 : index
    %get3A_15 = vector.load %arg3[%get3A_13, %get3A_14] : memref<128x192xf32, #tpu.memory_space<vmem>>, vector<128x192xf32>
    %dot_general3A = arith.constant dense<0.000000e+00> : vector<2000x192xf32>
    %dot_general3A_16 = tpu.matmul %add3A_12, %get3A_15, %dot_general3A {dimension_numbers = #tpu.dot_dimension_numbers<[1], [0], [0], [1], [0, 0, 1, 1], [], []>, transpose_lhs_hint = false} : vector<2000x128xf32>, vector<128x192xf32>, vector<2000x192xf32> -> vector<2000x192xf32>
    %slice3A = vector.extract_strided_slice %dot_general3A_16 {offsets = [0, 0], sizes = [2000, 64], strides = [1, 1]} : vector<2000x192xf32> to vector<2000x64xf32>
    %get3A_17 = arith.constant 0 : index
    %get3A_18 = arith.constant 0 : index
    %get3A_19 = vector.load %arg4[%get3A_17, %get3A_18] : memref<1x64xf32, #tpu.memory_space<vmem>>, vector<1x64xf32>
    %add3A_20 = vector.broadcast %get3A_19 : vector<1x64xf32> to vector<2000x64xf32>
    %add3A_21 = arith.addf %slice3A, %add3A_20 : vector<2000x64xf32>
    %swap3A = arith.constant 0 : index
    %swap3A_22 = arith.constant 0 : index
    %swap3A_23 = vector.load %arg5[%swap3A, %swap3A_22] : memref<2000x64xf32, #tpu.memory_space<vmem>>, vector<2000x64xf32>
    tpu.vector_store %arg5[%swap3A, %swap3A_22], %add3A_21 {strides = array<i32>} : memref<2000x64xf32, #tpu.memory_space<vmem>>, vector<2000x64xf32>,
    %slice3A_24 = vector.extract_strided_slice %dot_general3A_16 {offsets = [0, 64], sizes = [2000, 64], strides = [1, 1]} : vector<2000x192xf32> to vector<2000x64xf32>
    %swap3A_25 = arith.constant 0 : index
    %swap3A_26 = arith.constant 0 : index
    %swap3A_27 = vector.load %arg6[%swap3A_25, %swap3A_26] : memref<2000x64xf32, #tpu.memory_space<vmem>>, vector<2000x64xf32>
    tpu.vector_store %arg6[%swap3A_25, %swap3A_26], %slice3A_24 {strides = array<i32>} : memref<2000x64xf32, #tpu.memory_space<vmem>>, vector<2000x64xf32>,
    %slice3A_28 = vector.extract_strided_slice %dot_general3A_16 {offsets = [0, 128], sizes = [2000, 64], strides = [1, 1]} : vector<2000x192xf32> to vector<2000x64xf32>
    %swap3A_29 = arith.constant 0 : index
    %swap3A_30 = arith.constant 0 : index
    %swap3A_31 = vector.load %arg7[%swap3A_29, %swap3A_30] : memref<2000x64xf32, #tpu.memory_space<vmem>>, vector<2000x64xf32>
    tpu.vector_store %arg7[%swap3A_29, %swap3A_30], %slice3A_28 {strides = array<i32>} : memref<2000x64xf32, #tpu.memory_space<vmem>>, vector<2000x64xf32>,
    return
  }
  func.func @transform_0(%arg0: i32) -> (i32, i32) {
    %c0_i32 = arith.constant 0 : i32
    %c0_i32_0 = arith.constant 0 : i32
    return %arg0, %c0_i32 : i32, i32
  }
  func.func @transform_1(%arg0: i32) -> (i32, i32, i32) {
    %c0_i32 = arith.constant 0 : i32
    %c0_i32_0 = arith.constant 0 : i32
    %c0_i32_1 = arith.constant 0 : i32
    return %c0_i32, %arg0, %c0_i32_0 : i32, i32, i32
  }
  func.func @transform_2(%arg0: i32) -> (i32, i32) {
    %c0_i32 = arith.constant 0 : i32
    %c0_i32_0 = arith.constant 0 : i32
    %c0_i32_1 = arith.constant 0 : i32
    return %c0_i32, %c0_i32_0 : i32, i32
  }
  func.func @transform_3(%arg0: i32) -> (i32, i32) {
    %c0_i32 = arith.constant 0 : i32
    %c0_i32_0 = arith.constant 0 : i32
    %c0_i32_1 = arith.constant 0 : i32
    return %c0_i32, %c0_i32_0 : i32, i32
  }
  func.func @transform_4(%arg0: i32) -> (i32, i32) {
    %c0_i32 = arith.constant 0 : i32
    %c0_i32_0 = arith.constant 0 : i32
    return %arg0, %c0_i32 : i32, i32
  }
  func.func @transform_5(%arg0: i32) -> (i32, i32) {
    %c0_i32 = arith.constant 0 : i32
    %c0_i32_0 = arith.constant 0 : i32
    return %arg0, %c0_i32 : i32, i32
  }
  func.func @transform_6(%arg0: i32) -> (i32, i32) {
    %c0_i32 = arith.constant 0 : i32
    %c0_i32_0 = arith.constant 0 : i32
    return %arg0, %c0_i32 : i32, i32
  }
}

module attributes {stable_mosaic.version = 14 : i64} {
  func.func @_add3_body(%arg0: i32, %arg1: memref<2000x64xf32, #tpu.memory_space<vmem>>, %arg2: memref<2x2000x64xf32, #tpu.memory_space<vmem>>, %arg3: memref<2000x64xf32, #tpu.memory_space<vmem>>) attributes {dimension_semantics = [#tpu.dimension_semantics<arbitrary>], iteration_bounds = array<i64: 5>, scalar_prefetch = 0 : i64, scratch_operands = 0 : i64, tpu.core_type = #tpu.core_type<tc>, window_params = [{transform_indices = @transform_0, window_bounds = array<i64: 2000, 64>}, {transform_indices = @transform_1, window_bounds = array<i64: 2, 2000, 64>}, {transform_indices = @transform_2, window_bounds = array<i64: 2000, 64>}]} {
    %get3A = arith.constant 0 : index
    %get3A_0 = arith.constant 0 : index
    %get3A_1 = vector.load %arg1[%get3A, %get3A_0] : memref<2000x64xf32, #tpu.memory_space<vmem>>, vector<2000x64xf32>
    %get3A_2 = arith.constant 0 : index
    %get3A_3 = arith.constant 0 : index
    %get3A_4 = arith.constant 0 : index
    %get3A_5 = vector.load %arg2[%get3A_2, %get3A_3, %get3A_4] : memref<2x2000x64xf32, #tpu.memory_space<vmem>>, vector<1x2000x64xf32>
    %get3A_6 = vector.shape_cast %get3A_5 : vector<1x2000x64xf32> to vector<2000x64xf32>
    %add3A = arith.addf %get3A_1, %get3A_6 : vector<2000x64xf32>
    %get3A_7 = arith.constant 1 : index
    %get3A_8 = arith.constant 0 : index
    %get3A_9 = arith.constant 0 : index
    %get3A_10 = vector.load %arg2[%get3A_7, %get3A_8, %get3A_9] : memref<2x2000x64xf32, #tpu.memory_space<vmem>>, vector<1x2000x64xf32>
    %get3A_11 = vector.shape_cast %get3A_10 : vector<1x2000x64xf32> to vector<2000x64xf32>
    %add3A_12 = arith.addf %add3A, %get3A_11 : vector<2000x64xf32>
    %swap3A = arith.constant 0 : index
    %swap3A_13 = arith.constant 0 : index
    %swap3A_14 = vector.load %arg3[%swap3A, %swap3A_13] : memref<2000x64xf32, #tpu.memory_space<vmem>>, vector<2000x64xf32>
    tpu.vector_store %arg3[%swap3A, %swap3A_13], %add3A_12 {strides = array<i32>} : memref<2000x64xf32, #tpu.memory_space<vmem>>, vector<2000x64xf32>,
    return
  }
  func.func @transform_0(%arg0: i32) -> (i32, i32) {
    %c0_i32 = arith.constant 0 : i32
    %c0_i32_0 = arith.constant 0 : i32
    return %arg0, %c0_i32 : i32, i32
  }
  func.func @transform_1(%arg0: i32) -> (i32, i32, i32) {
    %c0_i32 = arith.constant 0 : i32
    %c0_i32_0 = arith.constant 0 : i32
    %c0_i32_1 = arith.constant 0 : i32
    return %c0_i32, %arg0, %c0_i32_0 : i32, i32, i32
  }
  func.func @transform_2(%arg0: i32) -> (i32, i32) {
    %c0_i32 = arith.constant 0 : i32
    %c0_i32_0 = arith.constant 0 : i32
    return %arg0, %c0_i32 : i32, i32
  }
}

</mosaic_0001>

<sc_bundles>
// kernel: kernel.10.cloned.1.call-start
scs
__scs_entry_jumppad:
0x0: {  	(pc) =	sbr.rel $0x88, $3  }
0x1: {  	(tag) =	ssettag $0x0;
	lr =	simm.s32 $0x1  }
0x2: {  	[smem:$0x3F90] =	sst lr;
	_ =	strace $0xD0000000  }
0x3: {  	_ = 	snop  }
0x4: {  	_ = 	snop  }
0x5: {  	_ = 	snop  }
0x6: {  	_ = 	snop  }
0x7: {  	_ = 	snop  }
__scs_overlays_trampoline_lowered:
0x8: {  	[smem:$0x3F9F] =	sst s0  }
0x9: {  	[smem:$0x3FA0] =	sst s1  }
0xa: {  	[smem:$0x3FA1] =	sst s2  }
0xb: {  	[smem:$0x3FA2] =	sst s3  }
0xc: {  	[smem:$0x3FA3] =	sst s4  }
0xd: {  	[smem:$0x3FA4] =	sst s5  }
0xe: {  	[smem:$0x3FA5] =	sst s6  }
0xf: {  	[smem:$0x3FA6] =	sst s7  }
0x10: {  	[smem:$0x3FA7] =	sst s8  }
0x11: {  	[smem:$0x3FA8] =	sst s9;
	s0 =	simm.s32 @!p0 $0x0  }
0x12: {  	s1 =	sld [smem:$0x3F8E];
	s0 =	simm.s32 @p0 $0x1  }
0x13: {  	[smem:$0x3FA9] =	sst s0;
	s0 =	simm.s32 @!p1 $0x0  }
0x14: {  	s2 =	sld [smem:$0x3F8D];
	s0 =	simm.s32 @p1 $0x1  }
0x15: {  	[smem:$0x3FAA] =	sst s0;
	s0 =	simm.s32 @!p2 $0x0  }
0x16: {  	s3 =	sld [smem:$0x3FDB];
	s0 =	simm.s32 @p2 $0x1  }
0x17: {  	s4 =	simm.s32 $0x1BF5;
	[smem:$0x3FAC] =	sst s0  }
0x18: {  	s0 =	sld [smem:$0x3F8F];
	_ =	swait.ge [sflag:s4], $0x0  }
0x19: {  	s7 =	sld [smem:$0x3F90]  }
0x1a: {  	s8 =	sadd.s32 $0xFFFFE003, lr  }
0x1b: {  	s9 =	sadd.s32 $0xFFFFFEF7, lr;
	s5 =	simm.s32 $0xFFFFFFFF;
	p2 =	slt.u32 s8, $0xFFFFF086  }
0x1c: {  	p1 =	slt.u32 s9, $0xF7A;
	s5 =	simm.s32 @!p2 $0x0  }
0x1d: {  	s5 =	simm.s32 @p1 $0x1;
	p0 =	seq.s32 s7, s2  }
0x1e: {  	s7 =	smul.u32 @!p0 $0xF7A, s2;
	p2 =	seq.s32 @!p0 s5, $0x0  }
0x1f: {  	s9 =	smul.u32 $0xF7A, s1;
	s8 =	simm.s32 @!p0 $0x1BF5;
	p2 =	por !p2, p0  }
0x20: {  	[sflag:s8] =	ssyncset.s32 @!p0 $0xFFFFF086;
	s6 =	sadd.s32 @!p0 s3, s7;
	s7 =	simm.s32 @!p0 $0x108  }
0x21: {  	s3 =	sadd.s32 s3, s9;
	s6 =	sadd.s32 @!p0 $0x88, s6;
	s7 =	simm.s32 @p2 $0x1082  }
0x22: {  	[simem:s7], [sflag:s8] =	dma.local @!p0 [hbm:s6], $0xF7A  }
0x23: {  	s9 =	sor.u32 $0xD0000000, s2;
	s6 =	simm.s32 $0x108;
	_ =	swait.ge @!p0 [sflag:s8], $0x0  }
0x24: {  	s3 =	sadd.s32 $0x88, s3;
	s6 =	simm.s32 @!p1 $0x1082;
	[sflag:s4] =	ssyncset.s32 $0xFFFFF086  }
0x25: {  	[simem:s6], [sflag:s4] =	dma.local [hbm:s3], $0xF7A  }
0x26: {  	[smem:$0x3F90] =	sst s1;
	(tag) =	ssettag s2;
	_ =	strace s9  }
0x27: {  	s1 =	sld [smem:$0x3FA0]  }
0x28: {  	s2 =	sld [smem:$0x3FA1]  }
0x29: {  	s4 =	sld [smem:$0x3FA3]  }
0x2a: {  	p0 =	seq.s32 s5, $0x0;
	s5 =	sld [smem:$0x3FA4]  }
0x2b: {  	s6 =	sld [smem:$0x3FA5]  }
0x2c: {  	s7 =	sld [smem:$0x3FA6]  }
0x2d: {  	s3 =	simm.s32 $0x108;
	s8 =	sld [smem:$0x3FA7]  }
0x2e: {  	s3 =	simm.s32 @!p0 $0x1082;
	s9 =	sld [smem:$0x3FA8]  }
0x2f: {  	lr =	sadd.s32 s0, s3;
	s0 =	sld [smem:$0x3F9F]  }
0x30: {  	s3 =	sld [smem:$0x3FA2]  }
0x31: {  	[smem:$0x3FAB] =	sst s10  }
0x32: {  	s10 =	sld [smem:$0x3FA9];
	_ =	sdelay $0x3  }
0x33: {  	p0 =	seq.s32 s10, $0x1;
	s10 =	sld [smem:$0x3FAB];
	_ =	sdelay $0x3  }
0x34: {  	[smem:$0x3FAB] =	sst s10  }
0x35: {  	s10 =	sld [smem:$0x3FAA];
	_ =	sdelay $0x3  }
0x36: {  	p1 =	seq.s32 s10, $0x1;
	s10 =	sld [smem:$0x3FAB];
	_ =	sdelay $0x3  }
0x37: {  	[smem:$0x3FAB] =	sst s10  }
0x38: {  	s10 =	sld [smem:$0x3FAC]  }
0x39: {  	_ = 	snop;
	(pc) =	sbr.ind lr, $3  }
0x3a: {  	_ = 	snop  }
0x3b: {  	_ = 	snop  }
0x3c: {  	p2 =	seq.s32 s10, $0x1;
	s10 =	sld [smem:$0x3FAB]  }
0x3d: {  	_ =	shalt  }
0x3e: {  	_ =	shalt  }
0x3f: {  	_ =	shalt  }
0x40: {  	_ =	shalt  }
0x41: {  	_ =	shalt  }
0x42: {  	_ =	shalt  }
0x43: {  	_ =	shalt  }
0x44: {  	_ =	shalt  }
0x45: {  	_ =	shalt  }
0x46: {  	_ =	shalt  }
0x47: {  	_ =	shalt  }
0x48: {  	_ =	shalt  }
0x49: {  	_ =	shalt  }
0x4a: {  	_ =	shalt  }
0x4b: {  	_ =	shalt  }
0x4c: {  	_ =	shalt  }
0x4d: {  	_ =	shalt  }
0x4e: {  	_ =	shalt  }
0x4f: {  	_ =	shalt  }
0x50: {  	_ =	shalt  }
0x51: {  	_ =	shalt  }
0x52: {  	_ =	shalt  }
0x53: {  	_ =	shalt  }
0x54: {  	_ =	shalt  }
0x55: {  	_ =	shalt  }
0x56: {  	_ =	shalt  }
0x57: {  	_ =	shalt  }
0x58: {  	_ =	shalt  }
0x59: {  	_ =	shalt  }
0x5a: {  	_ =	shalt  }
0x5b: {  	_ =	shalt  }
0x5c: {  	_ =	shalt  }
0x5d: {  	_ =	shalt  }
0x5e: {  	_ =	shalt  }
0x5f: {  	_ =	shalt  }
0x60: {  	_ =	shalt  }
0x61: {  	_ =	shalt  }
0x62: {  	_ =	shalt  }
0x63: {  	_ =	shalt  }
0x64: {  	_ =	shalt  }
0x65: {  	_ =	shalt  }
0x66: {  	_ =	shalt  }
0x67: {  	_ =	shalt  }
0x68: {  	_ =	shalt  }
0x69: {  	_ =	shalt  }
0x6a: {  	_ =	shalt  }
0x6b: {  	_ =	shalt  }
0x6c: {  	_ =	shalt  }
0x6d: {  	_ =	shalt  }
0x6e: {  	_ =	shalt  }
0x6f: {  	_ =	shalt  }
0x70: {  	_ =	shalt  }
0x71: {  	_ =	shalt  }
0x72: {  	_ =	shalt  }
0x73: {  	_ =	shalt  }
0x74: {  	_ =	shalt  }
0x75: {  	_ =	shalt  }
0x76: {  	_ =	shalt  }
0x77: {  	_ =	shalt  }
0x78: {  	_ =	shalt  }
0x79: {  	_ =	shalt  }
0x7a: {  	_ =	shalt  }
0x7b: {  	_ =	shalt  }
0x7c: {  	_ =	shalt  }
0x7d: {  	_ =	shalt  }
0x7e: {  	_ =	shalt  }
0x7f: {  	_ =	shalt  }
0x80: {  	_ =	shalt  }
0x81: {  	_ =	shalt  }
0x82: {  	_ =	shalt  }
0x83: {  	_ =	shalt  }
0x84: {  	_ =	shalt  }
0x85: {  	_ =	shalt  }
0x86: {  	_ =	shalt  }
0x87: {  	_ =	shalt  }
.Lfunc_end0:
.L_simem_size_0:
called_computation.1_lowered:
.L_overlay_start_0:
0x88: {  	s2 =	sld [smem:$0x3FD9]  }
0x89: {  	s3 =	sld [smem:$0x3FFE];
	_ =	sdelay $0x1  }
0x8a: {  	s1 =	srdreg.scid  }
0x8b: {  	s0 =	sand.u32 $0x1, s1  }
0x8c: {  	s17 =	sshll.u32 s0, $0xA;
	s2 =	sadd.s32 s3, s2  }
0x8d: {  	s2 =	sadd.s32 s2, s17  }
0x8e: {  	[smem:$0x3FB7] =	sst s2  }
0x8f: {  	_ = 	snop  }
0x90: {  	s2 =	sld [smem:$0x3FD0];
	(tm) =	ssettm $0x1  }
0x91: {  	s18 =	sld [smem:$0x3FFB];
	_ =	sdelay $0x3  }
0x92: {  	_ =	strace s18  }
0x93: {  	s3 =	sld [smem:$0x3FFC];
	_ =	sdelay $0x3  }
0x94: {  	_ =	strace s3  }
0x95: {  	s3 =	sld [smem:$0x3FFD];
	_ =	sdelay $0x3  }
0x96: {  	_ =	strace s3  }
0x97: {  	_ =	strace $0x8FFFFFFF  }
0x98: {  	s19 =	sld [smem:$0x3FDB];
	_ =	sdelay $0x1  }
0x99: {  	s4 =	simm.s32 $_scs_section_size  }
0x9a: {  	s5 =	simm.s32 $_size__tile_overlayer_lowered;
	s6 =	simm.s32 $_tile_overlayer_lowered  }
0x9b: {  	s22 =	simm.s32 $0x1BFF;
	s21 =	sshll.u32 s6, $0x1;
	s3 =	sadd.s32 s4, s19  }
0x9c: {  	s7 =	simm.s32 $0x0;
	s20 =	sshll.u32 s5, $0x1;
	s5 =	sadd.s32 s21, s3  }
0x9d: {  	[timem:s7], [sflag:s22] =	dma.local [hbm:s5], s20  }
0x9e: {  	_ =	swait.ge [sflag:s22], s20  }
0x9f: {  	s4 =	ssub.s32 $0x0, s20;
	[sflag:s22] =	ssyncset.done $0x0  }
0xa0: {  	[sflag:s22] =	ssyncadd.s32 s4;
	_ =	sdelay $0x1  }
0xa1: {  	s23 =	simm.s32 $0x1B8B  }
0xa2: {  	_ =	swait.ge [sflag:s23], $0x1  }
0xa3: {  	[sflag:s23] =	ssyncset.done $0x0  }
0xa4: {  	s25 =	simm.s32 $0x1B8E;
	s24 =	sld [smem:$0x3FFE];
	[sflag:s23] =	ssyncadd.s32 $0xFFFFFFFF  }
0xa5: {  	s26 =	simm.s32 $execute0_lowered;
	[smem:$0x3FD2] =	sst s25  }
0xa6: {  	s5 =	sshll.u32 s26, $0x1;
	_ =	strace $0x80000049;
	[dreg:$0x1] =	wrdreg $0xFFFFFFFF  }
0xa7: {  	s28 =	simm.s32 $_size_execute0_lowered;
	s3 =	sadd.s32 s3, s5;
	[dreg:$0x0] =	wrdreg $0x0  }
0xa8: {  	s5 =	sshll.u32 s28, $0x1;
	[dreg:$0x2] =	wrdreg s3  }
0xa9: {  	[dreg:$0x3] =	wrdreg s5  }
0xaa: {  	[dreg:$0x4] =	wrdreg $0xC0  }
0xab: {  	_ =	task [dreg:s7], $0x5FFFF  }
0xac: {  	[dreg:$0x1] =	wrdreg $0xFFFFFFFF  }
0xad: {  	[dreg:$0x0] =	wrdreg $0x60  }
0xae: {  	[dreg:$0x2] =	wrdreg s2  }
0xaf: {  	[dreg:$0x3] =	wrdreg s24  }
0xb0: {  	[dreg:$0x4] =	wrdreg $0x98000  }
0xb1: {  	[dreg:$0x5] =	wrdreg $0x9  }
0xb2: {  	_ =	task.clear_ibuf [dreg:s7], $0x6FFFF;
	_ =	strace $0x90000049  }
0xb3: {  	s29 =	simm.s32 $0x9;
	_ =	strace $0x8000004B  }
0xb4: {  	_ =	swait.ge [sflag:s29], $0x1  }
0xb5: {  	[sflag:s29] =	ssyncadd.s32 $0xFFFFFFFF  }
0xb6: {  	_ =	strace $0x9000004B  }
0xb7: {  	_ =	sfence  }
0xb8: {  	s30 =	sld [smem:$0x0];
	_ =	sdelay $0x2  }
0xb9: {  	s31 =	sshll.u32 s1, $0xD;
	s1 =	sshrl.u32 s1, $0x2  }
0xba: {  	s3 =	sand.u32 $0x4000, s31;
	s1 =	sadd.s32 s1, s30  }
0xbb: {  	s0 =	sor.u32 s3, s0;
	s1 =	sshll.u32 s1, $0x11  }
0xbc: {  	s0 =	sor.u32 s1, s0  }
0xbd: {  	s0 =	sadd.s32 $0x8F2B, s0  }
0xbe: {  	[sflag:s0] =	ssyncadd.remote.s32 $0x1  }
0xbf: {  	_ =	sfence.sel $0xFFFF  }
0xc0: {  	[dreg:$0x0] =	wrdreg $0xFFFFFFFF;
	(pc) =	sbr.abs _section_cstart, $3  }
0xc1: {  	[dreg:$0x1] =	wrdreg $0xFFFFFFFF  }
0xc2: {  	_ =	task.clear_ibuf [dreg:s7], $0x2FFFF;
	_ =	strace $0x9FFFFFFF  }
0xc3: {  	(tm) =	ssettm $0x7FFFFFFF  }
tec
execute0_lowered:
.L_overlay_start_1:
0x0: {  	(tag) =	ssettag $0x1  }
0x1: {  	s1 =	rddreg [dreg:$0x0]  }
0x2: {  	s0 =	rddreg [dreg:$0x1]  }
0x3: {  	s2 =	rddreg [dreg:$0x2];
	s3 =	simm.s32 $0x0  }
0x4: {  	s7 =	srdreg.scid;
	s14 =	stileid.u32;
	s30 =	simm.s32 $0x11  }
0x5: {  	s31 =	simm.s32 $0x40;
	[smem:$0x7FF] =	sst s3;
	s4 =	sadd.s32 $0xD000, s0  }
0x6: {  	s5 =	sadd.s32 $0x3000, s0;
	s6 =	sadd.s32 $0x21000, s0;
	s9 =	sand.u32 $0x1, s7  }
0x7: {  	s7 =	sadd.s32 $0x3F000, s0;
	s8 =	sadd.s32 $0x5D000, s0;
	s10 =	sadd.s32 $0x7B000, s0  }
0x8: {  	s11 =	sadd.s32 $0x99000, s0;
	s0 =	sadd.s32 $0xA3000, s0;
	p0 =	slt.u32 s14, $0xC  }
0x9: {  	s16 =	sshll.u32 s14, $0xC;
	s17 =	smul.u32 $0xA00, s14;
	s21 =	sadd.s32 $0x9C000, s2  }
0xa: {  	_ =	strace $0x8000004A;
	s20 =	sadd.s32 s16, s2;
	[dreg:$0x6] =	wrdreg s21  }
0xb: {  	p1 =	sne.s32 s14, $0xF;
	s18 =	sadd.s32 s5, s17;
	[dreg:$0x5] =	wrdreg s20  }
0xc: {  	s12 =	ssub.s32 $0x2, s9;
	s19 =	sadd.s32 s6, s17;
	[dreg:$0x7] =	wrdreg s18  }
0xd: {  	s13 =	sshrl.u32 s12, $0x1;
	s22 =	sadd.s32 s7, s17;
	[dreg:$0x8] =	wrdreg s19  }
0xe: {  	s23 =	sadd.s32 s8, s17;
	s24 =	sadd.s32 s10, s17;
	[dreg:$0x9] =	wrdreg s22  }
0xf: {  	s15 =	ssub.s32 s12, s13;
	s13 =	simm.s32 $0xA;
	[dreg:$0xa] =	wrdreg s23  }
0x10: {  	s13 =	simm.s32 @!p0 $0x9;
	p0 =	seq.s32 s9, $0x1;
	s9 =	smul.u32 $0x9C400, s9  }
0x11: {  	s26 =	sadd.s32 s11, s17;
	s18 =	smul.u32 $0x5000, s14;
	[dreg:$0xb] =	wrdreg s24  }
0x12: {  	[dreg:$0xc] =	wrdreg s26;
	s29 =	smax.u32 s15, $0x1;
	s19 =	sshrl.u32 s9, $0x3  }
0x13: {  	[dreg:$0xe] =	wrdreg s29;
	s9 =	sadd.s32 s16, s9;
	s25 =	sadd.s32 s0, s19  }
0x14: {  	[dreg:$0x4] =	wrdreg s13;
	s9 =	sshrl.u32 s9, $0x3;
	s28 =	sadd.s32 $0x13800, s25  }
0x15: {  	s26 =	simm.s32 $0x13;
	s0 =	sadd.s32 s9, s0;
	[dreg:$0xd] =	wrdreg s28  }
0x16: {  	v0 =	vimm.f32 $0.0e+00;
	s25 =	simm.s32 $0x1800;
	[dreg:$0xf] =	wrdreg s0;
	s0 =	simm.s32 $0x0  }
.LBB2_1:
0x17: {  	s15 =	simm.s32 $0x100;
	s9 =	simm.s32 $0x0  }
.LBB2_2:
0x18: {  	p2 =	sne.s32 s15, $0x3F00;
	[tilespmem:s9+$0x1830] =	vst v0;
	s16 =	smov.u32 s15;
	s15 =	sadd.s32 $0x100, s15  }
.Ltmp0:
0x19: {  	[tilespmem:s9+$0x1820] =	vst v0;
	(pc) =	sbr.rel @p2 .LBB2_2-.Ltmp0, $3  }
0x1a: {  	[tilespmem:s9+$0x1800] =	vst v0  }
0x1b: {  	[tilespmem:s9+$0x1810] =	vst v0;
	_ =	sdelay $0x1  }
0x1c: {  	s9 =	sshra.s32 s16, $0x2  }
0x1d: {  	[tilespmem:s9+$0x1830] =	vst v0  }
0x1e: {  	[tilespmem:s9+$0x1820] =	vst v0;
	p2 =	sne.s32 s13, $0x1  }
.Ltmp1:
0x1f: {  	[tilespmem:s9+$0x1800] =	vst v0;
	(pc) =	sbr.rel @!p2 .LBB2_5-.Ltmp1, $4  }
0x20: {  	[tilespmem:s9+$0x1810] =	vst v0  }
0x21: {  	[spmem:s20] =	stream.linear.scatter [tilespmem:s25], [sflag:$0x13], $0x1000, $0x38;
	[tilespmem:$0x13440] =	vst v63  }
0x22: {  	_ =	swait.ge [sflag:s26], $0x1000  }
0x23: {  	s9 =	sadd.s32 $0xFFFFFFFF, s13;
	s15 =	smov.u32 s20;
	[sflag:s26] =	ssyncset.done $0x0  }
.LBB2_4:
0x24: {  	p3 =	sne.s32 s9, $0x1;
	[sflag:s26] =	ssyncadd.s32 $0xFFFFF000;
	s15 =	sadd.s32 $0x10000, s15  }
.Ltmp2:
0x25: {  	s9 =	sadd.s32 $0xFFFFFFFF, s9;
	(pc) =	sbr.rel @p3 .LBB2_4-.Ltmp2, $4  }
0x26: {  	_ = 	snop  }
0x27: {  	[spmem:s15] =	stream.linear.scatter [tilespmem:s25], [sflag:$0x13], $0x1000, $0x38;
	[tilespmem:$0x13440] =	vst v63  }
0x28: {  	_ =	swait.ge [sflag:s26], $0x1000  }
0x29: {  	[sflag:s26] =	ssyncset.done $0x0  }
.LBB2_5:
0x2a: {  	[sflag:s26] =	ssyncadd.s32 $0xFFFFF000;
	s9 =	simm.s32 @!p1 $0x1800  }
0x2b: {  	[spmem:s21] =	stream.linear.scatter @!p1 [tilespmem:s9], [sflag:$0x13], $0x400, $0x38;
	[tilespmem:$0x13440] =	vst v63  }
0x2c: {  	s9 =	simm.s32 @!p1 $0x13  }
.Ltmp3:
0x2d: {  	_ =	swait.ge @!p1 [sflag:s9], $0x400;
	(pc) =	sbr.rel @!p0 .LBB2_6-.Ltmp3, $4  }
0x2e: {  	[sflag:s9] =	ssyncset.done @!p1 $0x0  }
0x2f: {  	[sflag:s9] =	ssyncadd.s32 @!p1 $0xFFFFFC00  }
0x30: {  	[bflag:$0x0] =	sbarrier.arrive $0xFFFF  }
0x31: {  	s17 =	simm.s32 $0x0  }
0x32: {  	s9 =	rddreg [dreg:$0xa]  }
0x33: {  	[tilespmem:s17], [sflag:$0x11] =	stream.linear.gather [hbm4b:s9+s17], $0x400, $0x38;
	[tilespmem:$0x13440] =	vst v63  }
0x34: {  	s29 =	rddreg [dreg:$0xb];
	s12 =	simm.s32 $0x800  }
0x35: {  	[tilespmem:s12], [sflag:$0x11] =	stream.linear.gather [hbm4b:s29+s17], $0x400, $0x38;
	[tilespmem:$0x13440] =	vst v63  }
0x36: {  	s13 =	rddreg [dreg:$0xc];
	s14 =	simm.s32 $0x1000  }
0x37: {  	[tilespmem:s14], [sflag:$0x11] =	stream.linear.gather [hbm4b:s13+s17], $0x400, $0x38;
	[tilespmem:$0x13440] =	vst v63  }
0x38: {  	_ =	swait.ge [sflag:s30], $0x400  }
0x39: {  	[sflag:s30] =	ssyncset.done $0x0  }
0x3a: {  	[sflag:s30] =	ssyncadd.s32 $0xFFFFFC00  }
0x3b: {  	_ =	swait.ge [sflag:s30], $0x400  }
0x3c: {  	[sflag:s30] =	ssyncset.done $0x0  }
0x3d: {  	[sflag:s30] =	ssyncadd.s32 $0xFFFFFC00  }
0x3e: {  	_ =	swait.ge [sflag:s30], $0x400  }
0x3f: {  	[sflag:s30] =	ssyncset.done $0x0  }
0x40: {  	[sflag:s30] =	ssyncadd.s32 $0xFFFFFC00  }
0x41: {  	[tilespmem:s25], [sflag:$0x1] =	stream.indirect.gather [hbm4b:s4+s31], $0x40, s17, s31, $0xb8;
	[tilespmem:$0x13440] =	vst v63  }
0x42: {  	s15 =	simm.s32 $0x2800  }
0x43: {  	[tilespmem:s15], [sflag:$0x2] =	stream.indirect.gather [hbm4b:s4+s31], $0x40, s31, s31, $0xb8;
	[tilespmem:$0x13440] =	vst v63  }
0x44: {  	s16 =	simm.s32 $0x80;
	s19 =	simm.s32 $0x3800  }
0x45: {  	[tilespmem:s19], [sflag:$0x3] =	stream.indirect.gather [hbm4b:s4+s31], $0x40, s16, s31, $0xb8;
	[tilespmem:$0x13440] =	vst v63  }
0x46: {  	s20 =	simm.s32 $0xC0;
	s21 =	simm.s32 $0x4800  }
0x47: {  	[tilespmem:s21], [sflag:$0x4] =	stream.indirect.gather [hbm4b:s4+s31], $0x40, s20, s31, $0xb8;
	[tilespmem:$0x13440] =	vst v63  }
0x48: {  	s22 =	simm.s32 $0x100;
	s23 =	simm.s32 $0x5800  }
0x49: {  	[tilespmem:s23], [sflag:$0x5] =	stream.indirect.gather [hbm4b:s4+s31], $0x40, s22, s31, $0xb8;
	[tilespmem:$0x13440] =	vst v63  }
0x4a: {  	s24 =	simm.s32 $0x140;
	s28 =	simm.s32 $0x0;
	s29 =	simm.s32 $0x6800  }
0x4b: {  	[tilespmem:s29], [sflag:$0x6] =	stream.indirect.gather [hbm4b:s4+s31], $0x40, s24, s31, $0xb8;
	[tilespmem:$0x13440] =	vst v63  }
.LBB2_18:
0x4c: {  	s9 =	sand.u32 $0xF, s28;
	p3 =	sgt.u32 s28, $0x131  }
0x4d: {  	p4 =	sne.s32 @!p3 s9, $0x2  }
0x4e: {  	p3 =	por p3, p4  }
.Ltmp4:
0x4f: {  	_ = 	snop;
	(pc) =	sbr.rel @p3 .LBB2_20-.Ltmp4, $3  }
0x50: {  	_ =	sdelay $0x1  }
0x51: {  	s16 =	sadd.s32 $0x6, s28  }
0x52: {  	s15 =	sshrl.u32 s28, $0x4;
	s19 =	sand.u32 $0x7, s16  }
0x53: {  	s12 =	sadd.s32 $0x1, s15  }
0x54: {  	s13 =	sshll.u32 s12, $0xA  }
0x55: {  	s13 =	sadd.s32 s18, s13  }
0x56: {  	s12 =	sand.u32 $0x1, s12;
	s13 =	sshrl.u32 s13, $0x3  }
0x57: {  	s14 =	sadd.s32 $0x11, s12;
	s12 =	sshll.u32 s12, $0xA;
	s20 =	sadd.s32 s8, s13  }
0x58: {  	[tilespmem:s12], [sflag:s14] =	stream.linear.gather [hbm4b:s20+s3], $0x400, $0x38;
	[tilespmem:$0x13440] =	vst v63  }
0x59: {  	s24 =	sor.u32 $0x800, s12;
	s21 =	sadd.s32 s10, s13  }
0x5a: {  	[tilespmem:s24], [sflag:s14] =	stream.linear.gather [hbm4b:s21+s3], $0x400, $0x38;
	[tilespmem:$0x13440] =	vst v63  }
0x5b: {  	s29 =	sadd.s32 $0x9, s19;
	s13 =	sadd.s32 s11, s13;
	s12 =	sor.u32 $0x1000, s12  }
0x5c: {  	[tilespmem:s12], [sflag:s14] =	stream.linear.gather [hbm4b:s13+s3], $0x400, $0x38;
	[tilespmem:$0x13440] =	vst v63  }
0x5d: {  	_ =	swait.ge [sflag:s29], $0x1000  }
0x5e: {  	[sflag:s29] =	ssyncset.done $0x0  }
0x5f: {  	[sflag:s29] =	ssyncadd.s32 $0xFFFFF000  }
.LBB2_24:
0x60: {  	s12 =	sshll.u32 s19, $0xC;
	s13 =	sshll.u32 s16, $0x6  }
0x61: {  	s14 =	sadd.s32 $0x1, s19;
	s12 =	sadd.s32 $0x1800, s12;
	s13 =	sand.u32 $0x7C0, s13  }
0x62: {  	[tilespmem:s12], [sflag:s14] =	stream.indirect.gather [hbm4b:s4+s31], $0x40, s13, s31, $0xb8;
	[tilespmem:$0x13440] =	vst v63  }
.LBB2_25:
0x63: {  	s12 =	sshll.u32 s15, $0xC  }
0x64: {  	s20 =	sshll.u32 s9, $0x8;
	s19 =	sand.u32 $0x1000, s12  }
0x65: {  	s9 =	sor.u32 s20, s19  }
0x66: {  	s15 =	sand.u32 $0x7, s28;
	s9 =	sshrl.u32 s9, $0x2  }
0x67: {  	s22 =	sadd.s32 $0x1, s15;
	s9 =	sor.u32 $0x1000, s9  }
0x68: {  	s13 =	sand.u32 $0x7, s17;
	_ =	swait.ge [sflag:s22], $0x1000;
	v1 =	vmov s9  }
0x69: {  	s13 =	sshll.u32 s13, $0xC;
	[sflag:s22] =	ssyncset.done $0x0  }
0x6a: {  	s23 =	simm.s32 $0x0;
	s21 =	sadd.s32 $0x1880, s13;
	[sflag:s22] =	ssyncadd.s32 $0xFFFFF000  }
0x6b: {  	s12 =	sand.u32 $0xC0, s23;
	v3 =	vld [tilespmem:s21+$0x70]  }
0x6c: {  	s24 =	sshrl.u32 s12, $0x2;
	v4 =	vld [tilespmem:s21+$0xFFFFFF80]  }
0x6d: {  	v2 =	vld.idx.msk [tilespmem:v1+s24+$0x0 ss:$0x1], $0xffff  }
0x6e: {  	v5 =	vld [tilespmem:s21+$0xFFFFFF90]  }
0x6f: {  	v6 =	vld [tilespmem:s21+$0xFFFFFFA0]  }
0x70: {  	s12 =	simm.s32 $0x0;
	s13 =	simm.s32 $0x3;
	v7 =	vld [tilespmem:s21+$0xFFFFFFB0]  }
0x71: {  	v8 =	vmov s13;
	s9 =	sand.u32 $0xC, s12;
	v9 =	vld [tilespmem:s21+$0xFFFFFFC0]  }
0x72: {  	s14 =	simm.s32 $0x1;
	v12 =	vld [tilespmem:s21+$0xFFFFFFE0];
	v10 =	vmov s9;
	v11 =	vperm.xlane v2, v8  }
0x73: {  	s16 =	simm.s32 $0x10;
	v13 =	vld [tilespmem:s21+$0xFFFFFFF0];
	s9 =	sand.u32 $0xD, s14;
	v10 =	vperm.xlane v2, v10  }
0x74: {  	v14 =	vld [tilespmem:s21+$0x0];
	v15 =	vmov s9;
	s9 =	sand.u32 $0xC0, s16;
	v3 =	vmul.f32 v3, v11  }
0x75: {  	s9 =	sshrl.u32 s9, $0x2;
	v8 =	vld [tilespmem:s21+$0xFFFFFFD0];
	v4 =	vmul.f32 v4, v10  }
0x76: {  	v16 =	vld.idx.msk [tilespmem:v1+s9+$0x0 ss:$0x1], $0xffff;
	s9 =	sadd.s32 $0x100, s21;
	v5 =	vmul.f32 v5, v10;
	[tilespmem:s21+$0x70] =	vst v3  }
0x77: {  	v17 =	vld [tilespmem:s9+$0xFFFFFFD0];
	v15 =	vperm.xlane v2, v15;
	[tilespmem:s21+$0xFFFFFF80] =	vst v4;
	v4 =	vmul.f32 v6, v10  }
0x78: {  	s22 =	simm.s32 $0x2;
	v3 =	vld [tilespmem:s21+$0x10];
	[tilespmem:s21+$0xFFFFFF90] =	vst v5;
	v5 =	vmul.f32 v7, v10  }
0x79: {  	s12 =	sand.u32 $0xE, s22;
	v6 =	vld [tilespmem:s21+$0x20];
	[tilespmem:s21+$0xFFFFFFA0] =	vst v4;
	v4 =	vmul.f32 v9, v15  }
0x7a: {  	v7 =	vld [tilespmem:s21+$0x30];
	v10 =	vmov s12;
	[tilespmem:s21+$0xFFFFFFB0] =	vst v5;
	v5 =	vmul.f32 v8, v15  }
0x7b: {  	v2 =	vperm.xlane v2, v10;
	v10 =	vld [tilespmem:s21+$0x50];
	[tilespmem:s21+$0xFFFFFFC0] =	vst v4;
	v4 =	vmul.f32 v12, v15  }
0x7c: {  	v9 =	vld [tilespmem:s21+$0x40];
	[tilespmem:s21+$0xFFFFFFD0] =	vst v5;
	v5 =	vmul.f32 v13, v15  }
0x7d: {  	v8 =	vld [tilespmem:s9+$0x70];
	[tilespmem:s21+$0xFFFFFFE0] =	vst v4;
	v4 =	vmul.f32 v14, v2  }
0x7e: {  	s23 =	simm.s32 $0x7;
	s22 =	simm.s32 $0x4;
	v3 =	vmul.f32 v3, v2;
	[tilespmem:s21+$0xFFFFFFF0] =	vst v5;
	v5 =	vld [tilespmem:s9+$0xFFFFFF80]  }
0x7f: {  	s24 =	sand.u32 $0xC, s22;
	v13 =	vmov s23;
	v14 =	vld [tilespmem:s9+$0xFFFFFFA0];
	[tilespmem:s21+$0x0] =	vst v4;
	v4 =	vmul.f32 v6, v2  }
0x80: {  	[tilespmem:s21+$0x10] =	vst v3;
	v3 =	vmul.f32 v7, v2;
	v7 =	vmov s24;
	v6 =	vld [tilespmem:s9+$0xFFFFFF90];
	v2 =	vperm.xlane v16, v13  }
0x81: {  	v13 =	vld [tilespmem:s9+$0xFFFFFFB0];
	[tilespmem:s21+$0x20] =	vst v4;
	v4 =	vmul.f32 v9, v11;
	v9 =	vperm.xlane v16, v7  }
0x82: {  	s14 =	simm.s32 $0x5;
	v15 =	vld [tilespmem:s9+$0xFFFFFFC0];
	[tilespmem:s21+$0x30] =	vst v3;
	v3 =	vmul.f32 v8, v2  }
0x83: {  	s16 =	simm.s32 $0x6;
	s12 =	sand.u32 $0xD, s14;
	v12 =	vld [tilespmem:s21+$0x60];
	[tilespmem:s21+$0x40] =	vst v4;
	v4 =	vmul.f32 v5, v9  }
0x84: {  	s23 =	sand.u32 $0xE, s16;
	v7 =	vld [tilespmem:s9+$0xFFFFFFE0];
	v5 =	vmov s12;
	[tilespmem:s9+$0x70] =	vst v3;
	v14 =	vmul.f32 v14, v9  }
0x85: {  	v8 =	vld [tilespmem:s9+$0xFFFFFFF0];
	v3 =	vmov s23;
	v18 =	vmul.f32 v6, v9;
	v6 =	vperm.xlane v16, v5;
	[tilespmem:s9+$0xFFFFFF80] =	vst v4  }
0x86: {  	v5 =	vperm.xlane v16, v3;
	v63 =	vmul.f32 v13, v9;
	v9 =	vld [tilespmem:s9+$0x0];
	[tilespmem:s9+$0xFFFFFFA0] =	vst v14  }
0x87: {  	s24 =	sshll.u32 s15, $0xC;
	v3 =	vmul.f32 v10, v11;
	v10 =	vld [tilespmem:s9+$0x10];
	[tilespmem:s9+$0xFFFFFF90] =	vst v18;
	v13 =	vmul.f32 v15, v6  }
0x88: {  	s29 =	smov.u32 s9;
	s16 =	simm.s32 $0x20;
	s23 =	sadd.s32 $0x1800, s24;
	v4 =	vmul.f32 v12, v11;
	v11 =	vld [tilespmem:s9+$0x20];
	[tilespmem:s9+$0xFFFFFFB0] =	vst v63;
	v12 =	vmul.f32 v17, v6  }
.LBB2_26:
0x89: {  	s12 =	sand.u32 $0xC0, s16;
	[tilespmem:s9+$0xFFFFFFC0] =	vst v13;
	v7 =	vmul.f32 v7, v6;
	v13 =	vld [tilespmem:s9+$0x30];
	s13 =	smov.u32 s22  }
0x8a: {  	s12 =	sshrl.u32 s12, $0x2;
	[tilespmem:s9+$0xFFFFFFD0] =	vst v12;
	v6 =	vmul.f32 v8, v6;
	v8 =	vld [tilespmem:s9+$0x40]  }
0x8b: {  	v12 =	vld.idx.msk [tilespmem:v1+s12+$0x0 ss:$0x1], $0xffff;
	[tilespmem:s9+$0xFFFFFFE0] =	vst v7;
	v7 =	vmul.f32 v9, v5  }
0x8c: {  	[tilespmem:s9+$0xFFFFFFF0] =	vst v6;
	v6 =	vmul.f32 v10, v5;
	v9 =	vld [tilespmem:s9+$0x50]  }
0x8d: {  	s22 =	sadd.s32 $0x4, s22;
	s9 =	sadd.s32 $0x100, s9;
	[tilespmem:s29+$0x0] =	vst v7;
	v7 =	vmul.f32 v11, v5;
	v10 =	vld [tilespmem:s29+$0x60]  }
0x8e: {  	s14 =	sadd.s32 $0x6, s13;
	s12 =	sadd.s32 $0x5, s13;
	s13 =	sadd.s32 $0x7, s13;
	v11 =	vld [tilespmem:s9+$0x70];
	[tilespmem:s29+$0x10] =	vst v6;
	v5 =	vmul.f32 v13, v5  }
0x8f: {  	s24 =	sand.u32 $0xC, s22;
	s12 =	sand.u32 $0xD, s12;
	v15 =	vmov s13;
	v13 =	vld [tilespmem:s9+$0xFFFFFF80];
	[tilespmem:s29+$0x20] =	vst v7;
	v6 =	vmul.f32 v8, v2  }
0x90: {  	p3 =	slt.u32 s22, $0x3C;
	v14 =	vmov s12;
	s12 =	sand.u32 $0xE, s14;
	v7 =	vmov s24;
	v8 =	vld [tilespmem:s9+$0xFFFFFF90];
	[tilespmem:s29+$0x30] =	vst v5  }
0x91: {  	v16 =	vperm.xlane v12, v7;
	v5 =	vmov s12;
	v7 =	vperm.xlane v12, v15;
	v17 =	vld [tilespmem:s9+$0xFFFFFFA0];
	[tilespmem:s29+$0x40] =	vst v6  }
0x92: {  	v6 =	vperm.xlane v12, v14;
	v5 =	vperm.xlane v12, v5;
	v15 =	vld [tilespmem:s9+$0xFFFFFFB0];
	[tilespmem:s21+$0x50] =	vst v3  }
0x93: {  	v3 =	vmul.f32 v9, v2;
	v12 =	vld [tilespmem:s9+$0xFFFFFFC0];
	v11 =	vmul.f32 v11, v7;
	[tilespmem:s21+$0x60] =	vst v4;
	s21 =	smov.u32 s29;
	s29 =	smov.u32 s9  }
0x94: {  	v4 =	vmul.f32 v10, v2;
	v2 =	vmov v7;
	v9 =	vmul.f32 v13, v16;
	v14 =	vld [tilespmem:s9+$0xFFFFFFD0]  }
.Ltmp5:
0x95: {  	v10 =	vmul.f32 v8, v16;
	v7 =	vld [tilespmem:s9+$0xFFFFFFE0];
	[tilespmem:s9+$0x70] =	vst v11;
	(pc) =	sbr.rel @p3 .LBB2_26-.Ltmp5, $4  }
0x96: {  	[tilespmem:s9+$0xFFFFFF80] =	vst v9;
	v11 =	vmul.f32 v17, v16;
	v8 =	vld [tilespmem:s9+$0xFFFFFFF0]  }
0x97: {  	[tilespmem:s9+$0xFFFFFF90] =	vst v10;
	v15 =	vmul.f32 v15, v16;
	v9 =	vld [tilespmem:s9+$0x0]  }
0x98: {  	[tilespmem:s9+$0xFFFFFFA0] =	vst v11;
	v13 =	vmul.f32 v12, v6;
	v10 =	vld [tilespmem:s9+$0x10]  }
0x99: {  	s16 =	sadd.s32 $0x10, s16;
	[tilespmem:s9+$0xFFFFFFB0] =	vst v15;
	v12 =	vmul.f32 v14, v6;
	v11 =	vld [tilespmem:s9+$0x20]  }
0x9a: {  	[tilespmem:s9+$0xFFFFFFC0] =	vst v13  }
0x9b: {  	v1 =	vmul.f32 v7, v6;
	[tilespmem:s21+$0x50] =	vst v3  }
0x9c: {  	v59 =	vld [tilespmem:s9+$0x40];
	[tilespmem:s21+$0x60] =	vst v4  }
0x9d: {  	v57 =	vld [tilespmem:s9+$0x30];
	[tilespmem:s9+$0xFFFFFFE0] =	vst v1;
	v1 =	vmul.f32 v9, v5  }
0x9e: {  	v61 =	vld [tilespmem:s9+$0x50];
	[tilespmem:s9+$0xFFFFFFD0] =	vst v12;
	v58 =	vmul.f32 v8, v6  }
0x9f: {  	v62 =	vld [tilespmem:s29+$0x60];
	[tilespmem:s29+$0x0] =	vst v1;
	v1 =	vmul.f32 v11, v5  }
0xa0: {  	[tilespmem:s9+$0xFFFFFFF0] =	vst v58;
	v60 =	vmul.f32 v10, v5  }
0xa1: {  	s28 =	sadd.s32 $0x1, s28;
	[tilespmem:s29+$0x20] =	vst v1;
	v1 =	vmul.f32 v59, v2  }
0xa2: {  	p3 =	sne.s32 s28, $0x140;
	[tilespmem:s29+$0x10] =	vst v60;
	v63 =	vmul.f32 v57, v5  }
.Ltmp6:
0xa3: {  	[tilespmem:s29+$0x40] =	vst v1;
	v1 =	vmul.f32 v61, v2;
	(pc) =	sbr.rel @p3 .LBB2_18-.Ltmp6, $4  }
.Ltmp7:
0xa4: {  	s24 =	sshrl.u32 s19, $0x2;
	s12 =	sshrl.u32 s20, $0x2;
	[tilespmem:s29+$0x30] =	vst v63;
	v2 =	vmul.f32 v62, v2;
	(pc) =	sbr.rel @!p3 .LBB2_28-.Ltmp7, $4  }
0xa5: {  	s9 =	sadd.s32 s12, s24;
	[tilespmem:s29+$0x50] =	vst v1  }
0xa6: {  	s17 =	sadd.s32 $0x1, s17;
	s9 =	sadd.s32 $0x800, s9;
	[tilespmem:s29+$0x60] =	vst v2;
	s29 =	sadd.s32 $0x9, s15  }
0xa7: {  	[spmem:s2] =	stream.indirect.scatter.add.f32 [tilespmem:s23], [sflag:s29], $0x40, s9, s31, $0xb8;
	[tilespmem:$0x13440] =	vst v63  }
0xa8: {  	_ = 	snop  }
.LBB2_20:
0xa9: {  	p3 =	sgt.u32 s28, $0x139  }
0xaa: {  	p4 =	sne.s32 @!p3 s9, $0xA  }
0xab: {  	p4 =	por p3, p4  }
.Ltmp8:
0xac: {  	_ = 	snop;
	(pc) =	sbr.rel @p4 .LBB2_22-.Ltmp8, $1  }
0xad: {  	_ =	sdelay $0x3  }
0xae: {  	s12 =	sxor.u32 $0xFFFFFFFF, s15  }
0xaf: {  	s12 =	sand.u32 $0x1, s12  }
0xb0: {  	s12 =	sadd.s32 $0x11, s12  }
0xb1: {  	_ =	swait.ge [sflag:s12], $0x400  }
0xb2: {  	[sflag:s12] =	ssyncset.done $0x0  }
0xb3: {  	[sflag:s12] =	ssyncadd.s32 $0xFFFFFC00  }
0xb4: {  	_ =	swait.ge [sflag:s12], $0x400  }
0xb5: {  	[sflag:s12] =	ssyncset.done $0x0  }
0xb6: {  	[sflag:s12] =	ssyncadd.s32 $0xFFFFFC00  }
0xb7: {  	_ =	swait.ge [sflag:s12], $0x400  }
0xb8: {  	[sflag:s12] =	ssyncset.done $0x0  }
0xb9: {  	[sflag:s12] =	ssyncadd.s32 $0xFFFFFC00  }
.LBB2_23:
.Ltmp9:
0xba: {  	(pc) =	sbr.rel @p3 .LBB2_25-.Ltmp9, $4  }
.Ltmp10:
0xbb: {  	s12 =	sadd.s32 $0x9, s19;
	(pc) =	sbr.rel @!p3 .LBB2_24-.Ltmp10, $4  }
0xbc: {  	_ =	swait.ge [sflag:s12], $0x1000  }
0xbd: {  	[sflag:s12] =	ssyncset.done $0x0  }
0xbe: {  	[sflag:s12] =	ssyncadd.s32 $0xFFFFF000  }
0xbf: {  	_ = 	snop  }
.LBB2_22:
0xc0: {  	p4 =	slt.u32 s28, $0x2  }
.Ltmp11:
0xc1: {  	_ = 	snop;
	(pc) =	sbr.rel @p4 .LBB2_24-.Ltmp11, $4  }
.Ltmp12:
0xc2: {  	_ = 	snop;
	(pc) =	sbr.rel @!p4 .LBB2_23-.Ltmp12, $4  }
0xc3: {  	_ = 	snop  }
0xc4: {  	_ = 	snop  }
0xc5: {  	_ = 	snop  }
0xc6: {  	_ = 	snop  }
.LBB2_6:
0xc7: {  	s9 =	rddreg [dreg:$0x7]  }
0xc8: {  	[tilespmem:s17], [sflag:$0x11] =	stream.linear.gather [hbm4b:s9+s17], $0x400, $0x38;
	[tilespmem:$0x13440] =	vst v63  }
0xc9: {  	s29 =	rddreg [dreg:$0x8];
	s12 =	simm.s32 $0x800  }
0xca: {  	[tilespmem:s12], [sflag:$0x11] =	stream.linear.gather [hbm4b:s29+s17], $0x400, $0x38;
	[tilespmem:$0x13440] =	vst v63  }
0xcb: {  	s13 =	rddreg [dreg:$0x9];
	s14 =	simm.s32 $0x1000  }
0xcc: {  	[tilespmem:s14], [sflag:$0x11] =	stream.linear.gather [hbm4b:s13+s17], $0x400, $0x38;
	[tilespmem:$0x13440] =	vst v63  }
0xcd: {  	_ =	swait.ge [sflag:s30], $0x400  }
0xce: {  	[sflag:s30] =	ssyncset.done $0x0  }
0xcf: {  	[sflag:s30] =	ssyncadd.s32 $0xFFFFFC00  }
0xd0: {  	_ =	swait.ge [sflag:s30], $0x400  }
0xd1: {  	[sflag:s30] =	ssyncset.done $0x0  }
0xd2: {  	[sflag:s30] =	ssyncadd.s32 $0xFFFFFC00  }
0xd3: {  	_ =	swait.ge [sflag:s30], $0x400  }
0xd4: {  	[sflag:s30] =	ssyncset.done $0x0  }
0xd5: {  	[sflag:s30] =	ssyncadd.s32 $0xFFFFFC00  }
0xd6: {  	[tilespmem:s25], [sflag:$0x1] =	stream.indirect.gather [hbm4b:s1+s31], $0x40, s17, s31, $0xb8;
	[tilespmem:$0x13440] =	vst v63  }
0xd7: {  	s15 =	simm.s32 $0x2800  }
0xd8: {  	[tilespmem:s15], [sflag:$0x2] =	stream.indirect.gather [hbm4b:s1+s31], $0x40, s31, s31, $0xb8;
	[tilespmem:$0x13440] =	vst v63  }
0xd9: {  	s16 =	simm.s32 $0x80;
	s19 =	simm.s32 $0x3800  }
0xda: {  	[tilespmem:s19], [sflag:$0x3] =	stream.indirect.gather [hbm4b:s1+s31], $0x40, s16, s31, $0xb8;
	[tilespmem:$0x13440] =	vst v63  }
0xdb: {  	s20 =	simm.s32 $0xC0;
	s21 =	simm.s32 $0x4800  }
0xdc: {  	[tilespmem:s21], [sflag:$0x4] =	stream.indirect.gather [hbm4b:s1+s31], $0x40, s20, s31, $0xb8;
	[tilespmem:$0x13440] =	vst v63  }
0xdd: {  	s22 =	simm.s32 $0x100;
	s23 =	simm.s32 $0x5800  }
0xde: {  	[tilespmem:s23], [sflag:$0x5] =	stream.indirect.gather [hbm4b:s1+s31], $0x40, s22, s31, $0xb8;
	[tilespmem:$0x13440] =	vst v63  }
0xdf: {  	s24 =	simm.s32 $0x140;
	s28 =	simm.s32 $0x0;
	s29 =	simm.s32 $0x6800  }
0xe0: {  	[tilespmem:s29], [sflag:$0x6] =	stream.indirect.gather [hbm4b:s1+s31], $0x40, s24, s31, $0xb8;
	[tilespmem:$0x13440] =	vst v63  }
.LBB2_7:
0xe1: {  	s9 =	sand.u32 $0xF, s28;
	p3 =	sgt.u32 s28, $0x131  }
0xe2: {  	p4 =	sne.s32 @!p3 s9, $0x2  }
0xe3: {  	p3 =	por p3, p4  }
.Ltmp13:
0xe4: {  	_ = 	snop;
	(pc) =	sbr.rel @p3 .LBB2_9-.Ltmp13, $3  }
0xe5: {  	_ =	sdelay $0x1  }
0xe6: {  	s16 =	sadd.s32 $0x6, s28  }
0xe7: {  	s15 =	sshrl.u32 s28, $0x4;
	s19 =	sand.u32 $0x7, s16  }
0xe8: {  	s20 =	sadd.s32 $0x1, s15  }
0xe9: {  	s21 =	sshll.u32 s20, $0xA  }
0xea: {  	s21 =	sadd.s32 s18, s21  }
0xeb: {  	s20 =	sand.u32 $0x1, s20;
	s21 =	sshrl.u32 s21, $0x3  }
0xec: {  	s22 =	sadd.s32 $0x11, s20;
	s20 =	sshll.u32 s20, $0xA;
	s23 =	sadd.s32 s5, s21  }
0xed: {  	[tilespmem:s20], [sflag:s22] =	stream.linear.gather [hbm4b:s23+s3], $0x400, $0x38;
	[tilespmem:$0x13440] =	vst v63  }
0xee: {  	s24 =	sor.u32 $0x800, s20;
	s29 =	sadd.s32 s6, s21  }
0xef: {  	[tilespmem:s24], [sflag:s22] =	stream.linear.gather [hbm4b:s29+s3], $0x400, $0x38;
	[tilespmem:$0x13440] =	vst v63  }
0xf0: {  	s21 =	sadd.s32 s7, s21;
	s20 =	sor.u32 $0x1000, s20;
	s29 =	sadd.s32 $0x9, s19  }
0xf1: {  	[tilespmem:s20], [sflag:s22] =	stream.linear.gather [hbm4b:s21+s3], $0x400, $0x38;
	[tilespmem:$0x13440] =	vst v63  }
0xf2: {  	_ =	swait.ge [sflag:s29], $0x1000  }
0xf3: {  	[sflag:s29] =	ssyncset.done $0x0  }
0xf4: {  	[sflag:s29] =	ssyncadd.s32 $0xFFFFF000  }
.LBB2_13:
0xf5: {  	s20 =	sshll.u32 s19, $0xC;
	s16 =	sshll.u32 s16, $0x6  }
0xf6: {  	s29 =	sadd.s32 $0x1, s19;
	s20 =	sadd.s32 $0x1800, s20;
	s16 =	sand.u32 $0x7C0, s16  }
0xf7: {  	[tilespmem:s20], [sflag:s29] =	stream.indirect.gather [hbm4b:s1+s31], $0x40, s16, s31, $0xb8;
	[tilespmem:$0x13440] =	vst v63  }
.LBB2_14:
0xf8: {  	s15 =	sshll.u32 s15, $0xC  }
0xf9: {  	s20 =	sshll.u32 s9, $0x8;
	s19 =	sand.u32 $0x1000, s15  }
0xfa: {  	s9 =	sor.u32 s20, s19  }
0xfb: {  	s15 =	sand.u32 $0x7, s28;
	s9 =	sshrl.u32 s9, $0x2  }
0xfc: {  	s24 =	sadd.s32 $0x1, s15;
	s9 =	sor.u32 $0x1000, s9  }
0xfd: {  	s21 =	sand.u32 $0x7, s17;
	_ =	swait.ge [sflag:s24], $0x1000;
	v1 =	vmov s9  }
0xfe: {  	s21 =	sshll.u32 s21, $0xC;
	[sflag:s24] =	ssyncset.done $0x0  }
0xff: {  	s16 =	simm.s32 $0x0;
	s21 =	sadd.s32 $0x1880, s21;
	[sflag:s24] =	ssyncadd.s32 $0xFFFFF000  }
0x100: {  	s16 =	sand.u32 $0xC0, s16;
	v3 =	vld [tilespmem:s21+$0x70]  }
0x101: {  	s12 =	sshrl.u32 s16, $0x2;
	v4 =	vld [tilespmem:s21+$0xFFFFFF80]  }
0x102: {  	v2 =	vld.idx.msk [tilespmem:v1+s12+$0x0 ss:$0x1], $0xffff  }
0x103: {  	v5 =	vld [tilespmem:s21+$0xFFFFFF90]  }
0x104: {  	v6 =	vld [tilespmem:s21+$0xFFFFFFA0]  }
0x105: {  	s13 =	simm.s32 $0x0;
	s14 =	simm.s32 $0x3;
	v7 =	vld [tilespmem:s21+$0xFFFFFFB0]  }
0x106: {  	v8 =	vmov s14;
	s9 =	sand.u32 $0xC, s13;
	v9 =	vld [tilespmem:s21+$0xFFFFFFC0]  }
0x107: {  	s22 =	simm.s32 $0x1;
	v10 =	vmov s9;
	v12 =	vld [tilespmem:s21+$0xFFFFFFE0];
	v11 =	vperm.xlane v2, v8  }
0x108: {  	s23 =	simm.s32 $0x10;
	v13 =	vld [tilespmem:s21+$0xFFFFFFF0];
	s9 =	sand.u32 $0xD, s22;
	v10 =	vperm.xlane v2, v10  }
0x109: {  	v14 =	vld [tilespmem:s21+$0x0];
	v15 =	vmov s9;
	s9 =	sand.u32 $0xC0, s23;
	v3 =	vmul.f32 v3, v11  }
0x10a: {  	s9 =	sshrl.u32 s9, $0x2;
	v8 =	vld [tilespmem:s21+$0xFFFFFFD0];
	v4 =	vmul.f32 v4, v10  }
0x10b: {  	v16 =	vld.idx.msk [tilespmem:v1+s9+$0x0 ss:$0x1], $0xffff;
	s9 =	sadd.s32 $0x100, s21;
	v5 =	vmul.f32 v5, v10;
	[tilespmem:s21+$0x70] =	vst v3  }
0x10c: {  	v17 =	vld [tilespmem:s9+$0xFFFFFFD0];
	v15 =	vperm.xlane v2, v15;
	[tilespmem:s21+$0xFFFFFF80] =	vst v4;
	v4 =	vmul.f32 v6, v10  }
0x10d: {  	s24 =	simm.s32 $0x2;
	v3 =	vld [tilespmem:s21+$0x10];
	[tilespmem:s21+$0xFFFFFF90] =	vst v5;
	v5 =	vmul.f32 v7, v10  }
0x10e: {  	s16 =	sand.u32 $0xE, s24;
	v6 =	vld [tilespmem:s21+$0x20];
	[tilespmem:s21+$0xFFFFFFA0] =	vst v4;
	v4 =	vmul.f32 v9, v15  }
0x10f: {  	v7 =	vld [tilespmem:s21+$0x30];
	v10 =	vmov s16;
	[tilespmem:s21+$0xFFFFFFB0] =	vst v5;
	v5 =	vmul.f32 v8, v15  }
0x110: {  	v2 =	vperm.xlane v2, v10;
	v10 =	vld [tilespmem:s21+$0x50];
	[tilespmem:s21+$0xFFFFFFC0] =	vst v4;
	v4 =	vmul.f32 v12, v15  }
0x111: {  	v9 =	vld [tilespmem:s21+$0x40];
	[tilespmem:s21+$0xFFFFFFD0] =	vst v5;
	v5 =	vmul.f32 v13, v15  }
0x112: {  	v8 =	vld [tilespmem:s9+$0x70];
	[tilespmem:s21+$0xFFFFFFE0] =	vst v4;
	v4 =	vmul.f32 v14, v2  }
0x113: {  	s22 =	simm.s32 $0x4;
	s12 =	simm.s32 $0x7;
	v3 =	vmul.f32 v3, v2;
	[tilespmem:s21+$0xFFFFFFF0] =	vst v5;
	v5 =	vld [tilespmem:s9+$0xFFFFFF80]  }
0x114: {  	s23 =	sand.u32 $0xC, s22;
	v13 =	vmov s12;
	v14 =	vld [tilespmem:s9+$0xFFFFFFA0];
	[tilespmem:s21+$0x0] =	vst v4;
	v4 =	vmul.f32 v6, v2  }
0x115: {  	[tilespmem:s21+$0x10] =	vst v3;
	v3 =	vmul.f32 v7, v2;
	v7 =	vmov s23;
	v6 =	vld [tilespmem:s9+$0xFFFFFF90];
	v2 =	vperm.xlane v16, v13  }
0x116: {  	v13 =	vld [tilespmem:s9+$0xFFFFFFB0];
	[tilespmem:s21+$0x20] =	vst v4;
	v4 =	vmul.f32 v9, v11;
	v9 =	vperm.xlane v16, v7  }
0x117: {  	s13 =	simm.s32 $0x5;
	v15 =	vld [tilespmem:s9+$0xFFFFFFC0];
	[tilespmem:s21+$0x30] =	vst v3;
	v3 =	vmul.f32 v8, v2  }
0x118: {  	s14 =	simm.s32 $0x6;
	s16 =	sand.u32 $0xD, s13;
	v12 =	vld [tilespmem:s21+$0x60];
	[tilespmem:s21+$0x40] =	vst v4;
	v4 =	vmul.f32 v5, v9  }
0x119: {  	s23 =	sand.u32 $0xE, s14;
	v7 =	vld [tilespmem:s9+$0xFFFFFFE0];
	v5 =	vmov s16;
	[tilespmem:s9+$0x70] =	vst v3;
	v14 =	vmul.f32 v14, v9  }
0x11a: {  	v8 =	vld [tilespmem:s9+$0xFFFFFFF0];
	v3 =	vmov s23;
	v18 =	vmul.f32 v6, v9;
	v6 =	vperm.xlane v16, v5;
	[tilespmem:s9+$0xFFFFFF80] =	vst v4  }
0x11b: {  	v5 =	vperm.xlane v16, v3;
	v63 =	vmul.f32 v13, v9;
	v9 =	vld [tilespmem:s9+$0x0];
	[tilespmem:s9+$0xFFFFFFA0] =	vst v14  }
0x11c: {  	s24 =	sshll.u32 s15, $0xC;
	v3 =	vmul.f32 v10, v11;
	v10 =	vld [tilespmem:s9+$0x10];
	[tilespmem:s9+$0xFFFFFF90] =	vst v18;
	v13 =	vmul.f32 v15, v6  }
0x11d: {  	s29 =	smov.u32 s9;
	s23 =	sadd.s32 $0x1800, s24;
	s16 =	simm.s32 $0x20;
	v4 =	vmul.f32 v12, v11;
	v11 =	vld [tilespmem:s9+$0x20];
	[tilespmem:s9+$0xFFFFFFB0] =	vst v63;
	v12 =	vmul.f32 v17, v6  }
.LBB2_15:
0x11e: {  	s14 =	sand.u32 $0xC0, s16;
	[tilespmem:s9+$0xFFFFFFC0] =	vst v13;
	v7 =	vmul.f32 v7, v6;
	v13 =	vld [tilespmem:s9+$0x30];
	s24 =	smov.u32 s22  }
0x11f: {  	s14 =	sshrl.u32 s14, $0x2;
	[tilespmem:s9+$0xFFFFFFD0] =	vst v12;
	v6 =	vmul.f32 v8, v6;
	v8 =	vld [tilespmem:s9+$0x40]  }
0x120: {  	v12 =	vld.idx.msk [tilespmem:v1+s14+$0x0 ss:$0x1], $0xffff;
	[tilespmem:s9+$0xFFFFFFE0] =	vst v7;
	v7 =	vmul.f32 v9, v5  }
0x121: {  	[tilespmem:s9+$0xFFFFFFF0] =	vst v6;
	v6 =	vmul.f32 v10, v5;
	v9 =	vld [tilespmem:s9+$0x50]  }
0x122: {  	s22 =	sadd.s32 $0x4, s22;
	s9 =	sadd.s32 $0x100, s9;
	[tilespmem:s29+$0x0] =	vst v7;
	v7 =	vmul.f32 v11, v5;
	v10 =	vld [tilespmem:s29+$0x60]  }
0x123: {  	s12 =	sadd.s32 $0x6, s24;
	s14 =	sadd.s32 $0x5, s24;
	s24 =	sadd.s32 $0x7, s24;
	v11 =	vld [tilespmem:s9+$0x70];
	[tilespmem:s29+$0x10] =	vst v6;
	v5 =	vmul.f32 v13, v5  }
0x124: {  	s13 =	sand.u32 $0xC, s22;
	s14 =	sand.u32 $0xD, s14;
	v15 =	vmov s24;
	v13 =	vld [tilespmem:s9+$0xFFFFFF80];
	[tilespmem:s29+$0x20] =	vst v7;
	v6 =	vmul.f32 v8, v2  }
0x125: {  	p3 =	slt.u32 s22, $0x3C;
	s12 =	sand.u32 $0xE, s12;
	v14 =	vmov s14;
	v7 =	vmov s13;
	v8 =	vld [tilespmem:s9+$0xFFFFFF90];
	[tilespmem:s29+$0x30] =	vst v5  }
0x126: {  	v16 =	vperm.xlane v12, v7;
	v5 =	vmov s12;
	v7 =	vperm.xlane v12, v15;
	v17 =	vld [tilespmem:s9+$0xFFFFFFA0];
	[tilespmem:s29+$0x40] =	vst v6  }
0x127: {  	v6 =	vperm.xlane v12, v14;
	v5 =	vperm.xlane v12, v5;
	v15 =	vld [tilespmem:s9+$0xFFFFFFB0];
	[tilespmem:s21+$0x50] =	vst v3  }
0x128: {  	v3 =	vmul.f32 v9, v2;
	v12 =	vld [tilespmem:s9+$0xFFFFFFC0];
	v11 =	vmul.f32 v11, v7;
	[tilespmem:s21+$0x60] =	vst v4;
	s21 =	smov.u32 s29;
	s29 =	smov.u32 s9  }
0x129: {  	v4 =	vmul.f32 v10, v2;
	v2 =	vmov v7;
	v9 =	vmul.f32 v13, v16;
	v14 =	vld [tilespmem:s9+$0xFFFFFFD0]  }
.Ltmp14:
0x12a: {  	v10 =	vmul.f32 v8, v16;
	v7 =	vld [tilespmem:s9+$0xFFFFFFE0];
	[tilespmem:s9+$0x70] =	vst v11;
	(pc) =	sbr.rel @p3 .LBB2_15-.Ltmp14, $4  }
0x12b: {  	[tilespmem:s9+$0xFFFFFF80] =	vst v9;
	v11 =	vmul.f32 v17, v16;
	v8 =	vld [tilespmem:s9+$0xFFFFFFF0]  }
0x12c: {  	[tilespmem:s9+$0xFFFFFF90] =	vst v10;
	v15 =	vmul.f32 v15, v16;
	v9 =	vld [tilespmem:s9+$0x0]  }
0x12d: {  	[tilespmem:s9+$0xFFFFFFA0] =	vst v11;
	v13 =	vmul.f32 v12, v6;
	v10 =	vld [tilespmem:s9+$0x10]  }
0x12e: {  	s16 =	sadd.s32 $0x10, s16;
	[tilespmem:s9+$0xFFFFFFB0] =	vst v15;
	v12 =	vmul.f32 v14, v6;
	v11 =	vld [tilespmem:s9+$0x20]  }
0x12f: {  	[tilespmem:s9+$0xFFFFFFC0] =	vst v13  }
0x130: {  	v1 =	vmul.f32 v7, v6;
	[tilespmem:s21+$0x50] =	vst v3  }
0x131: {  	v59 =	vld [tilespmem:s9+$0x40];
	[tilespmem:s21+$0x60] =	vst v4  }
0x132: {  	v57 =	vld [tilespmem:s9+$0x30];
	[tilespmem:s9+$0xFFFFFFE0] =	vst v1;
	v1 =	vmul.f32 v9, v5  }
0x133: {  	v61 =	vld [tilespmem:s9+$0x50];
	[tilespmem:s9+$0xFFFFFFD0] =	vst v12;
	v58 =	vmul.f32 v8, v6  }
0x134: {  	v62 =	vld [tilespmem:s29+$0x60];
	[tilespmem:s29+$0x0] =	vst v1;
	v1 =	vmul.f32 v11, v5  }
0x135: {  	[tilespmem:s9+$0xFFFFFFF0] =	vst v58;
	v60 =	vmul.f32 v10, v5  }
0x136: {  	s28 =	sadd.s32 $0x1, s28;
	[tilespmem:s29+$0x20] =	vst v1;
	v1 =	vmul.f32 v59, v2  }
0x137: {  	p3 =	seq.s32 s28, $0x140;
	[tilespmem:s29+$0x10] =	vst v60;
	v63 =	vmul.f32 v57, v5  }
.Ltmp15:
0x138: {  	[tilespmem:s29+$0x40] =	vst v1;
	v1 =	vmul.f32 v61, v2;
	(pc) =	sbr.rel @!p3 .LBB2_7-.Ltmp15, $4  }
.Ltmp16:
0x139: {  	s24 =	sshrl.u32 s19, $0x2;
	s12 =	sshrl.u32 s20, $0x2;
	[tilespmem:s29+$0x30] =	vst v63;
	v2 =	vmul.f32 v62, v2;
	(pc) =	sbr.rel @p3 .LBB2_28-.Ltmp16, $4  }
0x13a: {  	s9 =	sadd.s32 s12, s24;
	[tilespmem:s29+$0x50] =	vst v1  }
0x13b: {  	s17 =	sadd.s32 $0x1, s17;
	s9 =	sadd.s32 $0x800, s9;
	[tilespmem:s29+$0x60] =	vst v2;
	s29 =	sadd.s32 $0x9, s15  }
0x13c: {  	[spmem:s2] =	stream.indirect.scatter.add.f32 [tilespmem:s23], [sflag:s29], $0x40, s9, s31, $0xb8;
	[tilespmem:$0x13440] =	vst v63  }
0x13d: {  	_ = 	snop  }
.LBB2_9:
0x13e: {  	p3 =	sgt.u32 s28, $0x139  }
0x13f: {  	p4 =	sne.s32 @!p3 s9, $0xA  }
0x140: {  	p4 =	por p3, p4  }
.Ltmp17:
0x141: {  	_ = 	snop;
	(pc) =	sbr.rel @p4 .LBB2_11-.Ltmp17, $1  }
0x142: {  	_ =	sdelay $0x3  }
0x143: {  	s20 =	sxor.u32 $0xFFFFFFFF, s15  }
0x144: {  	s20 =	sand.u32 $0x1, s20  }
0x145: {  	s20 =	sadd.s32 $0x11, s20  }
0x146: {  	_ =	swait.ge [sflag:s20], $0x400  }
0x147: {  	[sflag:s20] =	ssyncset.done $0x0  }
0x148: {  	[sflag:s20] =	ssyncadd.s32 $0xFFFFFC00  }
0x149: {  	_ =	swait.ge [sflag:s20], $0x400  }
0x14a: {  	[sflag:s20] =	ssyncset.done $0x0  }
0x14b: {  	[sflag:s20] =	ssyncadd.s32 $0xFFFFFC00  }
0x14c: {  	_ =	swait.ge [sflag:s20], $0x400  }
0x14d: {  	[sflag:s20] =	ssyncset.done $0x0  }
0x14e: {  	[sflag:s20] =	ssyncadd.s32 $0xFFFFFC00  }
.LBB2_12:
.Ltmp18:
0x14f: {  	(pc) =	sbr.rel @p3 .LBB2_14-.Ltmp18, $4  }
.Ltmp19:
0x150: {  	s20 =	sadd.s32 $0x9, s19;
	(pc) =	sbr.rel @!p3 .LBB2_13-.Ltmp19, $4  }
0x151: {  	_ =	swait.ge [sflag:s20], $0x1000  }
0x152: {  	[sflag:s20] =	ssyncset.done $0x0  }
0x153: {  	[sflag:s20] =	ssyncadd.s32 $0xFFFFF000  }
0x154: {  	_ = 	snop  }
.LBB2_11:
0x155: {  	p4 =	slt.u32 s28, $0x2  }
.Ltmp20:
0x156: {  	_ = 	snop;
	(pc) =	sbr.rel @p4 .LBB2_13-.Ltmp20, $4  }
.Ltmp21:
0x157: {  	_ = 	snop;
	(pc) =	sbr.rel @!p4 .LBB2_12-.Ltmp21, $4  }
0x158: {  	_ = 	snop  }
0x159: {  	_ = 	snop  }
0x15a: {  	_ = 	snop  }
0x15b: {  	_ = 	snop  }
.LBB2_28:
0x15c: {  	s9 =	simm.s32 $0xF  }
0x15d: {  	_ =	swait.ge [sflag:s9], $0x1000  }
0x15e: {  	[sflag:s9] =	ssyncset.done $0x0  }
0x15f: {  	s28 =	simm.s32 $0x10;
	[sflag:s9] =	ssyncadd.s32 $0xFFFFF000  }
0x160: {  	_ =	swait.ge [sflag:s28], $0x1000  }
0x161: {  	[sflag:s28] =	ssyncset.done $0x0  }
0x162: {  	[sflag:s28] =	ssyncadd.s32 $0xFFFFF000  }
0x163: {  	s29 =	stileid.u32;
	[bflag:$0x0] =	sbarrier.arrive $0xFFFF  }
.Ltmp22:
0x164: {  	s9 =	sshll.u32 s29, $0x6;
	s20 =	rddreg [dreg:$0x5];
	(pc) =	sbr.rel @!p2 .LBB2_30-.Ltmp22, $4  }
0x165: {  	s9 =	sor.u32 $0x1C13, s9;
	s14 =	rddreg [dreg:$0xf];
	s12 =	sshrl.u32 s20, $0x3  }
0x166: {  	[hbm:s14], [sflag:s9] =	dma.local [spmem:s12], $0x200  }
0x167: {  	s16 =	sadd.s32 $0x2000, s14;
	s13 =	rddreg [dreg:$0x4]  }
0x168: {  	s17 =	smov.u32 s20;
	_ =	swait.ge [sflag:s26], $0x200;
	s15 =	sadd.s32 $0xFFFFFFFF, s13  }
.LBB2_29:
0x169: {  	[sflag:s26] =	ssyncset.done $0x0;
	s17 =	sadd.s32 $0x10000, s17;
	p2 =	sne.s32 s15, $0x1  }
.Ltmp23:
0x16a: {  	s12 =	sshrl.u32 s17, $0x3;
	[sflag:s26] =	ssyncadd.s32 $0xFFFFFE00;
	(pc) =	sbr.rel @p2 .LBB2_29-.Ltmp23, $3  }
0x16b: {  	[hbm:s16], [sflag:s9] =	dma.local [spmem:s12], $0x200  }
0x16c: {  	s15 =	sadd.s32 $0xFFFFFFFF, s15;
	_ =	sdelay $0x1  }
0x16d: {  	s16 =	sadd.s32 $0x2000, s16;
	_ =	swait.ge [sflag:s26], $0x200  }
.LBB2_30:
0x16e: {  	[sflag:s26] =	ssyncset.done $0x0;
	s21 =	rddreg [dreg:$0x6];
	s12 =	simm.s32 @!p1 $0x1FD3  }
0x16f: {  	s14 =	rddreg [dreg:$0xd];
	[sflag:s26] =	ssyncadd.s32 $0xFFFFFE00;
	s9 =	sshrl.u32 @!p1 s21, $0x3  }
0x170: {  	[hbm:s14], [sflag:s12] =	dma.local @!p1 [spmem:s9], $0x80  }
0x171: {  	s9 =	simm.s32 @!p1 $0x13  }
0x172: {  	_ =	swait.ge @!p1 [sflag:s9], $0x80  }
0x173: {  	s0 =	sadd.s32 $0x1, s0;
	s29 =	rddreg [dreg:$0xe]  }
0x174: {  	p2 =	sne.s32 s0, s29  }
.Ltmp24:
0x175: {  	_ = 	snop;
	(pc) =	sbr.rel @p2 .LBB2_1-.Ltmp24, $3  }
0x176: {  	_ =	sdelay $0x1  }
0x177: {  	[sflag:s9] =	ssyncset.done @!p1 $0x0  }
0x178: {  	[sflag:s9] =	ssyncadd.s32 @!p1 $0xFFFFFF80  }
0x179: {  	_ =	sfence.sel $0x180000  }
0x17a: {  	[bflag:$0x0] =	sbarrier.arrive $0xFFFF  }
0x17b: {  	_ =	strace $0x9000004A  }
0x17c: {  	s0 =	stileid.u32;
	[bflag:$0x2] =	sbarrier.arrive $0xFFFF  }
0x17d: {  	p0 =	sne.s32 s0, $0x0;
	s0 =	rddreg [dreg:$0x3]  }
0x17e: {  	s0 =	sadd.s32 @!p0 $0x100000, s0  }
0x17f: {  	[sflag:s0] =	ssyncadd.tile.s32 @!p0 $0x1;
	_ =	shalt  }
.Lfunc_end2:
_tile_overlayer_lowered:
.L_overlay_start_2:
0x180: {  	(tag) =	ssettag $0x2  }
0x181: {  	s0 =	rddreg [dreg:$0x0];
	s2 =	stileid.u32  }
0x182: {  	s1 =	rddreg [dreg:$0x1];
	p0 =	sne.s32 s2, $0x0  }
0x183: {  	s3 =	rddreg [dreg:$0x2];
	[bflag:$0x3] =	sbarrier.arrive $0xFFFF;
	s2 =	simm.s32 @!p0 $0x1C13  }
0x184: {  	[timem:s3], [sflag:s2] =	dma.local @!p0 [hbm:s0], s1  }
0x185: {  	s0 =	simm.s32 @!p0 $0x13  }
0x186: {  	_ =	swait.ge @!p0 [sflag:s0], s1  }
0x187: {  	s1 =	ssub.s32 @!p0 $0x0, s1;
	[sflag:s0] =	ssyncset.done @!p0 $0x0  }
0x188: {  	[sflag:s0] =	ssyncadd.s32 @!p0 s1  }
0x189: {  	[bflag:$0x3] =	sbarrier.arrive $0xFFFF  }
0x18a: {  	_ =	shalt  }

// kernel: kernel.7.cloned.1.call-start
scs
__scs_entry_jumppad:
0x0: {  	(pc) =	sbr.rel $0x88, $3  }
0x1: {  	(tag) =	ssettag $0x0;
	lr =	simm.s32 $0x1  }
0x2: {  	[smem:$0x3F90] =	sst lr;
	_ =	strace $0xD0000000  }
0x3: {  	_ = 	snop  }
0x4: {  	_ = 	snop  }
0x5: {  	_ = 	snop  }
0x6: {  	_ = 	snop  }
0x7: {  	_ = 	snop  }
__scs_overlays_trampoline_lowered:
0x8: {  	[smem:$0x3F9F] =	sst s0  }
0x9: {  	[smem:$0x3FA0] =	sst s1  }
0xa: {  	[smem:$0x3FA1] =	sst s2  }
0xb: {  	[smem:$0x3FA2] =	sst s3  }
0xc: {  	[smem:$0x3FA3] =	sst s4  }
0xd: {  	[smem:$0x3FA4] =	sst s5  }
0xe: {  	[smem:$0x3FA5] =	sst s6  }
0xf: {  	[smem:$0x3FA6] =	sst s7  }
0x10: {  	[smem:$0x3FA7] =	sst s8  }
0x11: {  	[smem:$0x3FA8] =	sst s9;
	s0 =	simm.s32 @!p0 $0x0  }
0x12: {  	s1 =	sld [smem:$0x3F8E];
	s0 =	simm.s32 @p0 $0x1  }
0x13: {  	[smem:$0x3FA9] =	sst s0;
	s0 =	simm.s32 @!p1 $0x0  }
0x14: {  	s2 =	sld [smem:$0x3F8D];
	s0 =	simm.s32 @p1 $0x1  }
0x15: {  	[smem:$0x3FAA] =	sst s0;
	s0 =	simm.s32 @!p2 $0x0  }
0x16: {  	s3 =	sld [smem:$0x3FDB];
	s0 =	simm.s32 @p2 $0x1  }
0x17: {  	s4 =	simm.s32 $0x1BF5;
	[smem:$0x3FAC] =	sst s0  }
0x18: {  	s0 =	sld [smem:$0x3F8F];
	_ =	swait.ge [sflag:s4], $0x0  }
0x19: {  	s7 =	sld [smem:$0x3F90]  }
0x1a: {  	s8 =	sadd.s32 $0xFFFFE003, lr  }
0x1b: {  	s9 =	sadd.s32 $0xFFFFFEF7, lr;
	s5 =	simm.s32 $0xFFFFFFFF;
	p2 =	slt.u32 s8, $0xFFFFF086  }
0x1c: {  	p1 =	slt.u32 s9, $0xF7A;
	s5 =	simm.s32 @!p2 $0x0  }
0x1d: {  	s5 =	simm.s32 @p1 $0x1;
	p0 =	seq.s32 s7, s2  }
0x1e: {  	s7 =	smul.u32 @!p0 $0xF7A, s2;
	p2 =	seq.s32 @!p0 s5, $0x0  }
0x1f: {  	s9 =	smul.u32 $0xF7A, s1;
	s8 =	simm.s32 @!p0 $0x1BF5;
	p2 =	por !p2, p0  }
0x20: {  	[sflag:s8] =	ssyncset.s32 @!p0 $0xFFFFF086;
	s6 =	sadd.s32 @!p0 s3, s7;
	s7 =	simm.s32 @!p0 $0x108  }
0x21: {  	s3 =	sadd.s32 s3, s9;
	s6 =	sadd.s32 @!p0 $0x88, s6;
	s7 =	simm.s32 @p2 $0x1082  }
0x22: {  	[simem:s7], [sflag:s8] =	dma.local @!p0 [hbm:s6], $0xF7A  }
0x23: {  	s9 =	sor.u32 $0xD0000000, s2;
	s6 =	simm.s32 $0x108;
	_ =	swait.ge @!p0 [sflag:s8], $0x0  }
0x24: {  	s3 =	sadd.s32 $0x88, s3;
	s6 =	simm.s32 @!p1 $0x1082;
	[sflag:s4] =	ssyncset.s32 $0xFFFFF086  }
0x25: {  	[simem:s6], [sflag:s4] =	dma.local [hbm:s3], $0xF7A  }
0x26: {  	[smem:$0x3F90] =	sst s1;
	(tag) =	ssettag s2;
	_ =	strace s9  }
0x27: {  	s1 =	sld [smem:$0x3FA0]  }
0x28: {  	s2 =	sld [smem:$0x3FA1]  }
0x29: {  	s4 =	sld [smem:$0x3FA3]  }
0x2a: {  	p0 =	seq.s32 s5, $0x0;
	s5 =	sld [smem:$0x3FA4]  }
0x2b: {  	s6 =	sld [smem:$0x3FA5]  }
0x2c: {  	s7 =	sld [smem:$0x3FA6]  }
0x2d: {  	s3 =	simm.s32 $0x108;
	s8 =	sld [smem:$0x3FA7]  }
0x2e: {  	s3 =	simm.s32 @!p0 $0x1082;
	s9 =	sld [smem:$0x3FA8]  }
0x2f: {  	lr =	sadd.s32 s0, s3;
	s0 =	sld [smem:$0x3F9F]  }
0x30: {  	s3 =	sld [smem:$0x3FA2]  }
0x31: {  	[smem:$0x3FAB] =	sst s10  }
0x32: {  	s10 =	sld [smem:$0x3FA9];
	_ =	sdelay $0x3  }
0x33: {  	p0 =	seq.s32 s10, $0x1;
	s10 =	sld [smem:$0x3FAB];
	_ =	sdelay $0x3  }
0x34: {  	[smem:$0x3FAB] =	sst s10  }
0x35: {  	s10 =	sld [smem:$0x3FAA];
	_ =	sdelay $0x3  }
0x36: {  	p1 =	seq.s32 s10, $0x1;
	s10 =	sld [smem:$0x3FAB];
	_ =	sdelay $0x3  }
0x37: {  	[smem:$0x3FAB] =	sst s10  }
0x38: {  	s10 =	sld [smem:$0x3FAC]  }
0x39: {  	_ = 	snop;
	(pc) =	sbr.ind lr, $3  }
0x3a: {  	_ = 	snop  }
0x3b: {  	_ = 	snop  }
0x3c: {  	p2 =	seq.s32 s10, $0x1;
	s10 =	sld [smem:$0x3FAB]  }
0x3d: {  	_ =	shalt  }
0x3e: {  	_ =	shalt  }
0x3f: {  	_ =	shalt  }
0x40: {  	_ =	shalt  }
0x41: {  	_ =	shalt  }
0x42: {  	_ =	shalt  }
0x43: {  	_ =	shalt  }
0x44: {  	_ =	shalt  }
0x45: {  	_ =	shalt  }
0x46: {  	_ =	shalt  }
0x47: {  	_ =	shalt  }
0x48: {  	_ =	shalt  }
0x49: {  	_ =	shalt  }
0x4a: {  	_ =	shalt  }
0x4b: {  	_ =	shalt  }
0x4c: {  	_ =	shalt  }
0x4d: {  	_ =	shalt  }
0x4e: {  	_ =	shalt  }
0x4f: {  	_ =	shalt  }
0x50: {  	_ =	shalt  }
0x51: {  	_ =	shalt  }
0x52: {  	_ =	shalt  }
0x53: {  	_ =	shalt  }
0x54: {  	_ =	shalt  }
0x55: {  	_ =	shalt  }
0x56: {  	_ =	shalt  }
0x57: {  	_ =	shalt  }
0x58: {  	_ =	shalt  }
0x59: {  	_ =	shalt  }
0x5a: {  	_ =	shalt  }
0x5b: {  	_ =	shalt  }
0x5c: {  	_ =	shalt  }
0x5d: {  	_ =	shalt  }
0x5e: {  	_ =	shalt  }
0x5f: {  	_ =	shalt  }
0x60: {  	_ =	shalt  }
0x61: {  	_ =	shalt  }
0x62: {  	_ =	shalt  }
0x63: {  	_ =	shalt  }
0x64: {  	_ =	shalt  }
0x65: {  	_ =	shalt  }
0x66: {  	_ =	shalt  }
0x67: {  	_ =	shalt  }
0x68: {  	_ =	shalt  }
0x69: {  	_ =	shalt  }
0x6a: {  	_ =	shalt  }
0x6b: {  	_ =	shalt  }
0x6c: {  	_ =	shalt  }
0x6d: {  	_ =	shalt  }
0x6e: {  	_ =	shalt  }
0x6f: {  	_ =	shalt  }
0x70: {  	_ =	shalt  }
0x71: {  	_ =	shalt  }
0x72: {  	_ =	shalt  }
0x73: {  	_ =	shalt  }
0x74: {  	_ =	shalt  }
0x75: {  	_ =	shalt  }
0x76: {  	_ =	shalt  }
0x77: {  	_ =	shalt  }
0x78: {  	_ =	shalt  }
0x79: {  	_ =	shalt  }
0x7a: {  	_ =	shalt  }
0x7b: {  	_ =	shalt  }
0x7c: {  	_ =	shalt  }
0x7d: {  	_ =	shalt  }
0x7e: {  	_ =	shalt  }
0x7f: {  	_ =	shalt  }
0x80: {  	_ =	shalt  }
0x81: {  	_ =	shalt  }
0x82: {  	_ =	shalt  }
0x83: {  	_ =	shalt  }
0x84: {  	_ =	shalt  }
0x85: {  	_ =	shalt  }
0x86: {  	_ =	shalt  }
0x87: {  	_ =	shalt  }
.Lfunc_end0:
.L_simem_size_0:
called_computation_lowered:
.L_overlay_start_0:
0x88: {  	s2 =	sld [smem:$0x3FD9]  }
0x89: {  	s3 =	sld [smem:$0x3FFE];
	_ =	sdelay $0x1  }
0x8a: {  	s1 =	srdreg.scid  }
0x8b: {  	s0 =	sand.u32 $0x1, s1  }
0x8c: {  	s16 =	sshll.u32 s0, $0xA;
	s2 =	sadd.s32 s3, s2  }
0x8d: {  	s2 =	sadd.s32 s2, s16  }
0x8e: {  	[smem:$0x3FB7] =	sst s2  }
0x8f: {  	_ = 	snop  }
0x90: {  	(tm) =	ssettm $0x1  }
0x91: {  	s17 =	sld [smem:$0x3FFB];
	_ =	sdelay $0x3  }
0x92: {  	_ =	strace s17  }
0x93: {  	s2 =	sld [smem:$0x3FFC];
	_ =	sdelay $0x3  }
0x94: {  	_ =	strace s2  }
0x95: {  	s2 =	sld [smem:$0x3FFD];
	_ =	sdelay $0x3  }
0x96: {  	_ =	strace s2  }
0x97: {  	_ =	strace $0x8FFFFFFF  }
0x98: {  	s18 =	sld [smem:$0x3FDB];
	_ =	sdelay $0x1  }
0x99: {  	s19 =	simm.s32 $_scs_section_size  }
0x9a: {  	s4 =	simm.s32 $_size__tile_overlayer_lowered;
	s5 =	simm.s32 $_tile_overlayer_lowered  }
0x9b: {  	s22 =	simm.s32 $0x1BFF;
	s21 =	sshll.u32 s5, $0x1;
	s2 =	sadd.s32 s19, s18  }
0x9c: {  	s6 =	simm.s32 $0x0;
	s20 =	sshll.u32 s4, $0x1;
	s4 =	sadd.s32 s21, s2  }
0x9d: {  	[timem:s6], [sflag:s22] =	dma.local [hbm:s4], s20  }
0x9e: {  	_ =	swait.ge [sflag:s22], s20  }
0x9f: {  	s3 =	ssub.s32 $0x0, s20;
	[sflag:s22] =	ssyncset.done $0x0  }
0xa0: {  	[sflag:s22] =	ssyncadd.s32 s3;
	_ =	sdelay $0x1  }
0xa1: {  	s23 =	simm.s32 $0x1B8B  }
0xa2: {  	_ =	swait.ge [sflag:s23], $0x1  }
0xa3: {  	[sflag:s23] =	ssyncset.done $0x0  }
0xa4: {  	s25 =	simm.s32 $0x1B8E;
	s24 =	sld [smem:$0x3FFE];
	[sflag:s23] =	ssyncadd.s32 $0xFFFFFFFF  }
0xa5: {  	s26 =	simm.s32 $execute0_lowered;
	[smem:$0x3FD2] =	sst s25  }
0xa6: {  	s4 =	sshll.u32 s26, $0x1;
	_ =	strace $0x80000046;
	[dreg:$0x1] =	wrdreg $0xFFFFFFFF  }
0xa7: {  	s28 =	simm.s32 $_size_execute0_lowered;
	s2 =	sadd.s32 s2, s4;
	[dreg:$0x0] =	wrdreg $0x0  }
0xa8: {  	s4 =	sshll.u32 s28, $0x1;
	[dreg:$0x2] =	wrdreg s2  }
0xa9: {  	[dreg:$0x3] =	wrdreg s4  }
0xaa: {  	[dreg:$0x4] =	wrdreg $0xC0  }
0xab: {  	_ =	task [dreg:s6], $0x5FFFF  }
0xac: {  	[dreg:$0x1] =	wrdreg $0xFFFFFFFF  }
0xad: {  	[dreg:$0x0] =	wrdreg $0x60  }
0xae: {  	[dreg:$0x2] =	wrdreg s24  }
0xaf: {  	[dreg:$0x3] =	wrdreg $0xB8000  }
0xb0: {  	[dreg:$0x4] =	wrdreg $0x9  }
0xb1: {  	_ =	task.clear_ibuf [dreg:s6], $0x5FFFF;
	_ =	strace $0x90000046  }
0xb2: {  	s29 =	simm.s32 $0x9;
	_ =	strace $0x80000048  }
0xb3: {  	_ =	swait.ge [sflag:s29], $0x1  }
0xb4: {  	[sflag:s29] =	ssyncadd.s32 $0xFFFFFFFF  }
0xb5: {  	_ =	strace $0x90000048  }
0xb6: {  	_ =	sfence  }
0xb7: {  	s30 =	sld [smem:$0x0];
	_ =	sdelay $0x2  }
0xb8: {  	s31 =	sshll.u32 s1, $0xD;
	s1 =	sshrl.u32 s1, $0x2  }
0xb9: {  	s3 =	sand.u32 $0x4000, s31;
	s1 =	sadd.s32 s1, s30  }
0xba: {  	s0 =	sor.u32 s3, s0;
	s1 =	sshll.u32 s1, $0x11  }
0xbb: {  	s0 =	sor.u32 s1, s0  }
0xbc: {  	s0 =	sadd.s32 $0x8F2B, s0  }
0xbd: {  	[sflag:s0] =	ssyncadd.remote.s32 $0x1  }
0xbe: {  	_ =	sfence.sel $0xFFFF  }
0xbf: {  	[dreg:$0x0] =	wrdreg $0xFFFFFFFF;
	(pc) =	sbr.abs _section_cstart, $3  }
0xc0: {  	[dreg:$0x1] =	wrdreg $0xFFFFFFFF  }
0xc1: {  	_ =	task.clear_ibuf [dreg:s6], $0x2FFFF;
	_ =	strace $0x9FFFFFFF  }
0xc2: {  	(tm) =	ssettm $0x7FFFFFFF  }
0xc3: {  	_ =	shalt  }
tec
execute0_lowered:
.L_overlay_start_1:
0x0: {  	(tag) =	ssettag $0x1  }
0x1: {  	s0 =	rddreg [dreg:$0x0]  }
0x2: {  	s1 =	rddreg [dreg:$0x1];
	s2 =	simm.s32 $0x0;
	s8 =	srdreg.scid  }
0x3: {  	s14 =	stileid.u32;
	s15 =	simm.s32 $0xA;
	s28 =	simm.s32 $0xD  }
0x4: {  	s31 =	simm.s32 $0xB;
	s30 =	simm.s32 $0x0;
	[smem:$0x7FF] =	sst s2  }
0x5: {  	s3 =	sadd.s32 $0xB7000, s0;
	s4 =	sadd.s32 $0xDE200, s0;
	s5 =	sadd.s32 $0xD000, s0  }
0x6: {  	s6 =	sadd.s32 $0x2B000, s0;
	s7 =	sadd.s32 $0x49000, s0;
	s8 =	sand.u32 $0x1, s8  }
0x7: {  	s9 =	sadd.s32 $0x67000, s0;
	s10 =	sadd.s32 $0x85000, s0;
	s11 =	sadd.s32 $0xA3000, s0  }
0x8: {  	s0 =	sadd.s32 $0x105400, s0;
	p0 =	slt.u32 s14, $0xC;
	s16 =	sshll.u32 s14, $0xD  }
0x9: {  	s17 =	smul.u32 $0x1400, s14;
	p1 =	sne.s32 s14, $0xF;
	s15 =	simm.s32 @!p0 $0x9  }
0xa: {  	_ =	strace $0x80000047;
	s20 =	sadd.s32 s16, s1;
	[dreg:$0x3] =	wrdreg s15  }
0xb: {  	s12 =	ssub.s32 $0x2, s8;
	s18 =	sadd.s32 s5, s17;
	[dreg:$0x4] =	wrdreg s20  }
0xc: {  	p0 =	seq.s32 s8, $0x1;
	s29 =	sadd.s32 s6, s17;
	[dreg:$0x6] =	wrdreg s18  }
0xd: {  	s8 =	smul.u32 $0x138800, s8;
	s19 =	sadd.s32 s7, s17;
	[dreg:$0x7] =	wrdreg s29  }
0xe: {  	s13 =	sshrl.u32 s12, $0x1;
	s22 =	sadd.s32 s9, s17;
	[dreg:$0x8] =	wrdreg s19  }
0xf: {  	s24 =	sadd.s32 s10, s17;
	s25 =	sadd.s32 s11, s17;
	[dreg:$0x9] =	wrdreg s22  }
0x10: {  	s12 =	ssub.s32 s12, s13;
	s13 =	sadd.s32 $0x138000, s1;
	[dreg:$0xb] =	wrdreg s24  }
0x11: {  	s21 =	sshrl.u32 s8, $0x3;
	s8 =	sadd.s32 s16, s8;
	[dreg:$0xc] =	wrdreg s25  }
0x12: {  	s8 =	sshrl.u32 s8, $0x3;
	s29 =	smax.u32 s12, $0x1;
	[dreg:$0x5] =	wrdreg s13  }
0x13: {  	s23 =	sadd.s32 s0, s21;
	s0 =	sadd.s32 s8, s0;
	[dreg:$0xe] =	wrdreg s29  }
0x14: {  	s19 =	smul.u32 $0x28, s14;
	s26 =	sadd.s32 $0x27000, s23;
	[dreg:$0xa] =	wrdreg s0  }
0x15: {  	v0 =	vimm.f32 $0.0e+00;
	[dreg:$0xd] =	wrdreg s26;
	s26 =	simm.s32 $0x1800;
	s0 =	simm.s32 $0x40  }
.LBB2_1:
0x16: {  	s8 =	simm.s32 $0x0;
	s12 =	simm.s32 $0x200  }
.LBB2_2:
0x17: {  	p2 =	sne.s32 s12, $0x7E00;
	[tilespmem:s8+$0x1870] =	vst v0  }
0x18: {  	[tilespmem:s8+$0x1800] =	vst v0  }
0x19: {  	[tilespmem:s8+$0x1810] =	vst v0  }
.Ltmp0:
0x1a: {  	[tilespmem:s8+$0x1820] =	vst v0;
	(pc) =	sbr.rel @p2 .LBB2_2-.Ltmp0, $4  }
0x1b: {  	[tilespmem:s8+$0x1830] =	vst v0  }
0x1c: {  	[tilespmem:s8+$0x1840] =	vst v0  }
0x1d: {  	[tilespmem:s8+$0x1850] =	vst v0  }
0x1e: {  	[tilespmem:s8+$0x1860] =	vst v0;
	s8 =	sshra.s32 s12, $0x2;
	s12 =	sadd.s32 $0x200, s12  }
0x1f: {  	[tilespmem:s8+$0x1870] =	vst v0  }
0x20: {  	[tilespmem:s8+$0x1800] =	vst v0  }
0x21: {  	[tilespmem:s8+$0x1810] =	vst v0  }
0x22: {  	[tilespmem:s8+$0x1820] =	vst v0  }
0x23: {  	[tilespmem:s8+$0x1830] =	vst v0  }
0x24: {  	[tilespmem:s8+$0x1840] =	vst v0;
	p2 =	sne.s32 s15, $0x1  }
.Ltmp1:
0x25: {  	[tilespmem:s8+$0x1850] =	vst v0;
	(pc) =	sbr.rel @!p2 .LBB2_5-.Ltmp1, $4  }
0x26: {  	[tilespmem:s8+$0x1860] =	vst v0  }
0x27: {  	[spmem:s20] =	stream.linear.scatter [tilespmem:s26], [sflag:$0xD], $0x2000, $0x38;
	[tilespmem:$0x1F080] =	vst v63  }
0x28: {  	_ =	swait.ge [sflag:s28], $0x2000  }
0x29: {  	s8 =	sadd.s32 $0xFFFFFFFF, s15;
	s12 =	smov.u32 s20;
	[sflag:s28] =	ssyncset.done $0x0  }
.LBB2_4:
0x2a: {  	p3 =	sne.s32 s8, $0x1;
	[sflag:s28] =	ssyncadd.s32 $0xFFFFE000;
	s12 =	sadd.s32 $0x20000, s12  }
.Ltmp2:
0x2b: {  	s8 =	sadd.s32 $0xFFFFFFFF, s8;
	(pc) =	sbr.rel @p3 .LBB2_4-.Ltmp2, $4  }
0x2c: {  	_ = 	snop  }
0x2d: {  	[spmem:s12] =	stream.linear.scatter [tilespmem:s26], [sflag:$0xD], $0x2000, $0x38;
	[tilespmem:$0x1F080] =	vst v63  }
0x2e: {  	_ =	swait.ge [sflag:s28], $0x2000  }
0x2f: {  	[sflag:s28] =	ssyncset.done $0x0  }
.LBB2_5:
0x30: {  	[sflag:s28] =	ssyncadd.s32 $0xFFFFE000;
	s8 =	simm.s32 @!p1 $0x1800  }
0x31: {  	[spmem:s13] =	stream.linear.scatter @!p1 [tilespmem:s8], [sflag:$0xD], $0x800, $0x38;
	[tilespmem:$0x1F080] =	vst v63  }
0x32: {  	s8 =	simm.s32 @!p1 $0xD  }
.Ltmp3:
0x33: {  	_ =	swait.ge @!p1 [sflag:s8], $0x800;
	(pc) =	sbr.rel @!p0 .LBB2_6-.Ltmp3, $4  }
0x34: {  	[sflag:s8] =	ssyncset.done @!p1 $0x0  }
0x35: {  	[sflag:s8] =	ssyncadd.s32 @!p1 $0xFFFFF800  }
0x36: {  	[bflag:$0x0] =	sbarrier.arrive $0xFFFF  }
0x37: {  	s16 =	simm.s32 $0x0  }
0x38: {  	s8 =	rddreg [dreg:$0x9]  }
0x39: {  	[tilespmem:s16], [sflag:$0xB] =	stream.linear.gather [hbm4b:s8+s16], $0x400, $0x38;
	[tilespmem:$0x1F080] =	vst v63  }
0x3a: {  	s20 =	rddreg [dreg:$0xb];
	s12 =	simm.s32 $0x800  }
0x3b: {  	[tilespmem:s12], [sflag:$0xB] =	stream.linear.gather [hbm4b:s20+s16], $0x400, $0x38;
	[tilespmem:$0x1F080] =	vst v63  }
0x3c: {  	s21 =	rddreg [dreg:$0xc];
	s22 =	simm.s32 $0x1000  }
0x3d: {  	[tilespmem:s22], [sflag:$0xB] =	stream.linear.gather [hbm4b:s21+s16], $0x400, $0x38;
	[tilespmem:$0x1F080] =	vst v63  }
0x3e: {  	_ =	swait.ge [sflag:s31], $0x400  }
0x3f: {  	[sflag:s31] =	ssyncset.done $0x0  }
0x40: {  	[sflag:s31] =	ssyncadd.s32 $0xFFFFFC00  }
0x41: {  	_ =	swait.ge [sflag:s31], $0x400  }
0x42: {  	[sflag:s31] =	ssyncset.done $0x0  }
0x43: {  	[sflag:s31] =	ssyncadd.s32 $0xFFFFFC00  }
0x44: {  	_ =	swait.ge [sflag:s31], $0x400  }
0x45: {  	[sflag:s31] =	ssyncset.done $0x0  }
0x46: {  	[sflag:s31] =	ssyncadd.s32 $0xFFFFFC00  }
0x47: {  	[tilespmem:s26], [sflag:$0x1] =	stream.indirect.gather [hbm4b:s4+s0], $0x80, s16, s0, $0xb8;
	[tilespmem:$0x1F080] =	vst v63  }
0x48: {  	s23 =	simm.s32 $0x80;
	s24 =	simm.s32 $0x3800  }
0x49: {  	[tilespmem:s24], [sflag:$0x2] =	stream.indirect.gather [hbm4b:s4+s0], $0x80, s23, s0, $0xb8;
	[tilespmem:$0x1F080] =	vst v63  }
0x4a: {  	s25 =	simm.s32 $0x100;
	s29 =	simm.s32 $0x5800;
	s17 =	simm.s32 $0x19F0  }
0x4b: {  	[tilespmem:s29], [sflag:$0x3] =	stream.indirect.gather [hbm4b:s4+s0], $0x80, s25, s0, $0xb8;
	[tilespmem:$0x1F080] =	vst v63  }
.LBB2_18:
0x4c: {  	s8 =	smul.u32 $0xCCCD, s16;
	_ =	sdelay $0x1  }
0x4d: {  	s12 =	sadd.s32 $0x26667, s8  }
0x4e: {  	p3 =	sgt.u32 s16, $0x139;
	s13 =	sshrl.u32 s12, $0x12;
	s12 =	sand.u32 $0x7, s16  }
0x4f: {  	p4 =	sne.s32 @!p3 s12, $0x2  }
0x50: {  	p3 =	por p3, p4  }
.Ltmp4:
0x51: {  	_ = 	snop;
	(pc) =	sbr.rel @p3 .LBB2_20-.Ltmp4, $4  }
0x52: {  	s13 =	smul.u32 $0x5, s13  }
0x53: {  	s20 =	sadd.s32 $0x3, s16  }
0x54: {  	s13 =	ssub.s32 s20, s13  }
0x55: {  	s18 =	sshrl.u32 s16, $0x3;
	s22 =	sand.u32 $0xFFFF, s13  }
0x56: {  	s13 =	sadd.s32 $0x1, s18  }
0x57: {  	s14 =	sadd.s32 s19, s13  }
0x58: {  	s13 =	sand.u32 $0x1, s13;
	s14 =	sshll.u32 s14, $0x7  }
0x59: {  	s15 =	sadd.s32 $0xB, s13;
	s13 =	sshll.u32 s13, $0xA;
	s21 =	sadd.s32 s9, s14  }
0x5a: {  	[tilespmem:s13], [sflag:s15] =	stream.linear.gather [hbm4b:s21+s2], $0x400, $0x38;
	[tilespmem:$0x1F080] =	vst v63  }
0x5b: {  	s25 =	sor.u32 $0x800, s13;
	s23 =	sadd.s32 s10, s14  }
0x5c: {  	[tilespmem:s25], [sflag:s15] =	stream.linear.gather [hbm4b:s23+s2], $0x400, $0x38;
	[tilespmem:$0x1F080] =	vst v63  }
0x5d: {  	s29 =	sadd.s32 $0x6, s22;
	s14 =	sadd.s32 s11, s14;
	s13 =	sor.u32 $0x1000, s13  }
0x5e: {  	[tilespmem:s13], [sflag:s15] =	stream.linear.gather [hbm4b:s14+s2], $0x400, $0x38;
	[tilespmem:$0x1F080] =	vst v63  }
0x5f: {  	_ =	swait.ge [sflag:s29], $0x2000  }
0x60: {  	[sflag:s29] =	ssyncset.done $0x0  }
0x61: {  	[sflag:s29] =	ssyncadd.s32 $0xFFFFE000  }
.LBB2_24:
0x62: {  	s13 =	sshll.u32 s22, $0xD;
	s14 =	sshll.u32 s20, $0x7  }
0x63: {  	s15 =	sadd.s32 $0x1, s22;
	s13 =	sor.u32 $0x1800, s13;
	s14 =	sand.u32 $0x780, s14  }
0x64: {  	[tilespmem:s13], [sflag:s15] =	stream.indirect.gather [hbm4b:s4+s0], $0x80, s14, s0, $0xb8;
	[tilespmem:$0x1F080] =	vst v63  }
.LBB2_25:
0x65: {  	s13 =	smulhi.u32 $0xCCCCCCCD, s16;
	s14 =	sshll.u32 s18, $0xC  }
0x66: {  	s8 =	sshrl.u32 s8, $0x12;
	s20 =	sshll.u32 s12, $0x9;
	s18 =	sand.u32 $0x1000, s14  }
0x67: {  	s8 =	smul.u32 $0x5, s8;
	s12 =	sor.u32 s20, s18  }
0x68: {  	s13 =	sshrl.u32 s13, $0x2;
	s12 =	sshrl.u32 s12, $0x2  }
0x69: {  	s13 =	smul.u32 $0xFFFD8000, s13;
	s8 =	ssub.s32 s16, s8;
	s12 =	sor.u32 $0x1000, s12  }
0x6a: {  	s22 =	sand.u32 $0xFFFF, s8;
	v3 =	vmov s12  }
0x6b: {  	s8 =	sadd.s32 $0x1, s22;
	s15 =	sshra.s32 s13, $0x2  }
0x6c: {  	_ =	swait.ge [sflag:s8], $0x2000;
	v1 =	vmov s15  }
0x6d: {  	s21 =	simm.s32 $0x0;
	[sflag:s8] =	ssyncset.done $0x0  }
0x6e: {  	s23 =	sand.u32 $0x30, s21;
	[sflag:s8] =	ssyncadd.s32 $0xFFFFE000  }
0x6f: {  	v2 =	vld.idx.msk [tilespmem:v3+s23+$0x0 ss:$0x1], $0xffff;
	_ =	sdelay $0x1  }
0x70: {  	s24 =	simm.s32 $0x1;
	v4 =	vld.idx.msk [tilespmem:v1+s17+$0xFFFFFE90 ss:$0x1], $0xffff  }
0x71: {  	s25 =	simm.s32 $0x2;
	s8 =	sand.u32 $0xD, s24;
	v5 =	vld.idx.msk [tilespmem:v1+s17+$0xFFFFFF10 ss:$0x1], $0xffff  }
0x72: {  	s13 =	sand.u32 $0xE, s25;
	v6 =	vmov s8  }
0x73: {  	v13 =	vperm.xlane v2, v6;
	v6 =	vmov s13  }
0x74: {  	v10 =	vperm.xlane v2, v6  }
0x75: {  	v4 =	vmul.f32 v4, v13  }
0x76: {  	v5 =	vmul.f32 v5, v10  }
0x77: {  	v6 =	vld.idx.msk [tilespmem:v1+s17+$0xFFFFFE10 ss:$0x1], $0xffff;
	[tilespmem:v1+s17+$0xFFFFFE90 ss:$0x1] =	vst.idx.msk $0xffff, v4  }
0x78: {  	s14 =	sand.u32 $0xC, s21;
	v4 =	vld.idx.msk [tilespmem:v1+s17+$0xFFFFFEA0 ss:$0x1], $0xffff;
	[tilespmem:v1+s17+$0xFFFFFF10 ss:$0x1] =	vst.idx.msk $0xffff, v5  }
0x79: {  	v5 =	vmov s14;
	v7 =	vld.idx.msk [tilespmem:v1+s17+$0xFFFFFF20 ss:$0x1], $0xffff  }
0x7a: {  	v12 =	vperm.xlane v2, v5;
	_ =	sdelay $0x1  }
0x7b: {  	v5 =	vmul.f32 v6, v12  }
0x7c: {  	v4 =	vmul.f32 v4, v13  }
0x7d: {  	[tilespmem:v1+s17+$0xFFFFFE10 ss:$0x1] =	vst.idx.msk $0xffff, v5;
	v5 =	vmul.f32 v7, v10  }
0x7e: {  	[tilespmem:v1+s17+$0xFFFFFEA0 ss:$0x1] =	vst.idx.msk $0xffff, v4  }
0x7f: {  	v4 =	vld.idx.msk [tilespmem:v1+s17+$0xFFFFFEB0 ss:$0x1], $0xffff;
	[tilespmem:v1+s17+$0xFFFFFF20 ss:$0x1] =	vst.idx.msk $0xffff, v5  }
0x80: {  	v5 =	vld.idx.msk [tilespmem:v1+s17+$0xFFFFFF30 ss:$0x1], $0xffff  }
0x81: {  	v6 =	vld.idx.msk [tilespmem:v1+s17+$0xFFFFFE20 ss:$0x1], $0xffff  }
0x82: {  	v7 =	vld.idx.msk [tilespmem:v1+s17+$0xFFFFFF90 ss:$0x1], $0xffff  }
0x83: {  	s15 =	simm.s32 $0x3  }
0x84: {  	s21 =	simm.s32 $0x4;
	v8 =	vmov s15;
	v4 =	vmul.f32 v4, v13  }
0x85: {  	s24 =	sand.u32 $0x30, s21;
	v2 =	vperm.xlane v2, v8;
	v5 =	vmul.f32 v5, v10  }
0x86: {  	v8 =	vld.idx.msk [tilespmem:v3+s24+$0x0 ss:$0x1], $0xffff;
	v6 =	vmul.f32 v6, v12;
	[tilespmem:v1+s17+$0xFFFFFEB0 ss:$0x1] =	vst.idx.msk $0xffff, v4  }
0x87: {  	v4 =	vmul.f32 v7, v2;
	v7 =	vld.idx.msk [tilespmem:v1+s17+$0xFFFFFEC0 ss:$0x1], $0xffff;
	[tilespmem:v1+s17+$0xFFFFFF30 ss:$0x1] =	vst.idx.msk $0xffff, v5  }
0x88: {  	[tilespmem:v1+s17+$0xFFFFFE20 ss:$0x1] =	vst.idx.msk $0xffff, v6;
	v5 =	vld.idx.msk [tilespmem:v1+s17+$0xFFFFFF40 ss:$0x1], $0xffff  }
0x89: {  	v6 =	vld.idx.msk [tilespmem:v1+s17+$0xFFFFFE30 ss:$0x1], $0xffff;
	[tilespmem:v1+s17+$0xFFFFFF90 ss:$0x1] =	vst.idx.msk $0xffff, v4  }
0x8a: {  	s23 =	sadd.s32 $0x200, s17;
	v9 =	vld.idx.msk [tilespmem:v1+s17+$0xFFFFFFA0 ss:$0x1], $0xffff  }
0x8b: {  	v11 =	vld.idx.msk [tilespmem:v1+s23+$0xFFFFFE10 ss:$0x1], $0xffff  }
0x8c: {  	s25 =	simm.s32 $0x5;
	s8 =	sand.u32 $0xC, s21;
	v14 =	vld.idx.msk [tilespmem:v1+s23+$0xFFFFFE90 ss:$0x1], $0xffff;
	v4 =	vmul.f32 v7, v13  }
0x8d: {  	s12 =	sand.u32 $0xD, s25;
	v15 =	vld.idx.msk [tilespmem:v1+s23+$0xFFFFFF10 ss:$0x1], $0xffff;
	s13 =	simm.s32 $0x6;
	v7 =	vmov s8;
	v16 =	vmul.f32 v5, v10  }
0x8e: {  	v17 =	vld.idx.msk [tilespmem:v1+s23+$0xFFFFFF90 ss:$0x1], $0xffff;
	v6 =	vmul.f32 v6, v12;
	s8 =	sand.u32 $0xE, s13;
	v5 =	vmov s12;
	[tilespmem:v1+s17+$0xFFFFFEC0 ss:$0x1] =	vst.idx.msk $0xffff, v4;
	v4 =	vperm.xlane v8, v7  }
0x8f: {  	s14 =	simm.s32 $0x7;
	v9 =	vmul.f32 v9, v2;
	v5 =	vperm.xlane v8, v5;
	v7 =	vmov s8;
	v18 =	vld.idx.msk [tilespmem:v1+s17+$0xFFFFFED0 ss:$0x1], $0xffff;
	[tilespmem:v1+s17+$0xFFFFFF40 ss:$0x1] =	vst.idx.msk $0xffff, v16  }
0x90: {  	[tilespmem:v1+s17+$0xFFFFFE30 ss:$0x1] =	vst.idx.msk $0xffff, v6;
	v6 =	vmov s14;
	v7 =	vperm.xlane v8, v7;
	v16 =	vld.idx.msk [tilespmem:v1+s17+$0xFFFFFF50 ss:$0x1], $0xffff;
	v11 =	vmul.f32 v11, v4  }
0x91: {  	v6 =	vperm.xlane v8, v6;
	[tilespmem:v1+s17+$0xFFFFFFA0 ss:$0x1] =	vst.idx.msk $0xffff, v9;
	v9 =	vld.idx.msk [tilespmem:v1+s17+$0xFFFFFE40 ss:$0x1], $0xffff;
	v14 =	vmul.f32 v14, v5  }
0x92: {  	v8 =	vld.idx.msk [tilespmem:v1+s17+$0xFFFFFFB0 ss:$0x1], $0xffff;
	[tilespmem:v1+s23+$0xFFFFFE10 ss:$0x1] =	vst.idx.msk $0xffff, v11;
	v11 =	vmul.f32 v15, v7  }
0x93: {  	s24 =	simm.s32 $0x8;
	[tilespmem:v1+s23+$0xFFFFFE90 ss:$0x1] =	vst.idx.msk $0xffff, v14;
	v14 =	vmul.f32 v17, v6;
	v15 =	vld.idx.msk [tilespmem:v1+s23+$0xFFFFFE20 ss:$0x1], $0xffff  }
0x94: {  	s15 =	sand.u32 $0x30, s24;
	v17 =	vld.idx.msk [tilespmem:v1+s23+$0xFFFFFEA0 ss:$0x1], $0xffff;
	[tilespmem:v1+s23+$0xFFFFFF10 ss:$0x1] =	vst.idx.msk $0xffff, v11;
	v11 =	vmul.f32 v18, v13  }
0x95: {  	v20 =	vld.idx.msk [tilespmem:v3+s15+$0x0 ss:$0x1], $0xffff;
	[tilespmem:v1+s23+$0xFFFFFF90 ss:$0x1] =	vst.idx.msk $0xffff, v14;
	v14 =	vmul.f32 v16, v10  }
0x96: {  	v18 =	vld.idx.msk [tilespmem:v1+s23+$0xFFFFFF20 ss:$0x1], $0xffff;
	v9 =	vmul.f32 v9, v12;
	[tilespmem:v1+s17+$0xFFFFFED0 ss:$0x1] =	vst.idx.msk $0xffff, v11  }
0x97: {  	v16 =	vld.idx.msk [tilespmem:v1+s23+$0xFFFFFFA0 ss:$0x1], $0xffff;
	v8 =	vmul.f32 v8, v2;
	[tilespmem:v1+s17+$0xFFFFFF50 ss:$0x1] =	vst.idx.msk $0xffff, v14  }
0x98: {  	v11 =	vld.idx.msk [tilespmem:v1+s17+$0xFFFFFEE0 ss:$0x1], $0xffff;
	[tilespmem:v1+s17+$0xFFFFFE40 ss:$0x1] =	vst.idx.msk $0xffff, v9;
	v14 =	vmul.f32 v15, v4  }
0x99: {  	v9 =	vld.idx.msk [tilespmem:v1+s17+$0xFFFFFF60 ss:$0x1], $0xffff;
	[tilespmem:v1+s17+$0xFFFFFFB0 ss:$0x1] =	vst.idx.msk $0xffff, v8;
	v15 =	vmul.f32 v17, v5  }
0x9a: {  	s8 =	sadd.s32 $0x200, s23;
	v8 =	vld.idx.msk [tilespmem:v1+s17+$0xFFFFFE50 ss:$0x1], $0xffff;
	[tilespmem:v1+s23+$0xFFFFFE20 ss:$0x1] =	vst.idx.msk $0xffff, v14  }
0x9b: {  	v19 =	vld.idx.msk [tilespmem:v1+s8+$0xFFFFFF10 ss:$0x1], $0xffff;
	v14 =	vmul.f32 v18, v7;
	[tilespmem:v1+s23+$0xFFFFFEA0 ss:$0x1] =	vst.idx.msk $0xffff, v15  }
0x9c: {  	v15 =	vmul.f32 v16, v6;
	v16 =	vld.idx.msk [tilespmem:v1+s23+$0xFFFFFEB0 ss:$0x1], $0xffff  }
0x9d: {  	v17 =	vld.idx.msk [tilespmem:v1+s17+$0xFFFFFFC0 ss:$0x1], $0xffff;
	[tilespmem:v1+s23+$0xFFFFFF20 ss:$0x1] =	vst.idx.msk $0xffff, v14;
	v11 =	vmul.f32 v11, v13  }
0x9e: {  	v18 =	vld.idx.msk [tilespmem:v1+s23+$0xFFFFFE30 ss:$0x1], $0xffff;
	[tilespmem:v1+s23+$0xFFFFFFA0 ss:$0x1] =	vst.idx.msk $0xffff, v15;
	v9 =	vmul.f32 v9, v10  }
0x9f: {  	v14 =	vld.idx.msk [tilespmem:v1+s23+$0xFFFFFF30 ss:$0x1], $0xffff;
	v8 =	vmul.f32 v8, v12;
	[tilespmem:v1+s17+$0xFFFFFEE0 ss:$0x1] =	vst.idx.msk $0xffff, v11  }
0xa0: {  	v15 =	vld.idx.msk [tilespmem:v1+s23+$0xFFFFFFB0 ss:$0x1], $0xffff;
	[tilespmem:v1+s17+$0xFFFFFF60 ss:$0x1] =	vst.idx.msk $0xffff, v9  }
0xa1: {  	v11 =	vld.idx.msk [tilespmem:v1+s17+$0xFFFFFEF0 ss:$0x1], $0xffff;
	[tilespmem:v1+s17+$0xFFFFFE50 ss:$0x1] =	vst.idx.msk $0xffff, v8;
	v8 =	vmul.f32 v16, v5  }
0xa2: {  	v9 =	vmul.f32 v17, v2;
	v17 =	vld.idx.msk [tilespmem:v1+s17+$0xFFFFFF70 ss:$0x1], $0xffff  }
0xa3: {  	v18 =	vmul.f32 v18, v4;
	v16 =	vld.idx.msk [tilespmem:v1+s17+$0xFFFFFE60 ss:$0x1], $0xffff;
	[tilespmem:v1+s23+$0xFFFFFEB0 ss:$0x1] =	vst.idx.msk $0xffff, v8  }
0xa4: {  	[tilespmem:v1+s17+$0xFFFFFFC0 ss:$0x1] =	vst.idx.msk $0xffff, v9;
	v9 =	vmul.f32 v14, v7;
	v8 =	vld.idx.msk [tilespmem:v1+s23+$0xFFFFFEC0 ss:$0x1], $0xffff  }
0xa5: {  	[tilespmem:v1+s23+$0xFFFFFE30 ss:$0x1] =	vst.idx.msk $0xffff, v18;
	v14 =	vld.idx.msk [tilespmem:v1+s17+$0xFFFFFFD0 ss:$0x1], $0xffff;
	v15 =	vmul.f32 v15, v6  }
0xa6: {  	v18 =	vld.idx.msk [tilespmem:v1+s23+$0xFFFFFE40 ss:$0x1], $0xffff;
	[tilespmem:v1+s23+$0xFFFFFF30 ss:$0x1] =	vst.idx.msk $0xffff, v9;
	v11 =	vmul.f32 v11, v13  }
0xa7: {  	[tilespmem:v1+s23+$0xFFFFFFB0 ss:$0x1] =	vst.idx.msk $0xffff, v15;
	v9 =	vld.idx.msk [tilespmem:v1+s23+$0xFFFFFF40 ss:$0x1], $0xffff;
	v17 =	vmul.f32 v17, v10  }
0xa8: {  	[tilespmem:v1+s17+$0xFFFFFEF0 ss:$0x1] =	vst.idx.msk $0xffff, v11;
	v11 =	vmul.f32 v16, v12;
	v16 =	vld.idx.msk [tilespmem:v1+s8+$0xFFFFFE10 ss:$0x1], $0xffff  }
0xa9: {  	s25 =	sand.u32 $0xC, s24;
	[tilespmem:v1+s17+$0xFFFFFF70 ss:$0x1] =	vst.idx.msk $0xffff, v17;
	v15 =	vld.idx.msk [tilespmem:v1+s17+$0xFFFFFF00 ss:$0x1], $0xffff;
	v8 =	vmul.f32 v8, v5  }
0xaa: {  	v14 =	vmul.f32 v14, v2;
	v17 =	vld.idx.msk [tilespmem:v1+s17+$0xFFFFFF80 ss:$0x1], $0xffff;
	[tilespmem:v1+s17+$0xFFFFFE60 ss:$0x1] =	vst.idx.msk $0xffff, v11;
	v11 =	vmov s25  }
0xab: {  	s21 =	simm.s32 $0x9;
	v21 =	vld.idx.msk [tilespmem:v1+s8+$0xFFFFFE90 ss:$0x1], $0xffff;
	v18 =	vmul.f32 v18, v4;
	[tilespmem:v1+s23+$0xFFFFFEC0 ss:$0x1] =	vst.idx.msk $0xffff, v8;
	v8 =	vperm.xlane v20, v11  }
0xac: {  	s14 =	simm.s32 $0xA;
	s12 =	sand.u32 $0xD, s21;
	v22 =	vld.idx.msk [tilespmem:v1+s8+$0xFFFFFF90 ss:$0x1], $0xffff;
	[tilespmem:v1+s17+$0xFFFFFFD0 ss:$0x1] =	vst.idx.msk $0xffff, v14;
	v9 =	vmul.f32 v9, v7  }
0xad: {  	s15 =	sand.u32 $0xE, s14;
	v23 =	vmov s12;
	v14 =	vld.idx.msk [tilespmem:v1+s17+$0xFFFFFFE0 ss:$0x1], $0xffff;
	[tilespmem:v1+s23+$0xFFFFFE40 ss:$0x1] =	vst.idx.msk $0xffff, v18;
	v16 =	vmul.f32 v16, v8  }
0xae: {  	s21 =	simm.s32 $0xB;
	v11 =	vmov s15;
	v24 =	vld.idx.msk [tilespmem:v1+s23+$0xFFFFFED0 ss:$0x1], $0xffff;
	[tilespmem:v1+s23+$0xFFFFFF40 ss:$0x1] =	vst.idx.msk $0xffff, v9;
	v9 =	vperm.xlane v20, v23;
	v13 =	vmul.f32 v15, v13  }
0xaf: {  	v18 =	vld.idx.msk [tilespmem:v1+s23+$0xFFFFFF50 ss:$0x1], $0xffff;
	v17 =	vmul.f32 v17, v10;
	v10 =	vperm.xlane v20, v11;
	v11 =	vmov s21;
	[tilespmem:v1+s8+$0xFFFFFE10 ss:$0x1] =	vst.idx.msk $0xffff, v16  }
0xb0: {  	v21 =	vmul.f32 v21, v9;
	v11 =	vperm.xlane v20, v11;
	v20 =	vld.idx.msk [tilespmem:v1+s23+$0xFFFFFE50 ss:$0x1], $0xffff;
	[tilespmem:v1+s17+$0xFFFFFF00 ss:$0x1] =	vst.idx.msk $0xffff, v13  }
0xb1: {  	[tilespmem:v1+s17+$0xFFFFFF80 ss:$0x1] =	vst.idx.msk $0xffff, v17;
	v16 =	vmul.f32 v19, v10;
	v17 =	vld.idx.msk [tilespmem:v1+s17+$0xFFFFFE70 ss:$0x1], $0xffff  }
0xb2: {  	v19 =	vld.idx.msk [tilespmem:v1+s8+$0xFFFFFE20 ss:$0x1], $0xffff;
	v14 =	vmul.f32 v14, v2;
	[tilespmem:v1+s8+$0xFFFFFE90 ss:$0x1] =	vst.idx.msk $0xffff, v21  }
0xb3: {  	v21 =	vmul.f32 v22, v11;
	v22 =	vld.idx.msk [tilespmem:v1+s8+$0xFFFFFEA0 ss:$0x1], $0xffff;
	[tilespmem:v1+s8+$0xFFFFFF10 ss:$0x1] =	vst.idx.msk $0xffff, v16  }
0xb4: {  	v16 =	vmul.f32 v24, v5;
	[tilespmem:v1+s17+$0xFFFFFFE0 ss:$0x1] =	vst.idx.msk $0xffff, v14;
	v23 =	vld.idx.msk [tilespmem:v1+s8+$0xFFFFFF20 ss:$0x1], $0xffff  }
0xb5: {  	[tilespmem:v1+s8+$0xFFFFFF90 ss:$0x1] =	vst.idx.msk $0xffff, v21;
	v13 =	vld.idx.msk [tilespmem:v1+s17+$0xFFFFFFF0 ss:$0x1], $0xffff  }
0xb6: {  	v18 =	vmul.f32 v18, v7;
	v21 =	vld.idx.msk [tilespmem:v1+s8+$0xFFFFFFA0 ss:$0x1], $0xffff;
	[tilespmem:v1+s23+$0xFFFFFED0 ss:$0x1] =	vst.idx.msk $0xffff, v16  }
0xb7: {  	v15 =	vld.idx.msk [tilespmem:v1+s23+$0xFFFFFEE0 ss:$0x1], $0xffff;
	v17 =	vmul.f32 v17, v12  }
0xb8: {  	[tilespmem:v1+s23+$0xFFFFFF50 ss:$0x1] =	vst.idx.msk $0xffff, v18;
	v14 =	vmul.f32 v19, v8;
	v19 =	vld.idx.msk [tilespmem:v1+s23+$0xFFFFFFC0 ss:$0x1], $0xffff  }
0xb9: {  	v16 =	vld.idx.msk [tilespmem:v1+s23+$0xFFFFFF60 ss:$0x1], $0xffff;
	v18 =	vmul.f32 v22, v9;
	[tilespmem:v1+s17+$0xFFFFFE70 ss:$0x1] =	vst.idx.msk $0xffff, v17  }
0xba: {  	[tilespmem:v1+s8+$0xFFFFFE20 ss:$0x1] =	vst.idx.msk $0xffff, v14;
	v14 =	vmul.f32 v23, v10;
	v22 =	vld.idx.msk [tilespmem:v1+s17+$0xFFFFFE80 ss:$0x1], $0xffff  }
0xbb: {  	v17 =	vld.idx.msk [tilespmem:v1+s8+$0xFFFFFE30 ss:$0x1], $0xffff;
	v13 =	vmul.f32 v13, v2;
	[tilespmem:v1+s8+$0xFFFFFEA0 ss:$0x1] =	vst.idx.msk $0xffff, v18  }
0xbc: {  	v18 =	vmul.f32 v21, v11;
	v21 =	vld.idx.msk [tilespmem:v1+s8+$0xFFFFFEB0 ss:$0x1], $0xffff;
	[tilespmem:v1+s8+$0xFFFFFF20 ss:$0x1] =	vst.idx.msk $0xffff, v14  }
0xbd: {  	v14 =	vmul.f32 v15, v5;
	[tilespmem:v1+s17+$0xFFFFFFF0 ss:$0x1] =	vst.idx.msk $0xffff, v13;
	v23 =	vld.idx.msk [tilespmem:v1+s8+$0xFFFFFF30 ss:$0x1], $0xffff  }
0xbe: {  	[tilespmem:v1+s8+$0xFFFFFFA0 ss:$0x1] =	vst.idx.msk $0xffff, v18;
	v15 =	vmul.f32 v16, v7;
	v13 =	vld.idx.msk [tilespmem:v1+s17+$0x0 ss:$0x1], $0xffff  }
0xbf: {  	v16 =	vmul.f32 v20, v4;
	v63 =	vld.idx.msk [tilespmem:v1+s8+$0xFFFFFFB0 ss:$0x1], $0xffff;
	[tilespmem:v1+s23+$0xFFFFFEE0 ss:$0x1] =	vst.idx.msk $0xffff, v14  }
0xc0: {  	v18 =	vmul.f32 v19, v6;
	v25 =	vld.idx.msk [tilespmem:v1+s23+$0xFFFFFEF0 ss:$0x1], $0xffff;
	[tilespmem:v1+s23+$0xFFFFFF60 ss:$0x1] =	vst.idx.msk $0xffff, v15  }
0xc1: {  	v17 =	vmul.f32 v17, v8;
	[tilespmem:v1+s23+$0xFFFFFE50 ss:$0x1] =	vst.idx.msk $0xffff, v16;
	v14 =	vld.idx.msk [tilespmem:v1+s23+$0xFFFFFF70 ss:$0x1], $0xffff  }
0xc2: {  	[tilespmem:v1+s23+$0xFFFFFFC0 ss:$0x1] =	vst.idx.msk $0xffff, v18;
	v15 =	vld.idx.msk [tilespmem:v1+s23+$0xFFFFFE60 ss:$0x1], $0xffff;
	v19 =	vmul.f32 v21, v9  }
0xc3: {  	[tilespmem:v1+s8+$0xFFFFFE30 ss:$0x1] =	vst.idx.msk $0xffff, v17;
	v17 =	vld.idx.msk [tilespmem:v1+s23+$0xFFFFFFD0 ss:$0x1], $0xffff;
	v21 =	vmul.f32 v23, v10  }
0xc4: {  	s25 =	sshll.u32 s22, $0xD;
	v16 =	vmul.f32 v22, v12;
	v18 =	vld.idx.msk [tilespmem:v1+s8+$0xFFFFFE40 ss:$0x1], $0xffff;
	[tilespmem:v1+s8+$0xFFFFFEB0 ss:$0x1] =	vst.idx.msk $0xffff, v19  }
0xc5: {  	s12 =	smov.u32 s17;
	s29 =	smov.u32 s8;
	s25 =	sor.u32 $0x1800, s25;
	v12 =	vmul.f32 v63, v11;
	v20 =	vld.idx.msk [tilespmem:v1+s8+$0xFFFFFEC0 ss:$0x1], $0xffff;
	[tilespmem:v1+s8+$0xFFFFFF30 ss:$0x1] =	vst.idx.msk $0xffff, v21;
	v19 =	vmul.f32 v25, v5  }
.LBB2_26:
0xc6: {  	s13 =	sadd.s32 $0x5, s24  }
0xc7: {  	v21 =	vld.idx.msk [tilespmem:v1+s8+$0xFFFFFF40 ss:$0x1], $0xffff;
	s29 =	sadd.s32 $0x200, s29;
	v14 =	vmul.f32 v14, v7;
	[tilespmem:v1+s12+$0xFFFFFE80 ss:$0x1] =	vst.idx.msk $0xffff, v16;
	s14 =	smov.u32 s24;
	s24 =	sadd.s32 $0x4, s24  }
0xc8: {  	v13 =	vmul.f32 v13, v2;
	v2 =	vmov v6;
	v6 =	vmov v11;
	s15 =	sand.u32 $0x30, s24;
	s21 =	sand.u32 $0xC, s24;
	s13 =	sand.u32 $0xD, s13;
	v16 =	vld.idx.msk [tilespmem:v1+s29+$0xFFFFFF10 ss:$0x1], $0xffff;
	[tilespmem:v1+s23+$0xFFFFFEF0 ss:$0x1] =	vst.idx.msk $0xffff, v19  }
0xc9: {  	p3 =	slt.u32 s24, $0x3C;
	v15 =	vmul.f32 v15, v4;
	v11 =	vld.idx.msk [tilespmem:v3+s15+$0x0 ss:$0x1], $0xffff;
	v19 =	vmov s21;
	[tilespmem:v1+s23+$0xFFFFFF70 ss:$0x1] =	vst.idx.msk $0xffff, v14  }
0xca: {  	v17 =	vmul.f32 v17, v2;
	v14 =	vld.idx.msk [tilespmem:v1+s23+$0xFFFFFF80 ss:$0x1], $0xffff;
	[tilespmem:v1+s12+$0x0 ss:$0x1] =	vst.idx.msk $0xffff, v13;
	s12 =	smov.u32 s23;
	s23 =	smov.u32 s8;
	s8 =	smov.u32 s29  }
0xcb: {  	v18 =	vmul.f32 v18, v8;
	v13 =	vld.idx.msk [tilespmem:v1+s29+$0xFFFFFE10 ss:$0x1], $0xffff;
	[tilespmem:v1+s12+$0xFFFFFE60 ss:$0x1] =	vst.idx.msk $0xffff, v15  }
0xcc: {  	v20 =	vmul.f32 v20, v9;
	v15 =	vld.idx.msk [tilespmem:v1+s29+$0xFFFFFE90 ss:$0x1], $0xffff;
	[tilespmem:v1+s12+$0xFFFFFFD0 ss:$0x1] =	vst.idx.msk $0xffff, v17  }
0xcd: {  	v17 =	vmul.f32 v21, v10;
	[tilespmem:v1+s23+$0xFFFFFE40 ss:$0x1] =	vst.idx.msk $0xffff, v18;
	v18 =	vld.idx.msk [tilespmem:v1+s12+$0xFFFFFFE0 ss:$0x1], $0xffff  }
0xce: {  	v21 =	vmov s13;
	s13 =	sadd.s32 $0x6, s14;
	v22 =	vld.idx.msk [tilespmem:v1+s29+$0xFFFFFF90 ss:$0x1], $0xffff;
	[tilespmem:v1+s23+$0xFFFFFEC0 ss:$0x1] =	vst.idx.msk $0xffff, v20  }
0xcf: {  	s13 =	sand.u32 $0xE, s13;
	v19 =	vperm.xlane v11, v19;
	v20 =	vperm.xlane v11, v21;
	v21 =	vld.idx.msk [tilespmem:v1+s23+$0xFFFFFED0 ss:$0x1], $0xffff;
	[tilespmem:v1+s23+$0xFFFFFF40 ss:$0x1] =	vst.idx.msk $0xffff, v17  }
0xd0: {  	v17 =	vmov s13;
	s13 =	sadd.s32 $0x7, s14;
	v14 =	vmul.f32 v14, v7;
	v7 =	vmov v10;
	v23 =	vld.idx.msk [tilespmem:v1+s23+$0xFFFFFF50 ss:$0x1], $0xffff  }
0xd1: {  	v13 =	vmul.f32 v13, v19;
	v10 =	vperm.xlane v11, v17;
	v17 =	vmov s13;
	[tilespmem:v1+s23+$0xFFFFFFB0 ss:$0x1] =	vst.idx.msk $0xffff, v12;
	v12 =	vld.idx.msk [tilespmem:v1+s12+$0xFFFFFF00 ss:$0x1], $0xffff  }
0xd2: {  	v15 =	vmul.f32 v15, v20;
	v11 =	vperm.xlane v11, v17;
	v17 =	vld.idx.msk [tilespmem:v1+s23+$0xFFFFFE50 ss:$0x1], $0xffff;
	[tilespmem:v1+s12+$0xFFFFFF80 ss:$0x1] =	vst.idx.msk $0xffff, v14  }
0xd3: {  	[tilespmem:v1+s29+$0xFFFFFE10 ss:$0x1] =	vst.idx.msk $0xffff, v13;
	v13 =	vmul.f32 v16, v10;
	v14 =	vld.idx.msk [tilespmem:v1+s12+$0xFFFFFE70 ss:$0x1], $0xffff;
	v16 =	vmul.f32 v18, v2  }
0xd4: {  	v18 =	vld.idx.msk [tilespmem:v1+s29+$0xFFFFFE20 ss:$0x1], $0xffff;
	[tilespmem:v1+s29+$0xFFFFFE90 ss:$0x1] =	vst.idx.msk $0xffff, v15;
	v15 =	vmul.f32 v22, v11  }
0xd5: {  	v22 =	vld.idx.msk [tilespmem:v1+s29+$0xFFFFFEA0 ss:$0x1], $0xffff;
	[tilespmem:v1+s29+$0xFFFFFF10 ss:$0x1] =	vst.idx.msk $0xffff, v13;
	v13 =	vmul.f32 v21, v9  }
0xd6: {  	v21 =	vld.idx.msk [tilespmem:v1+s29+$0xFFFFFF20 ss:$0x1], $0xffff;
	[tilespmem:v1+s29+$0xFFFFFF90 ss:$0x1] =	vst.idx.msk $0xffff, v15;
	v15 =	vmul.f32 v23, v7  }
0xd7: {  	v12 =	vmul.f32 v12, v5;
	v5 =	vmov v9;
	v9 =	vmov v20;
	v23 =	vld.idx.msk [tilespmem:v1+s29+$0xFFFFFFA0 ss:$0x1], $0xffff;
	[tilespmem:v1+s23+$0xFFFFFED0 ss:$0x1] =	vst.idx.msk $0xffff, v13  }
0xd8: {  	v13 =	vmul.f32 v17, v8;
	v17 =	vld.idx.msk [tilespmem:v1+s23+$0xFFFFFEE0 ss:$0x1], $0xffff;
	[tilespmem:v1+s23+$0xFFFFFF50 ss:$0x1] =	vst.idx.msk $0xffff, v15  }
0xd9: {  	v14 =	vmul.f32 v14, v4;
	v15 =	vld.idx.msk [tilespmem:v1+s23+$0xFFFFFF60 ss:$0x1], $0xffff;
	[tilespmem:v1+s12+$0xFFFFFFE0 ss:$0x1] =	vst.idx.msk $0xffff, v16  }
0xda: {  	v16 =	vmul.f32 v18, v19;
	[tilespmem:v1+s12+$0xFFFFFF00 ss:$0x1] =	vst.idx.msk $0xffff, v12;
	v12 =	vld.idx.msk [tilespmem:v1+s12+$0xFFFFFFF0 ss:$0x1], $0xffff  }
0xdb: {  	v18 =	vmul.f32 v22, v9;
	v20 =	vld.idx.msk [tilespmem:v1+s23+$0xFFFFFFC0 ss:$0x1], $0xffff;
	[tilespmem:v1+s12+$0xFFFFFE70 ss:$0x1] =	vst.idx.msk $0xffff, v14  }
0xdc: {  	v14 =	vmul.f32 v21, v10;
	[tilespmem:v1+s29+$0xFFFFFE20 ss:$0x1] =	vst.idx.msk $0xffff, v16;
	v16 =	vld.idx.msk [tilespmem:v1+s12+$0xFFFFFE80 ss:$0x1], $0xffff  }
0xdd: {  	v21 =	vld.idx.msk [tilespmem:v1+s29+$0xFFFFFE30 ss:$0x1], $0xffff;
	[tilespmem:v1+s29+$0xFFFFFEA0 ss:$0x1] =	vst.idx.msk $0xffff, v18;
	v18 =	vmul.f32 v23, v11  }
0xde: {  	v22 =	vld.idx.msk [tilespmem:v1+s29+$0xFFFFFEB0 ss:$0x1], $0xffff;
	[tilespmem:v1+s29+$0xFFFFFF20 ss:$0x1] =	vst.idx.msk $0xffff, v14;
	v14 =	vmul.f32 v17, v5  }
0xdf: {  	v15 =	vmul.f32 v15, v7;
	v17 =	vld.idx.msk [tilespmem:v1+s29+$0xFFFFFF30 ss:$0x1], $0xffff;
	[tilespmem:v1+s29+$0xFFFFFFA0 ss:$0x1] =	vst.idx.msk $0xffff, v18  }
0xe0: {  	v12 =	vmul.f32 v12, v2;
	v23 =	vld.idx.msk [tilespmem:v1+s29+$0xFFFFFFB0 ss:$0x1], $0xffff;
	[tilespmem:v1+s23+$0xFFFFFEE0 ss:$0x1] =	vst.idx.msk $0xffff, v14  }
0xe1: {  	v24 =	vld.idx.msk [tilespmem:v1+s23+$0xFFFFFEF0 ss:$0x1], $0xffff;
	[tilespmem:v1+s23+$0xFFFFFF60 ss:$0x1] =	vst.idx.msk $0xffff, v15  }
0xe2: {  	v18 =	vmul.f32 v20, v6;
	v16 =	vmul.f32 v16, v4;
	v14 =	vld.idx.msk [tilespmem:v1+s23+$0xFFFFFF70 ss:$0x1], $0xffff;
	[tilespmem:v1+s12+$0xFFFFFFF0 ss:$0x1] =	vst.idx.msk $0xffff, v12  }
.Ltmp5:
0xe3: {  	v4 =	vmov v8;
	v8 =	vmov v19;
	v12 =	vmul.f32 v21, v19;
	[tilespmem:v1+s23+$0xFFFFFE50 ss:$0x1] =	vst.idx.msk $0xffff, v13;
	v13 =	vld.idx.msk [tilespmem:v1+s12+$0x0 ss:$0x1], $0xffff;
	(pc) =	sbr.rel @p3 .LBB2_26-.Ltmp5, $4  }
0xe4: {  	v19 =	vmul.f32 v22, v9;
	v15 =	vld.idx.msk [tilespmem:v1+s23+$0xFFFFFE60 ss:$0x1], $0xffff;
	[tilespmem:v1+s23+$0xFFFFFFC0 ss:$0x1] =	vst.idx.msk $0xffff, v18  }
0xe5: {  	v21 =	vmul.f32 v17, v10;
	[tilespmem:v1+s29+$0xFFFFFE30 ss:$0x1] =	vst.idx.msk $0xffff, v12;
	v17 =	vld.idx.msk [tilespmem:v1+s23+$0xFFFFFFD0 ss:$0x1], $0xffff  }
0xe6: {  	v12 =	vmul.f32 v23, v11;
	v18 =	vld.idx.msk [tilespmem:v1+s29+$0xFFFFFE40 ss:$0x1], $0xffff;
	[tilespmem:v1+s29+$0xFFFFFEB0 ss:$0x1] =	vst.idx.msk $0xffff, v19  }
0xe7: {  	v19 =	vmul.f32 v24, v5;
	v20 =	vld.idx.msk [tilespmem:v1+s29+$0xFFFFFEC0 ss:$0x1], $0xffff;
	[tilespmem:v1+s29+$0xFFFFFF30 ss:$0x1] =	vst.idx.msk $0xffff, v21  }
0xe8: {  	_ =	sdelay $0x3  }
0xe9: {  	v3 =	vld.idx.msk [tilespmem:v1+s8+$0xFFFFFF40 ss:$0x1], $0xffff;
	_ =	sdelay $0x1  }
0xea: {  	[tilespmem:v1+s8+$0xFFFFFFB0 ss:$0x1] =	vst.idx.msk $0xffff, v12  }
0xeb: {  	v12 =	vld.idx.msk [tilespmem:v1+s8+$0xFFFFFFC0 ss:$0x1], $0xffff;
	_ =	sdelay $0x1  }
0xec: {  	v3 =	vmul.f32 v3, v10  }
0xed: {  	v20 =	vmul.f32 v20, v9  }
0xee: {  	v18 =	vmul.f32 v18, v8;
	[tilespmem:v1+s8+$0xFFFFFF40 ss:$0x1] =	vst.idx.msk $0xffff, v3  }
0xef: {  	[tilespmem:v1+s8+$0xFFFFFEC0 ss:$0x1] =	vst.idx.msk $0xffff, v20;
	v12 =	vmul.f32 v12, v11;
	v3 =	vld.idx.msk [tilespmem:v1+s8+$0xFFFFFF50 ss:$0x1], $0xffff  }
0xf0: {  	[tilespmem:v1+s8+$0xFFFFFE40 ss:$0x1] =	vst.idx.msk $0xffff, v18;
	v42 =	vld.idx.msk [tilespmem:v1+s8+$0xFFFFFED0 ss:$0x1], $0xffff  }
0xf1: {  	v43 =	vld.idx.msk [tilespmem:v1+s8+$0xFFFFFE50 ss:$0x1], $0xffff;
	[tilespmem:v1+s8+$0xFFFFFFC0 ss:$0x1] =	vst.idx.msk $0xffff, v12  }
0xf2: {  	v12 =	vld.idx.msk [tilespmem:v1+s8+$0xFFFFFFD0 ss:$0x1], $0xffff  }
0xf3: {  	v17 =	vmul.f32 v17, v6  }
0xf4: {  	v3 =	vmul.f32 v3, v10  }
0xf5: {  	[tilespmem:v1+s23+$0xFFFFFFD0 ss:$0x1] =	vst.idx.msk $0xffff, v17;
	v44 =	vmul.f32 v42, v9  }
0xf6: {  	v45 =	vld.idx.msk [tilespmem:v1+s23+$0xFFFFFFE0 ss:$0x1], $0xffff;
	v20 =	vmul.f32 v43, v8;
	[tilespmem:v1+s8+$0xFFFFFF50 ss:$0x1] =	vst.idx.msk $0xffff, v3  }
0xf7: {  	[tilespmem:v1+s8+$0xFFFFFED0 ss:$0x1] =	vst.idx.msk $0xffff, v44;
	v12 =	vmul.f32 v12, v11;
	v3 =	vld.idx.msk [tilespmem:v1+s8+$0xFFFFFF60 ss:$0x1], $0xffff  }
0xf8: {  	[tilespmem:v1+s8+$0xFFFFFE50 ss:$0x1] =	vst.idx.msk $0xffff, v20;
	v17 =	vld.idx.msk [tilespmem:v1+s8+$0xFFFFFEE0 ss:$0x1], $0xffff  }
0xf9: {  	v20 =	vld.idx.msk [tilespmem:v1+s8+$0xFFFFFE60 ss:$0x1], $0xffff;
	[tilespmem:v1+s8+$0xFFFFFFD0 ss:$0x1] =	vst.idx.msk $0xffff, v12  }
0xfa: {  	[tilespmem:v1+s12+$0xFFFFFE80 ss:$0x1] =	vst.idx.msk $0xffff, v16;
	v46 =	vmul.f32 v15, v4;
	v47 =	vld.idx.msk [tilespmem:v1+s8+$0xFFFFFFE0 ss:$0x1], $0xffff  }
0xfb: {  	[tilespmem:v1+s23+$0xFFFFFEF0 ss:$0x1] =	vst.idx.msk $0xffff, v19;
	v48 =	vmul.f32 v45, v6  }
0xfc: {  	[tilespmem:v1+s23+$0xFFFFFE60 ss:$0x1] =	vst.idx.msk $0xffff, v46;
	v3 =	vmul.f32 v3, v10  }
0xfd: {  	[tilespmem:v1+s23+$0xFFFFFFE0 ss:$0x1] =	vst.idx.msk $0xffff, v48;
	v12 =	vld.idx.msk [tilespmem:v1+s23+$0xFFFFFE70 ss:$0x1], $0xffff;
	v49 =	vmul.f32 v17, v9  }
0xfe: {  	v50 =	vld.idx.msk [tilespmem:v1+s23+$0xFFFFFFF0 ss:$0x1], $0xffff;
	[tilespmem:v1+s8+$0xFFFFFF60 ss:$0x1] =	vst.idx.msk $0xffff, v3;
	v3 =	vmul.f32 v20, v8  }
0xff: {  	[tilespmem:v1+s8+$0xFFFFFEE0 ss:$0x1] =	vst.idx.msk $0xffff, v49;
	v15 =	vmul.f32 v47, v11;
	v51 =	vld.idx.msk [tilespmem:v1+s8+$0xFFFFFF70 ss:$0x1], $0xffff  }
0x100: {  	v14 =	vmul.f32 v14, v7;
	v52 =	vld.idx.msk [tilespmem:v1+s8+$0xFFFFFEF0 ss:$0x1], $0xffff;
	[tilespmem:v1+s8+$0xFFFFFE60 ss:$0x1] =	vst.idx.msk $0xffff, v3  }
0x101: {  	v2 =	vmul.f32 v13, v2;
	[tilespmem:v1+s8+$0xFFFFFFE0 ss:$0x1] =	vst.idx.msk $0xffff, v15;
	v3 =	vld.idx.msk [tilespmem:v1+s8+$0xFFFFFE70 ss:$0x1], $0xffff  }
0x102: {  	[tilespmem:v1+s23+$0xFFFFFF70 ss:$0x1] =	vst.idx.msk $0xffff, v14;
	v12 =	vmul.f32 v12, v4;
	v53 =	vld.idx.msk [tilespmem:v1+s8+$0xFFFFFFF0 ss:$0x1], $0xffff  }
0x103: {  	[tilespmem:v1+s12+$0x0 ss:$0x1] =	vst.idx.msk $0xffff, v2;
	v14 =	vld.idx.msk [tilespmem:v1+s23+$0xFFFFFF80 ss:$0x1], $0xffff;
	v2 =	vmul.f32 v50, v6  }
0x104: {  	v54 =	vld.idx.msk [tilespmem:v1+s23+$0xFFFFFF00 ss:$0x1], $0xffff;
	[tilespmem:v1+s23+$0xFFFFFE70 ss:$0x1] =	vst.idx.msk $0xffff, v12;
	v55 =	vmul.f32 v51, v10  }
0x105: {  	[tilespmem:v1+s23+$0xFFFFFFF0 ss:$0x1] =	vst.idx.msk $0xffff, v2;
	v56 =	vld.idx.msk [tilespmem:v1+s23+$0xFFFFFE80 ss:$0x1], $0xffff;
	v2 =	vmul.f32 v52, v9  }
0x106: {  	v57 =	vld.idx.msk [tilespmem:v1+s23+$0x0 ss:$0x1], $0xffff;
	[tilespmem:v1+s8+$0xFFFFFF70 ss:$0x1] =	vst.idx.msk $0xffff, v55;
	v3 =	vmul.f32 v3, v8  }
0x107: {  	[tilespmem:v1+s8+$0xFFFFFEF0 ss:$0x1] =	vst.idx.msk $0xffff, v2;
	v58 =	vmul.f32 v53, v11;
	v2 =	vld.idx.msk [tilespmem:v1+s8+$0xFFFFFF80 ss:$0x1], $0xffff  }
0x108: {  	v59 =	vmul.f32 v14, v7;
	v60 =	vld.idx.msk [tilespmem:v1+s8+$0xFFFFFF00 ss:$0x1], $0xffff;
	[tilespmem:v1+s8+$0xFFFFFE70 ss:$0x1] =	vst.idx.msk $0xffff, v3  }
0x109: {  	[tilespmem:v1+s8+$0xFFFFFFF0 ss:$0x1] =	vst.idx.msk $0xffff, v58;
	v3 =	vmul.f32 v54, v5;
	v61 =	vld.idx.msk [tilespmem:v1+s8+$0xFFFFFE80 ss:$0x1], $0xffff  }
0x10a: {  	[tilespmem:v1+s23+$0xFFFFFF80 ss:$0x1] =	vst.idx.msk $0xffff, v59;
	v62 =	vmul.f32 v56, v4;
	v63 =	vld.idx.msk [tilespmem:v1+s8+$0x0 ss:$0x1], $0xffff  }
0x10b: {  	[tilespmem:v1+s23+$0xFFFFFF00 ss:$0x1] =	vst.idx.msk $0xffff, v3;
	v3 =	vmul.f32 v57, v6  }
0x10c: {  	s16 =	sadd.s32 $0x1, s16;
	[tilespmem:v1+s23+$0xFFFFFE80 ss:$0x1] =	vst.idx.msk $0xffff, v62;
	v2 =	vmul.f32 v2, v10  }
0x10d: {  	p3 =	sne.s32 s16, $0x140;
	[tilespmem:v1+s23+$0x0 ss:$0x1] =	vst.idx.msk $0xffff, v3;
	v3 =	vmul.f32 v60, v9  }
.Ltmp6:
0x10e: {  	[tilespmem:v1+s8+$0xFFFFFF80 ss:$0x1] =	vst.idx.msk $0xffff, v2;
	v2 =	vmul.f32 v61, v8;
	(pc) =	sbr.rel @p3 .LBB2_18-.Ltmp6, $4  }
.Ltmp7:
0x10f: {  	s13 =	sshrl.u32 s20, $0x2;
	s23 =	sshrl.u32 s18, $0x2;
	[tilespmem:v1+s8+$0xFFFFFF00 ss:$0x1] =	vst.idx.msk $0xffff, v3;
	v3 =	vmul.f32 v63, v11;
	(pc) =	sbr.rel @!p3 .LBB2_28-.Ltmp7, $4  }
0x110: {  	s12 =	sadd.s32 s13, s23;
	[tilespmem:v1+s8+$0xFFFFFE80 ss:$0x1] =	vst.idx.msk $0xffff, v2  }
0x111: {  	s29 =	sadd.s32 $0x6, s22;
	s17 =	sadd.s32 $0x2000, s17;
	s24 =	sadd.s32 $0x800, s12;
	[tilespmem:v1+s8+$0x0 ss:$0x1] =	vst.idx.msk $0xffff, v3  }
0x112: {  	[spmem:s1] =	stream.indirect.scatter.add.f32 [tilespmem:s25], [sflag:s29], $0x80, s24, s0, $0xb8;
	[tilespmem:$0x1F080] =	vst v63  }
0x113: {  	_ = 	snop  }
.LBB2_20:
0x114: {  	p3 =	sgt.u32 s16, $0x13C  }
0x115: {  	p4 =	sne.s32 @!p3 s12, $0x5  }
0x116: {  	p4 =	por p3, p4  }
.Ltmp8:
0x117: {  	_ = 	snop;
	(pc) =	sbr.rel @p4 .LBB2_22-.Ltmp8, $1  }
0x118: {  	_ =	sdelay $0x3  }
0x119: {  	s13 =	sxor.u32 $0xFFFFFFFF, s18  }
0x11a: {  	s13 =	sand.u32 $0x1, s13  }
0x11b: {  	s13 =	sadd.s32 $0xB, s13  }
0x11c: {  	_ =	swait.ge [sflag:s13], $0x400  }
0x11d: {  	[sflag:s13] =	ssyncset.done $0x0  }
0x11e: {  	[sflag:s13] =	ssyncadd.s32 $0xFFFFFC00  }
0x11f: {  	_ =	swait.ge [sflag:s13], $0x400  }
0x120: {  	[sflag:s13] =	ssyncset.done $0x0  }
0x121: {  	[sflag:s13] =	ssyncadd.s32 $0xFFFFFC00  }
0x122: {  	_ =	swait.ge [sflag:s13], $0x400  }
0x123: {  	[sflag:s13] =	ssyncset.done $0x0  }
0x124: {  	[sflag:s13] =	ssyncadd.s32 $0xFFFFFC00  }
.LBB2_23:
.Ltmp9:
0x125: {  	(pc) =	sbr.rel @p3 .LBB2_25-.Ltmp9, $4  }
.Ltmp10:
0x126: {  	s13 =	sadd.s32 $0x6, s22;
	(pc) =	sbr.rel @!p3 .LBB2_24-.Ltmp10, $4  }
0x127: {  	_ =	swait.ge [sflag:s13], $0x2000  }
0x128: {  	[sflag:s13] =	ssyncset.done $0x0  }
0x129: {  	[sflag:s13] =	ssyncadd.s32 $0xFFFFE000  }
0x12a: {  	_ = 	snop  }
.LBB2_22:
0x12b: {  	p4 =	slt.u32 s16, $0x2  }
.Ltmp11:
0x12c: {  	_ = 	snop;
	(pc) =	sbr.rel @p4 .LBB2_24-.Ltmp11, $4  }
.Ltmp12:
0x12d: {  	_ = 	snop;
	(pc) =	sbr.rel @!p4 .LBB2_23-.Ltmp12, $4  }
0x12e: {  	_ = 	snop  }
0x12f: {  	_ = 	snop  }
0x130: {  	_ = 	snop  }
0x131: {  	_ = 	snop  }
.LBB2_6:
0x132: {  	s8 =	rddreg [dreg:$0x6]  }
0x133: {  	[tilespmem:s16], [sflag:$0xB] =	stream.linear.gather [hbm4b:s8+s16], $0x400, $0x38;
	[tilespmem:$0x1F080] =	vst v63  }
0x134: {  	s20 =	rddreg [dreg:$0x7];
	s12 =	simm.s32 $0x800  }
0x135: {  	[tilespmem:s12], [sflag:$0xB] =	stream.linear.gather [hbm4b:s20+s16], $0x400, $0x38;
	[tilespmem:$0x1F080] =	vst v63  }
0x136: {  	s21 =	rddreg [dreg:$0x8];
	s22 =	simm.s32 $0x1000  }
0x137: {  	[tilespmem:s22], [sflag:$0xB] =	stream.linear.gather [hbm4b:s21+s16], $0x400, $0x38;
	[tilespmem:$0x1F080] =	vst v63  }
0x138: {  	_ =	swait.ge [sflag:s31], $0x400  }
0x139: {  	[sflag:s31] =	ssyncset.done $0x0  }
0x13a: {  	[sflag:s31] =	ssyncadd.s32 $0xFFFFFC00  }
0x13b: {  	_ =	swait.ge [sflag:s31], $0x400  }
0x13c: {  	[sflag:s31] =	ssyncset.done $0x0  }
0x13d: {  	[sflag:s31] =	ssyncadd.s32 $0xFFFFFC00  }
0x13e: {  	_ =	swait.ge [sflag:s31], $0x400  }
0x13f: {  	[sflag:s31] =	ssyncset.done $0x0  }
0x140: {  	[sflag:s31] =	ssyncadd.s32 $0xFFFFFC00  }
0x141: {  	[tilespmem:s26], [sflag:$0x1] =	stream.indirect.gather [hbm4b:s3+s0], $0x80, s16, s0, $0xb8;
	[tilespmem:$0x1F080] =	vst v63  }
0x142: {  	s23 =	simm.s32 $0x80;
	s24 =	simm.s32 $0x3800  }
0x143: {  	[tilespmem:s24], [sflag:$0x2] =	stream.indirect.gather [hbm4b:s3+s0], $0x80, s23, s0, $0xb8;
	[tilespmem:$0x1F080] =	vst v63  }
0x144: {  	s25 =	simm.s32 $0x100;
	s29 =	simm.s32 $0x5800;
	s12 =	simm.s32 $0x19F0  }
0x145: {  	[tilespmem:s29], [sflag:$0x3] =	stream.indirect.gather [hbm4b:s3+s0], $0x80, s25, s0, $0xb8;
	[tilespmem:$0x1F080] =	vst v63  }
.LBB2_7:
0x146: {  	s8 =	smul.u32 $0xCCCD, s16;
	_ =	sdelay $0x1  }
0x147: {  	s17 =	sadd.s32 $0x26667, s8  }
0x148: {  	p3 =	sgt.u32 s16, $0x139;
	s18 =	sshrl.u32 s17, $0x12;
	s17 =	sand.u32 $0x7, s16  }
0x149: {  	p4 =	sne.s32 @!p3 s17, $0x2  }
0x14a: {  	p3 =	por p3, p4  }
.Ltmp13:
0x14b: {  	_ = 	snop;
	(pc) =	sbr.rel @p3 .LBB2_9-.Ltmp13, $4  }
0x14c: {  	s18 =	smul.u32 $0x5, s18  }
0x14d: {  	s20 =	sadd.s32 $0x3, s16  }
0x14e: {  	s22 =	ssub.s32 s20, s18  }
0x14f: {  	s18 =	sshrl.u32 s16, $0x3;
	s22 =	sand.u32 $0xFFFF, s22  }
0x150: {  	s23 =	sadd.s32 $0x1, s18  }
0x151: {  	s24 =	sadd.s32 s19, s23  }
0x152: {  	s23 =	sand.u32 $0x1, s23;
	s24 =	sshll.u32 s24, $0x7  }
0x153: {  	s25 =	sadd.s32 $0xB, s23;
	s23 =	sshll.u32 s23, $0xA;
	s29 =	sadd.s32 s5, s24  }
0x154: {  	[tilespmem:s23], [sflag:s25] =	stream.linear.gather [hbm4b:s29+s2], $0x400, $0x38;
	[tilespmem:$0x1F080] =	vst v63  }
0x155: {  	s21 =	sor.u32 $0x800, s23;
	s15 =	sadd.s32 s6, s24  }
0x156: {  	[tilespmem:s21], [sflag:s25] =	stream.linear.gather [hbm4b:s15+s2], $0x400, $0x38;
	[tilespmem:$0x1F080] =	vst v63  }
0x157: {  	s24 =	sadd.s32 s7, s24;
	s23 =	sor.u32 $0x1000, s23;
	s29 =	sadd.s32 $0x6, s22  }
0x158: {  	[tilespmem:s23], [sflag:s25] =	stream.linear.gather [hbm4b:s24+s2], $0x400, $0x38;
	[tilespmem:$0x1F080] =	vst v63  }
0x159: {  	_ =	swait.ge [sflag:s29], $0x2000  }
0x15a: {  	[sflag:s29] =	ssyncset.done $0x0  }
0x15b: {  	[sflag:s29] =	ssyncadd.s32 $0xFFFFE000  }
.LBB2_13:
0x15c: {  	s15 =	sshll.u32 s22, $0xD;
	s20 =	sshll.u32 s20, $0x7  }
0x15d: {  	s29 =	sadd.s32 $0x1, s22;
	s15 =	sor.u32 $0x1800, s15;
	s20 =	sand.u32 $0x780, s20  }
0x15e: {  	[tilespmem:s15], [sflag:s29] =	stream.indirect.gather [hbm4b:s3+s0], $0x80, s20, s0, $0xb8;
	[tilespmem:$0x1F080] =	vst v63  }
.LBB2_14:
0x15f: {  	s15 =	smulhi.u32 $0xCCCCCCCD, s16;
	s18 =	sshll.u32 s18, $0xC  }
0x160: {  	s8 =	sshrl.u32 s8, $0x12;
	s20 =	sshll.u32 s17, $0x9;
	s18 =	sand.u32 $0x1000, s18  }
0x161: {  	s8 =	smul.u32 $0x5, s8;
	s17 =	sor.u32 s20, s18  }
0x162: {  	s15 =	sshrl.u32 s15, $0x2;
	s17 =	sshrl.u32 s17, $0x2  }
0x163: {  	s15 =	smul.u32 $0xFFFD8000, s15;
	s8 =	ssub.s32 s16, s8;
	s17 =	sor.u32 $0x1000, s17  }
0x164: {  	s22 =	sand.u32 $0xFFFF, s8;
	v3 =	vmov s17  }
0x165: {  	s8 =	sadd.s32 $0x1, s22;
	s15 =	sshra.s32 s15, $0x2  }
0x166: {  	_ =	swait.ge [sflag:s8], $0x2000;
	v1 =	vmov s15  }
0x167: {  	s24 =	simm.s32 $0x0;
	[sflag:s8] =	ssyncset.done $0x0  }
0x168: {  	s25 =	sand.u32 $0x30, s24;
	[sflag:s8] =	ssyncadd.s32 $0xFFFFE000  }
0x169: {  	v2 =	vld.idx.msk [tilespmem:v3+s25+$0x0 ss:$0x1], $0xffff;
	_ =	sdelay $0x1  }
0x16a: {  	s13 =	simm.s32 $0x1;
	v4 =	vld.idx.msk [tilespmem:v1+s12+$0xFFFFFE90 ss:$0x1], $0xffff  }
0x16b: {  	s14 =	simm.s32 $0x2;
	s8 =	sand.u32 $0xD, s13;
	v5 =	vld.idx.msk [tilespmem:v1+s12+$0xFFFFFF10 ss:$0x1], $0xffff  }
0x16c: {  	s17 =	sand.u32 $0xE, s14;
	v6 =	vmov s8  }
0x16d: {  	v13 =	vperm.xlane v2, v6;
	v6 =	vmov s17  }
0x16e: {  	v10 =	vperm.xlane v2, v6  }
0x16f: {  	v4 =	vmul.f32 v4, v13  }
0x170: {  	v5 =	vmul.f32 v5, v10  }
0x171: {  	v6 =	vld.idx.msk [tilespmem:v1+s12+$0xFFFFFE10 ss:$0x1], $0xffff;
	[tilespmem:v1+s12+$0xFFFFFE90 ss:$0x1] =	vst.idx.msk $0xffff, v4  }
0x172: {  	s21 =	sand.u32 $0xC, s24;
	v4 =	vld.idx.msk [tilespmem:v1+s12+$0xFFFFFEA0 ss:$0x1], $0xffff;
	[tilespmem:v1+s12+$0xFFFFFF10 ss:$0x1] =	vst.idx.msk $0xffff, v5  }
0x173: {  	v5 =	vmov s21;
	v7 =	vld.idx.msk [tilespmem:v1+s12+$0xFFFFFF20 ss:$0x1], $0xffff  }
0x174: {  	v12 =	vperm.xlane v2, v5;
	_ =	sdelay $0x1  }
0x175: {  	v5 =	vmul.f32 v6, v12  }
0x176: {  	v4 =	vmul.f32 v4, v13  }
0x177: {  	[tilespmem:v1+s12+$0xFFFFFE10 ss:$0x1] =	vst.idx.msk $0xffff, v5;
	v5 =	vmul.f32 v7, v10  }
0x178: {  	[tilespmem:v1+s12+$0xFFFFFEA0 ss:$0x1] =	vst.idx.msk $0xffff, v4  }
0x179: {  	v4 =	vld.idx.msk [tilespmem:v1+s12+$0xFFFFFEB0 ss:$0x1], $0xffff;
	[tilespmem:v1+s12+$0xFFFFFF20 ss:$0x1] =	vst.idx.msk $0xffff, v5  }
0x17a: {  	v5 =	vld.idx.msk [tilespmem:v1+s12+$0xFFFFFF30 ss:$0x1], $0xffff  }
0x17b: {  	v6 =	vld.idx.msk [tilespmem:v1+s12+$0xFFFFFE20 ss:$0x1], $0xffff  }
0x17c: {  	v7 =	vld.idx.msk [tilespmem:v1+s12+$0xFFFFFF90 ss:$0x1], $0xffff  }
0x17d: {  	s23 =	simm.s32 $0x3  }
0x17e: {  	v8 =	vmov s23;
	s24 =	simm.s32 $0x4;
	v4 =	vmul.f32 v4, v13  }
0x17f: {  	s25 =	sand.u32 $0x30, s24;
	v2 =	vperm.xlane v2, v8;
	v5 =	vmul.f32 v5, v10  }
0x180: {  	v8 =	vld.idx.msk [tilespmem:v3+s25+$0x0 ss:$0x1], $0xffff;
	v6 =	vmul.f32 v6, v12;
	[tilespmem:v1+s12+$0xFFFFFEB0 ss:$0x1] =	vst.idx.msk $0xffff, v4  }
0x181: {  	v4 =	vmul.f32 v7, v2;
	v7 =	vld.idx.msk [tilespmem:v1+s12+$0xFFFFFEC0 ss:$0x1], $0xffff;
	[tilespmem:v1+s12+$0xFFFFFF30 ss:$0x1] =	vst.idx.msk $0xffff, v5  }
0x182: {  	[tilespmem:v1+s12+$0xFFFFFE20 ss:$0x1] =	vst.idx.msk $0xffff, v6;
	v5 =	vld.idx.msk [tilespmem:v1+s12+$0xFFFFFF40 ss:$0x1], $0xffff  }
0x183: {  	v6 =	vld.idx.msk [tilespmem:v1+s12+$0xFFFFFE30 ss:$0x1], $0xffff;
	[tilespmem:v1+s12+$0xFFFFFF90 ss:$0x1] =	vst.idx.msk $0xffff, v4  }
0x184: {  	s23 =	sadd.s32 $0x200, s12;
	v9 =	vld.idx.msk [tilespmem:v1+s12+$0xFFFFFFA0 ss:$0x1], $0xffff  }
0x185: {  	v11 =	vld.idx.msk [tilespmem:v1+s23+$0xFFFFFE10 ss:$0x1], $0xffff  }
0x186: {  	s13 =	simm.s32 $0x5;
	s8 =	sand.u32 $0xC, s24;
	v14 =	vld.idx.msk [tilespmem:v1+s23+$0xFFFFFE90 ss:$0x1], $0xffff;
	v4 =	vmul.f32 v7, v13  }
0x187: {  	s14 =	simm.s32 $0x6;
	s15 =	sand.u32 $0xD, s13;
	v15 =	vld.idx.msk [tilespmem:v1+s23+$0xFFFFFF10 ss:$0x1], $0xffff;
	v7 =	vmov s8;
	v16 =	vmul.f32 v5, v10  }
0x188: {  	v17 =	vld.idx.msk [tilespmem:v1+s23+$0xFFFFFF90 ss:$0x1], $0xffff;
	v6 =	vmul.f32 v6, v12;
	s8 =	sand.u32 $0xE, s14;
	v5 =	vmov s15;
	[tilespmem:v1+s12+$0xFFFFFEC0 ss:$0x1] =	vst.idx.msk $0xffff, v4;
	v4 =	vperm.xlane v8, v7  }
0x189: {  	s17 =	simm.s32 $0x7;
	v9 =	vmul.f32 v9, v2;
	v5 =	vperm.xlane v8, v5;
	v7 =	vmov s8;
	v18 =	vld.idx.msk [tilespmem:v1+s12+$0xFFFFFED0 ss:$0x1], $0xffff;
	[tilespmem:v1+s12+$0xFFFFFF40 ss:$0x1] =	vst.idx.msk $0xffff, v16  }
0x18a: {  	[tilespmem:v1+s12+$0xFFFFFE30 ss:$0x1] =	vst.idx.msk $0xffff, v6;
	v6 =	vmov s17;
	v7 =	vperm.xlane v8, v7;
	v16 =	vld.idx.msk [tilespmem:v1+s12+$0xFFFFFF50 ss:$0x1], $0xffff;
	v11 =	vmul.f32 v11, v4  }
0x18b: {  	v6 =	vperm.xlane v8, v6;
	[tilespmem:v1+s12+$0xFFFFFFA0 ss:$0x1] =	vst.idx.msk $0xffff, v9;
	v9 =	vld.idx.msk [tilespmem:v1+s12+$0xFFFFFE40 ss:$0x1], $0xffff;
	v14 =	vmul.f32 v14, v5  }
0x18c: {  	v8 =	vld.idx.msk [tilespmem:v1+s12+$0xFFFFFFB0 ss:$0x1], $0xffff;
	[tilespmem:v1+s23+$0xFFFFFE10 ss:$0x1] =	vst.idx.msk $0xffff, v11;
	v11 =	vmul.f32 v15, v7  }
0x18d: {  	[tilespmem:v1+s23+$0xFFFFFE90 ss:$0x1] =	vst.idx.msk $0xffff, v14;
	v14 =	vmul.f32 v17, v6;
	v15 =	vld.idx.msk [tilespmem:v1+s23+$0xFFFFFE20 ss:$0x1], $0xffff  }
0x18e: {  	s29 =	sadd.s32 $0x200, s23;
	v17 =	vld.idx.msk [tilespmem:v1+s23+$0xFFFFFEA0 ss:$0x1], $0xffff;
	[tilespmem:v1+s23+$0xFFFFFF10 ss:$0x1] =	vst.idx.msk $0xffff, v11;
	v11 =	vmul.f32 v18, v13  }
0x18f: {  	v19 =	vld.idx.msk [tilespmem:v1+s29+$0xFFFFFF10 ss:$0x1], $0xffff;
	[tilespmem:v1+s23+$0xFFFFFF90 ss:$0x1] =	vst.idx.msk $0xffff, v14;
	v14 =	vmul.f32 v16, v10  }
0x190: {  	v18 =	vld.idx.msk [tilespmem:v1+s23+$0xFFFFFF20 ss:$0x1], $0xffff;
	v9 =	vmul.f32 v9, v12;
	[tilespmem:v1+s12+$0xFFFFFED0 ss:$0x1] =	vst.idx.msk $0xffff, v11  }
0x191: {  	v16 =	vld.idx.msk [tilespmem:v1+s23+$0xFFFFFFA0 ss:$0x1], $0xffff;
	v8 =	vmul.f32 v8, v2;
	[tilespmem:v1+s12+$0xFFFFFF50 ss:$0x1] =	vst.idx.msk $0xffff, v14  }
0x192: {  	v11 =	vld.idx.msk [tilespmem:v1+s12+$0xFFFFFEE0 ss:$0x1], $0xffff;
	[tilespmem:v1+s12+$0xFFFFFE40 ss:$0x1] =	vst.idx.msk $0xffff, v9;
	v14 =	vmul.f32 v15, v4  }
0x193: {  	s24 =	simm.s32 $0x8;
	v9 =	vld.idx.msk [tilespmem:v1+s12+$0xFFFFFF60 ss:$0x1], $0xffff;
	[tilespmem:v1+s12+$0xFFFFFFB0 ss:$0x1] =	vst.idx.msk $0xffff, v8;
	v15 =	vmul.f32 v17, v5  }
0x194: {  	s21 =	sand.u32 $0x30, s24;
	v8 =	vld.idx.msk [tilespmem:v1+s12+$0xFFFFFE50 ss:$0x1], $0xffff;
	[tilespmem:v1+s23+$0xFFFFFE20 ss:$0x1] =	vst.idx.msk $0xffff, v14  }
0x195: {  	v20 =	vld.idx.msk [tilespmem:v3+s21+$0x0 ss:$0x1], $0xffff;
	v14 =	vmul.f32 v18, v7;
	[tilespmem:v1+s23+$0xFFFFFEA0 ss:$0x1] =	vst.idx.msk $0xffff, v15  }
0x196: {  	v15 =	vmul.f32 v16, v6;
	v16 =	vld.idx.msk [tilespmem:v1+s23+$0xFFFFFEB0 ss:$0x1], $0xffff  }
0x197: {  	v17 =	vld.idx.msk [tilespmem:v1+s12+$0xFFFFFFC0 ss:$0x1], $0xffff;
	[tilespmem:v1+s23+$0xFFFFFF20 ss:$0x1] =	vst.idx.msk $0xffff, v14;
	v11 =	vmul.f32 v11, v13  }
0x198: {  	v18 =	vld.idx.msk [tilespmem:v1+s23+$0xFFFFFE30 ss:$0x1], $0xffff;
	[tilespmem:v1+s23+$0xFFFFFFA0 ss:$0x1] =	vst.idx.msk $0xffff, v15;
	v9 =	vmul.f32 v9, v10  }
0x199: {  	v14 =	vld.idx.msk [tilespmem:v1+s23+$0xFFFFFF30 ss:$0x1], $0xffff;
	v8 =	vmul.f32 v8, v12;
	[tilespmem:v1+s12+$0xFFFFFEE0 ss:$0x1] =	vst.idx.msk $0xffff, v11  }
0x19a: {  	v15 =	vld.idx.msk [tilespmem:v1+s23+$0xFFFFFFB0 ss:$0x1], $0xffff;
	[tilespmem:v1+s12+$0xFFFFFF60 ss:$0x1] =	vst.idx.msk $0xffff, v9  }
0x19b: {  	v11 =	vld.idx.msk [tilespmem:v1+s12+$0xFFFFFEF0 ss:$0x1], $0xffff;
	[tilespmem:v1+s12+$0xFFFFFE50 ss:$0x1] =	vst.idx.msk $0xffff, v8;
	v8 =	vmul.f32 v16, v5  }
0x19c: {  	v9 =	vmul.f32 v17, v2;
	v17 =	vld.idx.msk [tilespmem:v1+s12+$0xFFFFFF70 ss:$0x1], $0xffff  }
0x19d: {  	v18 =	vmul.f32 v18, v4;
	v16 =	vld.idx.msk [tilespmem:v1+s12+$0xFFFFFE60 ss:$0x1], $0xffff;
	[tilespmem:v1+s23+$0xFFFFFEB0 ss:$0x1] =	vst.idx.msk $0xffff, v8  }
0x19e: {  	[tilespmem:v1+s12+$0xFFFFFFC0 ss:$0x1] =	vst.idx.msk $0xffff, v9;
	v9 =	vmul.f32 v14, v7;
	v8 =	vld.idx.msk [tilespmem:v1+s23+$0xFFFFFEC0 ss:$0x1], $0xffff  }
0x19f: {  	[tilespmem:v1+s23+$0xFFFFFE30 ss:$0x1] =	vst.idx.msk $0xffff, v18;
	v14 =	vld.idx.msk [tilespmem:v1+s12+$0xFFFFFFD0 ss:$0x1], $0xffff;
	v15 =	vmul.f32 v15, v6  }
0x1a0: {  	v18 =	vld.idx.msk [tilespmem:v1+s23+$0xFFFFFE40 ss:$0x1], $0xffff;
	[tilespmem:v1+s23+$0xFFFFFF30 ss:$0x1] =	vst.idx.msk $0xffff, v9;
	v11 =	vmul.f32 v11, v13  }
0x1a1: {  	[tilespmem:v1+s23+$0xFFFFFFB0 ss:$0x1] =	vst.idx.msk $0xffff, v15;
	v9 =	vld.idx.msk [tilespmem:v1+s23+$0xFFFFFF40 ss:$0x1], $0xffff;
	v17 =	vmul.f32 v17, v10  }
0x1a2: {  	[tilespmem:v1+s12+$0xFFFFFEF0 ss:$0x1] =	vst.idx.msk $0xffff, v11;
	v11 =	vmul.f32 v16, v12;
	v16 =	vld.idx.msk [tilespmem:v1+s29+$0xFFFFFE10 ss:$0x1], $0xffff  }
0x1a3: {  	s13 =	sand.u32 $0xC, s24;
	[tilespmem:v1+s12+$0xFFFFFF70 ss:$0x1] =	vst.idx.msk $0xffff, v17;
	v15 =	vld.idx.msk [tilespmem:v1+s12+$0xFFFFFF00 ss:$0x1], $0xffff;
	v8 =	vmul.f32 v8, v5  }
0x1a4: {  	v14 =	vmul.f32 v14, v2;
	v17 =	vld.idx.msk [tilespmem:v1+s12+$0xFFFFFF80 ss:$0x1], $0xffff;
	[tilespmem:v1+s12+$0xFFFFFE60 ss:$0x1] =	vst.idx.msk $0xffff, v11;
	v11 =	vmov s13  }
0x1a5: {  	v21 =	vld.idx.msk [tilespmem:v1+s29+$0xFFFFFE90 ss:$0x1], $0xffff;
	s25 =	simm.s32 $0x9;
	v18 =	vmul.f32 v18, v4;
	[tilespmem:v1+s23+$0xFFFFFEC0 ss:$0x1] =	vst.idx.msk $0xffff, v8;
	v8 =	vperm.xlane v20, v11  }
0x1a6: {  	v22 =	vld.idx.msk [tilespmem:v1+s29+$0xFFFFFF90 ss:$0x1], $0xffff;
	s14 =	simm.s32 $0xA;
	s8 =	sand.u32 $0xD, s25;
	[tilespmem:v1+s12+$0xFFFFFFD0 ss:$0x1] =	vst.idx.msk $0xffff, v14;
	v9 =	vmul.f32 v9, v7  }
0x1a7: {  	s17 =	sand.u32 $0xE, s14;
	v23 =	vmov s8;
	v14 =	vld.idx.msk [tilespmem:v1+s12+$0xFFFFFFE0 ss:$0x1], $0xffff;
	[tilespmem:v1+s23+$0xFFFFFE40 ss:$0x1] =	vst.idx.msk $0xffff, v18;
	v16 =	vmul.f32 v16, v8  }
0x1a8: {  	s21 =	simm.s32 $0xB;
	v11 =	vmov s17;
	v24 =	vld.idx.msk [tilespmem:v1+s23+$0xFFFFFED0 ss:$0x1], $0xffff;
	[tilespmem:v1+s23+$0xFFFFFF40 ss:$0x1] =	vst.idx.msk $0xffff, v9;
	v9 =	vperm.xlane v20, v23;
	v13 =	vmul.f32 v15, v13  }
0x1a9: {  	v18 =	vld.idx.msk [tilespmem:v1+s23+$0xFFFFFF50 ss:$0x1], $0xffff;
	v17 =	vmul.f32 v17, v10;
	v10 =	vperm.xlane v20, v11;
	v11 =	vmov s21;
	[tilespmem:v1+s29+$0xFFFFFE10 ss:$0x1] =	vst.idx.msk $0xffff, v16  }
0x1aa: {  	v21 =	vmul.f32 v21, v9;
	v11 =	vperm.xlane v20, v11;
	v20 =	vld.idx.msk [tilespmem:v1+s23+$0xFFFFFE50 ss:$0x1], $0xffff;
	[tilespmem:v1+s12+$0xFFFFFF00 ss:$0x1] =	vst.idx.msk $0xffff, v13  }
0x1ab: {  	[tilespmem:v1+s12+$0xFFFFFF80 ss:$0x1] =	vst.idx.msk $0xffff, v17;
	v16 =	vmul.f32 v19, v10;
	v17 =	vld.idx.msk [tilespmem:v1+s12+$0xFFFFFE70 ss:$0x1], $0xffff  }
0x1ac: {  	v19 =	vld.idx.msk [tilespmem:v1+s29+$0xFFFFFE20 ss:$0x1], $0xffff;
	v14 =	vmul.f32 v14, v2;
	[tilespmem:v1+s29+$0xFFFFFE90 ss:$0x1] =	vst.idx.msk $0xffff, v21  }
0x1ad: {  	v21 =	vmul.f32 v22, v11;
	v22 =	vld.idx.msk [tilespmem:v1+s29+$0xFFFFFEA0 ss:$0x1], $0xffff;
	[tilespmem:v1+s29+$0xFFFFFF10 ss:$0x1] =	vst.idx.msk $0xffff, v16  }
0x1ae: {  	v16 =	vmul.f32 v24, v5;
	[tilespmem:v1+s12+$0xFFFFFFE0 ss:$0x1] =	vst.idx.msk $0xffff, v14;
	v23 =	vld.idx.msk [tilespmem:v1+s29+$0xFFFFFF20 ss:$0x1], $0xffff  }
0x1af: {  	[tilespmem:v1+s29+$0xFFFFFF90 ss:$0x1] =	vst.idx.msk $0xffff, v21;
	v13 =	vld.idx.msk [tilespmem:v1+s12+$0xFFFFFFF0 ss:$0x1], $0xffff  }
0x1b0: {  	v18 =	vmul.f32 v18, v7;
	v21 =	vld.idx.msk [tilespmem:v1+s29+$0xFFFFFFA0 ss:$0x1], $0xffff;
	[tilespmem:v1+s23+$0xFFFFFED0 ss:$0x1] =	vst.idx.msk $0xffff, v16  }
0x1b1: {  	v15 =	vld.idx.msk [tilespmem:v1+s23+$0xFFFFFEE0 ss:$0x1], $0xffff;
	v17 =	vmul.f32 v17, v12  }
0x1b2: {  	[tilespmem:v1+s23+$0xFFFFFF50 ss:$0x1] =	vst.idx.msk $0xffff, v18;
	v14 =	vmul.f32 v19, v8;
	v19 =	vld.idx.msk [tilespmem:v1+s23+$0xFFFFFFC0 ss:$0x1], $0xffff  }
0x1b3: {  	v16 =	vld.idx.msk [tilespmem:v1+s23+$0xFFFFFF60 ss:$0x1], $0xffff;
	v18 =	vmul.f32 v22, v9;
	[tilespmem:v1+s12+$0xFFFFFE70 ss:$0x1] =	vst.idx.msk $0xffff, v17  }
0x1b4: {  	[tilespmem:v1+s29+$0xFFFFFE20 ss:$0x1] =	vst.idx.msk $0xffff, v14;
	v14 =	vmul.f32 v23, v10;
	v22 =	vld.idx.msk [tilespmem:v1+s12+$0xFFFFFE80 ss:$0x1], $0xffff  }
0x1b5: {  	v17 =	vld.idx.msk [tilespmem:v1+s29+$0xFFFFFE30 ss:$0x1], $0xffff;
	v13 =	vmul.f32 v13, v2;
	[tilespmem:v1+s29+$0xFFFFFEA0 ss:$0x1] =	vst.idx.msk $0xffff, v18  }
0x1b6: {  	v18 =	vmul.f32 v21, v11;
	v21 =	vld.idx.msk [tilespmem:v1+s29+$0xFFFFFEB0 ss:$0x1], $0xffff;
	[tilespmem:v1+s29+$0xFFFFFF20 ss:$0x1] =	vst.idx.msk $0xffff, v14  }
0x1b7: {  	v14 =	vmul.f32 v15, v5;
	[tilespmem:v1+s12+$0xFFFFFFF0 ss:$0x1] =	vst.idx.msk $0xffff, v13;
	v23 =	vld.idx.msk [tilespmem:v1+s29+$0xFFFFFF30 ss:$0x1], $0xffff  }
0x1b8: {  	[tilespmem:v1+s29+$0xFFFFFFA0 ss:$0x1] =	vst.idx.msk $0xffff, v18;
	v15 =	vmul.f32 v16, v7;
	v13 =	vld.idx.msk [tilespmem:v1+s12+$0x0 ss:$0x1], $0xffff  }
0x1b9: {  	v16 =	vmul.f32 v20, v4;
	v63 =	vld.idx.msk [tilespmem:v1+s29+$0xFFFFFFB0 ss:$0x1], $0xffff;
	[tilespmem:v1+s23+$0xFFFFFEE0 ss:$0x1] =	vst.idx.msk $0xffff, v14  }
0x1ba: {  	v18 =	vmul.f32 v19, v6;
	v25 =	vld.idx.msk [tilespmem:v1+s23+$0xFFFFFEF0 ss:$0x1], $0xffff;
	[tilespmem:v1+s23+$0xFFFFFF60 ss:$0x1] =	vst.idx.msk $0xffff, v15  }
0x1bb: {  	v17 =	vmul.f32 v17, v8;
	[tilespmem:v1+s23+$0xFFFFFE50 ss:$0x1] =	vst.idx.msk $0xffff, v16;
	v14 =	vld.idx.msk [tilespmem:v1+s23+$0xFFFFFF70 ss:$0x1], $0xffff  }
0x1bc: {  	[tilespmem:v1+s23+$0xFFFFFFC0 ss:$0x1] =	vst.idx.msk $0xffff, v18;
	v15 =	vld.idx.msk [tilespmem:v1+s23+$0xFFFFFE60 ss:$0x1], $0xffff;
	v19 =	vmul.f32 v21, v9  }
0x1bd: {  	[tilespmem:v1+s29+$0xFFFFFE30 ss:$0x1] =	vst.idx.msk $0xffff, v17;
	v17 =	vld.idx.msk [tilespmem:v1+s23+$0xFFFFFFD0 ss:$0x1], $0xffff;
	v21 =	vmul.f32 v23, v10  }
0x1be: {  	s25 =	sshll.u32 s22, $0xD;
	v16 =	vmul.f32 v22, v12;
	v18 =	vld.idx.msk [tilespmem:v1+s29+$0xFFFFFE40 ss:$0x1], $0xffff;
	[tilespmem:v1+s29+$0xFFFFFEB0 ss:$0x1] =	vst.idx.msk $0xffff, v19  }
0x1bf: {  	s25 =	sor.u32 $0x1800, s25;
	s8 =	smov.u32 s29;
	s17 =	smov.u32 s12;
	v12 =	vmul.f32 v63, v11;
	v20 =	vld.idx.msk [tilespmem:v1+s29+$0xFFFFFEC0 ss:$0x1], $0xffff;
	[tilespmem:v1+s29+$0xFFFFFF30 ss:$0x1] =	vst.idx.msk $0xffff, v21;
	v19 =	vmul.f32 v25, v5  }
.LBB2_15:
0x1c0: {  	s15 =	sadd.s32 $0x5, s24  }
0x1c1: {  	v21 =	vld.idx.msk [tilespmem:v1+s29+$0xFFFFFF40 ss:$0x1], $0xffff;
	s8 =	sadd.s32 $0x200, s8;
	v14 =	vmul.f32 v14, v7;
	[tilespmem:v1+s17+$0xFFFFFE80 ss:$0x1] =	vst.idx.msk $0xffff, v16;
	s21 =	smov.u32 s24;
	s24 =	sadd.s32 $0x4, s24  }
0x1c2: {  	v13 =	vmul.f32 v13, v2;
	v2 =	vmov v6;
	v6 =	vmov v11;
	s13 =	sand.u32 $0x30, s24;
	s14 =	sand.u32 $0xC, s24;
	s15 =	sand.u32 $0xD, s15;
	v16 =	vld.idx.msk [tilespmem:v1+s8+$0xFFFFFF10 ss:$0x1], $0xffff;
	[tilespmem:v1+s23+$0xFFFFFEF0 ss:$0x1] =	vst.idx.msk $0xffff, v19  }
0x1c3: {  	p3 =	slt.u32 s24, $0x3C;
	v15 =	vmul.f32 v15, v4;
	v11 =	vld.idx.msk [tilespmem:v3+s13+$0x0 ss:$0x1], $0xffff;
	v19 =	vmov s14;
	[tilespmem:v1+s23+$0xFFFFFF70 ss:$0x1] =	vst.idx.msk $0xffff, v14  }
0x1c4: {  	v17 =	vmul.f32 v17, v2;
	v14 =	vld.idx.msk [tilespmem:v1+s23+$0xFFFFFF80 ss:$0x1], $0xffff;
	[tilespmem:v1+s17+$0x0 ss:$0x1] =	vst.idx.msk $0xffff, v13;
	s17 =	smov.u32 s23;
	s23 =	smov.u32 s29;
	s29 =	smov.u32 s8  }
0x1c5: {  	v18 =	vmul.f32 v18, v8;
	v13 =	vld.idx.msk [tilespmem:v1+s8+$0xFFFFFE10 ss:$0x1], $0xffff;
	[tilespmem:v1+s17+$0xFFFFFE60 ss:$0x1] =	vst.idx.msk $0xffff, v15  }
0x1c6: {  	v20 =	vmul.f32 v20, v9;
	v15 =	vld.idx.msk [tilespmem:v1+s8+$0xFFFFFE90 ss:$0x1], $0xffff;
	[tilespmem:v1+s17+$0xFFFFFFD0 ss:$0x1] =	vst.idx.msk $0xffff, v17  }
0x1c7: {  	v17 =	vmul.f32 v21, v10;
	[tilespmem:v1+s23+$0xFFFFFE40 ss:$0x1] =	vst.idx.msk $0xffff, v18;
	v18 =	vld.idx.msk [tilespmem:v1+s17+$0xFFFFFFE0 ss:$0x1], $0xffff  }
0x1c8: {  	s13 =	sadd.s32 $0x6, s21;
	v21 =	vmov s15;
	v22 =	vld.idx.msk [tilespmem:v1+s8+$0xFFFFFF90 ss:$0x1], $0xffff;
	[tilespmem:v1+s23+$0xFFFFFEC0 ss:$0x1] =	vst.idx.msk $0xffff, v20  }
0x1c9: {  	s13 =	sand.u32 $0xE, s13;
	v19 =	vperm.xlane v11, v19;
	v20 =	vperm.xlane v11, v21;
	v21 =	vld.idx.msk [tilespmem:v1+s23+$0xFFFFFED0 ss:$0x1], $0xffff;
	[tilespmem:v1+s23+$0xFFFFFF40 ss:$0x1] =	vst.idx.msk $0xffff, v17  }
0x1ca: {  	v17 =	vmov s13;
	s13 =	sadd.s32 $0x7, s21;
	v14 =	vmul.f32 v14, v7;
	v7 =	vmov v10;
	v23 =	vld.idx.msk [tilespmem:v1+s23+$0xFFFFFF50 ss:$0x1], $0xffff  }
0x1cb: {  	v13 =	vmul.f32 v13, v19;
	v10 =	vperm.xlane v11, v17;
	v17 =	vmov s13;
	[tilespmem:v1+s23+$0xFFFFFFB0 ss:$0x1] =	vst.idx.msk $0xffff, v12;
	v12 =	vld.idx.msk [tilespmem:v1+s17+$0xFFFFFF00 ss:$0x1], $0xffff  }
0x1cc: {  	v15 =	vmul.f32 v15, v20;
	v11 =	vperm.xlane v11, v17;
	v17 =	vld.idx.msk [tilespmem:v1+s23+$0xFFFFFE50 ss:$0x1], $0xffff;
	[tilespmem:v1+s17+$0xFFFFFF80 ss:$0x1] =	vst.idx.msk $0xffff, v14  }
0x1cd: {  	[tilespmem:v1+s8+$0xFFFFFE10 ss:$0x1] =	vst.idx.msk $0xffff, v13;
	v13 =	vmul.f32 v16, v10;
	v14 =	vld.idx.msk [tilespmem:v1+s17+$0xFFFFFE70 ss:$0x1], $0xffff;
	v16 =	vmul.f32 v18, v2  }
0x1ce: {  	v18 =	vld.idx.msk [tilespmem:v1+s8+$0xFFFFFE20 ss:$0x1], $0xffff;
	[tilespmem:v1+s8+$0xFFFFFE90 ss:$0x1] =	vst.idx.msk $0xffff, v15;
	v15 =	vmul.f32 v22, v11  }
0x1cf: {  	v22 =	vld.idx.msk [tilespmem:v1+s8+$0xFFFFFEA0 ss:$0x1], $0xffff;
	[tilespmem:v1+s8+$0xFFFFFF10 ss:$0x1] =	vst.idx.msk $0xffff, v13;
	v13 =	vmul.f32 v21, v9  }
0x1d0: {  	v21 =	vld.idx.msk [tilespmem:v1+s8+$0xFFFFFF20 ss:$0x1], $0xffff;
	[tilespmem:v1+s8+$0xFFFFFF90 ss:$0x1] =	vst.idx.msk $0xffff, v15;
	v15 =	vmul.f32 v23, v7  }
0x1d1: {  	v12 =	vmul.f32 v12, v5;
	v5 =	vmov v9;
	v9 =	vmov v20;
	v23 =	vld.idx.msk [tilespmem:v1+s8+$0xFFFFFFA0 ss:$0x1], $0xffff;
	[tilespmem:v1+s23+$0xFFFFFED0 ss:$0x1] =	vst.idx.msk $0xffff, v13  }
0x1d2: {  	v13 =	vmul.f32 v17, v8;
	v17 =	vld.idx.msk [tilespmem:v1+s23+$0xFFFFFEE0 ss:$0x1], $0xffff;
	[tilespmem:v1+s23+$0xFFFFFF50 ss:$0x1] =	vst.idx.msk $0xffff, v15  }
0x1d3: {  	v14 =	vmul.f32 v14, v4;
	v15 =	vld.idx.msk [tilespmem:v1+s23+$0xFFFFFF60 ss:$0x1], $0xffff;
	[tilespmem:v1+s17+$0xFFFFFFE0 ss:$0x1] =	vst.idx.msk $0xffff, v16  }
0x1d4: {  	v16 =	vmul.f32 v18, v19;
	[tilespmem:v1+s17+$0xFFFFFF00 ss:$0x1] =	vst.idx.msk $0xffff, v12;
	v12 =	vld.idx.msk [tilespmem:v1+s17+$0xFFFFFFF0 ss:$0x1], $0xffff  }
0x1d5: {  	v18 =	vmul.f32 v22, v9;
	v20 =	vld.idx.msk [tilespmem:v1+s23+$0xFFFFFFC0 ss:$0x1], $0xffff;
	[tilespmem:v1+s17+$0xFFFFFE70 ss:$0x1] =	vst.idx.msk $0xffff, v14  }
0x1d6: {  	v14 =	vmul.f32 v21, v10;
	[tilespmem:v1+s8+$0xFFFFFE20 ss:$0x1] =	vst.idx.msk $0xffff, v16;
	v16 =	vld.idx.msk [tilespmem:v1+s17+$0xFFFFFE80 ss:$0x1], $0xffff  }
0x1d7: {  	v21 =	vld.idx.msk [tilespmem:v1+s8+$0xFFFFFE30 ss:$0x1], $0xffff;
	[tilespmem:v1+s8+$0xFFFFFEA0 ss:$0x1] =	vst.idx.msk $0xffff, v18;
	v18 =	vmul.f32 v23, v11  }
0x1d8: {  	v22 =	vld.idx.msk [tilespmem:v1+s8+$0xFFFFFEB0 ss:$0x1], $0xffff;
	[tilespmem:v1+s8+$0xFFFFFF20 ss:$0x1] =	vst.idx.msk $0xffff, v14;
	v14 =	vmul.f32 v17, v5  }
0x1d9: {  	v15 =	vmul.f32 v15, v7;
	v17 =	vld.idx.msk [tilespmem:v1+s8+$0xFFFFFF30 ss:$0x1], $0xffff;
	[tilespmem:v1+s8+$0xFFFFFFA0 ss:$0x1] =	vst.idx.msk $0xffff, v18  }
0x1da: {  	v12 =	vmul.f32 v12, v2;
	v23 =	vld.idx.msk [tilespmem:v1+s8+$0xFFFFFFB0 ss:$0x1], $0xffff;
	[tilespmem:v1+s23+$0xFFFFFEE0 ss:$0x1] =	vst.idx.msk $0xffff, v14  }
0x1db: {  	v24 =	vld.idx.msk [tilespmem:v1+s23+$0xFFFFFEF0 ss:$0x1], $0xffff;
	[tilespmem:v1+s23+$0xFFFFFF60 ss:$0x1] =	vst.idx.msk $0xffff, v15  }
0x1dc: {  	v18 =	vmul.f32 v20, v6;
	v16 =	vmul.f32 v16, v4;
	v14 =	vld.idx.msk [tilespmem:v1+s23+$0xFFFFFF70 ss:$0x1], $0xffff;
	[tilespmem:v1+s17+$0xFFFFFFF0 ss:$0x1] =	vst.idx.msk $0xffff, v12  }
.Ltmp14:
0x1dd: {  	v4 =	vmov v8;
	v8 =	vmov v19;
	v12 =	vmul.f32 v21, v19;
	[tilespmem:v1+s23+$0xFFFFFE50 ss:$0x1] =	vst.idx.msk $0xffff, v13;
	v13 =	vld.idx.msk [tilespmem:v1+s17+$0x0 ss:$0x1], $0xffff;
	(pc) =	sbr.rel @p3 .LBB2_15-.Ltmp14, $4  }
0x1de: {  	v19 =	vmul.f32 v22, v9;
	v15 =	vld.idx.msk [tilespmem:v1+s23+$0xFFFFFE60 ss:$0x1], $0xffff;
	[tilespmem:v1+s23+$0xFFFFFFC0 ss:$0x1] =	vst.idx.msk $0xffff, v18  }
0x1df: {  	v21 =	vmul.f32 v17, v10;
	[tilespmem:v1+s8+$0xFFFFFE30 ss:$0x1] =	vst.idx.msk $0xffff, v12;
	v17 =	vld.idx.msk [tilespmem:v1+s23+$0xFFFFFFD0 ss:$0x1], $0xffff  }
0x1e0: {  	v12 =	vmul.f32 v23, v11;
	v18 =	vld.idx.msk [tilespmem:v1+s8+$0xFFFFFE40 ss:$0x1], $0xffff;
	[tilespmem:v1+s8+$0xFFFFFEB0 ss:$0x1] =	vst.idx.msk $0xffff, v19  }
0x1e1: {  	v19 =	vmul.f32 v24, v5;
	v20 =	vld.idx.msk [tilespmem:v1+s8+$0xFFFFFEC0 ss:$0x1], $0xffff;
	[tilespmem:v1+s8+$0xFFFFFF30 ss:$0x1] =	vst.idx.msk $0xffff, v21  }
0x1e2: {  	_ =	sdelay $0x3  }
0x1e3: {  	v3 =	vld.idx.msk [tilespmem:v1+s29+$0xFFFFFF40 ss:$0x1], $0xffff;
	_ =	sdelay $0x1  }
0x1e4: {  	[tilespmem:v1+s29+$0xFFFFFFB0 ss:$0x1] =	vst.idx.msk $0xffff, v12  }
0x1e5: {  	v12 =	vld.idx.msk [tilespmem:v1+s29+$0xFFFFFFC0 ss:$0x1], $0xffff;
	_ =	sdelay $0x1  }
0x1e6: {  	v3 =	vmul.f32 v3, v10  }
0x1e7: {  	v20 =	vmul.f32 v20, v9  }
0x1e8: {  	v18 =	vmul.f32 v18, v8;
	[tilespmem:v1+s29+$0xFFFFFF40 ss:$0x1] =	vst.idx.msk $0xffff, v3  }
0x1e9: {  	[tilespmem:v1+s29+$0xFFFFFEC0 ss:$0x1] =	vst.idx.msk $0xffff, v20;
	v12 =	vmul.f32 v12, v11;
	v3 =	vld.idx.msk [tilespmem:v1+s29+$0xFFFFFF50 ss:$0x1], $0xffff  }
0x1ea: {  	[tilespmem:v1+s29+$0xFFFFFE40 ss:$0x1] =	vst.idx.msk $0xffff, v18;
	v42 =	vld.idx.msk [tilespmem:v1+s29+$0xFFFFFED0 ss:$0x1], $0xffff  }
0x1eb: {  	v43 =	vld.idx.msk [tilespmem:v1+s29+$0xFFFFFE50 ss:$0x1], $0xffff;
	[tilespmem:v1+s29+$0xFFFFFFC0 ss:$0x1] =	vst.idx.msk $0xffff, v12  }
0x1ec: {  	v12 =	vld.idx.msk [tilespmem:v1+s29+$0xFFFFFFD0 ss:$0x1], $0xffff  }
0x1ed: {  	v17 =	vmul.f32 v17, v6  }
0x1ee: {  	v3 =	vmul.f32 v3, v10  }
0x1ef: {  	[tilespmem:v1+s23+$0xFFFFFFD0 ss:$0x1] =	vst.idx.msk $0xffff, v17;
	v44 =	vmul.f32 v42, v9  }
0x1f0: {  	v45 =	vld.idx.msk [tilespmem:v1+s23+$0xFFFFFFE0 ss:$0x1], $0xffff;
	v20 =	vmul.f32 v43, v8;
	[tilespmem:v1+s29+$0xFFFFFF50 ss:$0x1] =	vst.idx.msk $0xffff, v3  }
0x1f1: {  	[tilespmem:v1+s29+$0xFFFFFED0 ss:$0x1] =	vst.idx.msk $0xffff, v44;
	v12 =	vmul.f32 v12, v11;
	v3 =	vld.idx.msk [tilespmem:v1+s29+$0xFFFFFF60 ss:$0x1], $0xffff  }
0x1f2: {  	[tilespmem:v1+s29+$0xFFFFFE50 ss:$0x1] =	vst.idx.msk $0xffff, v20;
	v17 =	vld.idx.msk [tilespmem:v1+s29+$0xFFFFFEE0 ss:$0x1], $0xffff  }
0x1f3: {  	v20 =	vld.idx.msk [tilespmem:v1+s29+$0xFFFFFE60 ss:$0x1], $0xffff;
	[tilespmem:v1+s29+$0xFFFFFFD0 ss:$0x1] =	vst.idx.msk $0xffff, v12  }
0x1f4: {  	[tilespmem:v1+s17+$0xFFFFFE80 ss:$0x1] =	vst.idx.msk $0xffff, v16;
	v46 =	vmul.f32 v15, v4;
	v47 =	vld.idx.msk [tilespmem:v1+s29+$0xFFFFFFE0 ss:$0x1], $0xffff  }
0x1f5: {  	[tilespmem:v1+s23+$0xFFFFFEF0 ss:$0x1] =	vst.idx.msk $0xffff, v19;
	v48 =	vmul.f32 v45, v6  }
0x1f6: {  	[tilespmem:v1+s23+$0xFFFFFE60 ss:$0x1] =	vst.idx.msk $0xffff, v46;
	v3 =	vmul.f32 v3, v10  }
0x1f7: {  	[tilespmem:v1+s23+$0xFFFFFFE0 ss:$0x1] =	vst.idx.msk $0xffff, v48;
	v12 =	vld.idx.msk [tilespmem:v1+s23+$0xFFFFFE70 ss:$0x1], $0xffff;
	v49 =	vmul.f32 v17, v9  }
0x1f8: {  	v50 =	vld.idx.msk [tilespmem:v1+s23+$0xFFFFFFF0 ss:$0x1], $0xffff;
	[tilespmem:v1+s29+$0xFFFFFF60 ss:$0x1] =	vst.idx.msk $0xffff, v3;
	v3 =	vmul.f32 v20, v8  }
0x1f9: {  	[tilespmem:v1+s29+$0xFFFFFEE0 ss:$0x1] =	vst.idx.msk $0xffff, v49;
	v15 =	vmul.f32 v47, v11;
	v51 =	vld.idx.msk [tilespmem:v1+s29+$0xFFFFFF70 ss:$0x1], $0xffff  }
0x1fa: {  	v14 =	vmul.f32 v14, v7;
	v52 =	vld.idx.msk [tilespmem:v1+s29+$0xFFFFFEF0 ss:$0x1], $0xffff;
	[tilespmem:v1+s29+$0xFFFFFE60 ss:$0x1] =	vst.idx.msk $0xffff, v3  }
0x1fb: {  	v2 =	vmul.f32 v13, v2;
	[tilespmem:v1+s29+$0xFFFFFFE0 ss:$0x1] =	vst.idx.msk $0xffff, v15;
	v3 =	vld.idx.msk [tilespmem:v1+s29+$0xFFFFFE70 ss:$0x1], $0xffff  }
0x1fc: {  	[tilespmem:v1+s23+$0xFFFFFF70 ss:$0x1] =	vst.idx.msk $0xffff, v14;
	v12 =	vmul.f32 v12, v4;
	v53 =	vld.idx.msk [tilespmem:v1+s29+$0xFFFFFFF0 ss:$0x1], $0xffff  }
0x1fd: {  	[tilespmem:v1+s17+$0x0 ss:$0x1] =	vst.idx.msk $0xffff, v2;
	v14 =	vld.idx.msk [tilespmem:v1+s23+$0xFFFFFF80 ss:$0x1], $0xffff;
	v2 =	vmul.f32 v50, v6  }
0x1fe: {  	v54 =	vld.idx.msk [tilespmem:v1+s23+$0xFFFFFF00 ss:$0x1], $0xffff;
	[tilespmem:v1+s23+$0xFFFFFE70 ss:$0x1] =	vst.idx.msk $0xffff, v12;
	v55 =	vmul.f32 v51, v10  }
0x1ff: {  	[tilespmem:v1+s23+$0xFFFFFFF0 ss:$0x1] =	vst.idx.msk $0xffff, v2;
	v56 =	vld.idx.msk [tilespmem:v1+s23+$0xFFFFFE80 ss:$0x1], $0xffff;
	v2 =	vmul.f32 v52, v9  }
0x200: {  	v57 =	vld.idx.msk [tilespmem:v1+s23+$0x0 ss:$0x1], $0xffff;
	[tilespmem:v1+s29+$0xFFFFFF70 ss:$0x1] =	vst.idx.msk $0xffff, v55;
	v3 =	vmul.f32 v3, v8  }
0x201: {  	[tilespmem:v1+s29+$0xFFFFFEF0 ss:$0x1] =	vst.idx.msk $0xffff, v2;
	v58 =	vmul.f32 v53, v11;
	v2 =	vld.idx.msk [tilespmem:v1+s29+$0xFFFFFF80 ss:$0x1], $0xffff  }
0x202: {  	v59 =	vmul.f32 v14, v7;
	v60 =	vld.idx.msk [tilespmem:v1+s29+$0xFFFFFF00 ss:$0x1], $0xffff;
	[tilespmem:v1+s29+$0xFFFFFE70 ss:$0x1] =	vst.idx.msk $0xffff, v3  }
0x203: {  	[tilespmem:v1+s29+$0xFFFFFFF0 ss:$0x1] =	vst.idx.msk $0xffff, v58;
	v3 =	vmul.f32 v54, v5;
	v61 =	vld.idx.msk [tilespmem:v1+s29+$0xFFFFFE80 ss:$0x1], $0xffff  }
0x204: {  	[tilespmem:v1+s23+$0xFFFFFF80 ss:$0x1] =	vst.idx.msk $0xffff, v59;
	v62 =	vmul.f32 v56, v4;
	v63 =	vld.idx.msk [tilespmem:v1+s29+$0x0 ss:$0x1], $0xffff  }
0x205: {  	[tilespmem:v1+s23+$0xFFFFFF00 ss:$0x1] =	vst.idx.msk $0xffff, v3;
	v3 =	vmul.f32 v57, v6  }
0x206: {  	s16 =	sadd.s32 $0x1, s16;
	[tilespmem:v1+s23+$0xFFFFFE80 ss:$0x1] =	vst.idx.msk $0xffff, v62;
	v2 =	vmul.f32 v2, v10  }
0x207: {  	p3 =	seq.s32 s16, $0x140;
	[tilespmem:v1+s23+$0x0 ss:$0x1] =	vst.idx.msk $0xffff, v3;
	v3 =	vmul.f32 v60, v9  }
.Ltmp15:
0x208: {  	[tilespmem:v1+s29+$0xFFFFFF80 ss:$0x1] =	vst.idx.msk $0xffff, v2;
	v2 =	vmul.f32 v61, v8;
	(pc) =	sbr.rel @!p3 .LBB2_7-.Ltmp15, $4  }
.Ltmp16:
0x209: {  	s8 =	sshrl.u32 s18, $0x2;
	s13 =	sshrl.u32 s20, $0x2;
	[tilespmem:v1+s29+$0xFFFFFF00 ss:$0x1] =	vst.idx.msk $0xffff, v3;
	v3 =	vmul.f32 v63, v11;
	(pc) =	sbr.rel @p3 .LBB2_28-.Ltmp16, $4  }
0x20a: {  	s8 =	sadd.s32 s13, s8;
	[tilespmem:v1+s29+$0xFFFFFE80 ss:$0x1] =	vst.idx.msk $0xffff, v2  }
0x20b: {  	s12 =	sadd.s32 $0x2000, s12;
	s8 =	sadd.s32 $0x800, s8;
	[tilespmem:v1+s29+$0x0 ss:$0x1] =	vst.idx.msk $0xffff, v3;
	s29 =	sadd.s32 $0x6, s22  }
0x20c: {  	[spmem:s1] =	stream.indirect.scatter.add.f32 [tilespmem:s25], [sflag:s29], $0x80, s8, s0, $0xb8;
	[tilespmem:$0x1F080] =	vst v63  }
0x20d: {  	_ = 	snop  }
.LBB2_9:
0x20e: {  	p3 =	sgt.u32 s16, $0x13C  }
0x20f: {  	p4 =	sne.s32 @!p3 s17, $0x5  }
0x210: {  	p4 =	por p3, p4  }
.Ltmp17:
0x211: {  	_ = 	snop;
	(pc) =	sbr.rel @p4 .LBB2_11-.Ltmp17, $1  }
0x212: {  	_ =	sdelay $0x3  }
0x213: {  	s15 =	sxor.u32 $0xFFFFFFFF, s18  }
0x214: {  	s15 =	sand.u32 $0x1, s15  }
0x215: {  	s15 =	sadd.s32 $0xB, s15  }
0x216: {  	_ =	swait.ge [sflag:s15], $0x400  }
0x217: {  	[sflag:s15] =	ssyncset.done $0x0  }
0x218: {  	[sflag:s15] =	ssyncadd.s32 $0xFFFFFC00  }
0x219: {  	_ =	swait.ge [sflag:s15], $0x400  }
0x21a: {  	[sflag:s15] =	ssyncset.done $0x0  }
0x21b: {  	[sflag:s15] =	ssyncadd.s32 $0xFFFFFC00  }
0x21c: {  	_ =	swait.ge [sflag:s15], $0x400  }
0x21d: {  	[sflag:s15] =	ssyncset.done $0x0  }
0x21e: {  	[sflag:s15] =	ssyncadd.s32 $0xFFFFFC00  }
.LBB2_12:
.Ltmp18:
0x21f: {  	(pc) =	sbr.rel @p3 .LBB2_14-.Ltmp18, $4  }
.Ltmp19:
0x220: {  	s15 =	sadd.s32 $0x6, s22;
	(pc) =	sbr.rel @!p3 .LBB2_13-.Ltmp19, $4  }
0x221: {  	_ =	swait.ge [sflag:s15], $0x2000  }
0x222: {  	[sflag:s15] =	ssyncset.done $0x0  }
0x223: {  	[sflag:s15] =	ssyncadd.s32 $0xFFFFE000  }
0x224: {  	_ = 	snop  }
.LBB2_11:
0x225: {  	p4 =	slt.u32 s16, $0x2  }
.Ltmp20:
0x226: {  	_ = 	snop;
	(pc) =	sbr.rel @p4 .LBB2_13-.Ltmp20, $4  }
.Ltmp21:
0x227: {  	_ = 	snop;
	(pc) =	sbr.rel @!p4 .LBB2_12-.Ltmp21, $4  }
0x228: {  	_ = 	snop  }
0x229: {  	_ = 	snop  }
0x22a: {  	_ = 	snop  }
0x22b: {  	_ = 	snop  }
.LBB2_28:
0x22c: {  	s8 =	simm.s32 $0x9  }
0x22d: {  	_ =	swait.ge [sflag:s8], $0x2000  }
0x22e: {  	[sflag:s8] =	ssyncset.done $0x0  }
0x22f: {  	s25 =	simm.s32 $0xA;
	[sflag:s8] =	ssyncadd.s32 $0xFFFFE000  }
0x230: {  	_ =	swait.ge [sflag:s25], $0x2000  }
0x231: {  	[sflag:s25] =	ssyncset.done $0x0  }
0x232: {  	[sflag:s25] =	ssyncadd.s32 $0xFFFFE000  }
0x233: {  	s29 =	stileid.u32;
	[bflag:$0x0] =	sbarrier.arrive $0xFFFF  }
.Ltmp22:
0x234: {  	s8 =	sshll.u32 s29, $0x6;
	s20 =	rddreg [dreg:$0x4];
	(pc) =	sbr.rel @!p2 .LBB2_30-.Ltmp22, $4  }
0x235: {  	s8 =	sor.u32 $0x1C0D, s8;
	s13 =	rddreg [dreg:$0xa];
	s12 =	sshrl.u32 s20, $0x3  }
0x236: {  	[hbm:s13], [sflag:s8] =	dma.local [spmem:s12], $0x400  }
0x237: {  	s16 =	sadd.s32 $0x4000, s13;
	s15 =	rddreg [dreg:$0x3]  }
0x238: {  	s17 =	smov.u32 s20;
	_ =	swait.ge [sflag:s28], $0x400;
	s12 =	sadd.s32 $0xFFFFFFFF, s15  }
.LBB2_29:
0x239: {  	[sflag:s28] =	ssyncset.done $0x0;
	s17 =	sadd.s32 $0x20000, s17;
	p2 =	sne.s32 s12, $0x1  }
.Ltmp23:
0x23a: {  	s13 =	sshrl.u32 s17, $0x3;
	[sflag:s28] =	ssyncadd.s32 $0xFFFFFC00;
	(pc) =	sbr.rel @p2 .LBB2_29-.Ltmp23, $3  }
0x23b: {  	[hbm:s16], [sflag:s8] =	dma.local [spmem:s13], $0x400  }
0x23c: {  	s12 =	sadd.s32 $0xFFFFFFFF, s12;
	_ =	sdelay $0x1  }
0x23d: {  	s16 =	sadd.s32 $0x4000, s16;
	_ =	swait.ge [sflag:s28], $0x400  }
.LBB2_30:
0x23e: {  	[sflag:s28] =	ssyncset.done $0x0;
	s13 =	rddreg [dreg:$0x5];
	s12 =	simm.s32 @!p1 $0x1FCD  }
0x23f: {  	s14 =	rddreg [dreg:$0xd];
	[sflag:s28] =	ssyncadd.s32 $0xFFFFFC00;
	s8 =	sshrl.u32 @!p1 s13, $0x3  }
0x240: {  	[hbm:s14], [sflag:s12] =	dma.local @!p1 [spmem:s8], $0x100  }
0x241: {  	s8 =	simm.s32 @!p1 $0xD  }
0x242: {  	_ =	swait.ge @!p1 [sflag:s8], $0x100  }
0x243: {  	s30 =	sadd.s32 $0x1, s30;
	s29 =	rddreg [dreg:$0xe]  }
0x244: {  	p2 =	sne.s32 s30, s29  }
.Ltmp24:
0x245: {  	_ = 	snop;
	(pc) =	sbr.rel @p2 .LBB2_1-.Ltmp24, $3  }
0x246: {  	_ =	sdelay $0x1  }
0x247: {  	[sflag:s8] =	ssyncset.done @!p1 $0x0  }
0x248: {  	[sflag:s8] =	ssyncadd.s32 @!p1 $0xFFFFFF00  }
0x249: {  	_ =	sfence.sel $0x180000  }
0x24a: {  	[bflag:$0x0] =	sbarrier.arrive $0xFFFF  }
0x24b: {  	_ =	strace $0x90000047  }
0x24c: {  	s0 =	stileid.u32;
	[bflag:$0x2] =	sbarrier.arrive $0xFFFF  }
0x24d: {  	p0 =	sne.s32 s0, $0x0;
	s0 =	rddreg [dreg:$0x2]  }
0x24e: {  	s0 =	sadd.s32 @!p0 $0x100000, s0  }
0x24f: {  	[sflag:s0] =	ssyncadd.tile.s32 @!p0 $0x1;
	_ =	shalt  }
.Lfunc_end2:
_tile_overlayer_lowered:
.L_overlay_start_2:
0x250: {  	(tag) =	ssettag $0x2  }
0x251: {  	s0 =	rddreg [dreg:$0x0];
	s2 =	stileid.u32  }
0x252: {  	s1 =	rddreg [dreg:$0x1];
	p0 =	sne.s32 s2, $0x0  }
0x253: {  	s3 =	rddreg [dreg:$0x2];
	[bflag:$0x3] =	sbarrier.arrive $0xFFFF;
	s2 =	simm.s32 @!p0 $0x1C0D  }
0x254: {  	[timem:s3], [sflag:s2] =	dma.local @!p0 [hbm:s0], s1  }
0x255: {  	s0 =	simm.s32 @!p0 $0xD  }
0x256: {  	_ =	swait.ge @!p0 [sflag:s0], s1  }
0x257: {  	s1 =	ssub.s32 @!p0 $0x0, s1;
	[sflag:s0] =	ssyncset.done @!p0 $0x0  }
0x258: {  	[sflag:s0] =	ssyncadd.s32 @!p0 s1  }
0x259: {  	[bflag:$0x3] =	sbarrier.arrive $0xFFFF  }
0x25a: {  	_ =	shalt  }

</sc_bundles>
